<compile_context>
chip_gen: v7x
topology: tpu7x:2x2x1
jax: 0.10.2.dev20260603
libtpu: 0.0.44.dev20260713+nightly
codegen_flags: <defaults>
</compile_context>

<pallas_src>
import functools

import jax
import jax.numpy as jnp
from jax import lax
from jax.experimental import pallas as pl
from jax.experimental.pallas import tpu as pltpu
from jax.experimental.pallas import tpu_sc as plsc

N = 10000
E = 320000
EN = E + N
F_IN = 128
C = 16
H = 8
H2 = 2 * H
D_E = 4
SLOPE = 0.2

NC = 2
NS = 16
NW = NC * NS
HB = 128
PER_W = 10752
E_PAD = NW * PER_W
B1 = 1536
NQ1 = B1 // HB
NCH1 = PER_W // B1
B2 = 128
NCH2 = PER_W // B2
EA_ROWS = E + B1
RPS = 640
RPS_LAST = N - 15 * RPS

_mesh = plsc.VectorSubcoreMesh(core_axis_name="c", subcore_axis_name="s")
_sc_params = pltpu.CompilerParams(use_tc_tiling_on_sc=False)


def _copy_rows(s, src, dst):
    @pl.when(s < NS - 1)
    def _():
        off = pl.multiple_of(s * RPS, 8)
        pltpu.sync_copy(src.at[pl.ds(off, RPS)], dst.at[pl.ds(off, RPS)])

    @pl.when(s == NS - 1)
    def _():
        pltpu.sync_copy(src.at[pl.ds(15 * RPS, RPS_LAST)],
                        dst.at[pl.ds(15 * RPS, RPS_LAST)])


def _proj_body(x_ref, w_ref, as_ref, ad_ref, h_ref, asrc_ref, adst_ref):
    h = jnp.dot(x_ref[...], w_ref[...], preferred_element_type=jnp.float32)
    h_ref[...] = h
    asrc_ref[...] = jnp.dot(h, as_ref[...], preferred_element_type=jnp.float32)
    adst_ref[...] = jnp.dot(h, ad_ref[...], preferred_element_type=jnp.float32)


def _project(x, W, Asrc, Adst):
    blk = 1000
    return pl.pallas_call(
        _proj_body,
        grid=(N // blk,),
        in_specs=[pl.BlockSpec((blk, F_IN), lambda i: (i, 0)),
                  pl.BlockSpec((F_IN, F_IN), lambda i: (0, 0)),
                  pl.BlockSpec((F_IN, H2), lambda i: (0, 0)),
                  pl.BlockSpec((F_IN, H2), lambda i: (0, 0))],
        out_specs=[pl.BlockSpec((blk, F_IN), lambda i: (i, 0)),
                   pl.BlockSpec((blk, H2), lambda i: (i, 0)),
                   pl.BlockSpec((blk, H2), lambda i: (i, 0))],
        out_shape=[jax.ShapeDtypeStruct((N, F_IN), jnp.float32),
                   jax.ShapeDtypeStruct((N, H2), jnp.float32),
                   jax.ShapeDtypeStruct((N, H2), jnp.float32)],
    )(x, W, Asrc, Adst)


_EB = EA_ROWS // 64


def _ae_body(ea_ref, bm_ref, ae_ref, al_ref, acc_ref):
    i = pl.program_id(0)
    ae = jnp.dot(ea_ref[...], bm_ref[...], preferred_element_type=jnp.float32)
    ae_ref[...] = ae

    @pl.when(i == 0)
    def _():
        acc_ref[...] = jnp.zeros_like(acc_ref)

    acc_ref[...] += ae

    @pl.when(i == pl.num_programs(0) - 1)
    def _():
        s = jnp.sum(acc_ref[...], axis=0, keepdims=True) * (1.0 / E)
        al_ref[...] = jnp.broadcast_to(s, al_ref.shape)


def _ae(ea4, Bmat16):
    return pl.pallas_call(
        _ae_body,
        grid=(EA_ROWS // _EB,),
        in_specs=[pl.BlockSpec((_EB, D_E), lambda i: (i, 0)),
                  pl.BlockSpec((D_E, H2), lambda i: (0, 0))],
        out_specs=[pl.BlockSpec((_EB, H2), lambda i: (i, 0)),
                   pl.BlockSpec((8, H2), lambda i: (0, 0))],
        out_shape=[jax.ShapeDtypeStruct((EA_ROWS, H2), jnp.float32),
                   jax.ShapeDtypeStruct((8, H2), jnp.float32)],
        scratch_shapes=[pltpu.VMEM((_EB, H2), jnp.float32)],
    )(ea4, Bmat16)


def _den_body(dp_ref, den_ref):
    den_ref[...] = dp_ref[0] + dp_ref[1]


def _den(dpart):
    blk = 1000
    return pl.pallas_call(
        _den_body,
        grid=(N // blk,),
        in_specs=[pl.BlockSpec((NC, blk, H2), lambda i: (0, i, 0))],
        out_specs=pl.BlockSpec((blk, H2), lambda i: (i, 0)),
        out_shape=jax.ShapeDtypeStruct((N, H2), jnp.float32),
    )(dpart)


def _out_body(op_ref, b_ref, o_ref):
    o_ref[...] = op_ref[0] + op_ref[1] + b_ref[...]


def _combine(opart, bias2d):
    blk = 1000
    return pl.pallas_call(
        _out_body,
        grid=(N // blk,),
        in_specs=[pl.BlockSpec((NC, blk, F_IN), lambda i: (0, i, 0)),
                  pl.BlockSpec((1, F_IN), lambda i: (0, 0))],
        out_specs=pl.BlockSpec((blk, F_IN), lambda i: (i, 0)),
        out_shape=jax.ShapeDtypeStruct((N, F_IN), jnp.float32),
    )(opart, bias2d)


def _p1_body(src1, dst1, aer, aloop, asrc, adst, zer16,
             ex, dpart,
             den_sh, src_v, dst_v, asg_v, adg_v, ae_v, ex_v, al_v, sem):
    c = lax.axis_index("c")
    s = lax.axis_index("s")
    wid = c * NS + s
    _copy_rows(s, zer16, den_sh)
    pltpu.sync_copy(aloop, al_v)
    plsc.subcore_barrier()
    alv0 = al_v[0, :]

    def chunk(j, carry):
        off = wid * PER_W + j * B1
        off_ae = pl.multiple_of(jnp.minimum(off, E), 8)
        pltpu.sync_copy(src1.at[pl.ds(off, B1)], src_v)
        for q in range(NQ1):
            pltpu.sync_copy(dst1.at[pl.ds(off + q * HB, HB)], dst_v.at[q])
        pltpu.sync_copy(aer.at[pl.ds(off_ae, B1)], ae_v)
        cps = []
        for q in range(NQ1):
            cps.append(pltpu.async_copy(
                asrc.at[src_v.at[pl.ds(q * HB, HB)]],
                asg_v.at[pl.ds(q * HB, HB)], sem))
            cps.append(pltpu.async_copy(
                adst.at[dst_v.at[q]], adg_v.at[pl.ds(q * HB, HB)], sem))
        for cp in cps:
            cp.wait()

        def vloop(e, carry2):
            ge = off + e
            a_e = jnp.where(ge < E, ae_v[e, :], alv0)
            a = asg_v[e, :] + adg_v[e, :] + a_e
            a = jnp.where(a >= 0.0, a, SLOPE * a)
            v = jnp.exp(a)
            v = jnp.where(ge < EN, v, 0.0)
            ex_v[e, :] = v
            return carry2

        lax.fori_loop(0, B1, vloop, 0)
        pltpu.sync_copy(ex_v, ex.at[pl.ds(off, B1)])
        for q in range(NQ1):
            pltpu.sync_copy(ex_v.at[pl.ds(q * HB, HB)],
                            den_sh.at[dst_v.at[q]], add=True)
        return carry

    lax.fori_loop(0, NCH1, chunk, 0)
    plsc.subcore_barrier()
    _copy_rows(s, den_sh, dpart.at[c])


_pass1 = functools.partial(
    pl.kernel,
    out_type=[jax.ShapeDtypeStruct((E_PAD, H2), jnp.float32),
              jax.ShapeDtypeStruct((NC, N, H2), jnp.float32)],
    mesh=_mesh,
    scratch_types=[
        pltpu.VMEM_SHARED((N, H2), jnp.float32),
        pltpu.VMEM((B1,), jnp.int32),
        pltpu.VMEM((NQ1, HB), jnp.int32),
        pltpu.VMEM((B1, H2), jnp.float32),
        pltpu.VMEM((B1, H2), jnp.float32),
        pltpu.VMEM((B1, H2), jnp.float32),
        pltpu.VMEM((B1, H2), jnp.float32),
        pltpu.VMEM((8, H2), jnp.float32),
        pltpu.SemaphoreType.DMA,
    ],
    compiler_params=_sc_params,
)(_p1_body)


def _p2_body(src1, dst1, exr, den, h, zer128,
             attn8, opart,
             oacc_sh,
             src_v0, dst_v0, ex_v0, dg_v0, at_v0, hr_v0,
             src_v1, dst_v1, ex_v1, dg_v1, at_v1, hr_v1,
             sem_d0, sem_h0, sem_d1, sem_h1):
    c = lax.axis_index("c")
    s = lax.axis_index("s")
    wid = c * NS + s
    base = wid * PER_W
    _copy_rows(s, zer128, oacc_sh)
    plsc.subcore_barrier()

    bufs = [(src_v0, dst_v0, ex_v0, dg_v0, at_v0, hr_v0, sem_d0, sem_h0),
            (src_v1, dst_v1, ex_v1, dg_v1, at_v1, hr_v1, sem_d1, sem_h1)]

    def fire(j, p):
        src_v, dst_v, ex_v, dg_v, at_v, hr_v, sem_d, sem_h = bufs[p]
        off = base + j * B2
        pltpu.sync_copy(src1.at[pl.ds(off, B2)], src_v)
        pltpu.sync_copy(dst1.at[pl.ds(off, B2)], dst_v.at[0])
        pltpu.sync_copy(exr.at[pl.ds(off, B2)], ex_v)
        pltpu.async_copy(den.at[dst_v.at[0]], dg_v, sem_d)
        pltpu.async_copy(h.at[src_v], hr_v, sem_h)

    def compute(j, p):
        src_v, dst_v, ex_v, dg_v, at_v, hr_v, sem_d, sem_h = bufs[p]
        off = base + j * B2
        pltpu.make_async_copy(den.at[dst_v.at[0]], dg_v, sem_d).wait()

        def vloop(e, carry2):
            at_v[e, :] = ex_v[e, :] / (dg_v[e, :] + 1e-16)
            return carry2

        lax.fori_loop(0, B2, vloop, 0)
        pltpu.make_async_copy(h.at[src_v], hr_v, sem_h).wait()

        def eloop(e, carry2):
            wv = at_v[e, :]
            for gi in range(H):
                w = wv[gi]
                hv = hr_v[e, pl.ds(gi * 16, 16)]
                hr_v[e, pl.ds(gi * 16, 16)] = hv * w
            return carry2

        lax.fori_loop(0, B2, eloop, 0)
        pltpu.sync_copy(at_v.at[:, pl.ds(0, H)], attn8.at[pl.ds(off, B2)])
        pltpu.sync_copy(hr_v, oacc_sh.at[dst_v.at[0]], add=True)

    fire(0, 0)

    def pair(t, carry):
        j0 = t * 2
        fire(j0 + 1, 1)
        compute(j0, 0)

        @pl.when(j0 + 2 < NCH2)
        def _():
            fire(j0 + 2, 0)

        compute(j0 + 1, 1)
        return carry

    lax.fori_loop(0, NCH2 // 2, pair, 0)
    plsc.subcore_barrier()
    _copy_rows(s, oacc_sh, opart.at[c])


def _p2_scr():
    return [
        pltpu.VMEM((B2,), jnp.int32),
        pltpu.VMEM((1, B2), jnp.int32),
        pltpu.VMEM((B2, H2), jnp.float32),
        pltpu.VMEM((B2, H2), jnp.float32),
        pltpu.VMEM((B2, H2), jnp.float32),
        pltpu.VMEM((B2, F_IN), jnp.float32),
    ]


_pass2 = functools.partial(
    pl.kernel,
    out_type=[jax.ShapeDtypeStruct((E_PAD, H), jnp.float32),
              jax.ShapeDtypeStruct((NC, N, F_IN), jnp.float32)],
    mesh=_mesh,
    scratch_types=(
        [pltpu.VMEM_SHARED((N, F_IN), jnp.float32)]
        + _p2_scr() + _p2_scr()
        + [pltpu.SemaphoreType.DMA] * 4
    ),
    compiler_params=_sc_params,
)(_p2_body)


def kernel(x, edge_index, edge_attr, W, W_edge, att_src, att_dst, att_edge, bias):
    src = edge_index[0]
    dst = edge_index[1]
    loop = jnp.arange(N, dtype=edge_index.dtype)
    src_f = jnp.concatenate([src, loop])
    dst_f = jnp.concatenate([dst, loop])
    edge_index_full = jnp.stack([src_f, dst_f])

    padlen = E_PAD - EN
    spread = jnp.arange(padlen, dtype=jnp.int32) % N
    src_p = jnp.concatenate([src_f, spread])
    dst_p = jnp.concatenate([dst_f, spread])
    ea4 = jnp.concatenate(
        [edge_attr, jnp.zeros((EA_ROWS - E, D_E), jnp.float32)], axis=0)

    eye = jnp.repeat(jnp.eye(H, dtype=jnp.float32), C, axis=0)
    Asrc = eye * att_src.reshape(H * C, 1)
    Adst = eye * att_dst.reshape(H * C, 1)
    Asrc16 = jnp.concatenate([Asrc, Asrc], axis=1)
    Adst16 = jnp.concatenate([Adst, Adst], axis=1)
    Bmat = (W_edge.reshape(D_E, H, C) * att_edge[None, :, :]).sum(-1)
    Bmat16 = jnp.concatenate([Bmat, Bmat], axis=1)

    h, asrc, adst = _project(x, W, Asrc16, Adst16)
    aer, aloop = _ae(ea4, Bmat16)

    zer16 = jnp.zeros((N, H2), jnp.float32)
    ex, dpart = _pass1(src_p, dst_p, aer, aloop, asrc, adst, zer16)
    den = _den(dpart)

    zer128 = jnp.zeros((N, F_IN), jnp.float32)
    attn8, opart = _pass2(src_p, dst_p, ex, den, h, zer128)

    out = _combine(opart, bias.reshape(1, F_IN))
    attn = attn8[:EN]
    return out, edge_index_full, attn

# --- scband reference (transcript-rebuilt; emitter-appended) ---
"""Pipeline reference for scband-edge-weighted-gatconv-39754217292548 (READ-ONLY COPY).

The authoritative reference and input builder live on the scoring server;
editing this copy changes nothing except your own understanding.
"""

import jax, jax.numpy as jnp
import numpy as np

N = 10000
E = 320000
F_IN = 128
C = 16
H = 8
D_E = 4
SLOPE = 0.2


def setup_inputs(seed: int = 0) -> dict:
    key = jax.random.key(seed)
    ks = jax.random.split(key, 9)
    x = jax.random.normal(ks[0], (N, F_IN), dtype=jnp.float32)
    edge_index = jax.random.randint(ks[1], (2, E), 0, N, dtype=jnp.int32)
    edge_attr = jax.random.uniform(ks[2], (E, D_E), dtype=jnp.float32)
    W = jax.random.normal(ks[3], (F_IN, H * C), dtype=jnp.float32) * (1.0 / np.sqrt(F_IN))
    W_edge = jax.random.normal(ks[4], (D_E, H * C), dtype=jnp.float32) * (1.0 / np.sqrt(D_E))
    att_src = jax.random.normal(ks[5], (H, C), dtype=jnp.float32) * 0.1
    att_dst = jax.random.normal(ks[6], (H, C), dtype=jnp.float32) * 0.1
    att_edge = jax.random.normal(ks[7], (H, C), dtype=jnp.float32) * 0.1
    bias = jnp.zeros((H * C,), dtype=jnp.float32)
    return {"x": x, "edge_index": edge_index, "edge_attr": edge_attr, "W": W,
            "W_edge": W_edge, "att_src": att_src, "att_dst": att_dst,
            "att_edge": att_edge, "bias": bias}


def reference(x, edge_index, edge_attr, W, W_edge, att_src, att_dst, att_edge, bias):
    # PyG-style GATConv with edge features, add_self_loops=True (fill_value='mean'),
    # concat=True, negative_slope=0.2, eval mode (dropout off),
    # return_attention_weights=True.
    src = edge_index[0]
    dst = edge_index[1]
    loop = jnp.arange(N, dtype=edge_index.dtype)
    src_f = jnp.concatenate([src, loop])
    dst_f = jnp.concatenate([dst, loop])
    mean_attr = jnp.mean(edge_attr, axis=0, keepdims=True)
    ea = jnp.concatenate([edge_attr, jnp.broadcast_to(mean_attr, (N, D_E))], axis=0)
    h = (x @ W).reshape(N, H, C)
    a_src = jnp.sum(h * att_src[None, :, :], axis=-1)  # [N, H]
    a_dst = jnp.sum(h * att_dst[None, :, :], axis=-1)  # [N, H]
    e_proj = (ea @ W_edge).reshape(-1, H, C)
    a_edge = jnp.sum(e_proj * att_edge[None, :, :], axis=-1)  # [E+N, H]
    alpha = a_src[src_f] + a_dst[dst_f] + a_edge
    alpha = jnp.where(alpha >= 0, alpha, SLOPE * alpha)  # leaky_relu(0.2)
    # segment softmax over destination nodes
    amax = jax.ops.segment_max(alpha, dst_f, num_segments=N)
    amax = jnp.where(jnp.isfinite(amax), amax, 0.0)
    ex = jnp.exp(alpha - amax[dst_f])
    denom = jax.ops.segment_sum(ex, dst_f, num_segments=N)
    attn = ex / (denom[dst_f] + 1e-16)  # [E+N, H]
    msg = h[src_f] * attn[:, :, None]  # gather + weight
    out = jax.ops.segment_sum(msg, dst_f, num_segments=N)  # scatter-add
    out = out.reshape(N, H * C) + bias
    edge_index_full = jnp.stack([src_f, dst_f])
    return out, edge_index_full, attn

if __name__ == "__main__":
    import jax
    _d = setup_inputs()
    print(jax.jit(kernel)(*tuple(_d.values())))

</pallas_src>

<mosaic_0001>
#map = affine_map<(d0, d1) -> (0)>
#map1 = affine_map<(d0, d1) -> (0, 0)>
#map2 = affine_map<(d0, d1) -> (0, 0, 0)>
module attributes {stable_mosaic.version = 14 : i64} {
  func.func @_p2_body(%arg0: i32, %arg1: i32, %arg2: memref<344064xi32, #tpu.memory_space<hbm>>, %arg3: memref<344064xi32, #tpu.memory_space<hbm>>, %arg4: memref<344064x16xf32, #tpu.memory_space<hbm>>, %arg5: memref<10000x16xf32, #tpu.memory_space<hbm>>, %arg6: memref<10000x128xf32, #tpu.memory_space<hbm>>, %arg7: memref<10000x128xf32, #tpu.memory_space<hbm>>, %arg8: memref<344064x8xf32, #tpu.memory_space<hbm>>, %arg9: memref<2x10000x128xf32, #tpu.memory_space<hbm>>, %arg10: memref<10000x128xf32, #tpu.memory_space<vmem_shared>>, %arg11: memref<128xi32, #tpu.memory_space<vmem>>, %arg12: memref<1x128xi32, #tpu.memory_space<vmem>>, %arg13: memref<128x16xf32, #tpu.memory_space<vmem>>, %arg14: memref<128x16xf32, #tpu.memory_space<vmem>>, %arg15: memref<128x16xf32, #tpu.memory_space<vmem>>, %arg16: memref<128x128xf32, #tpu.memory_space<vmem>>, %arg17: memref<128xi32, #tpu.memory_space<vmem>>, %arg18: memref<1x128xi32, #tpu.memory_space<vmem>>, %arg19: memref<128x16xf32, #tpu.memory_space<vmem>>, %arg20: memref<128x16xf32, #tpu.memory_space<vmem>>, %arg21: memref<128x16xf32, #tpu.memory_space<vmem>>, %arg22: memref<128x128xf32, #tpu.memory_space<vmem>>, %arg23: memref<!tpu.dma_semaphore, #tpu.memory_space<semaphore_mem>>, %arg24: memref<!tpu.dma_semaphore, #tpu.memory_space<semaphore_mem>>, %arg25: memref<!tpu.dma_semaphore, #tpu.memory_space<semaphore_mem>>, %arg26: memref<!tpu.dma_semaphore, #tpu.memory_space<semaphore_mem>>) attributes {dimension_semantics = [#tpu.dimension_semantics<core_parallel>, #tpu.dimension_semantics<subcore_parallel>], iteration_bounds = array<i64: 2, 16>, scalar_prefetch = 0 : i64, scratch_operands = 17 : i64, tpu.core_type = #tpu.core_type<sc_vector_subcore>, window_params = [{transform_indices = #map}, {transform_indices = #map}, {transform_indices = #map1}, {transform_indices = #map1}, {transform_indices = #map1}, {transform_indices = #map1}, {transform_indices = #map1}, {transform_indices = #map2}]} {
    %mul3A = arith.constant 16 : i32
    %mul3A_0 = arith.muli %arg0, %mul3A : i32
    %add3A = arith.addi %mul3A_0, %arg1 : i32
    %mul3A_1 = arith.constant 10752 : i32
    %mul3A_2 = arith.muli %add3A, %mul3A_1 : i32
    %lt3A = arith.constant 15 : i32
    %lt3A_3 = arith.cmpi slt, %arg1, %lt3A : i32
    %convert_element_type3A = arith.extui %lt3A_3 : i1 to i32
    %cond3A = arith.constant 0 : i32
    %cond3A_4 = arith.cmpi ne, %convert_element_type3A, %cond3A : i32
    scf.if %cond3A_4 {
      %mul3A_36 = arith.constant 640 : i32
      %mul3A_37 = arith.muli %arg1, %mul3A_36 : i32
      %multiple_of3A = tpu.assume_multiple %mul3A_37, 8 : i32
      "tpu.region"() ({
        %run_scoped3A_38 = tpu.sem_alloc : memref<!tpu.dma_semaphore, #tpu.memory_space<semaphore_mem>>
        %dma_start3A_39 = arith.constant 0 : i32
        %dma_start3A_40 = tpu.memref_slice %arg10[%multiple_of3A, %dma_start3A_39] : memref<10000x128xf32, #tpu.memory_space<vmem_shared>> -> memref<640x128xf32, #tpu.memory_space<vmem_shared>>
        %dma_start3A_41 = arith.constant 0 : i32
        %dma_start3A_42 = tpu.memref_slice %arg7[%multiple_of3A, %dma_start3A_41] : memref<10000x128xf32, #tpu.memory_space<hbm>> -> memref<640x128xf32, #tpu.memory_space<hbm>>
        tpu.enqueue_dma source(%dma_start3A_42 : memref<640x128xf32, #tpu.memory_space<hbm>>) target(%dma_start3A_40 : memref<640x128xf32, #tpu.memory_space<vmem_shared>>) target_semaphore(%run_scoped3A_38 : memref<!tpu.dma_semaphore, #tpu.memory_space<semaphore_mem>>)
        %dma_wait3A = arith.constant 0 : i32
        %dma_wait3A_43 = tpu.memref_slice %arg10[%multiple_of3A, %dma_wait3A] : memref<10000x128xf32, #tpu.memory_space<vmem_shared>> -> memref<640x128xf32, #tpu.memory_space<vmem_shared>>
        %dma_wait3A_44 = arith.constant 0 : i32
        %dma_wait3A_45 = tpu.memref_slice %arg7[%multiple_of3A, %dma_wait3A_44] : memref<10000x128xf32, #tpu.memory_space<hbm>> -> memref<640x128xf32, #tpu.memory_space<hbm>>
        tpu.wait_dma2 semaphore(%run_scoped3A_38 : memref<!tpu.dma_semaphore, #tpu.memory_space<semaphore_mem>>) src(%dma_wait3A_45 : memref<640x128xf32, #tpu.memory_space<hbm>>) dst(%dma_wait3A_43 : memref<640x128xf32, #tpu.memory_space<vmem_shared>>)
        tpu.yield
      }) : () -> ()
    } else {
    }
    %eq3A = arith.constant 15 : i32
    %eq3A_5 = arith.cmpi eq, %arg1, %eq3A : i32
    %convert_element_type3A_6 = arith.extui %eq3A_5 : i1 to i32
    %cond3A_7 = arith.constant 0 : i32
    %cond3A_8 = arith.cmpi ne, %convert_element_type3A_6, %cond3A_7 : i32
    scf.if %cond3A_8 {
      "tpu.region"() ({
        %run_scoped3A_36 = tpu.sem_alloc : memref<!tpu.dma_semaphore, #tpu.memory_space<semaphore_mem>>
        %dma_start3A_37 = arith.constant 9600 : i32
        %dma_start3A_38 = arith.constant 0 : i32
        %dma_start3A_39 = tpu.memref_slice %arg10[%dma_start3A_37, %dma_start3A_38] : memref<10000x128xf32, #tpu.memory_space<vmem_shared>> -> memref<400x128xf32, #tpu.memory_space<vmem_shared>>
        %dma_start3A_40 = arith.constant 9600 : i32
        %dma_start3A_41 = arith.constant 0 : i32
        %dma_start3A_42 = tpu.memref_slice %arg7[%dma_start3A_40, %dma_start3A_41] : memref<10000x128xf32, #tpu.memory_space<hbm>> -> memref<400x128xf32, #tpu.memory_space<hbm>>
        tpu.enqueue_dma source(%dma_start3A_42 : memref<400x128xf32, #tpu.memory_space<hbm>>) target(%dma_start3A_39 : memref<400x128xf32, #tpu.memory_space<vmem_shared>>) target_semaphore(%run_scoped3A_36 : memref<!tpu.dma_semaphore, #tpu.memory_space<semaphore_mem>>)
        %dma_wait3A = arith.constant 9600 : i32
        %dma_wait3A_43 = arith.constant 0 : i32
        %dma_wait3A_44 = tpu.memref_slice %arg10[%dma_wait3A, %dma_wait3A_43] : memref<10000x128xf32, #tpu.memory_space<vmem_shared>> -> memref<400x128xf32, #tpu.memory_space<vmem_shared>>
        %dma_wait3A_45 = arith.constant 9600 : i32
        %dma_wait3A_46 = arith.constant 0 : i32
        %dma_wait3A_47 = tpu.memref_slice %arg7[%dma_wait3A_45, %dma_wait3A_46] : memref<10000x128xf32, #tpu.memory_space<hbm>> -> memref<400x128xf32, #tpu.memory_space<hbm>>
        tpu.wait_dma2 semaphore(%run_scoped3A_36 : memref<!tpu.dma_semaphore, #tpu.memory_space<semaphore_mem>>) src(%dma_wait3A_47 : memref<400x128xf32, #tpu.memory_space<hbm>>) dst(%dma_wait3A_44 : memref<400x128xf32, #tpu.memory_space<vmem_shared>>)
        tpu.yield
      }) : () -> ()
    } else {
    }
    %barrier3A = arith.constant 0 : index
    tpu.barrier barrier_id(%barrier3A)
    %add3A_9 = arith.constant 0 : i32
    %add3A_10 = arith.addi %mul3A_2, %add3A_9 : i32
    "tpu.region"() ({
      %run_scoped3A_36 = tpu.sem_alloc : memref<!tpu.dma_semaphore, #tpu.memory_space<semaphore_mem>>
      %dma_start3A_37 = tpu.memref_slice %arg2[%add3A_10] : memref<344064xi32, #tpu.memory_space<hbm>> -> memref<128xi32, #tpu.memory_space<hbm>>
      %dma_start3A_38 = tpu.memref_slice %arg2[%add3A_10] : memref<344064xi32, #tpu.memory_space<hbm>> -> memref<128xi32, #tpu.memory_space<hbm>>
      tpu.enqueue_dma source(%dma_start3A_38 : memref<128xi32, #tpu.memory_space<hbm>>) target(%arg11 : memref<128xi32, #tpu.memory_space<vmem>>) target_semaphore(%run_scoped3A_36 : memref<!tpu.dma_semaphore, #tpu.memory_space<semaphore_mem>>)
      %dma_wait3A = tpu.memref_slice %arg2[%add3A_10] : memref<344064xi32, #tpu.memory_space<hbm>> -> memref<128xi32, #tpu.memory_space<hbm>>
      %dma_wait3A_39 = tpu.memref_slice %arg2[%add3A_10] : memref<344064xi32, #tpu.memory_space<hbm>> -> memref<128xi32, #tpu.memory_space<hbm>>
      tpu.wait_dma2 semaphore(%run_scoped3A_36 : memref<!tpu.dma_semaphore, #tpu.memory_space<semaphore_mem>>) src(%dma_wait3A_39 : memref<128xi32, #tpu.memory_space<hbm>>) dst(%arg11 : memref<128xi32, #tpu.memory_space<vmem>>)
      tpu.yield
    }) : () -> ()
    %run_scoped3A = arith.constant 0 : i32
    "tpu.region"() ({
      %run_scoped3A_36 = tpu.sem_alloc : memref<!tpu.dma_semaphore, #tpu.memory_space<semaphore_mem>>
      %dma_start3A_37 = arith.constant 0 : i32
      %dma_start3A_38 = tpu.memref_slice %arg12[%run_scoped3A, %dma_start3A_37] : memref<1x128xi32, #tpu.memory_space<vmem>> -> memref<1x128xi32, #tpu.memory_space<vmem>>
      %dma_start3A_39 = tpu.memref_squeeze %dma_start3A_38 : memref<1x128xi32, #tpu.memory_space<vmem>> -> memref<128xi32, #tpu.memory_space<vmem>>
      %dma_start3A_40 = tpu.memref_slice %arg3[%add3A_10] : memref<344064xi32, #tpu.memory_space<hbm>> -> memref<128xi32, #tpu.memory_space<hbm>>
      %dma_start3A_41 = arith.constant 0 : i32
      %dma_start3A_42 = tpu.memref_slice %arg12[%run_scoped3A, %dma_start3A_41] : memref<1x128xi32, #tpu.memory_space<vmem>> -> memref<1x128xi32, #tpu.memory_space<vmem>>
      %dma_start3A_43 = tpu.memref_squeeze %dma_start3A_42 : memref<1x128xi32, #tpu.memory_space<vmem>> -> memref<128xi32, #tpu.memory_space<vmem>>
      %dma_start3A_44 = tpu.memref_slice %arg3[%add3A_10] : memref<344064xi32, #tpu.memory_space<hbm>> -> memref<128xi32, #tpu.memory_space<hbm>>
      tpu.enqueue_dma source(%dma_start3A_44 : memref<128xi32, #tpu.memory_space<hbm>>) target(%dma_start3A_43 : memref<128xi32, #tpu.memory_space<vmem>>) target_semaphore(%run_scoped3A_36 : memref<!tpu.dma_semaphore, #tpu.memory_space<semaphore_mem>>)
      %dma_wait3A = arith.constant 0 : i32
      %dma_wait3A_45 = tpu.memref_slice %arg12[%run_scoped3A, %dma_wait3A] : memref<1x128xi32, #tpu.memory_space<vmem>> -> memref<1x128xi32, #tpu.memory_space<vmem>>
      %dma_wait3A_46 = tpu.memref_squeeze %dma_wait3A_45 : memref<1x128xi32, #tpu.memory_space<vmem>> -> memref<128xi32, #tpu.memory_space<vmem>>
      %dma_wait3A_47 = tpu.memref_slice %arg3[%add3A_10] : memref<344064xi32, #tpu.memory_space<hbm>> -> memref<128xi32, #tpu.memory_space<hbm>>
      %dma_wait3A_48 = arith.constant 0 : i32
      %dma_wait3A_49 = tpu.memref_slice %arg12[%run_scoped3A, %dma_wait3A_48] : memref<1x128xi32, #tpu.memory_space<vmem>> -> memref<1x128xi32, #tpu.memory_space<vmem>>
      %dma_wait3A_50 = tpu.memref_squeeze %dma_wait3A_49 : memref<1x128xi32, #tpu.memory_space<vmem>> -> memref<128xi32, #tpu.memory_space<vmem>>
      %dma_wait3A_51 = tpu.memref_slice %arg3[%add3A_10] : memref<344064xi32, #tpu.memory_space<hbm>> -> memref<128xi32, #tpu.memory_space<hbm>>
      tpu.wait_dma2 semaphore(%run_scoped3A_36 : memref<!tpu.dma_semaphore, #tpu.memory_space<semaphore_mem>>) src(%dma_wait3A_51 : memref<128xi32, #tpu.memory_space<hbm>>) dst(%dma_wait3A_50 : memref<128xi32, #tpu.memory_space<vmem>>)
      tpu.yield
    }) : () -> ()
    "tpu.region"() ({
      %run_scoped3A_36 = tpu.sem_alloc : memref<!tpu.dma_semaphore, #tpu.memory_space<semaphore_mem>>
      %dma_start3A_37 = arith.constant 0 : i32
      %dma_start3A_38 = tpu.memref_slice %arg4[%add3A_10, %dma_start3A_37] : memref<344064x16xf32, #tpu.memory_space<hbm>> -> memref<128x16xf32, #tpu.memory_space<hbm>>
      %dma_start3A_39 = arith.constant 0 : i32
      %dma_start3A_40 = tpu.memref_slice %arg4[%add3A_10, %dma_start3A_39] : memref<344064x16xf32, #tpu.memory_space<hbm>> -> memref<128x16xf32, #tpu.memory_space<hbm>>
      tpu.enqueue_dma source(%dma_start3A_40 : memref<128x16xf32, #tpu.memory_space<hbm>>) target(%arg13 : memref<128x16xf32, #tpu.memory_space<vmem>>) target_semaphore(%run_scoped3A_36 : memref<!tpu.dma_semaphore, #tpu.memory_space<semaphore_mem>>)
      %dma_wait3A = arith.constant 0 : i32
      %dma_wait3A_41 = tpu.memref_slice %arg4[%add3A_10, %dma_wait3A] : memref<344064x16xf32, #tpu.memory_space<hbm>> -> memref<128x16xf32, #tpu.memory_space<hbm>>
      %dma_wait3A_42 = arith.constant 0 : i32
      %dma_wait3A_43 = tpu.memref_slice %arg4[%add3A_10, %dma_wait3A_42] : memref<344064x16xf32, #tpu.memory_space<hbm>> -> memref<128x16xf32, #tpu.memory_space<hbm>>
      tpu.wait_dma2 semaphore(%run_scoped3A_36 : memref<!tpu.dma_semaphore, #tpu.memory_space<semaphore_mem>>) src(%dma_wait3A_43 : memref<128x16xf32, #tpu.memory_space<hbm>>) dst(%arg13 : memref<128x16xf32, #tpu.memory_space<vmem>>)
      tpu.yield
    }) : () -> ()
    %dma_start3A = arith.constant 0 : i32
    %dma_start3A_11 = arith.constant 0 : i32
    %dma_start3A_12 = tpu.memref_slice %arg12[%dma_start3A, %dma_start3A_11] : memref<1x128xi32, #tpu.memory_space<vmem>> -> memref<1x128xi32, #tpu.memory_space<vmem>>
    %dma_start3A_13 = tpu.memref_squeeze %dma_start3A_12 : memref<1x128xi32, #tpu.memory_space<vmem>> -> memref<128xi32, #tpu.memory_space<vmem>>
    %dma_start3A_14 = arith.constant 0 : i32
    %dma_start3A_15 = arith.constant 0 : i32
    %dma_start3A_16 = tpu.memref_slice %arg5[%dma_start3A_14, %dma_start3A_15] : memref<10000x16xf32, #tpu.memory_space<hbm>> -> memref<10000x16xf32, #tpu.memory_space<hbm>>
    tpu.enqueue_indirect_dma source(%dma_start3A_16 : memref<10000x16xf32, #tpu.memory_space<hbm>>) target(%arg14 : memref<128x16xf32, #tpu.memory_space<vmem>>) offsets(%dma_start3A_13 : memref<128xi32, #tpu.memory_space<vmem>>) semaphore(%arg23 : memref<!tpu.dma_semaphore, #tpu.memory_space<semaphore_mem>>)
    %dma_start3A_17 = arith.constant 0 : i32
    %dma_start3A_18 = arith.constant 0 : i32
    %dma_start3A_19 = tpu.memref_slice %arg6[%dma_start3A_17, %dma_start3A_18] : memref<10000x128xf32, #tpu.memory_space<hbm>> -> memref<10000x128xf32, #tpu.memory_space<hbm>>
    tpu.enqueue_indirect_dma source(%dma_start3A_19 : memref<10000x128xf32, #tpu.memory_space<hbm>>) target(%arg16 : memref<128x128xf32, #tpu.memory_space<vmem>>) offsets(%arg11 : memref<128xi32, #tpu.memory_space<vmem>>) semaphore(%arg24 : memref<!tpu.dma_semaphore, #tpu.memory_space<semaphore_mem>>)
    %scan3A = arith.constant 0 : i32
    %scan3A_20 = arith.constant 0 : i32
    %scan3A_21 = arith.constant 42 : i32
    %scan3A_22 = arith.addi %scan3A_20, %scan3A_21 : i32
    %scan3A_23 = arith.constant 1 : i32
    scf.for %scan3A_36 = %scan3A_20 to %scan3A_22 step %scan3A_23  : i32 {
      %mul3A_37 = arith.constant 2 : i32
      %mul3A_38 = arith.muli %scan3A_36, %mul3A_37 : i32
      %add3A_39 = arith.constant 1 : i32
      %add3A_40 = arith.addi %mul3A_38, %add3A_39 : i32
      %mul3A_41 = arith.constant 128 : i32
      %mul3A_42 = arith.muli %add3A_40, %mul3A_41 : i32
      %add3A_43 = arith.addi %mul3A_2, %mul3A_42 : i32
      "tpu.region"() ({
        %run_scoped3A_115 = tpu.sem_alloc : memref<!tpu.dma_semaphore, #tpu.memory_space<semaphore_mem>>
        %dma_start3A_116 = tpu.memref_slice %arg2[%add3A_43] : memref<344064xi32, #tpu.memory_space<hbm>> -> memref<128xi32, #tpu.memory_space<hbm>>
        %dma_start3A_117 = tpu.memref_slice %arg2[%add3A_43] : memref<344064xi32, #tpu.memory_space<hbm>> -> memref<128xi32, #tpu.memory_space<hbm>>
        tpu.enqueue_dma source(%dma_start3A_117 : memref<128xi32, #tpu.memory_space<hbm>>) target(%arg17 : memref<128xi32, #tpu.memory_space<vmem>>) target_semaphore(%run_scoped3A_115 : memref<!tpu.dma_semaphore, #tpu.memory_space<semaphore_mem>>)
        %dma_wait3A_118 = tpu.memref_slice %arg2[%add3A_43] : memref<344064xi32, #tpu.memory_space<hbm>> -> memref<128xi32, #tpu.memory_space<hbm>>
        %dma_wait3A_119 = tpu.memref_slice %arg2[%add3A_43] : memref<344064xi32, #tpu.memory_space<hbm>> -> memref<128xi32, #tpu.memory_space<hbm>>
        tpu.wait_dma2 semaphore(%run_scoped3A_115 : memref<!tpu.dma_semaphore, #tpu.memory_space<semaphore_mem>>) src(%dma_wait3A_119 : memref<128xi32, #tpu.memory_space<hbm>>) dst(%arg17 : memref<128xi32, #tpu.memory_space<vmem>>)
        tpu.yield
      }) : () -> ()
      %run_scoped3A_44 = arith.constant 0 : i32
      "tpu.region"() ({
        %run_scoped3A_115 = tpu.sem_alloc : memref<!tpu.dma_semaphore, #tpu.memory_space<semaphore_mem>>
        %dma_start3A_116 = arith.constant 0 : i32
        %dma_start3A_117 = tpu.memref_slice %arg18[%run_scoped3A_44, %dma_start3A_116] : memref<1x128xi32, #tpu.memory_space<vmem>> -> memref<1x128xi32, #tpu.memory_space<vmem>>
        %dma_start3A_118 = tpu.memref_squeeze %dma_start3A_117 : memref<1x128xi32, #tpu.memory_space<vmem>> -> memref<128xi32, #tpu.memory_space<vmem>>
        %dma_start3A_119 = tpu.memref_slice %arg3[%add3A_43] : memref<344064xi32, #tpu.memory_space<hbm>> -> memref<128xi32, #tpu.memory_space<hbm>>
        %dma_start3A_120 = arith.constant 0 : i32
        %dma_start3A_121 = tpu.memref_slice %arg18[%run_scoped3A_44, %dma_start3A_120] : memref<1x128xi32, #tpu.memory_space<vmem>> -> memref<1x128xi32, #tpu.memory_space<vmem>>
        %dma_start3A_122 = tpu.memref_squeeze %dma_start3A_121 : memref<1x128xi32, #tpu.memory_space<vmem>> -> memref<128xi32, #tpu.memory_space<vmem>>
        %dma_start3A_123 = tpu.memref_slice %arg3[%add3A_43] : memref<344064xi32, #tpu.memory_space<hbm>> -> memref<128xi32, #tpu.memory_space<hbm>>
        tpu.enqueue_dma source(%dma_start3A_123 : memref<128xi32, #tpu.memory_space<hbm>>) target(%dma_start3A_122 : memref<128xi32, #tpu.memory_space<vmem>>) target_semaphore(%run_scoped3A_115 : memref<!tpu.dma_semaphore, #tpu.memory_space<semaphore_mem>>)
        %dma_wait3A_124 = arith.constant 0 : i32
        %dma_wait3A_125 = tpu.memref_slice %arg18[%run_scoped3A_44, %dma_wait3A_124] : memref<1x128xi32, #tpu.memory_space<vmem>> -> memref<1x128xi32, #tpu.memory_space<vmem>>
        %dma_wait3A_126 = tpu.memref_squeeze %dma_wait3A_125 : memref<1x128xi32, #tpu.memory_space<vmem>> -> memref<128xi32, #tpu.memory_space<vmem>>
        %dma_wait3A_127 = tpu.memref_slice %arg3[%add3A_43] : memref<344064xi32, #tpu.memory_space<hbm>> -> memref<128xi32, #tpu.memory_space<hbm>>
        %dma_wait3A_128 = arith.constant 0 : i32
        %dma_wait3A_129 = tpu.memref_slice %arg18[%run_scoped3A_44, %dma_wait3A_128] : memref<1x128xi32, #tpu.memory_space<vmem>> -> memref<1x128xi32, #tpu.memory_space<vmem>>
        %dma_wait3A_130 = tpu.memref_squeeze %dma_wait3A_129 : memref<1x128xi32, #tpu.memory_space<vmem>> -> memref<128xi32, #tpu.memory_space<vmem>>
        %dma_wait3A_131 = tpu.memref_slice %arg3[%add3A_43] : memref<344064xi32, #tpu.memory_space<hbm>> -> memref<128xi32, #tpu.memory_space<hbm>>
        tpu.wait_dma2 semaphore(%run_scoped3A_115 : memref<!tpu.dma_semaphore, #tpu.memory_space<semaphore_mem>>) src(%dma_wait3A_131 : memref<128xi32, #tpu.memory_space<hbm>>) dst(%dma_wait3A_130 : memref<128xi32, #tpu.memory_space<vmem>>)
        tpu.yield
      }) : () -> ()
      "tpu.region"() ({
        %run_scoped3A_115 = tpu.sem_alloc : memref<!tpu.dma_semaphore, #tpu.memory_space<semaphore_mem>>
        %dma_start3A_116 = arith.constant 0 : i32
        %dma_start3A_117 = tpu.memref_slice %arg4[%add3A_43, %dma_start3A_116] : memref<344064x16xf32, #tpu.memory_space<hbm>> -> memref<128x16xf32, #tpu.memory_space<hbm>>
        %dma_start3A_118 = arith.constant 0 : i32
        %dma_start3A_119 = tpu.memref_slice %arg4[%add3A_43, %dma_start3A_118] : memref<344064x16xf32, #tpu.memory_space<hbm>> -> memref<128x16xf32, #tpu.memory_space<hbm>>
        tpu.enqueue_dma source(%dma_start3A_119 : memref<128x16xf32, #tpu.memory_space<hbm>>) target(%arg19 : memref<128x16xf32, #tpu.memory_space<vmem>>) target_semaphore(%run_scoped3A_115 : memref<!tpu.dma_semaphore, #tpu.memory_space<semaphore_mem>>)
        %dma_wait3A_120 = arith.constant 0 : i32
        %dma_wait3A_121 = tpu.memref_slice %arg4[%add3A_43, %dma_wait3A_120] : memref<344064x16xf32, #tpu.memory_space<hbm>> -> memref<128x16xf32, #tpu.memory_space<hbm>>
        %dma_wait3A_122 = arith.constant 0 : i32
        %dma_wait3A_123 = tpu.memref_slice %arg4[%add3A_43, %dma_wait3A_122] : memref<344064x16xf32, #tpu.memory_space<hbm>> -> memref<128x16xf32, #tpu.memory_space<hbm>>
        tpu.wait_dma2 semaphore(%run_scoped3A_115 : memref<!tpu.dma_semaphore, #tpu.memory_space<semaphore_mem>>) src(%dma_wait3A_123 : memref<128x16xf32, #tpu.memory_space<hbm>>) dst(%arg19 : memref<128x16xf32, #tpu.memory_space<vmem>>)
        tpu.yield
      }) : () -> ()
      %dma_start3A_45 = arith.constant 0 : i32
      %dma_start3A_46 = arith.constant 0 : i32
      %dma_start3A_47 = tpu.memref_slice %arg18[%dma_start3A_45, %dma_start3A_46] : memref<1x128xi32, #tpu.memory_space<vmem>> -> memref<1x128xi32, #tpu.memory_space<vmem>>
      %dma_start3A_48 = tpu.memref_squeeze %dma_start3A_47 : memref<1x128xi32, #tpu.memory_space<vmem>> -> memref<128xi32, #tpu.memory_space<vmem>>
      %dma_start3A_49 = arith.constant 0 : i32
      %dma_start3A_50 = arith.constant 0 : i32
      %dma_start3A_51 = tpu.memref_slice %arg5[%dma_start3A_49, %dma_start3A_50] : memref<10000x16xf32, #tpu.memory_space<hbm>> -> memref<10000x16xf32, #tpu.memory_space<hbm>>
      tpu.enqueue_indirect_dma source(%dma_start3A_51 : memref<10000x16xf32, #tpu.memory_space<hbm>>) target(%arg20 : memref<128x16xf32, #tpu.memory_space<vmem>>) offsets(%dma_start3A_48 : memref<128xi32, #tpu.memory_space<vmem>>) semaphore(%arg25 : memref<!tpu.dma_semaphore, #tpu.memory_space<semaphore_mem>>)
      %dma_start3A_52 = arith.constant 0 : i32
      %dma_start3A_53 = arith.constant 0 : i32
      %dma_start3A_54 = tpu.memref_slice %arg6[%dma_start3A_52, %dma_start3A_53] : memref<10000x128xf32, #tpu.memory_space<hbm>> -> memref<10000x128xf32, #tpu.memory_space<hbm>>
      tpu.enqueue_indirect_dma source(%dma_start3A_54 : memref<10000x128xf32, #tpu.memory_space<hbm>>) target(%arg22 : memref<128x128xf32, #tpu.memory_space<vmem>>) offsets(%arg17 : memref<128xi32, #tpu.memory_space<vmem>>) semaphore(%arg26 : memref<!tpu.dma_semaphore, #tpu.memory_space<semaphore_mem>>)
      %mul3A_55 = arith.constant 128 : i32
      %mul3A_56 = arith.muli %mul3A_38, %mul3A_55 : i32
      %add3A_57 = arith.addi %mul3A_2, %mul3A_56 : i32
      %dma_wait3A = arith.constant 0 : i32
      %dma_wait3A_58 = arith.constant 0 : i32
      %dma_wait3A_59 = tpu.memref_slice %arg12[%dma_wait3A, %dma_wait3A_58] : memref<1x128xi32, #tpu.memory_space<vmem>> -> memref<1x128xi32, #tpu.memory_space<vmem>>
      %dma_wait3A_60 = tpu.memref_squeeze %dma_wait3A_59 : memref<1x128xi32, #tpu.memory_space<vmem>> -> memref<128xi32, #tpu.memory_space<vmem>>
      %dma_wait3A_61 = arith.constant 0 : i32
      %dma_wait3A_62 = arith.constant 0 : i32
      %dma_wait3A_63 = tpu.memref_slice %arg5[%dma_wait3A_61, %dma_wait3A_62] : memref<10000x16xf32, #tpu.memory_space<hbm>> -> memref<10000x16xf32, #tpu.memory_space<hbm>>
      tpu.wait_indirect_dma semaphore(%arg23 : memref<!tpu.dma_semaphore, #tpu.memory_space<semaphore_mem>>) src(%dma_wait3A_63 : memref<10000x16xf32, #tpu.memory_space<hbm>>) dst(%arg14 : memref<128x16xf32, #tpu.memory_space<vmem>>)
      %scan3A_64 = arith.constant 0 : i32
      %scan3A_65 = arith.constant 0 : i32
      %scan3A_66 = arith.constant 128 : i32
      %scan3A_67 = arith.addi %scan3A_65, %scan3A_66 : i32
      %scan3A_68 = arith.constant 1 : i32
      scf.for %scan3A_115 = %scan3A_65 to %scan3A_67 step %scan3A_68  : i32 {
        %get3A = arith.index_cast %scan3A_115 : i32 to index
        %get3A_116 = arith.constant 0 : index
        %get3A_117 = tpu.vector_load %arg13[%get3A, %get3A_116] {strides = array<i32>} : memref<128x16xf32, #tpu.memory_space<vmem>>, vector<1x16xf32>,
        %get3A_118 = vector.shape_cast %get3A_117 : vector<1x16xf32> to vector<16xf32>
        %get3A_119 = arith.index_cast %scan3A_115 : i32 to index
        %get3A_120 = arith.constant 0 : index
        %get3A_121 = tpu.vector_load %arg14[%get3A_119, %get3A_120] {strides = array<i32>} : memref<128x16xf32, #tpu.memory_space<vmem>>, vector<1x16xf32>,
        %get3A_122 = vector.shape_cast %get3A_121 : vector<1x16xf32> to vector<16xf32>
        %add3A_123 = arith.constant 1.000000e-16 : f32
        %add3A_124 = vector.broadcast %add3A_123 : f32 to vector<16xf32>
        %add3A_125 = arith.addf %get3A_122, %add3A_124 : vector<16xf32>
        %div3A = arith.divf %get3A_118, %add3A_125 : vector<16xf32>
        %swap3A = arith.index_cast %scan3A_115 : i32 to index
        %swap3A_126 = arith.constant 0 : index
        %swap3A_127 = tpu.vector_load %arg15[%swap3A, %swap3A_126] {strides = array<i32>} : memref<128x16xf32, #tpu.memory_space<vmem>>, vector<1x16xf32>,
        %swap3A_128 = vector.shape_cast %swap3A_127 : vector<1x16xf32> to vector<16xf32>
        %swap3A_129 = vector.shape_cast %div3A : vector<16xf32> to vector<1x16xf32>
        tpu.vector_store %arg15[%swap3A, %swap3A_126], %swap3A_129 {strides = array<i32>} : memref<128x16xf32, #tpu.memory_space<vmem>>, vector<1x16xf32>,
      }
      %scan3A_69 = arith.constant 128 : i32
      %dma_wait3A_70 = arith.constant 0 : i32
      %dma_wait3A_71 = arith.constant 0 : i32
      %dma_wait3A_72 = tpu.memref_slice %arg6[%dma_wait3A_70, %dma_wait3A_71] : memref<10000x128xf32, #tpu.memory_space<hbm>> -> memref<10000x128xf32, #tpu.memory_space<hbm>>
      tpu.wait_indirect_dma semaphore(%arg24 : memref<!tpu.dma_semaphore, #tpu.memory_space<semaphore_mem>>) src(%dma_wait3A_72 : memref<10000x128xf32, #tpu.memory_space<hbm>>) dst(%arg16 : memref<128x128xf32, #tpu.memory_space<vmem>>)
      %scan3A_73 = arith.constant 0 : i32
      %scan3A_74 = arith.constant 0 : i32
      %scan3A_75 = arith.constant 128 : i32
      %scan3A_76 = arith.addi %scan3A_74, %scan3A_75 : i32
      %scan3A_77 = arith.constant 1 : i32
      scf.for %scan3A_115 = %scan3A_74 to %scan3A_76 step %scan3A_77  : i32 {
        %get3A = arith.index_cast %scan3A_115 : i32 to index
        %get3A_116 = arith.constant 0 : index
        %get3A_117 = tpu.vector_load %arg15[%get3A, %get3A_116] {strides = array<i32>} : memref<128x16xf32, #tpu.memory_space<vmem>>, vector<1x16xf32>,
        %get3A_118 = vector.shape_cast %get3A_117 : vector<1x16xf32> to vector<16xf32>
        %slice3A = vector.extract_strided_slice %get3A_118 {offsets = [0], sizes = [1], strides = [1]} : vector<16xf32> to vector<1xf32>
        %squeeze3A = vector.extract %slice3A[0] : f32 from vector<1xf32>
        %get3A_119 = arith.index_cast %scan3A_115 : i32 to index
        %get3A_120 = arith.constant 0 : index
        %get3A_121 = tpu.vector_load %arg16[%get3A_119, %get3A_120] {strides = array<i32>} : memref<128x128xf32, #tpu.memory_space<vmem>>, vector<1x16xf32>,
        %get3A_122 = vector.shape_cast %get3A_121 : vector<1x16xf32> to vector<16xf32>
        %mul3A_123 = vector.broadcast %squeeze3A : f32 to vector<16xf32>
        %mul3A_124 = arith.mulf %get3A_122, %mul3A_123 : vector<16xf32>
        %swap3A = arith.index_cast %scan3A_115 : i32 to index
        %swap3A_125 = arith.constant 0 : index
        %swap3A_126 = tpu.vector_load %arg16[%swap3A, %swap3A_125] {strides = array<i32>} : memref<128x128xf32, #tpu.memory_space<vmem>>, vector<1x16xf32>,
        %swap3A_127 = vector.shape_cast %swap3A_126 : vector<1x16xf32> to vector<16xf32>
        %swap3A_128 = vector.shape_cast %mul3A_124 : vector<16xf32> to vector<1x16xf32>
        tpu.vector_store %arg16[%swap3A, %swap3A_125], %swap3A_128 {strides = array<i32>} : memref<128x128xf32, #tpu.memory_space<vmem>>, vector<1x16xf32>,
        %slice3A_129 = vector.extract_strided_slice %get3A_118 {offsets = [1], sizes = [1], strides = [1]} : vector<16xf32> to vector<1xf32>
        %squeeze3A_130 = vector.extract %slice3A_129[0] : f32 from vector<1xf32>
        %get3A_131 = arith.index_cast %scan3A_115 : i32 to index
        %get3A_132 = arith.constant 16 : index
        %get3A_133 = tpu.vector_load %arg16[%get3A_131, %get3A_132] {strides = array<i32>} : memref<128x128xf32, #tpu.memory_space<vmem>>, vector<1x16xf32>,
        %get3A_134 = vector.shape_cast %get3A_133 : vector<1x16xf32> to vector<16xf32>
        %mul3A_135 = vector.broadcast %squeeze3A_130 : f32 to vector<16xf32>
        %mul3A_136 = arith.mulf %get3A_134, %mul3A_135 : vector<16xf32>
        %swap3A_137 = arith.index_cast %scan3A_115 : i32 to index
        %swap3A_138 = arith.constant 16 : index
        %swap3A_139 = tpu.vector_load %arg16[%swap3A_137, %swap3A_138] {strides = array<i32>} : memref<128x128xf32, #tpu.memory_space<vmem>>, vector<1x16xf32>,
        %swap3A_140 = vector.shape_cast %swap3A_139 : vector<1x16xf32> to vector<16xf32>
        %swap3A_141 = vector.shape_cast %mul3A_136 : vector<16xf32> to vector<1x16xf32>
        tpu.vector_store %arg16[%swap3A_137, %swap3A_138], %swap3A_141 {strides = array<i32>} : memref<128x128xf32, #tpu.memory_space<vmem>>, vector<1x16xf32>,
        %slice3A_142 = vector.extract_strided_slice %get3A_118 {offsets = [2], sizes = [1], strides = [1]} : vector<16xf32> to vector<1xf32>
        %squeeze3A_143 = vector.extract %slice3A_142[0] : f32 from vector<1xf32>
        %get3A_144 = arith.index_cast %scan3A_115 : i32 to index
        %get3A_145 = arith.constant 32 : index
        %get3A_146 = tpu.vector_load %arg16[%get3A_144, %get3A_145] {strides = array<i32>} : memref<128x128xf32, #tpu.memory_space<vmem>>, vector<1x16xf32>,
        %get3A_147 = vector.shape_cast %get3A_146 : vector<1x16xf32> to vector<16xf32>
        %mul3A_148 = vector.broadcast %squeeze3A_143 : f32 to vector<16xf32>
        %mul3A_149 = arith.mulf %get3A_147, %mul3A_148 : vector<16xf32>
        %swap3A_150 = arith.index_cast %scan3A_115 : i32 to index
        %swap3A_151 = arith.constant 32 : index
        %swap3A_152 = tpu.vector_load %arg16[%swap3A_150, %swap3A_151] {strides = array<i32>} : memref<128x128xf32, #tpu.memory_space<vmem>>, vector<1x16xf32>,
        %swap3A_153 = vector.shape_cast %swap3A_152 : vector<1x16xf32> to vector<16xf32>
        %swap3A_154 = vector.shape_cast %mul3A_149 : vector<16xf32> to vector<1x16xf32>
        tpu.vector_store %arg16[%swap3A_150, %swap3A_151], %swap3A_154 {strides = array<i32>} : memref<128x128xf32, #tpu.memory_space<vmem>>, vector<1x16xf32>,
        %slice3A_155 = vector.extract_strided_slice %get3A_118 {offsets = [3], sizes = [1], strides = [1]} : vector<16xf32> to vector<1xf32>
        %squeeze3A_156 = vector.extract %slice3A_155[0] : f32 from vector<1xf32>
        %get3A_157 = arith.index_cast %scan3A_115 : i32 to index
        %get3A_158 = arith.constant 48 : index
        %get3A_159 = tpu.vector_load %arg16[%get3A_157, %get3A_158] {strides = array<i32>} : memref<128x128xf32, #tpu.memory_space<vmem>>, vector<1x16xf32>,
        %get3A_160 = vector.shape_cast %get3A_159 : vector<1x16xf32> to vector<16xf32>
        %mul3A_161 = vector.broadcast %squeeze3A_156 : f32 to vector<16xf32>
        %mul3A_162 = arith.mulf %get3A_160, %mul3A_161 : vector<16xf32>
        %swap3A_163 = arith.index_cast %scan3A_115 : i32 to index
        %swap3A_164 = arith.constant 48 : index
        %swap3A_165 = tpu.vector_load %arg16[%swap3A_163, %swap3A_164] {strides = array<i32>} : memref<128x128xf32, #tpu.memory_space<vmem>>, vector<1x16xf32>,
        %swap3A_166 = vector.shape_cast %swap3A_165 : vector<1x16xf32> to vector<16xf32>
        %swap3A_167 = vector.shape_cast %mul3A_162 : vector<16xf32> to vector<1x16xf32>
        tpu.vector_store %arg16[%swap3A_163, %swap3A_164], %swap3A_167 {strides = array<i32>} : memref<128x128xf32, #tpu.memory_space<vmem>>, vector<1x16xf32>,
        %slice3A_168 = vector.extract_strided_slice %get3A_118 {offsets = [4], sizes = [1], strides = [1]} : vector<16xf32> to vector<1xf32>
        %squeeze3A_169 = vector.extract %slice3A_168[0] : f32 from vector<1xf32>
        %get3A_170 = arith.index_cast %scan3A_115 : i32 to index
        %get3A_171 = arith.constant 64 : index
        %get3A_172 = tpu.vector_load %arg16[%get3A_170, %get3A_171] {strides = array<i32>} : memref<128x128xf32, #tpu.memory_space<vmem>>, vector<1x16xf32>,
        %get3A_173 = vector.shape_cast %get3A_172 : vector<1x16xf32> to vector<16xf32>
        %mul3A_174 = vector.broadcast %squeeze3A_169 : f32 to vector<16xf32>
        %mul3A_175 = arith.mulf %get3A_173, %mul3A_174 : vector<16xf32>
        %swap3A_176 = arith.index_cast %scan3A_115 : i32 to index
        %swap3A_177 = arith.constant 64 : index
        %swap3A_178 = tpu.vector_load %arg16[%swap3A_176, %swap3A_177] {strides = array<i32>} : memref<128x128xf32, #tpu.memory_space<vmem>>, vector<1x16xf32>,
        %swap3A_179 = vector.shape_cast %swap3A_178 : vector<1x16xf32> to vector<16xf32>
        %swap3A_180 = vector.shape_cast %mul3A_175 : vector<16xf32> to vector<1x16xf32>
        tpu.vector_store %arg16[%swap3A_176, %swap3A_177], %swap3A_180 {strides = array<i32>} : memref<128x128xf32, #tpu.memory_space<vmem>>, vector<1x16xf32>,
        %slice3A_181 = vector.extract_strided_slice %get3A_118 {offsets = [5], sizes = [1], strides = [1]} : vector<16xf32> to vector<1xf32>
        %squeeze3A_182 = vector.extract %slice3A_181[0] : f32 from vector<1xf32>
        %get3A_183 = arith.index_cast %scan3A_115 : i32 to index
        %get3A_184 = arith.constant 80 : index
        %get3A_185 = tpu.vector_load %arg16[%get3A_183, %get3A_184] {strides = array<i32>} : memref<128x128xf32, #tpu.memory_space<vmem>>, vector<1x16xf32>,
        %get3A_186 = vector.shape_cast %get3A_185 : vector<1x16xf32> to vector<16xf32>
        %mul3A_187 = vector.broadcast %squeeze3A_182 : f32 to vector<16xf32>
        %mul3A_188 = arith.mulf %get3A_186, %mul3A_187 : vector<16xf32>
        %swap3A_189 = arith.index_cast %scan3A_115 : i32 to index
        %swap3A_190 = arith.constant 80 : index
        %swap3A_191 = tpu.vector_load %arg16[%swap3A_189, %swap3A_190] {strides = array<i32>} : memref<128x128xf32, #tpu.memory_space<vmem>>, vector<1x16xf32>,
        %swap3A_192 = vector.shape_cast %swap3A_191 : vector<1x16xf32> to vector<16xf32>
        %swap3A_193 = vector.shape_cast %mul3A_188 : vector<16xf32> to vector<1x16xf32>
        tpu.vector_store %arg16[%swap3A_189, %swap3A_190], %swap3A_193 {strides = array<i32>} : memref<128x128xf32, #tpu.memory_space<vmem>>, vector<1x16xf32>,
        %slice3A_194 = vector.extract_strided_slice %get3A_118 {offsets = [6], sizes = [1], strides = [1]} : vector<16xf32> to vector<1xf32>
        %squeeze3A_195 = vector.extract %slice3A_194[0] : f32 from vector<1xf32>
        %get3A_196 = arith.index_cast %scan3A_115 : i32 to index
        %get3A_197 = arith.constant 96 : index
        %get3A_198 = tpu.vector_load %arg16[%get3A_196, %get3A_197] {strides = array<i32>} : memref<128x128xf32, #tpu.memory_space<vmem>>, vector<1x16xf32>,
        %get3A_199 = vector.shape_cast %get3A_198 : vector<1x16xf32> to vector<16xf32>
        %mul3A_200 = vector.broadcast %squeeze3A_195 : f32 to vector<16xf32>
        %mul3A_201 = arith.mulf %get3A_199, %mul3A_200 : vector<16xf32>
        %swap3A_202 = arith.index_cast %scan3A_115 : i32 to index
        %swap3A_203 = arith.constant 96 : index
        %swap3A_204 = tpu.vector_load %arg16[%swap3A_202, %swap3A_203] {strides = array<i32>} : memref<128x128xf32, #tpu.memory_space<vmem>>, vector<1x16xf32>,
        %swap3A_205 = vector.shape_cast %swap3A_204 : vector<1x16xf32> to vector<16xf32>
        %swap3A_206 = vector.shape_cast %mul3A_201 : vector<16xf32> to vector<1x16xf32>
        tpu.vector_store %arg16[%swap3A_202, %swap3A_203], %swap3A_206 {strides = array<i32>} : memref<128x128xf32, #tpu.memory_space<vmem>>, vector<1x16xf32>,
        %slice3A_207 = vector.extract_strided_slice %get3A_118 {offsets = [7], sizes = [1], strides = [1]} : vector<16xf32> to vector<1xf32>
        %squeeze3A_208 = vector.extract %slice3A_207[0] : f32 from vector<1xf32>
        %get3A_209 = arith.index_cast %scan3A_115 : i32 to index
        %get3A_210 = arith.constant 112 : index
        %get3A_211 = tpu.vector_load %arg16[%get3A_209, %get3A_210] {strides = array<i32>} : memref<128x128xf32, #tpu.memory_space<vmem>>, vector<1x16xf32>,
        %get3A_212 = vector.shape_cast %get3A_211 : vector<1x16xf32> to vector<16xf32>
        %mul3A_213 = vector.broadcast %squeeze3A_208 : f32 to vector<16xf32>
        %mul3A_214 = arith.mulf %get3A_212, %mul3A_213 : vector<16xf32>
        %swap3A_215 = arith.index_cast %scan3A_115 : i32 to index
        %swap3A_216 = arith.constant 112 : index
        %swap3A_217 = tpu.vector_load %arg16[%swap3A_215, %swap3A_216] {strides = array<i32>} : memref<128x128xf32, #tpu.memory_space<vmem>>, vector<1x16xf32>,
        %swap3A_218 = vector.shape_cast %swap3A_217 : vector<1x16xf32> to vector<16xf32>
        %swap3A_219 = vector.shape_cast %mul3A_214 : vector<16xf32> to vector<1x16xf32>
        tpu.vector_store %arg16[%swap3A_215, %swap3A_216], %swap3A_219 {strides = array<i32>} : memref<128x128xf32, #tpu.memory_space<vmem>>, vector<1x16xf32>,
      }
      %scan3A_78 = arith.constant 128 : i32
      "tpu.region"() ({
        %run_scoped3A_115 = tpu.sem_alloc : memref<!tpu.dma_semaphore, #tpu.memory_space<semaphore_mem>>
        %dma_start3A_116 = arith.constant 0 : i32
        %dma_start3A_117 = arith.constant 0 : i32
        %dma_start3A_118 = tpu.memref_slice %arg15[%dma_start3A_116, %dma_start3A_117] : memref<128x16xf32, #tpu.memory_space<vmem>> -> memref<128x8xf32, #tpu.memory_space<vmem>>
        %dma_start3A_119 = arith.constant 0 : i32
        %dma_start3A_120 = tpu.memref_slice %arg8[%add3A_57, %dma_start3A_119] : memref<344064x8xf32, #tpu.memory_space<hbm>> -> memref<128x8xf32, #tpu.memory_space<hbm>>
        %dma_start3A_121 = arith.constant 0 : i32
        %dma_start3A_122 = tpu.memref_slice %arg8[%add3A_57, %dma_start3A_121] : memref<344064x8xf32, #tpu.memory_space<hbm>> -> memref<128x8xf32, #tpu.memory_space<hbm>>
        %dma_start3A_123 = arith.constant 0 : i32
        %dma_start3A_124 = arith.constant 0 : i32
        %dma_start3A_125 = tpu.memref_slice %arg15[%dma_start3A_123, %dma_start3A_124] : memref<128x16xf32, #tpu.memory_space<vmem>> -> memref<128x8xf32, #tpu.memory_space<vmem>>
        tpu.enqueue_dma source(%dma_start3A_125 : memref<128x8xf32, #tpu.memory_space<vmem>>) target(%dma_start3A_122 : memref<128x8xf32, #tpu.memory_space<hbm>>) target_semaphore(%run_scoped3A_115 : memref<!tpu.dma_semaphore, #tpu.memory_space<semaphore_mem>>)
        %dma_wait3A_126 = arith.constant 0 : i32
        %dma_wait3A_127 = arith.constant 0 : i32
        %dma_wait3A_128 = tpu.memref_slice %arg15[%dma_wait3A_126, %dma_wait3A_127] : memref<128x16xf32, #tpu.memory_space<vmem>> -> memref<128x8xf32, #tpu.memory_space<vmem>>
        %dma_wait3A_129 = arith.constant 0 : i32
        %dma_wait3A_130 = tpu.memref_slice %arg8[%add3A_57, %dma_wait3A_129] : memref<344064x8xf32, #tpu.memory_space<hbm>> -> memref<128x8xf32, #tpu.memory_space<hbm>>
        %dma_wait3A_131 = arith.constant 0 : i32
        %dma_wait3A_132 = tpu.memref_slice %arg8[%add3A_57, %dma_wait3A_131] : memref<344064x8xf32, #tpu.memory_space<hbm>> -> memref<128x8xf32, #tpu.memory_space<hbm>>
        %dma_wait3A_133 = arith.constant 0 : i32
        %dma_wait3A_134 = arith.constant 0 : i32
        %dma_wait3A_135 = tpu.memref_slice %arg15[%dma_wait3A_133, %dma_wait3A_134] : memref<128x16xf32, #tpu.memory_space<vmem>> -> memref<128x8xf32, #tpu.memory_space<vmem>>
        tpu.wait_dma2 semaphore(%run_scoped3A_115 : memref<!tpu.dma_semaphore, #tpu.memory_space<semaphore_mem>>) src(%dma_wait3A_135 : memref<128x8xf32, #tpu.memory_space<vmem>>) dst(%dma_wait3A_132 : memref<128x8xf32, #tpu.memory_space<hbm>>)
        tpu.yield
      }) : () -> ()
      %run_scoped3A_79 = arith.constant 0 : i32
      "tpu.region"() ({
        %run_scoped3A_115 = tpu.sem_alloc : memref<!tpu.dma_semaphore, #tpu.memory_space<semaphore_mem>>
        %dma_start3A_116 = arith.constant 0 : i32
        %dma_start3A_117 = tpu.memref_slice %arg12[%run_scoped3A_79, %dma_start3A_116] : memref<1x128xi32, #tpu.memory_space<vmem>> -> memref<1x128xi32, #tpu.memory_space<vmem>>
        %dma_start3A_118 = tpu.memref_squeeze %dma_start3A_117 : memref<1x128xi32, #tpu.memory_space<vmem>> -> memref<128xi32, #tpu.memory_space<vmem>>
        %dma_start3A_119 = arith.constant 0 : i32
        %dma_start3A_120 = arith.constant 0 : i32
        %dma_start3A_121 = tpu.memref_slice %arg10[%dma_start3A_119, %dma_start3A_120] : memref<10000x128xf32, #tpu.memory_space<vmem_shared>> -> memref<10000x128xf32, #tpu.memory_space<vmem_shared>>
        tpu.enqueue_indirect_dma source(%arg16 : memref<128x128xf32, #tpu.memory_space<vmem>>) target(%dma_start3A_121 : memref<10000x128xf32, #tpu.memory_space<vmem_shared>>) offsets(%dma_start3A_118 : memref<128xi32, #tpu.memory_space<vmem>>) semaphore(%run_scoped3A_115 : memref<!tpu.dma_semaphore, #tpu.memory_space<semaphore_mem>>) {add = true}
        %dma_wait3A_122 = arith.constant 0 : i32
        %dma_wait3A_123 = tpu.memref_slice %arg12[%run_scoped3A_79, %dma_wait3A_122] : memref<1x128xi32, #tpu.memory_space<vmem>> -> memref<1x128xi32, #tpu.memory_space<vmem>>
        %dma_wait3A_124 = tpu.memref_squeeze %dma_wait3A_123 : memref<1x128xi32, #tpu.memory_space<vmem>> -> memref<128xi32, #tpu.memory_space<vmem>>
        %dma_wait3A_125 = arith.constant 0 : i32
        %dma_wait3A_126 = arith.constant 0 : i32
        %dma_wait3A_127 = tpu.memref_slice %arg10[%dma_wait3A_125, %dma_wait3A_126] : memref<10000x128xf32, #tpu.memory_space<vmem_shared>> -> memref<10000x128xf32, #tpu.memory_space<vmem_shared>>
        tpu.wait_indirect_dma semaphore(%run_scoped3A_115 : memref<!tpu.dma_semaphore, #tpu.memory_space<semaphore_mem>>) src(%arg16 : memref<128x128xf32, #tpu.memory_space<vmem>>) dst(%dma_wait3A_127 : memref<10000x128xf32, #tpu.memory_space<vmem_shared>>)
        tpu.yield
      }) : () -> ()
      %add3A_80 = arith.constant 2 : i32
      %add3A_81 = arith.addi %mul3A_38, %add3A_80 : i32
      %lt3A_82 = arith.constant 84 : i32
      %lt3A_83 = arith.cmpi slt, %add3A_81, %lt3A_82 : i32
      %convert_element_type3A_84 = arith.extui %lt3A_83 : i1 to i32
      %cond3A_85 = arith.constant 0 : i32
      %cond3A_86 = arith.cmpi ne, %convert_element_type3A_84, %cond3A_85 : i32
      scf.if %cond3A_86 {
        %add3A_115 = arith.constant 2 : i32
        %add3A_116 = arith.addi %mul3A_38, %add3A_115 : i32
        %mul3A_117 = arith.constant 128 : i32
        %mul3A_118 = arith.muli %add3A_116, %mul3A_117 : i32
        %add3A_119 = arith.addi %mul3A_2, %mul3A_118 : i32
        "tpu.region"() ({
          %run_scoped3A_131 = tpu.sem_alloc : memref<!tpu.dma_semaphore, #tpu.memory_space<semaphore_mem>>
          %dma_start3A_132 = tpu.memref_slice %arg2[%add3A_119] : memref<344064xi32, #tpu.memory_space<hbm>> -> memref<128xi32, #tpu.memory_space<hbm>>
          %dma_start3A_133 = tpu.memref_slice %arg2[%add3A_119] : memref<344064xi32, #tpu.memory_space<hbm>> -> memref<128xi32, #tpu.memory_space<hbm>>
          tpu.enqueue_dma source(%dma_start3A_133 : memref<128xi32, #tpu.memory_space<hbm>>) target(%arg11 : memref<128xi32, #tpu.memory_space<vmem>>) target_semaphore(%run_scoped3A_131 : memref<!tpu.dma_semaphore, #tpu.memory_space<semaphore_mem>>)
          %dma_wait3A_134 = tpu.memref_slice %arg2[%add3A_119] : memref<344064xi32, #tpu.memory_space<hbm>> -> memref<128xi32, #tpu.memory_space<hbm>>
          %dma_wait3A_135 = tpu.memref_slice %arg2[%add3A_119] : memref<344064xi32, #tpu.memory_space<hbm>> -> memref<128xi32, #tpu.memory_space<hbm>>
          tpu.wait_dma2 semaphore(%run_scoped3A_131 : memref<!tpu.dma_semaphore, #tpu.memory_space<semaphore_mem>>) src(%dma_wait3A_135 : memref<128xi32, #tpu.memory_space<hbm>>) dst(%arg11 : memref<128xi32, #tpu.memory_space<vmem>>)
          tpu.yield
        }) : () -> ()
        %run_scoped3A_120 = arith.constant 0 : i32
        "tpu.region"() ({
          %run_scoped3A_131 = tpu.sem_alloc : memref<!tpu.dma_semaphore, #tpu.memory_space<semaphore_mem>>
          %dma_start3A_132 = arith.constant 0 : i32
          %dma_start3A_133 = tpu.memref_slice %arg12[%run_scoped3A_120, %dma_start3A_132] : memref<1x128xi32, #tpu.memory_space<vmem>> -> memref<1x128xi32, #tpu.memory_space<vmem>>
          %dma_start3A_134 = tpu.memref_squeeze %dma_start3A_133 : memref<1x128xi32, #tpu.memory_space<vmem>> -> memref<128xi32, #tpu.memory_space<vmem>>
          %dma_start3A_135 = tpu.memref_slice %arg3[%add3A_119] : memref<344064xi32, #tpu.memory_space<hbm>> -> memref<128xi32, #tpu.memory_space<hbm>>
          %dma_start3A_136 = arith.constant 0 : i32
          %dma_start3A_137 = tpu.memref_slice %arg12[%run_scoped3A_120, %dma_start3A_136] : memref<1x128xi32, #tpu.memory_space<vmem>> -> memref<1x128xi32, #tpu.memory_space<vmem>>
          %dma_start3A_138 = tpu.memref_squeeze %dma_start3A_137 : memref<1x128xi32, #tpu.memory_space<vmem>> -> memref<128xi32, #tpu.memory_space<vmem>>
          %dma_start3A_139 = tpu.memref_slice %arg3[%add3A_119] : memref<344064xi32, #tpu.memory_space<hbm>> -> memref<128xi32, #tpu.memory_space<hbm>>
          tpu.enqueue_dma source(%dma_start3A_139 : memref<128xi32, #tpu.memory_space<hbm>>) target(%dma_start3A_138 : memref<128xi32, #tpu.memory_space<vmem>>) target_semaphore(%run_scoped3A_131 : memref<!tpu.dma_semaphore, #tpu.memory_space<semaphore_mem>>)
          %dma_wait3A_140 = arith.constant 0 : i32
          %dma_wait3A_141 = tpu.memref_slice %arg12[%run_scoped3A_120, %dma_wait3A_140] : memref<1x128xi32, #tpu.memory_space<vmem>> -> memref<1x128xi32, #tpu.memory_space<vmem>>
          %dma_wait3A_142 = tpu.memref_squeeze %dma_wait3A_141 : memref<1x128xi32, #tpu.memory_space<vmem>> -> memref<128xi32, #tpu.memory_space<vmem>>
          %dma_wait3A_143 = tpu.memref_slice %arg3[%add3A_119] : memref<344064xi32, #tpu.memory_space<hbm>> -> memref<128xi32, #tpu.memory_space<hbm>>
          %dma_wait3A_144 = arith.constant 0 : i32
          %dma_wait3A_145 = tpu.memref_slice %arg12[%run_scoped3A_120, %dma_wait3A_144] : memref<1x128xi32, #tpu.memory_space<vmem>> -> memref<1x128xi32, #tpu.memory_space<vmem>>
          %dma_wait3A_146 = tpu.memref_squeeze %dma_wait3A_145 : memref<1x128xi32, #tpu.memory_space<vmem>> -> memref<128xi32, #tpu.memory_space<vmem>>
          %dma_wait3A_147 = tpu.memref_slice %arg3[%add3A_119] : memref<344064xi32, #tpu.memory_space<hbm>> -> memref<128xi32, #tpu.memory_space<hbm>>
          tpu.wait_dma2 semaphore(%run_scoped3A_131 : memref<!tpu.dma_semaphore, #tpu.memory_space<semaphore_mem>>) src(%dma_wait3A_147 : memref<128xi32, #tpu.memory_space<hbm>>) dst(%dma_wait3A_146 : memref<128xi32, #tpu.memory_space<vmem>>)
          tpu.yield
        }) : () -> ()
        "tpu.region"() ({
          %run_scoped3A_131 = tpu.sem_alloc : memref<!tpu.dma_semaphore, #tpu.memory_space<semaphore_mem>>
          %dma_start3A_132 = arith.constant 0 : i32
          %dma_start3A_133 = tpu.memref_slice %arg4[%add3A_119, %dma_start3A_132] : memref<344064x16xf32, #tpu.memory_space<hbm>> -> memref<128x16xf32, #tpu.memory_space<hbm>>
          %dma_start3A_134 = arith.constant 0 : i32
          %dma_start3A_135 = tpu.memref_slice %arg4[%add3A_119, %dma_start3A_134] : memref<344064x16xf32, #tpu.memory_space<hbm>> -> memref<128x16xf32, #tpu.memory_space<hbm>>
          tpu.enqueue_dma source(%dma_start3A_135 : memref<128x16xf32, #tpu.memory_space<hbm>>) target(%arg13 : memref<128x16xf32, #tpu.memory_space<vmem>>) target_semaphore(%run_scoped3A_131 : memref<!tpu.dma_semaphore, #tpu.memory_space<semaphore_mem>>)
          %dma_wait3A_136 = arith.constant 0 : i32
          %dma_wait3A_137 = tpu.memref_slice %arg4[%add3A_119, %dma_wait3A_136] : memref<344064x16xf32, #tpu.memory_space<hbm>> -> memref<128x16xf32, #tpu.memory_space<hbm>>
          %dma_wait3A_138 = arith.constant 0 : i32
          %dma_wait3A_139 = tpu.memref_slice %arg4[%add3A_119, %dma_wait3A_138] : memref<344064x16xf32, #tpu.memory_space<hbm>> -> memref<128x16xf32, #tpu.memory_space<hbm>>
          tpu.wait_dma2 semaphore(%run_scoped3A_131 : memref<!tpu.dma_semaphore, #tpu.memory_space<semaphore_mem>>) src(%dma_wait3A_139 : memref<128x16xf32, #tpu.memory_space<hbm>>) dst(%arg13 : memref<128x16xf32, #tpu.memory_space<vmem>>)
          tpu.yield
        }) : () -> ()
        %dma_start3A_121 = arith.constant 0 : i32
        %dma_start3A_122 = arith.constant 0 : i32
        %dma_start3A_123 = tpu.memref_slice %arg12[%dma_start3A_121, %dma_start3A_122] : memref<1x128xi32, #tpu.memory_space<vmem>> -> memref<1x128xi32, #tpu.memory_space<vmem>>
        %dma_start3A_124 = tpu.memref_squeeze %dma_start3A_123 : memref<1x128xi32, #tpu.memory_space<vmem>> -> memref<128xi32, #tpu.memory_space<vmem>>
        %dma_start3A_125 = arith.constant 0 : i32
        %dma_start3A_126 = arith.constant 0 : i32
        %dma_start3A_127 = tpu.memref_slice %arg5[%dma_start3A_125, %dma_start3A_126] : memref<10000x16xf32, #tpu.memory_space<hbm>> -> memref<10000x16xf32, #tpu.memory_space<hbm>>
        tpu.enqueue_indirect_dma source(%dma_start3A_127 : memref<10000x16xf32, #tpu.memory_space<hbm>>) target(%arg14 : memref<128x16xf32, #tpu.memory_space<vmem>>) offsets(%dma_start3A_124 : memref<128xi32, #tpu.memory_space<vmem>>) semaphore(%arg23 : memref<!tpu.dma_semaphore, #tpu.memory_space<semaphore_mem>>)
        %dma_start3A_128 = arith.constant 0 : i32
        %dma_start3A_129 = arith.constant 0 : i32
        %dma_start3A_130 = tpu.memref_slice %arg6[%dma_start3A_128, %dma_start3A_129] : memref<10000x128xf32, #tpu.memory_space<hbm>> -> memref<10000x128xf32, #tpu.memory_space<hbm>>
        tpu.enqueue_indirect_dma source(%dma_start3A_130 : memref<10000x128xf32, #tpu.memory_space<hbm>>) target(%arg16 : memref<128x128xf32, #tpu.memory_space<vmem>>) offsets(%arg11 : memref<128xi32, #tpu.memory_space<vmem>>) semaphore(%arg24 : memref<!tpu.dma_semaphore, #tpu.memory_space<semaphore_mem>>)
      } else {
      }
      %add3A_87 = arith.constant 1 : i32
      %add3A_88 = arith.addi %mul3A_38, %add3A_87 : i32
      %mul3A_89 = arith.constant 128 : i32
      %mul3A_90 = arith.muli %add3A_88, %mul3A_89 : i32
      %add3A_91 = arith.addi %mul3A_2, %mul3A_90 : i32
      %dma_wait3A_92 = arith.constant 0 : i32
      %dma_wait3A_93 = arith.constant 0 : i32
      %dma_wait3A_94 = tpu.memref_slice %arg18[%dma_wait3A_92, %dma_wait3A_93] : memref<1x128xi32, #tpu.memory_space<vmem>> -> memref<1x128xi32, #tpu.memory_space<vmem>>
      %dma_wait3A_95 = tpu.memref_squeeze %dma_wait3A_94 : memref<1x128xi32, #tpu.memory_space<vmem>> -> memref<128xi32, #tpu.memory_space<vmem>>
      %dma_wait3A_96 = arith.constant 0 : i32
      %dma_wait3A_97 = arith.constant 0 : i32
      %dma_wait3A_98 = tpu.memref_slice %arg5[%dma_wait3A_96, %dma_wait3A_97] : memref<10000x16xf32, #tpu.memory_space<hbm>> -> memref<10000x16xf32, #tpu.memory_space<hbm>>
      tpu.wait_indirect_dma semaphore(%arg25 : memref<!tpu.dma_semaphore, #tpu.memory_space<semaphore_mem>>) src(%dma_wait3A_98 : memref<10000x16xf32, #tpu.memory_space<hbm>>) dst(%arg20 : memref<128x16xf32, #tpu.memory_space<vmem>>)
      %scan3A_99 = arith.constant 0 : i32
      %scan3A_100 = arith.constant 0 : i32
      %scan3A_101 = arith.constant 128 : i32
      %scan3A_102 = arith.addi %scan3A_100, %scan3A_101 : i32
      %scan3A_103 = arith.constant 1 : i32
      scf.for %scan3A_115 = %scan3A_100 to %scan3A_102 step %scan3A_103  : i32 {
        %get3A = arith.index_cast %scan3A_115 : i32 to index
        %get3A_116 = arith.constant 0 : index
        %get3A_117 = tpu.vector_load %arg19[%get3A, %get3A_116] {strides = array<i32>} : memref<128x16xf32, #tpu.memory_space<vmem>>, vector<1x16xf32>,
        %get3A_118 = vector.shape_cast %get3A_117 : vector<1x16xf32> to vector<16xf32>
        %get3A_119 = arith.index_cast %scan3A_115 : i32 to index
        %get3A_120 = arith.constant 0 : index
        %get3A_121 = tpu.vector_load %arg20[%get3A_119, %get3A_120] {strides = array<i32>} : memref<128x16xf32, #tpu.memory_space<vmem>>, vector<1x16xf32>,
        %get3A_122 = vector.shape_cast %get3A_121 : vector<1x16xf32> to vector<16xf32>
        %add3A_123 = arith.constant 1.000000e-16 : f32
        %add3A_124 = vector.broadcast %add3A_123 : f32 to vector<16xf32>
        %add3A_125 = arith.addf %get3A_122, %add3A_124 : vector<16xf32>
        %div3A = arith.divf %get3A_118, %add3A_125 : vector<16xf32>
        %swap3A = arith.index_cast %scan3A_115 : i32 to index
        %swap3A_126 = arith.constant 0 : index
        %swap3A_127 = tpu.vector_load %arg21[%swap3A, %swap3A_126] {strides = array<i32>} : memref<128x16xf32, #tpu.memory_space<vmem>>, vector<1x16xf32>,
        %swap3A_128 = vector.shape_cast %swap3A_127 : vector<1x16xf32> to vector<16xf32>
        %swap3A_129 = vector.shape_cast %div3A : vector<16xf32> to vector<1x16xf32>
        tpu.vector_store %arg21[%swap3A, %swap3A_126], %swap3A_129 {strides = array<i32>} : memref<128x16xf32, #tpu.memory_space<vmem>>, vector<1x16xf32>,
      }
      %scan3A_104 = arith.constant 128 : i32
      %dma_wait3A_105 = arith.constant 0 : i32
      %dma_wait3A_106 = arith.constant 0 : i32
      %dma_wait3A_107 = tpu.memref_slice %arg6[%dma_wait3A_105, %dma_wait3A_106] : memref<10000x128xf32, #tpu.memory_space<hbm>> -> memref<10000x128xf32, #tpu.memory_space<hbm>>
      tpu.wait_indirect_dma semaphore(%arg26 : memref<!tpu.dma_semaphore, #tpu.memory_space<semaphore_mem>>) src(%dma_wait3A_107 : memref<10000x128xf32, #tpu.memory_space<hbm>>) dst(%arg22 : memref<128x128xf32, #tpu.memory_space<vmem>>)
      %scan3A_108 = arith.constant 0 : i32
      %scan3A_109 = arith.constant 0 : i32
      %scan3A_110 = arith.constant 128 : i32
      %scan3A_111 = arith.addi %scan3A_109, %scan3A_110 : i32
      %scan3A_112 = arith.constant 1 : i32
      scf.for %scan3A_115 = %scan3A_109 to %scan3A_111 step %scan3A_112  : i32 {
        %get3A = arith.index_cast %scan3A_115 : i32 to index
        %get3A_116 = arith.constant 0 : index
        %get3A_117 = tpu.vector_load %arg21[%get3A, %get3A_116] {strides = array<i32>} : memref<128x16xf32, #tpu.memory_space<vmem>>, vector<1x16xf32>,
        %get3A_118 = vector.shape_cast %get3A_117 : vector<1x16xf32> to vector<16xf32>
        %slice3A = vector.extract_strided_slice %get3A_118 {offsets = [0], sizes = [1], strides = [1]} : vector<16xf32> to vector<1xf32>
        %squeeze3A = vector.extract %slice3A[0] : f32 from vector<1xf32>
        %get3A_119 = arith.index_cast %scan3A_115 : i32 to index
        %get3A_120 = arith.constant 0 : index
        %get3A_121 = tpu.vector_load %arg22[%get3A_119, %get3A_120] {strides = array<i32>} : memref<128x128xf32, #tpu.memory_space<vmem>>, vector<1x16xf32>,
        %get3A_122 = vector.shape_cast %get3A_121 : vector<1x16xf32> to vector<16xf32>
        %mul3A_123 = vector.broadcast %squeeze3A : f32 to vector<16xf32>
        %mul3A_124 = arith.mulf %get3A_122, %mul3A_123 : vector<16xf32>
        %swap3A = arith.index_cast %scan3A_115 : i32 to index
        %swap3A_125 = arith.constant 0 : index
        %swap3A_126 = tpu.vector_load %arg22[%swap3A, %swap3A_125] {strides = array<i32>} : memref<128x128xf32, #tpu.memory_space<vmem>>, vector<1x16xf32>,
        %swap3A_127 = vector.shape_cast %swap3A_126 : vector<1x16xf32> to vector<16xf32>
        %swap3A_128 = vector.shape_cast %mul3A_124 : vector<16xf32> to vector<1x16xf32>
        tpu.vector_store %arg22[%swap3A, %swap3A_125], %swap3A_128 {strides = array<i32>} : memref<128x128xf32, #tpu.memory_space<vmem>>, vector<1x16xf32>,
        %slice3A_129 = vector.extract_strided_slice %get3A_118 {offsets = [1], sizes = [1], strides = [1]} : vector<16xf32> to vector<1xf32>
        %squeeze3A_130 = vector.extract %slice3A_129[0] : f32 from vector<1xf32>
        %get3A_131 = arith.index_cast %scan3A_115 : i32 to index
        %get3A_132 = arith.constant 16 : index
        %get3A_133 = tpu.vector_load %arg22[%get3A_131, %get3A_132] {strides = array<i32>} : memref<128x128xf32, #tpu.memory_space<vmem>>, vector<1x16xf32>,
        %get3A_134 = vector.shape_cast %get3A_133 : vector<1x16xf32> to vector<16xf32>
        %mul3A_135 = vector.broadcast %squeeze3A_130 : f32 to vector<16xf32>
        %mul3A_136 = arith.mulf %get3A_134, %mul3A_135 : vector<16xf32>
        %swap3A_137 = arith.index_cast %scan3A_115 : i32 to index
        %swap3A_138 = arith.constant 16 : index
        %swap3A_139 = tpu.vector_load %arg22[%swap3A_137, %swap3A_138] {strides = array<i32>} : memref<128x128xf32, #tpu.memory_space<vmem>>, vector<1x16xf32>,
        %swap3A_140 = vector.shape_cast %swap3A_139 : vector<1x16xf32> to vector<16xf32>
        %swap3A_141 = vector.shape_cast %mul3A_136 : vector<16xf32> to vector<1x16xf32>
        tpu.vector_store %arg22[%swap3A_137, %swap3A_138], %swap3A_141 {strides = array<i32>} : memref<128x128xf32, #tpu.memory_space<vmem>>, vector<1x16xf32>,
        %slice3A_142 = vector.extract_strided_slice %get3A_118 {offsets = [2], sizes = [1], strides = [1]} : vector<16xf32> to vector<1xf32>
        %squeeze3A_143 = vector.extract %slice3A_142[0] : f32 from vector<1xf32>
        %get3A_144 = arith.index_cast %scan3A_115 : i32 to index
        %get3A_145 = arith.constant 32 : index
        %get3A_146 = tpu.vector_load %arg22[%get3A_144, %get3A_145] {strides = array<i32>} : memref<128x128xf32, #tpu.memory_space<vmem>>, vector<1x16xf32>,
        %get3A_147 = vector.shape_cast %get3A_146 : vector<1x16xf32> to vector<16xf32>
        %mul3A_148 = vector.broadcast %squeeze3A_143 : f32 to vector<16xf32>
        %mul3A_149 = arith.mulf %get3A_147, %mul3A_148 : vector<16xf32>
        %swap3A_150 = arith.index_cast %scan3A_115 : i32 to index
        %swap3A_151 = arith.constant 32 : index
        %swap3A_152 = tpu.vector_load %arg22[%swap3A_150, %swap3A_151] {strides = array<i32>} : memref<128x128xf32, #tpu.memory_space<vmem>>, vector<1x16xf32>,
        %swap3A_153 = vector.shape_cast %swap3A_152 : vector<1x16xf32> to vector<16xf32>
        %swap3A_154 = vector.shape_cast %mul3A_149 : vector<16xf32> to vector<1x16xf32>
        tpu.vector_store %arg22[%swap3A_150, %swap3A_151], %swap3A_154 {strides = array<i32>} : memref<128x128xf32, #tpu.memory_space<vmem>>, vector<1x16xf32>,
        %slice3A_155 = vector.extract_strided_slice %get3A_118 {offsets = [3], sizes = [1], strides = [1]} : vector<16xf32> to vector<1xf32>
        %squeeze3A_156 = vector.extract %slice3A_155[0] : f32 from vector<1xf32>
        %get3A_157 = arith.index_cast %scan3A_115 : i32 to index
        %get3A_158 = arith.constant 48 : index
        %get3A_159 = tpu.vector_load %arg22[%get3A_157, %get3A_158] {strides = array<i32>} : memref<128x128xf32, #tpu.memory_space<vmem>>, vector<1x16xf32>,
        %get3A_160 = vector.shape_cast %get3A_159 : vector<1x16xf32> to vector<16xf32>
        %mul3A_161 = vector.broadcast %squeeze3A_156 : f32 to vector<16xf32>
        %mul3A_162 = arith.mulf %get3A_160, %mul3A_161 : vector<16xf32>
        %swap3A_163 = arith.index_cast %scan3A_115 : i32 to index
        %swap3A_164 = arith.constant 48 : index
        %swap3A_165 = tpu.vector_load %arg22[%swap3A_163, %swap3A_164] {strides = array<i32>} : memref<128x128xf32, #tpu.memory_space<vmem>>, vector<1x16xf32>,
        %swap3A_166 = vector.shape_cast %swap3A_165 : vector<1x16xf32> to vector<16xf32>
        %swap3A_167 = vector.shape_cast %mul3A_162 : vector<16xf32> to vector<1x16xf32>
        tpu.vector_store %arg22[%swap3A_163, %swap3A_164], %swap3A_167 {strides = array<i32>} : memref<128x128xf32, #tpu.memory_space<vmem>>, vector<1x16xf32>,
        %slice3A_168 = vector.extract_strided_slice %get3A_118 {offsets = [4], sizes = [1], strides = [1]} : vector<16xf32> to vector<1xf32>
        %squeeze3A_169 = vector.extract %slice3A_168[0] : f32 from vector<1xf32>
        %get3A_170 = arith.index_cast %scan3A_115 : i32 to index
        %get3A_171 = arith.constant 64 : index
        %get3A_172 = tpu.vector_load %arg22[%get3A_170, %get3A_171] {strides = array<i32>} : memref<128x128xf32, #tpu.memory_space<vmem>>, vector<1x16xf32>,
        %get3A_173 = vector.shape_cast %get3A_172 : vector<1x16xf32> to vector<16xf32>
        %mul3A_174 = vector.broadcast %squeeze3A_169 : f32 to vector<16xf32>
        %mul3A_175 = arith.mulf %get3A_173, %mul3A_174 : vector<16xf32>
        %swap3A_176 = arith.index_cast %scan3A_115 : i32 to index
        %swap3A_177 = arith.constant 64 : index
        %swap3A_178 = tpu.vector_load %arg22[%swap3A_176, %swap3A_177] {strides = array<i32>} : memref<128x128xf32, #tpu.memory_space<vmem>>, vector<1x16xf32>,
        %swap3A_179 = vector.shape_cast %swap3A_178 : vector<1x16xf32> to vector<16xf32>
        %swap3A_180 = vector.shape_cast %mul3A_175 : vector<16xf32> to vector<1x16xf32>
        tpu.vector_store %arg22[%swap3A_176, %swap3A_177], %swap3A_180 {strides = array<i32>} : memref<128x128xf32, #tpu.memory_space<vmem>>, vector<1x16xf32>,
        %slice3A_181 = vector.extract_strided_slice %get3A_118 {offsets = [5], sizes = [1], strides = [1]} : vector<16xf32> to vector<1xf32>
        %squeeze3A_182 = vector.extract %slice3A_181[0] : f32 from vector<1xf32>
        %get3A_183 = arith.index_cast %scan3A_115 : i32 to index
        %get3A_184 = arith.constant 80 : index
        %get3A_185 = tpu.vector_load %arg22[%get3A_183, %get3A_184] {strides = array<i32>} : memref<128x128xf32, #tpu.memory_space<vmem>>, vector<1x16xf32>,
        %get3A_186 = vector.shape_cast %get3A_185 : vector<1x16xf32> to vector<16xf32>
        %mul3A_187 = vector.broadcast %squeeze3A_182 : f32 to vector<16xf32>
        %mul3A_188 = arith.mulf %get3A_186, %mul3A_187 : vector<16xf32>
        %swap3A_189 = arith.index_cast %scan3A_115 : i32 to index
        %swap3A_190 = arith.constant 80 : index
        %swap3A_191 = tpu.vector_load %arg22[%swap3A_189, %swap3A_190] {strides = array<i32>} : memref<128x128xf32, #tpu.memory_space<vmem>>, vector<1x16xf32>,
        %swap3A_192 = vector.shape_cast %swap3A_191 : vector<1x16xf32> to vector<16xf32>
        %swap3A_193 = vector.shape_cast %mul3A_188 : vector<16xf32> to vector<1x16xf32>
        tpu.vector_store %arg22[%swap3A_189, %swap3A_190], %swap3A_193 {strides = array<i32>} : memref<128x128xf32, #tpu.memory_space<vmem>>, vector<1x16xf32>,
        %slice3A_194 = vector.extract_strided_slice %get3A_118 {offsets = [6], sizes = [1], strides = [1]} : vector<16xf32> to vector<1xf32>
        %squeeze3A_195 = vector.extract %slice3A_194[0] : f32 from vector<1xf32>
        %get3A_196 = arith.index_cast %scan3A_115 : i32 to index
        %get3A_197 = arith.constant 96 : index
        %get3A_198 = tpu.vector_load %arg22[%get3A_196, %get3A_197] {strides = array<i32>} : memref<128x128xf32, #tpu.memory_space<vmem>>, vector<1x16xf32>,
        %get3A_199 = vector.shape_cast %get3A_198 : vector<1x16xf32> to vector<16xf32>
        %mul3A_200 = vector.broadcast %squeeze3A_195 : f32 to vector<16xf32>
        %mul3A_201 = arith.mulf %get3A_199, %mul3A_200 : vector<16xf32>
        %swap3A_202 = arith.index_cast %scan3A_115 : i32 to index
        %swap3A_203 = arith.constant 96 : index
        %swap3A_204 = tpu.vector_load %arg22[%swap3A_202, %swap3A_203] {strides = array<i32>} : memref<128x128xf32, #tpu.memory_space<vmem>>, vector<1x16xf32>,
        %swap3A_205 = vector.shape_cast %swap3A_204 : vector<1x16xf32> to vector<16xf32>
        %swap3A_206 = vector.shape_cast %mul3A_201 : vector<16xf32> to vector<1x16xf32>
        tpu.vector_store %arg22[%swap3A_202, %swap3A_203], %swap3A_206 {strides = array<i32>} : memref<128x128xf32, #tpu.memory_space<vmem>>, vector<1x16xf32>,
        %slice3A_207 = vector.extract_strided_slice %get3A_118 {offsets = [7], sizes = [1], strides = [1]} : vector<16xf32> to vector<1xf32>
        %squeeze3A_208 = vector.extract %slice3A_207[0] : f32 from vector<1xf32>
        %get3A_209 = arith.index_cast %scan3A_115 : i32 to index
        %get3A_210 = arith.constant 112 : index
        %get3A_211 = tpu.vector_load %arg22[%get3A_209, %get3A_210] {strides = array<i32>} : memref<128x128xf32, #tpu.memory_space<vmem>>, vector<1x16xf32>,
        %get3A_212 = vector.shape_cast %get3A_211 : vector<1x16xf32> to vector<16xf32>
        %mul3A_213 = vector.broadcast %squeeze3A_208 : f32 to vector<16xf32>
        %mul3A_214 = arith.mulf %get3A_212, %mul3A_213 : vector<16xf32>
        %swap3A_215 = arith.index_cast %scan3A_115 : i32 to index
        %swap3A_216 = arith.constant 112 : index
        %swap3A_217 = tpu.vector_load %arg22[%swap3A_215, %swap3A_216] {strides = array<i32>} : memref<128x128xf32, #tpu.memory_space<vmem>>, vector<1x16xf32>,
        %swap3A_218 = vector.shape_cast %swap3A_217 : vector<1x16xf32> to vector<16xf32>
        %swap3A_219 = vector.shape_cast %mul3A_214 : vector<16xf32> to vector<1x16xf32>
        tpu.vector_store %arg22[%swap3A_215, %swap3A_216], %swap3A_219 {strides = array<i32>} : memref<128x128xf32, #tpu.memory_space<vmem>>, vector<1x16xf32>,
      }
      %scan3A_113 = arith.constant 128 : i32
      "tpu.region"() ({
        %run_scoped3A_115 = tpu.sem_alloc : memref<!tpu.dma_semaphore, #tpu.memory_space<semaphore_mem>>
        %dma_start3A_116 = arith.constant 0 : i32
        %dma_start3A_117 = arith.constant 0 : i32
        %dma_start3A_118 = tpu.memref_slice %arg21[%dma_start3A_116, %dma_start3A_117] : memref<128x16xf32, #tpu.memory_space<vmem>> -> memref<128x8xf32, #tpu.memory_space<vmem>>
        %dma_start3A_119 = arith.constant 0 : i32
        %dma_start3A_120 = tpu.memref_slice %arg8[%add3A_91, %dma_start3A_119] : memref<344064x8xf32, #tpu.memory_space<hbm>> -> memref<128x8xf32, #tpu.memory_space<hbm>>
        %dma_start3A_121 = arith.constant 0 : i32
        %dma_start3A_122 = tpu.memref_slice %arg8[%add3A_91, %dma_start3A_121] : memref<344064x8xf32, #tpu.memory_space<hbm>> -> memref<128x8xf32, #tpu.memory_space<hbm>>
        %dma_start3A_123 = arith.constant 0 : i32
        %dma_start3A_124 = arith.constant 0 : i32
        %dma_start3A_125 = tpu.memref_slice %arg21[%dma_start3A_123, %dma_start3A_124] : memref<128x16xf32, #tpu.memory_space<vmem>> -> memref<128x8xf32, #tpu.memory_space<vmem>>
        tpu.enqueue_dma source(%dma_start3A_125 : memref<128x8xf32, #tpu.memory_space<vmem>>) target(%dma_start3A_122 : memref<128x8xf32, #tpu.memory_space<hbm>>) target_semaphore(%run_scoped3A_115 : memref<!tpu.dma_semaphore, #tpu.memory_space<semaphore_mem>>)
        %dma_wait3A_126 = arith.constant 0 : i32
        %dma_wait3A_127 = arith.constant 0 : i32
        %dma_wait3A_128 = tpu.memref_slice %arg21[%dma_wait3A_126, %dma_wait3A_127] : memref<128x16xf32, #tpu.memory_space<vmem>> -> memref<128x8xf32, #tpu.memory_space<vmem>>
        %dma_wait3A_129 = arith.constant 0 : i32
        %dma_wait3A_130 = tpu.memref_slice %arg8[%add3A_91, %dma_wait3A_129] : memref<344064x8xf32, #tpu.memory_space<hbm>> -> memref<128x8xf32, #tpu.memory_space<hbm>>
        %dma_wait3A_131 = arith.constant 0 : i32
        %dma_wait3A_132 = tpu.memref_slice %arg8[%add3A_91, %dma_wait3A_131] : memref<344064x8xf32, #tpu.memory_space<hbm>> -> memref<128x8xf32, #tpu.memory_space<hbm>>
        %dma_wait3A_133 = arith.constant 0 : i32
        %dma_wait3A_134 = arith.constant 0 : i32
        %dma_wait3A_135 = tpu.memref_slice %arg21[%dma_wait3A_133, %dma_wait3A_134] : memref<128x16xf32, #tpu.memory_space<vmem>> -> memref<128x8xf32, #tpu.memory_space<vmem>>
        tpu.wait_dma2 semaphore(%run_scoped3A_115 : memref<!tpu.dma_semaphore, #tpu.memory_space<semaphore_mem>>) src(%dma_wait3A_135 : memref<128x8xf32, #tpu.memory_space<vmem>>) dst(%dma_wait3A_132 : memref<128x8xf32, #tpu.memory_space<hbm>>)
        tpu.yield
      }) : () -> ()
      %run_scoped3A_114 = arith.constant 0 : i32
      "tpu.region"() ({
        %run_scoped3A_115 = tpu.sem_alloc : memref<!tpu.dma_semaphore, #tpu.memory_space<semaphore_mem>>
        %dma_start3A_116 = arith.constant 0 : i32
        %dma_start3A_117 = tpu.memref_slice %arg18[%run_scoped3A_114, %dma_start3A_116] : memref<1x128xi32, #tpu.memory_space<vmem>> -> memref<1x128xi32, #tpu.memory_space<vmem>>
        %dma_start3A_118 = tpu.memref_squeeze %dma_start3A_117 : memref<1x128xi32, #tpu.memory_space<vmem>> -> memref<128xi32, #tpu.memory_space<vmem>>
        %dma_start3A_119 = arith.constant 0 : i32
        %dma_start3A_120 = arith.constant 0 : i32
        %dma_start3A_121 = tpu.memref_slice %arg10[%dma_start3A_119, %dma_start3A_120] : memref<10000x128xf32, #tpu.memory_space<vmem_shared>> -> memref<10000x128xf32, #tpu.memory_space<vmem_shared>>
        tpu.enqueue_indirect_dma source(%arg22 : memref<128x128xf32, #tpu.memory_space<vmem>>) target(%dma_start3A_121 : memref<10000x128xf32, #tpu.memory_space<vmem_shared>>) offsets(%dma_start3A_118 : memref<128xi32, #tpu.memory_space<vmem>>) semaphore(%run_scoped3A_115 : memref<!tpu.dma_semaphore, #tpu.memory_space<semaphore_mem>>) {add = true}
        %dma_wait3A_122 = arith.constant 0 : i32
        %dma_wait3A_123 = tpu.memref_slice %arg18[%run_scoped3A_114, %dma_wait3A_122] : memref<1x128xi32, #tpu.memory_space<vmem>> -> memref<1x128xi32, #tpu.memory_space<vmem>>
        %dma_wait3A_124 = tpu.memref_squeeze %dma_wait3A_123 : memref<1x128xi32, #tpu.memory_space<vmem>> -> memref<128xi32, #tpu.memory_space<vmem>>
        %dma_wait3A_125 = arith.constant 0 : i32
        %dma_wait3A_126 = arith.constant 0 : i32
        %dma_wait3A_127 = tpu.memref_slice %arg10[%dma_wait3A_125, %dma_wait3A_126] : memref<10000x128xf32, #tpu.memory_space<vmem_shared>> -> memref<10000x128xf32, #tpu.memory_space<vmem_shared>>
        tpu.wait_indirect_dma semaphore(%run_scoped3A_115 : memref<!tpu.dma_semaphore, #tpu.memory_space<semaphore_mem>>) src(%arg22 : memref<128x128xf32, #tpu.memory_space<vmem>>) dst(%dma_wait3A_127 : memref<10000x128xf32, #tpu.memory_space<vmem_shared>>)
        tpu.yield
      }) : () -> ()
    }
    %scan3A_24 = arith.constant 42 : i32
    %barrier3A_25 = arith.constant 0 : index
    tpu.barrier barrier_id(%barrier3A_25)
    %lt3A_26 = arith.constant 15 : i32
    %lt3A_27 = arith.cmpi slt, %arg1, %lt3A_26 : i32
    %convert_element_type3A_28 = arith.extui %lt3A_27 : i1 to i32
    %cond3A_29 = arith.constant 0 : i32
    %cond3A_30 = arith.cmpi ne, %convert_element_type3A_28, %cond3A_29 : i32
    scf.if %cond3A_30 {
      %mul3A_36 = arith.constant 640 : i32
      %mul3A_37 = arith.muli %arg1, %mul3A_36 : i32
      %multiple_of3A = tpu.assume_multiple %mul3A_37, 8 : i32
      "tpu.region"() ({
        %run_scoped3A_38 = tpu.sem_alloc : memref<!tpu.dma_semaphore, #tpu.memory_space<semaphore_mem>>
        %dma_start3A_39 = arith.constant 0 : i32
        %dma_start3A_40 = arith.constant 0 : i32
        %dma_start3A_41 = tpu.memref_slice %arg9[%arg0, %dma_start3A_39, %dma_start3A_40] : memref<2x10000x128xf32, #tpu.memory_space<hbm>> -> memref<1x10000x128xf32, #tpu.memory_space<hbm>>
        %dma_start3A_42 = tpu.memref_squeeze %dma_start3A_41 : memref<1x10000x128xf32, #tpu.memory_space<hbm>> -> memref<10000x128xf32, #tpu.memory_space<hbm>>
        %dma_start3A_43 = arith.constant 0 : i32
        %dma_start3A_44 = tpu.memref_slice %dma_start3A_42[%multiple_of3A, %dma_start3A_43] : memref<10000x128xf32, #tpu.memory_space<hbm>> -> memref<640x128xf32, #tpu.memory_space<hbm>>
        %dma_start3A_45 = arith.constant 0 : i32
        %dma_start3A_46 = tpu.memref_slice %arg10[%multiple_of3A, %dma_start3A_45] : memref<10000x128xf32, #tpu.memory_space<vmem_shared>> -> memref<640x128xf32, #tpu.memory_space<vmem_shared>>
        tpu.enqueue_dma source(%dma_start3A_46 : memref<640x128xf32, #tpu.memory_space<vmem_shared>>) target(%dma_start3A_44 : memref<640x128xf32, #tpu.memory_space<hbm>>) target_semaphore(%run_scoped3A_38 : memref<!tpu.dma_semaphore, #tpu.memory_space<semaphore_mem>>)
        %dma_wait3A = arith.constant 0 : i32
        %dma_wait3A_47 = arith.constant 0 : i32
        %dma_wait3A_48 = tpu.memref_slice %arg9[%arg0, %dma_wait3A, %dma_wait3A_47] : memref<2x10000x128xf32, #tpu.memory_space<hbm>> -> memref<1x10000x128xf32, #tpu.memory_space<hbm>>
        %dma_wait3A_49 = tpu.memref_squeeze %dma_wait3A_48 : memref<1x10000x128xf32, #tpu.memory_space<hbm>> -> memref<10000x128xf32, #tpu.memory_space<hbm>>
        %dma_wait3A_50 = arith.constant 0 : i32
        %dma_wait3A_51 = tpu.memref_slice %dma_wait3A_49[%multiple_of3A, %dma_wait3A_50] : memref<10000x128xf32, #tpu.memory_space<hbm>> -> memref<640x128xf32, #tpu.memory_space<hbm>>
        %dma_wait3A_52 = arith.constant 0 : i32
        %dma_wait3A_53 = tpu.memref_slice %arg10[%multiple_of3A, %dma_wait3A_52] : memref<10000x128xf32, #tpu.memory_space<vmem_shared>> -> memref<640x128xf32, #tpu.memory_space<vmem_shared>>
        tpu.wait_dma2 semaphore(%run_scoped3A_38 : memref<!tpu.dma_semaphore, #tpu.memory_space<semaphore_mem>>) src(%dma_wait3A_53 : memref<640x128xf32, #tpu.memory_space<vmem_shared>>) dst(%dma_wait3A_51 : memref<640x128xf32, #tpu.memory_space<hbm>>)
        tpu.yield
      }) : () -> ()
    } else {
    }
    %eq3A_31 = arith.constant 15 : i32
    %eq3A_32 = arith.cmpi eq, %arg1, %eq3A_31 : i32
    %convert_element_type3A_33 = arith.extui %eq3A_32 : i1 to i32
    %cond3A_34 = arith.constant 0 : i32
    %cond3A_35 = arith.cmpi ne, %convert_element_type3A_33, %cond3A_34 : i32
    scf.if %cond3A_35 {
      "tpu.region"() ({
        %run_scoped3A_36 = tpu.sem_alloc : memref<!tpu.dma_semaphore, #tpu.memory_space<semaphore_mem>>
        %dma_start3A_37 = arith.constant 0 : i32
        %dma_start3A_38 = arith.constant 0 : i32
        %dma_start3A_39 = tpu.memref_slice %arg9[%arg0, %dma_start3A_37, %dma_start3A_38] : memref<2x10000x128xf32, #tpu.memory_space<hbm>> -> memref<1x10000x128xf32, #tpu.memory_space<hbm>>
        %dma_start3A_40 = tpu.memref_squeeze %dma_start3A_39 : memref<1x10000x128xf32, #tpu.memory_space<hbm>> -> memref<10000x128xf32, #tpu.memory_space<hbm>>
        %dma_start3A_41 = arith.constant 9600 : i32
        %dma_start3A_42 = arith.constant 0 : i32
        %dma_start3A_43 = tpu.memref_slice %dma_start3A_40[%dma_start3A_41, %dma_start3A_42] : memref<10000x128xf32, #tpu.memory_space<hbm>> -> memref<400x128xf32, #tpu.memory_space<hbm>>
        %dma_start3A_44 = arith.constant 9600 : i32
        %dma_start3A_45 = arith.constant 0 : i32
        %dma_start3A_46 = tpu.memref_slice %arg10[%dma_start3A_44, %dma_start3A_45] : memref<10000x128xf32, #tpu.memory_space<vmem_shared>> -> memref<400x128xf32, #tpu.memory_space<vmem_shared>>
        tpu.enqueue_dma source(%dma_start3A_46 : memref<400x128xf32, #tpu.memory_space<vmem_shared>>) target(%dma_start3A_43 : memref<400x128xf32, #tpu.memory_space<hbm>>) target_semaphore(%run_scoped3A_36 : memref<!tpu.dma_semaphore, #tpu.memory_space<semaphore_mem>>)
        %dma_wait3A = arith.constant 0 : i32
        %dma_wait3A_47 = arith.constant 0 : i32
        %dma_wait3A_48 = tpu.memref_slice %arg9[%arg0, %dma_wait3A, %dma_wait3A_47] : memref<2x10000x128xf32, #tpu.memory_space<hbm>> -> memref<1x10000x128xf32, #tpu.memory_space<hbm>>
        %dma_wait3A_49 = tpu.memref_squeeze %dma_wait3A_48 : memref<1x10000x128xf32, #tpu.memory_space<hbm>> -> memref<10000x128xf32, #tpu.memory_space<hbm>>
        %dma_wait3A_50 = arith.constant 9600 : i32
        %dma_wait3A_51 = arith.constant 0 : i32
        %dma_wait3A_52 = tpu.memref_slice %dma_wait3A_49[%dma_wait3A_50, %dma_wait3A_51] : memref<10000x128xf32, #tpu.memory_space<hbm>> -> memref<400x128xf32, #tpu.memory_space<hbm>>
        %dma_wait3A_53 = arith.constant 9600 : i32
        %dma_wait3A_54 = arith.constant 0 : i32
        %dma_wait3A_55 = tpu.memref_slice %arg10[%dma_wait3A_53, %dma_wait3A_54] : memref<10000x128xf32, #tpu.memory_space<vmem_shared>> -> memref<400x128xf32, #tpu.memory_space<vmem_shared>>
        tpu.wait_dma2 semaphore(%run_scoped3A_36 : memref<!tpu.dma_semaphore, #tpu.memory_space<semaphore_mem>>) src(%dma_wait3A_55 : memref<400x128xf32, #tpu.memory_space<vmem_shared>>) dst(%dma_wait3A_52 : memref<400x128xf32, #tpu.memory_space<hbm>>)
        tpu.yield
      }) : () -> ()
    } else {
    }
    return
  }
}

#map = affine_map<(d0, d1) -> (0)>
#map1 = affine_map<(d0, d1) -> (0, 0)>
#map2 = affine_map<(d0, d1) -> (0, 0, 0)>
module attributes {stable_mosaic.version = 14 : i64} {
  func.func @_p1_body(%arg0: i32, %arg1: i32, %arg2: memref<344064xi32, #tpu.memory_space<hbm>>, %arg3: memref<344064xi32, #tpu.memory_space<hbm>>, %arg4: memref<321536x16xf32, #tpu.memory_space<hbm>>, %arg5: memref<8x16xf32, #tpu.memory_space<hbm>>, %arg6: memref<10000x16xf32, #tpu.memory_space<hbm>>, %arg7: memref<10000x16xf32, #tpu.memory_space<hbm>>, %arg8: memref<10000x16xf32, #tpu.memory_space<hbm>>, %arg9: memref<344064x16xf32, #tpu.memory_space<hbm>>, %arg10: memref<2x10000x16xf32, #tpu.memory_space<hbm>>, %arg11: memref<10000x16xf32, #tpu.memory_space<vmem_shared>>, %arg12: memref<1536xi32, #tpu.memory_space<vmem>>, %arg13: memref<12x128xi32, #tpu.memory_space<vmem>>, %arg14: memref<1536x16xf32, #tpu.memory_space<vmem>>, %arg15: memref<1536x16xf32, #tpu.memory_space<vmem>>, %arg16: memref<1536x16xf32, #tpu.memory_space<vmem>>, %arg17: memref<1536x16xf32, #tpu.memory_space<vmem>>, %arg18: memref<8x16xf32, #tpu.memory_space<vmem>>, %arg19: memref<!tpu.dma_semaphore, #tpu.memory_space<semaphore_mem>>) attributes {dimension_semantics = [#tpu.dimension_semantics<core_parallel>, #tpu.dimension_semantics<subcore_parallel>], iteration_bounds = array<i64: 2, 16>, scalar_prefetch = 0 : i64, scratch_operands = 9 : i64, tpu.core_type = #tpu.core_type<sc_vector_subcore>, window_params = [{transform_indices = #map}, {transform_indices = #map}, {transform_indices = #map1}, {transform_indices = #map1}, {transform_indices = #map1}, {transform_indices = #map1}, {transform_indices = #map1}, {transform_indices = #map1}, {transform_indices = #map2}]} {
    %mul3A = arith.constant 16 : i32
    %mul3A_0 = arith.muli %arg0, %mul3A : i32
    %add3A = arith.addi %mul3A_0, %arg1 : i32
    %lt3A = arith.constant 15 : i32
    %lt3A_1 = arith.cmpi slt, %arg1, %lt3A : i32
    %convert_element_type3A = arith.extui %lt3A_1 : i1 to i32
    %cond3A = arith.constant 0 : i32
    %cond3A_2 = arith.cmpi ne, %convert_element_type3A, %cond3A : i32
    scf.if %cond3A_2 {
      %mul3A_27 = arith.constant 640 : i32
      %mul3A_28 = arith.muli %arg1, %mul3A_27 : i32
      %multiple_of3A = tpu.assume_multiple %mul3A_28, 8 : i32
      "tpu.region"() ({
        %run_scoped3A = tpu.sem_alloc : memref<!tpu.dma_semaphore, #tpu.memory_space<semaphore_mem>>
        %dma_start3A = arith.constant 0 : i32
        %dma_start3A_29 = tpu.memref_slice %arg11[%multiple_of3A, %dma_start3A] : memref<10000x16xf32, #tpu.memory_space<vmem_shared>> -> memref<640x16xf32, #tpu.memory_space<vmem_shared>>
        %dma_start3A_30 = arith.constant 0 : i32
        %dma_start3A_31 = tpu.memref_slice %arg8[%multiple_of3A, %dma_start3A_30] : memref<10000x16xf32, #tpu.memory_space<hbm>> -> memref<640x16xf32, #tpu.memory_space<hbm>>
        tpu.enqueue_dma source(%dma_start3A_31 : memref<640x16xf32, #tpu.memory_space<hbm>>) target(%dma_start3A_29 : memref<640x16xf32, #tpu.memory_space<vmem_shared>>) target_semaphore(%run_scoped3A : memref<!tpu.dma_semaphore, #tpu.memory_space<semaphore_mem>>)
        %dma_wait3A = arith.constant 0 : i32
        %dma_wait3A_32 = tpu.memref_slice %arg11[%multiple_of3A, %dma_wait3A] : memref<10000x16xf32, #tpu.memory_space<vmem_shared>> -> memref<640x16xf32, #tpu.memory_space<vmem_shared>>
        %dma_wait3A_33 = arith.constant 0 : i32
        %dma_wait3A_34 = tpu.memref_slice %arg8[%multiple_of3A, %dma_wait3A_33] : memref<10000x16xf32, #tpu.memory_space<hbm>> -> memref<640x16xf32, #tpu.memory_space<hbm>>
        tpu.wait_dma2 semaphore(%run_scoped3A : memref<!tpu.dma_semaphore, #tpu.memory_space<semaphore_mem>>) src(%dma_wait3A_34 : memref<640x16xf32, #tpu.memory_space<hbm>>) dst(%dma_wait3A_32 : memref<640x16xf32, #tpu.memory_space<vmem_shared>>)
        tpu.yield
      }) : () -> ()
    } else {
    }
    %eq3A = arith.constant 15 : i32
    %eq3A_3 = arith.cmpi eq, %arg1, %eq3A : i32
    %convert_element_type3A_4 = arith.extui %eq3A_3 : i1 to i32
    %cond3A_5 = arith.constant 0 : i32
    %cond3A_6 = arith.cmpi ne, %convert_element_type3A_4, %cond3A_5 : i32
    scf.if %cond3A_6 {
      "tpu.region"() ({
        %run_scoped3A = tpu.sem_alloc : memref<!tpu.dma_semaphore, #tpu.memory_space<semaphore_mem>>
        %dma_start3A = arith.constant 9600 : i32
        %dma_start3A_27 = arith.constant 0 : i32
        %dma_start3A_28 = tpu.memref_slice %arg11[%dma_start3A, %dma_start3A_27] : memref<10000x16xf32, #tpu.memory_space<vmem_shared>> -> memref<400x16xf32, #tpu.memory_space<vmem_shared>>
        %dma_start3A_29 = arith.constant 9600 : i32
        %dma_start3A_30 = arith.constant 0 : i32
        %dma_start3A_31 = tpu.memref_slice %arg8[%dma_start3A_29, %dma_start3A_30] : memref<10000x16xf32, #tpu.memory_space<hbm>> -> memref<400x16xf32, #tpu.memory_space<hbm>>
        tpu.enqueue_dma source(%dma_start3A_31 : memref<400x16xf32, #tpu.memory_space<hbm>>) target(%dma_start3A_28 : memref<400x16xf32, #tpu.memory_space<vmem_shared>>) target_semaphore(%run_scoped3A : memref<!tpu.dma_semaphore, #tpu.memory_space<semaphore_mem>>)
        %dma_wait3A = arith.constant 9600 : i32
        %dma_wait3A_32 = arith.constant 0 : i32
        %dma_wait3A_33 = tpu.memref_slice %arg11[%dma_wait3A, %dma_wait3A_32] : memref<10000x16xf32, #tpu.memory_space<vmem_shared>> -> memref<400x16xf32, #tpu.memory_space<vmem_shared>>
        %dma_wait3A_34 = arith.constant 9600 : i32
        %dma_wait3A_35 = arith.constant 0 : i32
        %dma_wait3A_36 = tpu.memref_slice %arg8[%dma_wait3A_34, %dma_wait3A_35] : memref<10000x16xf32, #tpu.memory_space<hbm>> -> memref<400x16xf32, #tpu.memory_space<hbm>>
        tpu.wait_dma2 semaphore(%run_scoped3A : memref<!tpu.dma_semaphore, #tpu.memory_space<semaphore_mem>>) src(%dma_wait3A_36 : memref<400x16xf32, #tpu.memory_space<hbm>>) dst(%dma_wait3A_33 : memref<400x16xf32, #tpu.memory_space<vmem_shared>>)
        tpu.yield
      }) : () -> ()
    } else {
    }
    "tpu.region"() ({
      %run_scoped3A = tpu.sem_alloc : memref<!tpu.dma_semaphore, #tpu.memory_space<semaphore_mem>>
      tpu.enqueue_dma source(%arg5 : memref<8x16xf32, #tpu.memory_space<hbm>>) target(%arg18 : memref<8x16xf32, #tpu.memory_space<vmem>>) target_semaphore(%run_scoped3A : memref<!tpu.dma_semaphore, #tpu.memory_space<semaphore_mem>>)
      tpu.wait_dma2 semaphore(%run_scoped3A : memref<!tpu.dma_semaphore, #tpu.memory_space<semaphore_mem>>) src(%arg5 : memref<8x16xf32, #tpu.memory_space<hbm>>) dst(%arg18 : memref<8x16xf32, #tpu.memory_space<vmem>>)
      tpu.yield
    }) : () -> ()
    %barrier3A = arith.constant 0 : index
    tpu.barrier barrier_id(%barrier3A)
    %get3A = arith.constant 0 : i32
    %get3A_7 = arith.index_cast %get3A : i32 to index
    %get3A_8 = arith.constant 0 : index
    %get3A_9 = tpu.vector_load %arg18[%get3A_7, %get3A_8] {strides = array<i32>} : memref<8x16xf32, #tpu.memory_space<vmem>>, vector<1x16xf32>,
    %get3A_10 = vector.shape_cast %get3A_9 : vector<1x16xf32> to vector<16xf32>
    %scan3A = arith.constant 0 : i32
    %scan3A_11 = arith.constant 0 : i32
    %scan3A_12 = arith.constant 7 : i32
    %scan3A_13 = arith.addi %scan3A_11, %scan3A_12 : i32
    %scan3A_14 = arith.constant 1 : i32
    scf.for %scan3A_27 = %scan3A_11 to %scan3A_13 step %scan3A_14  : i32 {
      %mul3A_28 = arith.constant 10752 : i32
      %mul3A_29 = arith.muli %add3A, %mul3A_28 : i32
      %mul3A_30 = arith.constant 1536 : i32
      %mul3A_31 = arith.muli %scan3A_27, %mul3A_30 : i32
      %add3A_32 = arith.addi %mul3A_29, %mul3A_31 : i32
      %min3A = arith.constant 320000 : i32
      %min3A_33 = arith.minsi %add3A_32, %min3A : i32
      %multiple_of3A = tpu.assume_multiple %min3A_33, 8 : i32
      "tpu.region"() ({
        %run_scoped3A_517 = tpu.sem_alloc : memref<!tpu.dma_semaphore, #tpu.memory_space<semaphore_mem>>
        %dma_start3A_518 = tpu.memref_slice %arg2[%add3A_32] : memref<344064xi32, #tpu.memory_space<hbm>> -> memref<1536xi32, #tpu.memory_space<hbm>>
        %dma_start3A_519 = tpu.memref_slice %arg2[%add3A_32] : memref<344064xi32, #tpu.memory_space<hbm>> -> memref<1536xi32, #tpu.memory_space<hbm>>
        tpu.enqueue_dma source(%dma_start3A_519 : memref<1536xi32, #tpu.memory_space<hbm>>) target(%arg12 : memref<1536xi32, #tpu.memory_space<vmem>>) target_semaphore(%run_scoped3A_517 : memref<!tpu.dma_semaphore, #tpu.memory_space<semaphore_mem>>)
        %dma_wait3A_520 = tpu.memref_slice %arg2[%add3A_32] : memref<344064xi32, #tpu.memory_space<hbm>> -> memref<1536xi32, #tpu.memory_space<hbm>>
        %dma_wait3A_521 = tpu.memref_slice %arg2[%add3A_32] : memref<344064xi32, #tpu.memory_space<hbm>> -> memref<1536xi32, #tpu.memory_space<hbm>>
        tpu.wait_dma2 semaphore(%run_scoped3A_517 : memref<!tpu.dma_semaphore, #tpu.memory_space<semaphore_mem>>) src(%dma_wait3A_521 : memref<1536xi32, #tpu.memory_space<hbm>>) dst(%arg12 : memref<1536xi32, #tpu.memory_space<vmem>>)
        tpu.yield
      }) : () -> ()
      %add3A_34 = arith.constant 0 : i32
      %add3A_35 = arith.addi %add3A_32, %add3A_34 : i32
      %run_scoped3A = arith.constant 0 : i32
      "tpu.region"() ({
        %run_scoped3A_517 = tpu.sem_alloc : memref<!tpu.dma_semaphore, #tpu.memory_space<semaphore_mem>>
        %dma_start3A_518 = arith.constant 0 : i32
        %dma_start3A_519 = tpu.memref_slice %arg13[%run_scoped3A, %dma_start3A_518] : memref<12x128xi32, #tpu.memory_space<vmem>> -> memref<1x128xi32, #tpu.memory_space<vmem>>
        %dma_start3A_520 = tpu.memref_squeeze %dma_start3A_519 : memref<1x128xi32, #tpu.memory_space<vmem>> -> memref<128xi32, #tpu.memory_space<vmem>>
        %dma_start3A_521 = tpu.memref_slice %arg3[%add3A_35] : memref<344064xi32, #tpu.memory_space<hbm>> -> memref<128xi32, #tpu.memory_space<hbm>>
        %dma_start3A_522 = arith.constant 0 : i32
        %dma_start3A_523 = tpu.memref_slice %arg13[%run_scoped3A, %dma_start3A_522] : memref<12x128xi32, #tpu.memory_space<vmem>> -> memref<1x128xi32, #tpu.memory_space<vmem>>
        %dma_start3A_524 = tpu.memref_squeeze %dma_start3A_523 : memref<1x128xi32, #tpu.memory_space<vmem>> -> memref<128xi32, #tpu.memory_space<vmem>>
        %dma_start3A_525 = tpu.memref_slice %arg3[%add3A_35] : memref<344064xi32, #tpu.memory_space<hbm>> -> memref<128xi32, #tpu.memory_space<hbm>>
        tpu.enqueue_dma source(%dma_start3A_525 : memref<128xi32, #tpu.memory_space<hbm>>) target(%dma_start3A_524 : memref<128xi32, #tpu.memory_space<vmem>>) target_semaphore(%run_scoped3A_517 : memref<!tpu.dma_semaphore, #tpu.memory_space<semaphore_mem>>)
        %dma_wait3A_526 = arith.constant 0 : i32
        %dma_wait3A_527 = tpu.memref_slice %arg13[%run_scoped3A, %dma_wait3A_526] : memref<12x128xi32, #tpu.memory_space<vmem>> -> memref<1x128xi32, #tpu.memory_space<vmem>>
        %dma_wait3A_528 = tpu.memref_squeeze %dma_wait3A_527 : memref<1x128xi32, #tpu.memory_space<vmem>> -> memref<128xi32, #tpu.memory_space<vmem>>
        %dma_wait3A_529 = tpu.memref_slice %arg3[%add3A_35] : memref<344064xi32, #tpu.memory_space<hbm>> -> memref<128xi32, #tpu.memory_space<hbm>>
        %dma_wait3A_530 = arith.constant 0 : i32
        %dma_wait3A_531 = tpu.memref_slice %arg13[%run_scoped3A, %dma_wait3A_530] : memref<12x128xi32, #tpu.memory_space<vmem>> -> memref<1x128xi32, #tpu.memory_space<vmem>>
        %dma_wait3A_532 = tpu.memref_squeeze %dma_wait3A_531 : memref<1x128xi32, #tpu.memory_space<vmem>> -> memref<128xi32, #tpu.memory_space<vmem>>
        %dma_wait3A_533 = tpu.memref_slice %arg3[%add3A_35] : memref<344064xi32, #tpu.memory_space<hbm>> -> memref<128xi32, #tpu.memory_space<hbm>>
        tpu.wait_dma2 semaphore(%run_scoped3A_517 : memref<!tpu.dma_semaphore, #tpu.memory_space<semaphore_mem>>) src(%dma_wait3A_533 : memref<128xi32, #tpu.memory_space<hbm>>) dst(%dma_wait3A_532 : memref<128xi32, #tpu.memory_space<vmem>>)
        tpu.yield
      }) : () -> ()
      %add3A_36 = arith.constant 128 : i32
      %add3A_37 = arith.addi %add3A_32, %add3A_36 : i32
      %run_scoped3A_38 = arith.constant 1 : i32
      "tpu.region"() ({
        %run_scoped3A_517 = tpu.sem_alloc : memref<!tpu.dma_semaphore, #tpu.memory_space<semaphore_mem>>
        %dma_start3A_518 = arith.constant 0 : i32
        %dma_start3A_519 = tpu.memref_slice %arg13[%run_scoped3A_38, %dma_start3A_518] : memref<12x128xi32, #tpu.memory_space<vmem>> -> memref<1x128xi32, #tpu.memory_space<vmem>>
        %dma_start3A_520 = tpu.memref_squeeze %dma_start3A_519 : memref<1x128xi32, #tpu.memory_space<vmem>> -> memref<128xi32, #tpu.memory_space<vmem>>
        %dma_start3A_521 = tpu.memref_slice %arg3[%add3A_37] : memref<344064xi32, #tpu.memory_space<hbm>> -> memref<128xi32, #tpu.memory_space<hbm>>
        %dma_start3A_522 = arith.constant 0 : i32
        %dma_start3A_523 = tpu.memref_slice %arg13[%run_scoped3A_38, %dma_start3A_522] : memref<12x128xi32, #tpu.memory_space<vmem>> -> memref<1x128xi32, #tpu.memory_space<vmem>>
        %dma_start3A_524 = tpu.memref_squeeze %dma_start3A_523 : memref<1x128xi32, #tpu.memory_space<vmem>> -> memref<128xi32, #tpu.memory_space<vmem>>
        %dma_start3A_525 = tpu.memref_slice %arg3[%add3A_37] : memref<344064xi32, #tpu.memory_space<hbm>> -> memref<128xi32, #tpu.memory_space<hbm>>
        tpu.enqueue_dma source(%dma_start3A_525 : memref<128xi32, #tpu.memory_space<hbm>>) target(%dma_start3A_524 : memref<128xi32, #tpu.memory_space<vmem>>) target_semaphore(%run_scoped3A_517 : memref<!tpu.dma_semaphore, #tpu.memory_space<semaphore_mem>>)
        %dma_wait3A_526 = arith.constant 0 : i32
        %dma_wait3A_527 = tpu.memref_slice %arg13[%run_scoped3A_38, %dma_wait3A_526] : memref<12x128xi32, #tpu.memory_space<vmem>> -> memref<1x128xi32, #tpu.memory_space<vmem>>
        %dma_wait3A_528 = tpu.memref_squeeze %dma_wait3A_527 : memref<1x128xi32, #tpu.memory_space<vmem>> -> memref<128xi32, #tpu.memory_space<vmem>>
        %dma_wait3A_529 = tpu.memref_slice %arg3[%add3A_37] : memref<344064xi32, #tpu.memory_space<hbm>> -> memref<128xi32, #tpu.memory_space<hbm>>
        %dma_wait3A_530 = arith.constant 0 : i32
        %dma_wait3A_531 = tpu.memref_slice %arg13[%run_scoped3A_38, %dma_wait3A_530] : memref<12x128xi32, #tpu.memory_space<vmem>> -> memref<1x128xi32, #tpu.memory_space<vmem>>
        %dma_wait3A_532 = tpu.memref_squeeze %dma_wait3A_531 : memref<1x128xi32, #tpu.memory_space<vmem>> -> memref<128xi32, #tpu.memory_space<vmem>>
        %dma_wait3A_533 = tpu.memref_slice %arg3[%add3A_37] : memref<344064xi32, #tpu.memory_space<hbm>> -> memref<128xi32, #tpu.memory_space<hbm>>
        tpu.wait_dma2 semaphore(%run_scoped3A_517 : memref<!tpu.dma_semaphore, #tpu.memory_space<semaphore_mem>>) src(%dma_wait3A_533 : memref<128xi32, #tpu.memory_space<hbm>>) dst(%dma_wait3A_532 : memref<128xi32, #tpu.memory_space<vmem>>)
        tpu.yield
      }) : () -> ()
      %add3A_39 = arith.constant 256 : i32
      %add3A_40 = arith.addi %add3A_32, %add3A_39 : i32
      %run_scoped3A_41 = arith.constant 2 : i32
      "tpu.region"() ({
        %run_scoped3A_517 = tpu.sem_alloc : memref<!tpu.dma_semaphore, #tpu.memory_space<semaphore_mem>>
        %dma_start3A_518 = arith.constant 0 : i32
        %dma_start3A_519 = tpu.memref_slice %arg13[%run_scoped3A_41, %dma_start3A_518] : memref<12x128xi32, #tpu.memory_space<vmem>> -> memref<1x128xi32, #tpu.memory_space<vmem>>
        %dma_start3A_520 = tpu.memref_squeeze %dma_start3A_519 : memref<1x128xi32, #tpu.memory_space<vmem>> -> memref<128xi32, #tpu.memory_space<vmem>>
        %dma_start3A_521 = tpu.memref_slice %arg3[%add3A_40] : memref<344064xi32, #tpu.memory_space<hbm>> -> memref<128xi32, #tpu.memory_space<hbm>>
        %dma_start3A_522 = arith.constant 0 : i32
        %dma_start3A_523 = tpu.memref_slice %arg13[%run_scoped3A_41, %dma_start3A_522] : memref<12x128xi32, #tpu.memory_space<vmem>> -> memref<1x128xi32, #tpu.memory_space<vmem>>
        %dma_start3A_524 = tpu.memref_squeeze %dma_start3A_523 : memref<1x128xi32, #tpu.memory_space<vmem>> -> memref<128xi32, #tpu.memory_space<vmem>>
        %dma_start3A_525 = tpu.memref_slice %arg3[%add3A_40] : memref<344064xi32, #tpu.memory_space<hbm>> -> memref<128xi32, #tpu.memory_space<hbm>>
        tpu.enqueue_dma source(%dma_start3A_525 : memref<128xi32, #tpu.memory_space<hbm>>) target(%dma_start3A_524 : memref<128xi32, #tpu.memory_space<vmem>>) target_semaphore(%run_scoped3A_517 : memref<!tpu.dma_semaphore, #tpu.memory_space<semaphore_mem>>)
        %dma_wait3A_526 = arith.constant 0 : i32
        %dma_wait3A_527 = tpu.memref_slice %arg13[%run_scoped3A_41, %dma_wait3A_526] : memref<12x128xi32, #tpu.memory_space<vmem>> -> memref<1x128xi32, #tpu.memory_space<vmem>>
        %dma_wait3A_528 = tpu.memref_squeeze %dma_wait3A_527 : memref<1x128xi32, #tpu.memory_space<vmem>> -> memref<128xi32, #tpu.memory_space<vmem>>
        %dma_wait3A_529 = tpu.memref_slice %arg3[%add3A_40] : memref<344064xi32, #tpu.memory_space<hbm>> -> memref<128xi32, #tpu.memory_space<hbm>>
        %dma_wait3A_530 = arith.constant 0 : i32
        %dma_wait3A_531 = tpu.memref_slice %arg13[%run_scoped3A_41, %dma_wait3A_530] : memref<12x128xi32, #tpu.memory_space<vmem>> -> memref<1x128xi32, #tpu.memory_space<vmem>>
        %dma_wait3A_532 = tpu.memref_squeeze %dma_wait3A_531 : memref<1x128xi32, #tpu.memory_space<vmem>> -> memref<128xi32, #tpu.memory_space<vmem>>
        %dma_wait3A_533 = tpu.memref_slice %arg3[%add3A_40] : memref<344064xi32, #tpu.memory_space<hbm>> -> memref<128xi32, #tpu.memory_space<hbm>>
        tpu.wait_dma2 semaphore(%run_scoped3A_517 : memref<!tpu.dma_semaphore, #tpu.memory_space<semaphore_mem>>) src(%dma_wait3A_533 : memref<128xi32, #tpu.memory_space<hbm>>) dst(%dma_wait3A_532 : memref<128xi32, #tpu.memory_space<vmem>>)
        tpu.yield
      }) : () -> ()
      %add3A_42 = arith.constant 384 : i32
      %add3A_43 = arith.addi %add3A_32, %add3A_42 : i32
      %run_scoped3A_44 = arith.constant 3 : i32
      "tpu.region"() ({
        %run_scoped3A_517 = tpu.sem_alloc : memref<!tpu.dma_semaphore, #tpu.memory_space<semaphore_mem>>
        %dma_start3A_518 = arith.constant 0 : i32
        %dma_start3A_519 = tpu.memref_slice %arg13[%run_scoped3A_44, %dma_start3A_518] : memref<12x128xi32, #tpu.memory_space<vmem>> -> memref<1x128xi32, #tpu.memory_space<vmem>>
        %dma_start3A_520 = tpu.memref_squeeze %dma_start3A_519 : memref<1x128xi32, #tpu.memory_space<vmem>> -> memref<128xi32, #tpu.memory_space<vmem>>
        %dma_start3A_521 = tpu.memref_slice %arg3[%add3A_43] : memref<344064xi32, #tpu.memory_space<hbm>> -> memref<128xi32, #tpu.memory_space<hbm>>
        %dma_start3A_522 = arith.constant 0 : i32
        %dma_start3A_523 = tpu.memref_slice %arg13[%run_scoped3A_44, %dma_start3A_522] : memref<12x128xi32, #tpu.memory_space<vmem>> -> memref<1x128xi32, #tpu.memory_space<vmem>>
        %dma_start3A_524 = tpu.memref_squeeze %dma_start3A_523 : memref<1x128xi32, #tpu.memory_space<vmem>> -> memref<128xi32, #tpu.memory_space<vmem>>
        %dma_start3A_525 = tpu.memref_slice %arg3[%add3A_43] : memref<344064xi32, #tpu.memory_space<hbm>> -> memref<128xi32, #tpu.memory_space<hbm>>
        tpu.enqueue_dma source(%dma_start3A_525 : memref<128xi32, #tpu.memory_space<hbm>>) target(%dma_start3A_524 : memref<128xi32, #tpu.memory_space<vmem>>) target_semaphore(%run_scoped3A_517 : memref<!tpu.dma_semaphore, #tpu.memory_space<semaphore_mem>>)
        %dma_wait3A_526 = arith.constant 0 : i32
        %dma_wait3A_527 = tpu.memref_slice %arg13[%run_scoped3A_44, %dma_wait3A_526] : memref<12x128xi32, #tpu.memory_space<vmem>> -> memref<1x128xi32, #tpu.memory_space<vmem>>
        %dma_wait3A_528 = tpu.memref_squeeze %dma_wait3A_527 : memref<1x128xi32, #tpu.memory_space<vmem>> -> memref<128xi32, #tpu.memory_space<vmem>>
        %dma_wait3A_529 = tpu.memref_slice %arg3[%add3A_43] : memref<344064xi32, #tpu.memory_space<hbm>> -> memref<128xi32, #tpu.memory_space<hbm>>
        %dma_wait3A_530 = arith.constant 0 : i32
        %dma_wait3A_531 = tpu.memref_slice %arg13[%run_scoped3A_44, %dma_wait3A_530] : memref<12x128xi32, #tpu.memory_space<vmem>> -> memref<1x128xi32, #tpu.memory_space<vmem>>
        %dma_wait3A_532 = tpu.memref_squeeze %dma_wait3A_531 : memref<1x128xi32, #tpu.memory_space<vmem>> -> memref<128xi32, #tpu.memory_space<vmem>>
        %dma_wait3A_533 = tpu.memref_slice %arg3[%add3A_43] : memref<344064xi32, #tpu.memory_space<hbm>> -> memref<128xi32, #tpu.memory_space<hbm>>
        tpu.wait_dma2 semaphore(%run_scoped3A_517 : memref<!tpu.dma_semaphore, #tpu.memory_space<semaphore_mem>>) src(%dma_wait3A_533 : memref<128xi32, #tpu.memory_space<hbm>>) dst(%dma_wait3A_532 : memref<128xi32, #tpu.memory_space<vmem>>)
        tpu.yield
      }) : () -> ()
      %add3A_45 = arith.constant 512 : i32
      %add3A_46 = arith.addi %add3A_32, %add3A_45 : i32
      %run_scoped3A_47 = arith.constant 4 : i32
      "tpu.region"() ({
        %run_scoped3A_517 = tpu.sem_alloc : memref<!tpu.dma_semaphore, #tpu.memory_space<semaphore_mem>>
        %dma_start3A_518 = arith.constant 0 : i32
        %dma_start3A_519 = tpu.memref_slice %arg13[%run_scoped3A_47, %dma_start3A_518] : memref<12x128xi32, #tpu.memory_space<vmem>> -> memref<1x128xi32, #tpu.memory_space<vmem>>
        %dma_start3A_520 = tpu.memref_squeeze %dma_start3A_519 : memref<1x128xi32, #tpu.memory_space<vmem>> -> memref<128xi32, #tpu.memory_space<vmem>>
        %dma_start3A_521 = tpu.memref_slice %arg3[%add3A_46] : memref<344064xi32, #tpu.memory_space<hbm>> -> memref<128xi32, #tpu.memory_space<hbm>>
        %dma_start3A_522 = arith.constant 0 : i32
        %dma_start3A_523 = tpu.memref_slice %arg13[%run_scoped3A_47, %dma_start3A_522] : memref<12x128xi32, #tpu.memory_space<vmem>> -> memref<1x128xi32, #tpu.memory_space<vmem>>
        %dma_start3A_524 = tpu.memref_squeeze %dma_start3A_523 : memref<1x128xi32, #tpu.memory_space<vmem>> -> memref<128xi32, #tpu.memory_space<vmem>>
        %dma_start3A_525 = tpu.memref_slice %arg3[%add3A_46] : memref<344064xi32, #tpu.memory_space<hbm>> -> memref<128xi32, #tpu.memory_space<hbm>>
        tpu.enqueue_dma source(%dma_start3A_525 : memref<128xi32, #tpu.memory_space<hbm>>) target(%dma_start3A_524 : memref<128xi32, #tpu.memory_space<vmem>>) target_semaphore(%run_scoped3A_517 : memref<!tpu.dma_semaphore, #tpu.memory_space<semaphore_mem>>)
        %dma_wait3A_526 = arith.constant 0 : i32
        %dma_wait3A_527 = tpu.memref_slice %arg13[%run_scoped3A_47, %dma_wait3A_526] : memref<12x128xi32, #tpu.memory_space<vmem>> -> memref<1x128xi32, #tpu.memory_space<vmem>>
        %dma_wait3A_528 = tpu.memref_squeeze %dma_wait3A_527 : memref<1x128xi32, #tpu.memory_space<vmem>> -> memref<128xi32, #tpu.memory_space<vmem>>
        %dma_wait3A_529 = tpu.memref_slice %arg3[%add3A_46] : memref<344064xi32, #tpu.memory_space<hbm>> -> memref<128xi32, #tpu.memory_space<hbm>>
        %dma_wait3A_530 = arith.constant 0 : i32
        %dma_wait3A_531 = tpu.memref_slice %arg13[%run_scoped3A_47, %dma_wait3A_530] : memref<12x128xi32, #tpu.memory_space<vmem>> -> memref<1x128xi32, #tpu.memory_space<vmem>>
        %dma_wait3A_532 = tpu.memref_squeeze %dma_wait3A_531 : memref<1x128xi32, #tpu.memory_space<vmem>> -> memref<128xi32, #tpu.memory_space<vmem>>
        %dma_wait3A_533 = tpu.memref_slice %arg3[%add3A_46] : memref<344064xi32, #tpu.memory_space<hbm>> -> memref<128xi32, #tpu.memory_space<hbm>>
        tpu.wait_dma2 semaphore(%run_scoped3A_517 : memref<!tpu.dma_semaphore, #tpu.memory_space<semaphore_mem>>) src(%dma_wait3A_533 : memref<128xi32, #tpu.memory_space<hbm>>) dst(%dma_wait3A_532 : memref<128xi32, #tpu.memory_space<vmem>>)
        tpu.yield
      }) : () -> ()
      %add3A_48 = arith.constant 640 : i32
      %add3A_49 = arith.addi %add3A_32, %add3A_48 : i32
      %run_scoped3A_50 = arith.constant 5 : i32
      "tpu.region"() ({
        %run_scoped3A_517 = tpu.sem_alloc : memref<!tpu.dma_semaphore, #tpu.memory_space<semaphore_mem>>
        %dma_start3A_518 = arith.constant 0 : i32
        %dma_start3A_519 = tpu.memref_slice %arg13[%run_scoped3A_50, %dma_start3A_518] : memref<12x128xi32, #tpu.memory_space<vmem>> -> memref<1x128xi32, #tpu.memory_space<vmem>>
        %dma_start3A_520 = tpu.memref_squeeze %dma_start3A_519 : memref<1x128xi32, #tpu.memory_space<vmem>> -> memref<128xi32, #tpu.memory_space<vmem>>
        %dma_start3A_521 = tpu.memref_slice %arg3[%add3A_49] : memref<344064xi32, #tpu.memory_space<hbm>> -> memref<128xi32, #tpu.memory_space<hbm>>
        %dma_start3A_522 = arith.constant 0 : i32
        %dma_start3A_523 = tpu.memref_slice %arg13[%run_scoped3A_50, %dma_start3A_522] : memref<12x128xi32, #tpu.memory_space<vmem>> -> memref<1x128xi32, #tpu.memory_space<vmem>>
        %dma_start3A_524 = tpu.memref_squeeze %dma_start3A_523 : memref<1x128xi32, #tpu.memory_space<vmem>> -> memref<128xi32, #tpu.memory_space<vmem>>
        %dma_start3A_525 = tpu.memref_slice %arg3[%add3A_49] : memref<344064xi32, #tpu.memory_space<hbm>> -> memref<128xi32, #tpu.memory_space<hbm>>
        tpu.enqueue_dma source(%dma_start3A_525 : memref<128xi32, #tpu.memory_space<hbm>>) target(%dma_start3A_524 : memref<128xi32, #tpu.memory_space<vmem>>) target_semaphore(%run_scoped3A_517 : memref<!tpu.dma_semaphore, #tpu.memory_space<semaphore_mem>>)
        %dma_wait3A_526 = arith.constant 0 : i32
        %dma_wait3A_527 = tpu.memref_slice %arg13[%run_scoped3A_50, %dma_wait3A_526] : memref<12x128xi32, #tpu.memory_space<vmem>> -> memref<1x128xi32, #tpu.memory_space<vmem>>
        %dma_wait3A_528 = tpu.memref_squeeze %dma_wait3A_527 : memref<1x128xi32, #tpu.memory_space<vmem>> -> memref<128xi32, #tpu.memory_space<vmem>>
        %dma_wait3A_529 = tpu.memref_slice %arg3[%add3A_49] : memref<344064xi32, #tpu.memory_space<hbm>> -> memref<128xi32, #tpu.memory_space<hbm>>
        %dma_wait3A_530 = arith.constant 0 : i32
        %dma_wait3A_531 = tpu.memref_slice %arg13[%run_scoped3A_50, %dma_wait3A_530] : memref<12x128xi32, #tpu.memory_space<vmem>> -> memref<1x128xi32, #tpu.memory_space<vmem>>
        %dma_wait3A_532 = tpu.memref_squeeze %dma_wait3A_531 : memref<1x128xi32, #tpu.memory_space<vmem>> -> memref<128xi32, #tpu.memory_space<vmem>>
        %dma_wait3A_533 = tpu.memref_slice %arg3[%add3A_49] : memref<344064xi32, #tpu.memory_space<hbm>> -> memref<128xi32, #tpu.memory_space<hbm>>
        tpu.wait_dma2 semaphore(%run_scoped3A_517 : memref<!tpu.dma_semaphore, #tpu.memory_space<semaphore_mem>>) src(%dma_wait3A_533 : memref<128xi32, #tpu.memory_space<hbm>>) dst(%dma_wait3A_532 : memref<128xi32, #tpu.memory_space<vmem>>)
        tpu.yield
      }) : () -> ()
      %add3A_51 = arith.constant 768 : i32
      %add3A_52 = arith.addi %add3A_32, %add3A_51 : i32
      %run_scoped3A_53 = arith.constant 6 : i32
      "tpu.region"() ({
        %run_scoped3A_517 = tpu.sem_alloc : memref<!tpu.dma_semaphore, #tpu.memory_space<semaphore_mem>>
        %dma_start3A_518 = arith.constant 0 : i32
        %dma_start3A_519 = tpu.memref_slice %arg13[%run_scoped3A_53, %dma_start3A_518] : memref<12x128xi32, #tpu.memory_space<vmem>> -> memref<1x128xi32, #tpu.memory_space<vmem>>
        %dma_start3A_520 = tpu.memref_squeeze %dma_start3A_519 : memref<1x128xi32, #tpu.memory_space<vmem>> -> memref<128xi32, #tpu.memory_space<vmem>>
        %dma_start3A_521 = tpu.memref_slice %arg3[%add3A_52] : memref<344064xi32, #tpu.memory_space<hbm>> -> memref<128xi32, #tpu.memory_space<hbm>>
        %dma_start3A_522 = arith.constant 0 : i32
        %dma_start3A_523 = tpu.memref_slice %arg13[%run_scoped3A_53, %dma_start3A_522] : memref<12x128xi32, #tpu.memory_space<vmem>> -> memref<1x128xi32, #tpu.memory_space<vmem>>
        %dma_start3A_524 = tpu.memref_squeeze %dma_start3A_523 : memref<1x128xi32, #tpu.memory_space<vmem>> -> memref<128xi32, #tpu.memory_space<vmem>>
        %dma_start3A_525 = tpu.memref_slice %arg3[%add3A_52] : memref<344064xi32, #tpu.memory_space<hbm>> -> memref<128xi32, #tpu.memory_space<hbm>>
        tpu.enqueue_dma source(%dma_start3A_525 : memref<128xi32, #tpu.memory_space<hbm>>) target(%dma_start3A_524 : memref<128xi32, #tpu.memory_space<vmem>>) target_semaphore(%run_scoped3A_517 : memref<!tpu.dma_semaphore, #tpu.memory_space<semaphore_mem>>)
        %dma_wait3A_526 = arith.constant 0 : i32
        %dma_wait3A_527 = tpu.memref_slice %arg13[%run_scoped3A_53, %dma_wait3A_526] : memref<12x128xi32, #tpu.memory_space<vmem>> -> memref<1x128xi32, #tpu.memory_space<vmem>>
        %dma_wait3A_528 = tpu.memref_squeeze %dma_wait3A_527 : memref<1x128xi32, #tpu.memory_space<vmem>> -> memref<128xi32, #tpu.memory_space<vmem>>
        %dma_wait3A_529 = tpu.memref_slice %arg3[%add3A_52] : memref<344064xi32, #tpu.memory_space<hbm>> -> memref<128xi32, #tpu.memory_space<hbm>>
        %dma_wait3A_530 = arith.constant 0 : i32
        %dma_wait3A_531 = tpu.memref_slice %arg13[%run_scoped3A_53, %dma_wait3A_530] : memref<12x128xi32, #tpu.memory_space<vmem>> -> memref<1x128xi32, #tpu.memory_space<vmem>>
        %dma_wait3A_532 = tpu.memref_squeeze %dma_wait3A_531 : memref<1x128xi32, #tpu.memory_space<vmem>> -> memref<128xi32, #tpu.memory_space<vmem>>
        %dma_wait3A_533 = tpu.memref_slice %arg3[%add3A_52] : memref<344064xi32, #tpu.memory_space<hbm>> -> memref<128xi32, #tpu.memory_space<hbm>>
        tpu.wait_dma2 semaphore(%run_scoped3A_517 : memref<!tpu.dma_semaphore, #tpu.memory_space<semaphore_mem>>) src(%dma_wait3A_533 : memref<128xi32, #tpu.memory_space<hbm>>) dst(%dma_wait3A_532 : memref<128xi32, #tpu.memory_space<vmem>>)
        tpu.yield
      }) : () -> ()
      %add3A_54 = arith.constant 896 : i32
      %add3A_55 = arith.addi %add3A_32, %add3A_54 : i32
      %run_scoped3A_56 = arith.constant 7 : i32
      "tpu.region"() ({
        %run_scoped3A_517 = tpu.sem_alloc : memref<!tpu.dma_semaphore, #tpu.memory_space<semaphore_mem>>
        %dma_start3A_518 = arith.constant 0 : i32
        %dma_start3A_519 = tpu.memref_slice %arg13[%run_scoped3A_56, %dma_start3A_518] : memref<12x128xi32, #tpu.memory_space<vmem>> -> memref<1x128xi32, #tpu.memory_space<vmem>>
        %dma_start3A_520 = tpu.memref_squeeze %dma_start3A_519 : memref<1x128xi32, #tpu.memory_space<vmem>> -> memref<128xi32, #tpu.memory_space<vmem>>
        %dma_start3A_521 = tpu.memref_slice %arg3[%add3A_55] : memref<344064xi32, #tpu.memory_space<hbm>> -> memref<128xi32, #tpu.memory_space<hbm>>
        %dma_start3A_522 = arith.constant 0 : i32
        %dma_start3A_523 = tpu.memref_slice %arg13[%run_scoped3A_56, %dma_start3A_522] : memref<12x128xi32, #tpu.memory_space<vmem>> -> memref<1x128xi32, #tpu.memory_space<vmem>>
        %dma_start3A_524 = tpu.memref_squeeze %dma_start3A_523 : memref<1x128xi32, #tpu.memory_space<vmem>> -> memref<128xi32, #tpu.memory_space<vmem>>
        %dma_start3A_525 = tpu.memref_slice %arg3[%add3A_55] : memref<344064xi32, #tpu.memory_space<hbm>> -> memref<128xi32, #tpu.memory_space<hbm>>
        tpu.enqueue_dma source(%dma_start3A_525 : memref<128xi32, #tpu.memory_space<hbm>>) target(%dma_start3A_524 : memref<128xi32, #tpu.memory_space<vmem>>) target_semaphore(%run_scoped3A_517 : memref<!tpu.dma_semaphore, #tpu.memory_space<semaphore_mem>>)
        %dma_wait3A_526 = arith.constant 0 : i32
        %dma_wait3A_527 = tpu.memref_slice %arg13[%run_scoped3A_56, %dma_wait3A_526] : memref<12x128xi32, #tpu.memory_space<vmem>> -> memref<1x128xi32, #tpu.memory_space<vmem>>
        %dma_wait3A_528 = tpu.memref_squeeze %dma_wait3A_527 : memref<1x128xi32, #tpu.memory_space<vmem>> -> memref<128xi32, #tpu.memory_space<vmem>>
        %dma_wait3A_529 = tpu.memref_slice %arg3[%add3A_55] : memref<344064xi32, #tpu.memory_space<hbm>> -> memref<128xi32, #tpu.memory_space<hbm>>
        %dma_wait3A_530 = arith.constant 0 : i32
        %dma_wait3A_531 = tpu.memref_slice %arg13[%run_scoped3A_56, %dma_wait3A_530] : memref<12x128xi32, #tpu.memory_space<vmem>> -> memref<1x128xi32, #tpu.memory_space<vmem>>
        %dma_wait3A_532 = tpu.memref_squeeze %dma_wait3A_531 : memref<1x128xi32, #tpu.memory_space<vmem>> -> memref<128xi32, #tpu.memory_space<vmem>>
        %dma_wait3A_533 = tpu.memref_slice %arg3[%add3A_55] : memref<344064xi32, #tpu.memory_space<hbm>> -> memref<128xi32, #tpu.memory_space<hbm>>
        tpu.wait_dma2 semaphore(%run_scoped3A_517 : memref<!tpu.dma_semaphore, #tpu.memory_space<semaphore_mem>>) src(%dma_wait3A_533 : memref<128xi32, #tpu.memory_space<hbm>>) dst(%dma_wait3A_532 : memref<128xi32, #tpu.memory_space<vmem>>)
        tpu.yield
      }) : () -> ()
      %add3A_57 = arith.constant 1024 : i32
      %add3A_58 = arith.addi %add3A_32, %add3A_57 : i32
      %run_scoped3A_59 = arith.constant 8 : i32
      "tpu.region"() ({
        %run_scoped3A_517 = tpu.sem_alloc : memref<!tpu.dma_semaphore, #tpu.memory_space<semaphore_mem>>
        %dma_start3A_518 = arith.constant 0 : i32
        %dma_start3A_519 = tpu.memref_slice %arg13[%run_scoped3A_59, %dma_start3A_518] : memref<12x128xi32, #tpu.memory_space<vmem>> -> memref<1x128xi32, #tpu.memory_space<vmem>>
        %dma_start3A_520 = tpu.memref_squeeze %dma_start3A_519 : memref<1x128xi32, #tpu.memory_space<vmem>> -> memref<128xi32, #tpu.memory_space<vmem>>
        %dma_start3A_521 = tpu.memref_slice %arg3[%add3A_58] : memref<344064xi32, #tpu.memory_space<hbm>> -> memref<128xi32, #tpu.memory_space<hbm>>
        %dma_start3A_522 = arith.constant 0 : i32
        %dma_start3A_523 = tpu.memref_slice %arg13[%run_scoped3A_59, %dma_start3A_522] : memref<12x128xi32, #tpu.memory_space<vmem>> -> memref<1x128xi32, #tpu.memory_space<vmem>>
        %dma_start3A_524 = tpu.memref_squeeze %dma_start3A_523 : memref<1x128xi32, #tpu.memory_space<vmem>> -> memref<128xi32, #tpu.memory_space<vmem>>
        %dma_start3A_525 = tpu.memref_slice %arg3[%add3A_58] : memref<344064xi32, #tpu.memory_space<hbm>> -> memref<128xi32, #tpu.memory_space<hbm>>
        tpu.enqueue_dma source(%dma_start3A_525 : memref<128xi32, #tpu.memory_space<hbm>>) target(%dma_start3A_524 : memref<128xi32, #tpu.memory_space<vmem>>) target_semaphore(%run_scoped3A_517 : memref<!tpu.dma_semaphore, #tpu.memory_space<semaphore_mem>>)
        %dma_wait3A_526 = arith.constant 0 : i32
        %dma_wait3A_527 = tpu.memref_slice %arg13[%run_scoped3A_59, %dma_wait3A_526] : memref<12x128xi32, #tpu.memory_space<vmem>> -> memref<1x128xi32, #tpu.memory_space<vmem>>
        %dma_wait3A_528 = tpu.memref_squeeze %dma_wait3A_527 : memref<1x128xi32, #tpu.memory_space<vmem>> -> memref<128xi32, #tpu.memory_space<vmem>>
        %dma_wait3A_529 = tpu.memref_slice %arg3[%add3A_58] : memref<344064xi32, #tpu.memory_space<hbm>> -> memref<128xi32, #tpu.memory_space<hbm>>
        %dma_wait3A_530 = arith.constant 0 : i32
        %dma_wait3A_531 = tpu.memref_slice %arg13[%run_scoped3A_59, %dma_wait3A_530] : memref<12x128xi32, #tpu.memory_space<vmem>> -> memref<1x128xi32, #tpu.memory_space<vmem>>
        %dma_wait3A_532 = tpu.memref_squeeze %dma_wait3A_531 : memref<1x128xi32, #tpu.memory_space<vmem>> -> memref<128xi32, #tpu.memory_space<vmem>>
        %dma_wait3A_533 = tpu.memref_slice %arg3[%add3A_58] : memref<344064xi32, #tpu.memory_space<hbm>> -> memref<128xi32, #tpu.memory_space<hbm>>
        tpu.wait_dma2 semaphore(%run_scoped3A_517 : memref<!tpu.dma_semaphore, #tpu.memory_space<semaphore_mem>>) src(%dma_wait3A_533 : memref<128xi32, #tpu.memory_space<hbm>>) dst(%dma_wait3A_532 : memref<128xi32, #tpu.memory_space<vmem>>)
        tpu.yield
      }) : () -> ()
      %add3A_60 = arith.constant 1152 : i32
      %add3A_61 = arith.addi %add3A_32, %add3A_60 : i32
      %run_scoped3A_62 = arith.constant 9 : i32
      "tpu.region"() ({
        %run_scoped3A_517 = tpu.sem_alloc : memref<!tpu.dma_semaphore, #tpu.memory_space<semaphore_mem>>
        %dma_start3A_518 = arith.constant 0 : i32
        %dma_start3A_519 = tpu.memref_slice %arg13[%run_scoped3A_62, %dma_start3A_518] : memref<12x128xi32, #tpu.memory_space<vmem>> -> memref<1x128xi32, #tpu.memory_space<vmem>>
        %dma_start3A_520 = tpu.memref_squeeze %dma_start3A_519 : memref<1x128xi32, #tpu.memory_space<vmem>> -> memref<128xi32, #tpu.memory_space<vmem>>
        %dma_start3A_521 = tpu.memref_slice %arg3[%add3A_61] : memref<344064xi32, #tpu.memory_space<hbm>> -> memref<128xi32, #tpu.memory_space<hbm>>
        %dma_start3A_522 = arith.constant 0 : i32
        %dma_start3A_523 = tpu.memref_slice %arg13[%run_scoped3A_62, %dma_start3A_522] : memref<12x128xi32, #tpu.memory_space<vmem>> -> memref<1x128xi32, #tpu.memory_space<vmem>>
        %dma_start3A_524 = tpu.memref_squeeze %dma_start3A_523 : memref<1x128xi32, #tpu.memory_space<vmem>> -> memref<128xi32, #tpu.memory_space<vmem>>
        %dma_start3A_525 = tpu.memref_slice %arg3[%add3A_61] : memref<344064xi32, #tpu.memory_space<hbm>> -> memref<128xi32, #tpu.memory_space<hbm>>
        tpu.enqueue_dma source(%dma_start3A_525 : memref<128xi32, #tpu.memory_space<hbm>>) target(%dma_start3A_524 : memref<128xi32, #tpu.memory_space<vmem>>) target_semaphore(%run_scoped3A_517 : memref<!tpu.dma_semaphore, #tpu.memory_space<semaphore_mem>>)
        %dma_wait3A_526 = arith.constant 0 : i32
        %dma_wait3A_527 = tpu.memref_slice %arg13[%run_scoped3A_62, %dma_wait3A_526] : memref<12x128xi32, #tpu.memory_space<vmem>> -> memref<1x128xi32, #tpu.memory_space<vmem>>
        %dma_wait3A_528 = tpu.memref_squeeze %dma_wait3A_527 : memref<1x128xi32, #tpu.memory_space<vmem>> -> memref<128xi32, #tpu.memory_space<vmem>>
        %dma_wait3A_529 = tpu.memref_slice %arg3[%add3A_61] : memref<344064xi32, #tpu.memory_space<hbm>> -> memref<128xi32, #tpu.memory_space<hbm>>
        %dma_wait3A_530 = arith.constant 0 : i32
        %dma_wait3A_531 = tpu.memref_slice %arg13[%run_scoped3A_62, %dma_wait3A_530] : memref<12x128xi32, #tpu.memory_space<vmem>> -> memref<1x128xi32, #tpu.memory_space<vmem>>
        %dma_wait3A_532 = tpu.memref_squeeze %dma_wait3A_531 : memref<1x128xi32, #tpu.memory_space<vmem>> -> memref<128xi32, #tpu.memory_space<vmem>>
        %dma_wait3A_533 = tpu.memref_slice %arg3[%add3A_61] : memref<344064xi32, #tpu.memory_space<hbm>> -> memref<128xi32, #tpu.memory_space<hbm>>
        tpu.wait_dma2 semaphore(%run_scoped3A_517 : memref<!tpu.dma_semaphore, #tpu.memory_space<semaphore_mem>>) src(%dma_wait3A_533 : memref<128xi32, #tpu.memory_space<hbm>>) dst(%dma_wait3A_532 : memref<128xi32, #tpu.memory_space<vmem>>)
        tpu.yield
      }) : () -> ()
      %add3A_63 = arith.constant 1280 : i32
      %add3A_64 = arith.addi %add3A_32, %add3A_63 : i32
      %run_scoped3A_65 = arith.constant 10 : i32
      "tpu.region"() ({
        %run_scoped3A_517 = tpu.sem_alloc : memref<!tpu.dma_semaphore, #tpu.memory_space<semaphore_mem>>
        %dma_start3A_518 = arith.constant 0 : i32
        %dma_start3A_519 = tpu.memref_slice %arg13[%run_scoped3A_65, %dma_start3A_518] : memref<12x128xi32, #tpu.memory_space<vmem>> -> memref<1x128xi32, #tpu.memory_space<vmem>>
        %dma_start3A_520 = tpu.memref_squeeze %dma_start3A_519 : memref<1x128xi32, #tpu.memory_space<vmem>> -> memref<128xi32, #tpu.memory_space<vmem>>
        %dma_start3A_521 = tpu.memref_slice %arg3[%add3A_64] : memref<344064xi32, #tpu.memory_space<hbm>> -> memref<128xi32, #tpu.memory_space<hbm>>
        %dma_start3A_522 = arith.constant 0 : i32
        %dma_start3A_523 = tpu.memref_slice %arg13[%run_scoped3A_65, %dma_start3A_522] : memref<12x128xi32, #tpu.memory_space<vmem>> -> memref<1x128xi32, #tpu.memory_space<vmem>>
        %dma_start3A_524 = tpu.memref_squeeze %dma_start3A_523 : memref<1x128xi32, #tpu.memory_space<vmem>> -> memref<128xi32, #tpu.memory_space<vmem>>
        %dma_start3A_525 = tpu.memref_slice %arg3[%add3A_64] : memref<344064xi32, #tpu.memory_space<hbm>> -> memref<128xi32, #tpu.memory_space<hbm>>
        tpu.enqueue_dma source(%dma_start3A_525 : memref<128xi32, #tpu.memory_space<hbm>>) target(%dma_start3A_524 : memref<128xi32, #tpu.memory_space<vmem>>) target_semaphore(%run_scoped3A_517 : memref<!tpu.dma_semaphore, #tpu.memory_space<semaphore_mem>>)
        %dma_wait3A_526 = arith.constant 0 : i32
        %dma_wait3A_527 = tpu.memref_slice %arg13[%run_scoped3A_65, %dma_wait3A_526] : memref<12x128xi32, #tpu.memory_space<vmem>> -> memref<1x128xi32, #tpu.memory_space<vmem>>
        %dma_wait3A_528 = tpu.memref_squeeze %dma_wait3A_527 : memref<1x128xi32, #tpu.memory_space<vmem>> -> memref<128xi32, #tpu.memory_space<vmem>>
        %dma_wait3A_529 = tpu.memref_slice %arg3[%add3A_64] : memref<344064xi32, #tpu.memory_space<hbm>> -> memref<128xi32, #tpu.memory_space<hbm>>
        %dma_wait3A_530 = arith.constant 0 : i32
        %dma_wait3A_531 = tpu.memref_slice %arg13[%run_scoped3A_65, %dma_wait3A_530] : memref<12x128xi32, #tpu.memory_space<vmem>> -> memref<1x128xi32, #tpu.memory_space<vmem>>
        %dma_wait3A_532 = tpu.memref_squeeze %dma_wait3A_531 : memref<1x128xi32, #tpu.memory_space<vmem>> -> memref<128xi32, #tpu.memory_space<vmem>>
        %dma_wait3A_533 = tpu.memref_slice %arg3[%add3A_64] : memref<344064xi32, #tpu.memory_space<hbm>> -> memref<128xi32, #tpu.memory_space<hbm>>
        tpu.wait_dma2 semaphore(%run_scoped3A_517 : memref<!tpu.dma_semaphore, #tpu.memory_space<semaphore_mem>>) src(%dma_wait3A_533 : memref<128xi32, #tpu.memory_space<hbm>>) dst(%dma_wait3A_532 : memref<128xi32, #tpu.memory_space<vmem>>)
        tpu.yield
      }) : () -> ()
      %add3A_66 = arith.constant 1408 : i32
      %add3A_67 = arith.addi %add3A_32, %add3A_66 : i32
      %run_scoped3A_68 = arith.constant 11 : i32
      "tpu.region"() ({
        %run_scoped3A_517 = tpu.sem_alloc : memref<!tpu.dma_semaphore, #tpu.memory_space<semaphore_mem>>
        %dma_start3A_518 = arith.constant 0 : i32
        %dma_start3A_519 = tpu.memref_slice %arg13[%run_scoped3A_68, %dma_start3A_518] : memref<12x128xi32, #tpu.memory_space<vmem>> -> memref<1x128xi32, #tpu.memory_space<vmem>>
        %dma_start3A_520 = tpu.memref_squeeze %dma_start3A_519 : memref<1x128xi32, #tpu.memory_space<vmem>> -> memref<128xi32, #tpu.memory_space<vmem>>
        %dma_start3A_521 = tpu.memref_slice %arg3[%add3A_67] : memref<344064xi32, #tpu.memory_space<hbm>> -> memref<128xi32, #tpu.memory_space<hbm>>
        %dma_start3A_522 = arith.constant 0 : i32
        %dma_start3A_523 = tpu.memref_slice %arg13[%run_scoped3A_68, %dma_start3A_522] : memref<12x128xi32, #tpu.memory_space<vmem>> -> memref<1x128xi32, #tpu.memory_space<vmem>>
        %dma_start3A_524 = tpu.memref_squeeze %dma_start3A_523 : memref<1x128xi32, #tpu.memory_space<vmem>> -> memref<128xi32, #tpu.memory_space<vmem>>
        %dma_start3A_525 = tpu.memref_slice %arg3[%add3A_67] : memref<344064xi32, #tpu.memory_space<hbm>> -> memref<128xi32, #tpu.memory_space<hbm>>
        tpu.enqueue_dma source(%dma_start3A_525 : memref<128xi32, #tpu.memory_space<hbm>>) target(%dma_start3A_524 : memref<128xi32, #tpu.memory_space<vmem>>) target_semaphore(%run_scoped3A_517 : memref<!tpu.dma_semaphore, #tpu.memory_space<semaphore_mem>>)
        %dma_wait3A_526 = arith.constant 0 : i32
        %dma_wait3A_527 = tpu.memref_slice %arg13[%run_scoped3A_68, %dma_wait3A_526] : memref<12x128xi32, #tpu.memory_space<vmem>> -> memref<1x128xi32, #tpu.memory_space<vmem>>
        %dma_wait3A_528 = tpu.memref_squeeze %dma_wait3A_527 : memref<1x128xi32, #tpu.memory_space<vmem>> -> memref<128xi32, #tpu.memory_space<vmem>>
        %dma_wait3A_529 = tpu.memref_slice %arg3[%add3A_67] : memref<344064xi32, #tpu.memory_space<hbm>> -> memref<128xi32, #tpu.memory_space<hbm>>
        %dma_wait3A_530 = arith.constant 0 : i32
        %dma_wait3A_531 = tpu.memref_slice %arg13[%run_scoped3A_68, %dma_wait3A_530] : memref<12x128xi32, #tpu.memory_space<vmem>> -> memref<1x128xi32, #tpu.memory_space<vmem>>
        %dma_wait3A_532 = tpu.memref_squeeze %dma_wait3A_531 : memref<1x128xi32, #tpu.memory_space<vmem>> -> memref<128xi32, #tpu.memory_space<vmem>>
        %dma_wait3A_533 = tpu.memref_slice %arg3[%add3A_67] : memref<344064xi32, #tpu.memory_space<hbm>> -> memref<128xi32, #tpu.memory_space<hbm>>
        tpu.wait_dma2 semaphore(%run_scoped3A_517 : memref<!tpu.dma_semaphore, #tpu.memory_space<semaphore_mem>>) src(%dma_wait3A_533 : memref<128xi32, #tpu.memory_space<hbm>>) dst(%dma_wait3A_532 : memref<128xi32, #tpu.memory_space<vmem>>)
        tpu.yield
      }) : () -> ()
      "tpu.region"() ({
        %run_scoped3A_517 = tpu.sem_alloc : memref<!tpu.dma_semaphore, #tpu.memory_space<semaphore_mem>>
        %dma_start3A_518 = arith.constant 0 : i32
        %dma_start3A_519 = tpu.memref_slice %arg4[%multiple_of3A, %dma_start3A_518] : memref<321536x16xf32, #tpu.memory_space<hbm>> -> memref<1536x16xf32, #tpu.memory_space<hbm>>
        %dma_start3A_520 = arith.constant 0 : i32
        %dma_start3A_521 = tpu.memref_slice %arg4[%multiple_of3A, %dma_start3A_520] : memref<321536x16xf32, #tpu.memory_space<hbm>> -> memref<1536x16xf32, #tpu.memory_space<hbm>>
        tpu.enqueue_dma source(%dma_start3A_521 : memref<1536x16xf32, #tpu.memory_space<hbm>>) target(%arg16 : memref<1536x16xf32, #tpu.memory_space<vmem>>) target_semaphore(%run_scoped3A_517 : memref<!tpu.dma_semaphore, #tpu.memory_space<semaphore_mem>>)
        %dma_wait3A_522 = arith.constant 0 : i32
        %dma_wait3A_523 = tpu.memref_slice %arg4[%multiple_of3A, %dma_wait3A_522] : memref<321536x16xf32, #tpu.memory_space<hbm>> -> memref<1536x16xf32, #tpu.memory_space<hbm>>
        %dma_wait3A_524 = arith.constant 0 : i32
        %dma_wait3A_525 = tpu.memref_slice %arg4[%multiple_of3A, %dma_wait3A_524] : memref<321536x16xf32, #tpu.memory_space<hbm>> -> memref<1536x16xf32, #tpu.memory_space<hbm>>
        tpu.wait_dma2 semaphore(%run_scoped3A_517 : memref<!tpu.dma_semaphore, #tpu.memory_space<semaphore_mem>>) src(%dma_wait3A_525 : memref<1536x16xf32, #tpu.memory_space<hbm>>) dst(%arg16 : memref<1536x16xf32, #tpu.memory_space<vmem>>)
        tpu.yield
      }) : () -> ()
      %dma_start3A = arith.constant 0 : i32
      %dma_start3A_69 = arith.constant 0 : i32
      %dma_start3A_70 = tpu.memref_slice %arg14[%dma_start3A, %dma_start3A_69] : memref<1536x16xf32, #tpu.memory_space<vmem>> -> memref<128x16xf32, #tpu.memory_space<vmem>>
      %dma_start3A_71 = arith.constant 0 : i32
      %dma_start3A_72 = tpu.memref_slice %arg12[%dma_start3A_71] : memref<1536xi32, #tpu.memory_space<vmem>> -> memref<128xi32, #tpu.memory_space<vmem>>
      %dma_start3A_73 = arith.constant 0 : i32
      %dma_start3A_74 = arith.constant 0 : i32
      %dma_start3A_75 = tpu.memref_slice %arg6[%dma_start3A_73, %dma_start3A_74] : memref<10000x16xf32, #tpu.memory_space<hbm>> -> memref<10000x16xf32, #tpu.memory_space<hbm>>
      tpu.enqueue_indirect_dma source(%dma_start3A_75 : memref<10000x16xf32, #tpu.memory_space<hbm>>) target(%dma_start3A_70 : memref<128x16xf32, #tpu.memory_space<vmem>>) offsets(%dma_start3A_72 : memref<128xi32, #tpu.memory_space<vmem>>) semaphore(%arg19 : memref<!tpu.dma_semaphore, #tpu.memory_space<semaphore_mem>>)
      %dma_start3A_76 = arith.constant 0 : i32
      %dma_start3A_77 = arith.constant 0 : i32
      %dma_start3A_78 = arith.constant 0 : i32
      %dma_start3A_79 = tpu.memref_slice %arg15[%dma_start3A_77, %dma_start3A_78] : memref<1536x16xf32, #tpu.memory_space<vmem>> -> memref<128x16xf32, #tpu.memory_space<vmem>>
      %dma_start3A_80 = arith.constant 0 : i32
      %dma_start3A_81 = tpu.memref_slice %arg13[%dma_start3A_76, %dma_start3A_80] : memref<12x128xi32, #tpu.memory_space<vmem>> -> memref<1x128xi32, #tpu.memory_space<vmem>>
      %dma_start3A_82 = tpu.memref_squeeze %dma_start3A_81 : memref<1x128xi32, #tpu.memory_space<vmem>> -> memref<128xi32, #tpu.memory_space<vmem>>
      %dma_start3A_83 = arith.constant 0 : i32
      %dma_start3A_84 = arith.constant 0 : i32
      %dma_start3A_85 = tpu.memref_slice %arg7[%dma_start3A_83, %dma_start3A_84] : memref<10000x16xf32, #tpu.memory_space<hbm>> -> memref<10000x16xf32, #tpu.memory_space<hbm>>
      tpu.enqueue_indirect_dma source(%dma_start3A_85 : memref<10000x16xf32, #tpu.memory_space<hbm>>) target(%dma_start3A_79 : memref<128x16xf32, #tpu.memory_space<vmem>>) offsets(%dma_start3A_82 : memref<128xi32, #tpu.memory_space<vmem>>) semaphore(%arg19 : memref<!tpu.dma_semaphore, #tpu.memory_space<semaphore_mem>>)
      %dma_start3A_86 = arith.constant 128 : i32
      %dma_start3A_87 = arith.constant 0 : i32
      %dma_start3A_88 = tpu.memref_slice %arg14[%dma_start3A_86, %dma_start3A_87] : memref<1536x16xf32, #tpu.memory_space<vmem>> -> memref<128x16xf32, #tpu.memory_space<vmem>>
      %dma_start3A_89 = arith.constant 128 : i32
      %dma_start3A_90 = tpu.memref_slice %arg12[%dma_start3A_89] : memref<1536xi32, #tpu.memory_space<vmem>> -> memref<128xi32, #tpu.memory_space<vmem>>
      %dma_start3A_91 = arith.constant 0 : i32
      %dma_start3A_92 = arith.constant 0 : i32
      %dma_start3A_93 = tpu.memref_slice %arg6[%dma_start3A_91, %dma_start3A_92] : memref<10000x16xf32, #tpu.memory_space<hbm>> -> memref<10000x16xf32, #tpu.memory_space<hbm>>
      tpu.enqueue_indirect_dma source(%dma_start3A_93 : memref<10000x16xf32, #tpu.memory_space<hbm>>) target(%dma_start3A_88 : memref<128x16xf32, #tpu.memory_space<vmem>>) offsets(%dma_start3A_90 : memref<128xi32, #tpu.memory_space<vmem>>) semaphore(%arg19 : memref<!tpu.dma_semaphore, #tpu.memory_space<semaphore_mem>>)
      %dma_start3A_94 = arith.constant 1 : i32
      %dma_start3A_95 = arith.constant 128 : i32
      %dma_start3A_96 = arith.constant 0 : i32
      %dma_start3A_97 = tpu.memref_slice %arg15[%dma_start3A_95, %dma_start3A_96] : memref<1536x16xf32, #tpu.memory_space<vmem>> -> memref<128x16xf32, #tpu.memory_space<vmem>>
      %dma_start3A_98 = arith.constant 0 : i32
      %dma_start3A_99 = tpu.memref_slice %arg13[%dma_start3A_94, %dma_start3A_98] : memref<12x128xi32, #tpu.memory_space<vmem>> -> memref<1x128xi32, #tpu.memory_space<vmem>>
      %dma_start3A_100 = tpu.memref_squeeze %dma_start3A_99 : memref<1x128xi32, #tpu.memory_space<vmem>> -> memref<128xi32, #tpu.memory_space<vmem>>
      %dma_start3A_101 = arith.constant 0 : i32
      %dma_start3A_102 = arith.constant 0 : i32
      %dma_start3A_103 = tpu.memref_slice %arg7[%dma_start3A_101, %dma_start3A_102] : memref<10000x16xf32, #tpu.memory_space<hbm>> -> memref<10000x16xf32, #tpu.memory_space<hbm>>
      tpu.enqueue_indirect_dma source(%dma_start3A_103 : memref<10000x16xf32, #tpu.memory_space<hbm>>) target(%dma_start3A_97 : memref<128x16xf32, #tpu.memory_space<vmem>>) offsets(%dma_start3A_100 : memref<128xi32, #tpu.memory_space<vmem>>) semaphore(%arg19 : memref<!tpu.dma_semaphore, #tpu.memory_space<semaphore_mem>>)
      %dma_start3A_104 = arith.constant 256 : i32
      %dma_start3A_105 = arith.constant 0 : i32
      %dma_start3A_106 = tpu.memref_slice %arg14[%dma_start3A_104, %dma_start3A_105] : memref<1536x16xf32, #tpu.memory_space<vmem>> -> memref<128x16xf32, #tpu.memory_space<vmem>>
      %dma_start3A_107 = arith.constant 256 : i32
      %dma_start3A_108 = tpu.memref_slice %arg12[%dma_start3A_107] : memref<1536xi32, #tpu.memory_space<vmem>> -> memref<128xi32, #tpu.memory_space<vmem>>
      %dma_start3A_109 = arith.constant 0 : i32
      %dma_start3A_110 = arith.constant 0 : i32
      %dma_start3A_111 = tpu.memref_slice %arg6[%dma_start3A_109, %dma_start3A_110] : memref<10000x16xf32, #tpu.memory_space<hbm>> -> memref<10000x16xf32, #tpu.memory_space<hbm>>
      tpu.enqueue_indirect_dma source(%dma_start3A_111 : memref<10000x16xf32, #tpu.memory_space<hbm>>) target(%dma_start3A_106 : memref<128x16xf32, #tpu.memory_space<vmem>>) offsets(%dma_start3A_108 : memref<128xi32, #tpu.memory_space<vmem>>) semaphore(%arg19 : memref<!tpu.dma_semaphore, #tpu.memory_space<semaphore_mem>>)
      %dma_start3A_112 = arith.constant 2 : i32
      %dma_start3A_113 = arith.constant 256 : i32
      %dma_start3A_114 = arith.constant 0 : i32
      %dma_start3A_115 = tpu.memref_slice %arg15[%dma_start3A_113, %dma_start3A_114] : memref<1536x16xf32, #tpu.memory_space<vmem>> -> memref<128x16xf32, #tpu.memory_space<vmem>>
      %dma_start3A_116 = arith.constant 0 : i32
      %dma_start3A_117 = tpu.memref_slice %arg13[%dma_start3A_112, %dma_start3A_116] : memref<12x128xi32, #tpu.memory_space<vmem>> -> memref<1x128xi32, #tpu.memory_space<vmem>>
      %dma_start3A_118 = tpu.memref_squeeze %dma_start3A_117 : memref<1x128xi32, #tpu.memory_space<vmem>> -> memref<128xi32, #tpu.memory_space<vmem>>
      %dma_start3A_119 = arith.constant 0 : i32
      %dma_start3A_120 = arith.constant 0 : i32
      %dma_start3A_121 = tpu.memref_slice %arg7[%dma_start3A_119, %dma_start3A_120] : memref<10000x16xf32, #tpu.memory_space<hbm>> -> memref<10000x16xf32, #tpu.memory_space<hbm>>
      tpu.enqueue_indirect_dma source(%dma_start3A_121 : memref<10000x16xf32, #tpu.memory_space<hbm>>) target(%dma_start3A_115 : memref<128x16xf32, #tpu.memory_space<vmem>>) offsets(%dma_start3A_118 : memref<128xi32, #tpu.memory_space<vmem>>) semaphore(%arg19 : memref<!tpu.dma_semaphore, #tpu.memory_space<semaphore_mem>>)
      %dma_start3A_122 = arith.constant 384 : i32
      %dma_start3A_123 = arith.constant 0 : i32
      %dma_start3A_124 = tpu.memref_slice %arg14[%dma_start3A_122, %dma_start3A_123] : memref<1536x16xf32, #tpu.memory_space<vmem>> -> memref<128x16xf32, #tpu.memory_space<vmem>>
      %dma_start3A_125 = arith.constant 384 : i32
      %dma_start3A_126 = tpu.memref_slice %arg12[%dma_start3A_125] : memref<1536xi32, #tpu.memory_space<vmem>> -> memref<128xi32, #tpu.memory_space<vmem>>
      %dma_start3A_127 = arith.constant 0 : i32
      %dma_start3A_128 = arith.constant 0 : i32
      %dma_start3A_129 = tpu.memref_slice %arg6[%dma_start3A_127, %dma_start3A_128] : memref<10000x16xf32, #tpu.memory_space<hbm>> -> memref<10000x16xf32, #tpu.memory_space<hbm>>
      tpu.enqueue_indirect_dma source(%dma_start3A_129 : memref<10000x16xf32, #tpu.memory_space<hbm>>) target(%dma_start3A_124 : memref<128x16xf32, #tpu.memory_space<vmem>>) offsets(%dma_start3A_126 : memref<128xi32, #tpu.memory_space<vmem>>) semaphore(%arg19 : memref<!tpu.dma_semaphore, #tpu.memory_space<semaphore_mem>>)
      %dma_start3A_130 = arith.constant 3 : i32
      %dma_start3A_131 = arith.constant 384 : i32
      %dma_start3A_132 = arith.constant 0 : i32
      %dma_start3A_133 = tpu.memref_slice %arg15[%dma_start3A_131, %dma_start3A_132] : memref<1536x16xf32, #tpu.memory_space<vmem>> -> memref<128x16xf32, #tpu.memory_space<vmem>>
      %dma_start3A_134 = arith.constant 0 : i32
      %dma_start3A_135 = tpu.memref_slice %arg13[%dma_start3A_130, %dma_start3A_134] : memref<12x128xi32, #tpu.memory_space<vmem>> -> memref<1x128xi32, #tpu.memory_space<vmem>>
      %dma_start3A_136 = tpu.memref_squeeze %dma_start3A_135 : memref<1x128xi32, #tpu.memory_space<vmem>> -> memref<128xi32, #tpu.memory_space<vmem>>
      %dma_start3A_137 = arith.constant 0 : i32
      %dma_start3A_138 = arith.constant 0 : i32
      %dma_start3A_139 = tpu.memref_slice %arg7[%dma_start3A_137, %dma_start3A_138] : memref<10000x16xf32, #tpu.memory_space<hbm>> -> memref<10000x16xf32, #tpu.memory_space<hbm>>
      tpu.enqueue_indirect_dma source(%dma_start3A_139 : memref<10000x16xf32, #tpu.memory_space<hbm>>) target(%dma_start3A_133 : memref<128x16xf32, #tpu.memory_space<vmem>>) offsets(%dma_start3A_136 : memref<128xi32, #tpu.memory_space<vmem>>) semaphore(%arg19 : memref<!tpu.dma_semaphore, #tpu.memory_space<semaphore_mem>>)
      %dma_start3A_140 = arith.constant 512 : i32
      %dma_start3A_141 = arith.constant 0 : i32
      %dma_start3A_142 = tpu.memref_slice %arg14[%dma_start3A_140, %dma_start3A_141] : memref<1536x16xf32, #tpu.memory_space<vmem>> -> memref<128x16xf32, #tpu.memory_space<vmem>>
      %dma_start3A_143 = arith.constant 512 : i32
      %dma_start3A_144 = tpu.memref_slice %arg12[%dma_start3A_143] : memref<1536xi32, #tpu.memory_space<vmem>> -> memref<128xi32, #tpu.memory_space<vmem>>
      %dma_start3A_145 = arith.constant 0 : i32
      %dma_start3A_146 = arith.constant 0 : i32
      %dma_start3A_147 = tpu.memref_slice %arg6[%dma_start3A_145, %dma_start3A_146] : memref<10000x16xf32, #tpu.memory_space<hbm>> -> memref<10000x16xf32, #tpu.memory_space<hbm>>
      tpu.enqueue_indirect_dma source(%dma_start3A_147 : memref<10000x16xf32, #tpu.memory_space<hbm>>) target(%dma_start3A_142 : memref<128x16xf32, #tpu.memory_space<vmem>>) offsets(%dma_start3A_144 : memref<128xi32, #tpu.memory_space<vmem>>) semaphore(%arg19 : memref<!tpu.dma_semaphore, #tpu.memory_space<semaphore_mem>>)
      %dma_start3A_148 = arith.constant 4 : i32
      %dma_start3A_149 = arith.constant 512 : i32
      %dma_start3A_150 = arith.constant 0 : i32
      %dma_start3A_151 = tpu.memref_slice %arg15[%dma_start3A_149, %dma_start3A_150] : memref<1536x16xf32, #tpu.memory_space<vmem>> -> memref<128x16xf32, #tpu.memory_space<vmem>>
      %dma_start3A_152 = arith.constant 0 : i32
      %dma_start3A_153 = tpu.memref_slice %arg13[%dma_start3A_148, %dma_start3A_152] : memref<12x128xi32, #tpu.memory_space<vmem>> -> memref<1x128xi32, #tpu.memory_space<vmem>>
      %dma_start3A_154 = tpu.memref_squeeze %dma_start3A_153 : memref<1x128xi32, #tpu.memory_space<vmem>> -> memref<128xi32, #tpu.memory_space<vmem>>
      %dma_start3A_155 = arith.constant 0 : i32
      %dma_start3A_156 = arith.constant 0 : i32
      %dma_start3A_157 = tpu.memref_slice %arg7[%dma_start3A_155, %dma_start3A_156] : memref<10000x16xf32, #tpu.memory_space<hbm>> -> memref<10000x16xf32, #tpu.memory_space<hbm>>
      tpu.enqueue_indirect_dma source(%dma_start3A_157 : memref<10000x16xf32, #tpu.memory_space<hbm>>) target(%dma_start3A_151 : memref<128x16xf32, #tpu.memory_space<vmem>>) offsets(%dma_start3A_154 : memref<128xi32, #tpu.memory_space<vmem>>) semaphore(%arg19 : memref<!tpu.dma_semaphore, #tpu.memory_space<semaphore_mem>>)
      %dma_start3A_158 = arith.constant 640 : i32
      %dma_start3A_159 = arith.constant 0 : i32
      %dma_start3A_160 = tpu.memref_slice %arg14[%dma_start3A_158, %dma_start3A_159] : memref<1536x16xf32, #tpu.memory_space<vmem>> -> memref<128x16xf32, #tpu.memory_space<vmem>>
      %dma_start3A_161 = arith.constant 640 : i32
      %dma_start3A_162 = tpu.memref_slice %arg12[%dma_start3A_161] : memref<1536xi32, #tpu.memory_space<vmem>> -> memref<128xi32, #tpu.memory_space<vmem>>
      %dma_start3A_163 = arith.constant 0 : i32
      %dma_start3A_164 = arith.constant 0 : i32
      %dma_start3A_165 = tpu.memref_slice %arg6[%dma_start3A_163, %dma_start3A_164] : memref<10000x16xf32, #tpu.memory_space<hbm>> -> memref<10000x16xf32, #tpu.memory_space<hbm>>
      tpu.enqueue_indirect_dma source(%dma_start3A_165 : memref<10000x16xf32, #tpu.memory_space<hbm>>) target(%dma_start3A_160 : memref<128x16xf32, #tpu.memory_space<vmem>>) offsets(%dma_start3A_162 : memref<128xi32, #tpu.memory_space<vmem>>) semaphore(%arg19 : memref<!tpu.dma_semaphore, #tpu.memory_space<semaphore_mem>>)
      %dma_start3A_166 = arith.constant 5 : i32
      %dma_start3A_167 = arith.constant 640 : i32
      %dma_start3A_168 = arith.constant 0 : i32
      %dma_start3A_169 = tpu.memref_slice %arg15[%dma_start3A_167, %dma_start3A_168] : memref<1536x16xf32, #tpu.memory_space<vmem>> -> memref<128x16xf32, #tpu.memory_space<vmem>>
      %dma_start3A_170 = arith.constant 0 : i32
      %dma_start3A_171 = tpu.memref_slice %arg13[%dma_start3A_166, %dma_start3A_170] : memref<12x128xi32, #tpu.memory_space<vmem>> -> memref<1x128xi32, #tpu.memory_space<vmem>>
      %dma_start3A_172 = tpu.memref_squeeze %dma_start3A_171 : memref<1x128xi32, #tpu.memory_space<vmem>> -> memref<128xi32, #tpu.memory_space<vmem>>
      %dma_start3A_173 = arith.constant 0 : i32
      %dma_start3A_174 = arith.constant 0 : i32
      %dma_start3A_175 = tpu.memref_slice %arg7[%dma_start3A_173, %dma_start3A_174] : memref<10000x16xf32, #tpu.memory_space<hbm>> -> memref<10000x16xf32, #tpu.memory_space<hbm>>
      tpu.enqueue_indirect_dma source(%dma_start3A_175 : memref<10000x16xf32, #tpu.memory_space<hbm>>) target(%dma_start3A_169 : memref<128x16xf32, #tpu.memory_space<vmem>>) offsets(%dma_start3A_172 : memref<128xi32, #tpu.memory_space<vmem>>) semaphore(%arg19 : memref<!tpu.dma_semaphore, #tpu.memory_space<semaphore_mem>>)
      %dma_start3A_176 = arith.constant 768 : i32
      %dma_start3A_177 = arith.constant 0 : i32
      %dma_start3A_178 = tpu.memref_slice %arg14[%dma_start3A_176, %dma_start3A_177] : memref<1536x16xf32, #tpu.memory_space<vmem>> -> memref<128x16xf32, #tpu.memory_space<vmem>>
      %dma_start3A_179 = arith.constant 768 : i32
      %dma_start3A_180 = tpu.memref_slice %arg12[%dma_start3A_179] : memref<1536xi32, #tpu.memory_space<vmem>> -> memref<128xi32, #tpu.memory_space<vmem>>
      %dma_start3A_181 = arith.constant 0 : i32
      %dma_start3A_182 = arith.constant 0 : i32
      %dma_start3A_183 = tpu.memref_slice %arg6[%dma_start3A_181, %dma_start3A_182] : memref<10000x16xf32, #tpu.memory_space<hbm>> -> memref<10000x16xf32, #tpu.memory_space<hbm>>
      tpu.enqueue_indirect_dma source(%dma_start3A_183 : memref<10000x16xf32, #tpu.memory_space<hbm>>) target(%dma_start3A_178 : memref<128x16xf32, #tpu.memory_space<vmem>>) offsets(%dma_start3A_180 : memref<128xi32, #tpu.memory_space<vmem>>) semaphore(%arg19 : memref<!tpu.dma_semaphore, #tpu.memory_space<semaphore_mem>>)
      %dma_start3A_184 = arith.constant 6 : i32
      %dma_start3A_185 = arith.constant 768 : i32
      %dma_start3A_186 = arith.constant 0 : i32
      %dma_start3A_187 = tpu.memref_slice %arg15[%dma_start3A_185, %dma_start3A_186] : memref<1536x16xf32, #tpu.memory_space<vmem>> -> memref<128x16xf32, #tpu.memory_space<vmem>>
      %dma_start3A_188 = arith.constant 0 : i32
      %dma_start3A_189 = tpu.memref_slice %arg13[%dma_start3A_184, %dma_start3A_188] : memref<12x128xi32, #tpu.memory_space<vmem>> -> memref<1x128xi32, #tpu.memory_space<vmem>>
      %dma_start3A_190 = tpu.memref_squeeze %dma_start3A_189 : memref<1x128xi32, #tpu.memory_space<vmem>> -> memref<128xi32, #tpu.memory_space<vmem>>
      %dma_start3A_191 = arith.constant 0 : i32
      %dma_start3A_192 = arith.constant 0 : i32
      %dma_start3A_193 = tpu.memref_slice %arg7[%dma_start3A_191, %dma_start3A_192] : memref<10000x16xf32, #tpu.memory_space<hbm>> -> memref<10000x16xf32, #tpu.memory_space<hbm>>
      tpu.enqueue_indirect_dma source(%dma_start3A_193 : memref<10000x16xf32, #tpu.memory_space<hbm>>) target(%dma_start3A_187 : memref<128x16xf32, #tpu.memory_space<vmem>>) offsets(%dma_start3A_190 : memref<128xi32, #tpu.memory_space<vmem>>) semaphore(%arg19 : memref<!tpu.dma_semaphore, #tpu.memory_space<semaphore_mem>>)
      %dma_start3A_194 = arith.constant 896 : i32
      %dma_start3A_195 = arith.constant 0 : i32
      %dma_start3A_196 = tpu.memref_slice %arg14[%dma_start3A_194, %dma_start3A_195] : memref<1536x16xf32, #tpu.memory_space<vmem>> -> memref<128x16xf32, #tpu.memory_space<vmem>>
      %dma_start3A_197 = arith.constant 896 : i32
      %dma_start3A_198 = tpu.memref_slice %arg12[%dma_start3A_197] : memref<1536xi32, #tpu.memory_space<vmem>> -> memref<128xi32, #tpu.memory_space<vmem>>
      %dma_start3A_199 = arith.constant 0 : i32
      %dma_start3A_200 = arith.constant 0 : i32
      %dma_start3A_201 = tpu.memref_slice %arg6[%dma_start3A_199, %dma_start3A_200] : memref<10000x16xf32, #tpu.memory_space<hbm>> -> memref<10000x16xf32, #tpu.memory_space<hbm>>
      tpu.enqueue_indirect_dma source(%dma_start3A_201 : memref<10000x16xf32, #tpu.memory_space<hbm>>) target(%dma_start3A_196 : memref<128x16xf32, #tpu.memory_space<vmem>>) offsets(%dma_start3A_198 : memref<128xi32, #tpu.memory_space<vmem>>) semaphore(%arg19 : memref<!tpu.dma_semaphore, #tpu.memory_space<semaphore_mem>>)
      %dma_start3A_202 = arith.constant 7 : i32
      %dma_start3A_203 = arith.constant 896 : i32
      %dma_start3A_204 = arith.constant 0 : i32
      %dma_start3A_205 = tpu.memref_slice %arg15[%dma_start3A_203, %dma_start3A_204] : memref<1536x16xf32, #tpu.memory_space<vmem>> -> memref<128x16xf32, #tpu.memory_space<vmem>>
      %dma_start3A_206 = arith.constant 0 : i32
      %dma_start3A_207 = tpu.memref_slice %arg13[%dma_start3A_202, %dma_start3A_206] : memref<12x128xi32, #tpu.memory_space<vmem>> -> memref<1x128xi32, #tpu.memory_space<vmem>>
      %dma_start3A_208 = tpu.memref_squeeze %dma_start3A_207 : memref<1x128xi32, #tpu.memory_space<vmem>> -> memref<128xi32, #tpu.memory_space<vmem>>
      %dma_start3A_209 = arith.constant 0 : i32
      %dma_start3A_210 = arith.constant 0 : i32
      %dma_start3A_211 = tpu.memref_slice %arg7[%dma_start3A_209, %dma_start3A_210] : memref<10000x16xf32, #tpu.memory_space<hbm>> -> memref<10000x16xf32, #tpu.memory_space<hbm>>
      tpu.enqueue_indirect_dma source(%dma_start3A_211 : memref<10000x16xf32, #tpu.memory_space<hbm>>) target(%dma_start3A_205 : memref<128x16xf32, #tpu.memory_space<vmem>>) offsets(%dma_start3A_208 : memref<128xi32, #tpu.memory_space<vmem>>) semaphore(%arg19 : memref<!tpu.dma_semaphore, #tpu.memory_space<semaphore_mem>>)
      %dma_start3A_212 = arith.constant 1024 : i32
      %dma_start3A_213 = arith.constant 0 : i32
      %dma_start3A_214 = tpu.memref_slice %arg14[%dma_start3A_212, %dma_start3A_213] : memref<1536x16xf32, #tpu.memory_space<vmem>> -> memref<128x16xf32, #tpu.memory_space<vmem>>
      %dma_start3A_215 = arith.constant 1024 : i32
      %dma_start3A_216 = tpu.memref_slice %arg12[%dma_start3A_215] : memref<1536xi32, #tpu.memory_space<vmem>> -> memref<128xi32, #tpu.memory_space<vmem>>
      %dma_start3A_217 = arith.constant 0 : i32
      %dma_start3A_218 = arith.constant 0 : i32
      %dma_start3A_219 = tpu.memref_slice %arg6[%dma_start3A_217, %dma_start3A_218] : memref<10000x16xf32, #tpu.memory_space<hbm>> -> memref<10000x16xf32, #tpu.memory_space<hbm>>
      tpu.enqueue_indirect_dma source(%dma_start3A_219 : memref<10000x16xf32, #tpu.memory_space<hbm>>) target(%dma_start3A_214 : memref<128x16xf32, #tpu.memory_space<vmem>>) offsets(%dma_start3A_216 : memref<128xi32, #tpu.memory_space<vmem>>) semaphore(%arg19 : memref<!tpu.dma_semaphore, #tpu.memory_space<semaphore_mem>>)
      %dma_start3A_220 = arith.constant 8 : i32
      %dma_start3A_221 = arith.constant 1024 : i32
      %dma_start3A_222 = arith.constant 0 : i32
      %dma_start3A_223 = tpu.memref_slice %arg15[%dma_start3A_221, %dma_start3A_222] : memref<1536x16xf32, #tpu.memory_space<vmem>> -> memref<128x16xf32, #tpu.memory_space<vmem>>
      %dma_start3A_224 = arith.constant 0 : i32
      %dma_start3A_225 = tpu.memref_slice %arg13[%dma_start3A_220, %dma_start3A_224] : memref<12x128xi32, #tpu.memory_space<vmem>> -> memref<1x128xi32, #tpu.memory_space<vmem>>
      %dma_start3A_226 = tpu.memref_squeeze %dma_start3A_225 : memref<1x128xi32, #tpu.memory_space<vmem>> -> memref<128xi32, #tpu.memory_space<vmem>>
      %dma_start3A_227 = arith.constant 0 : i32
      %dma_start3A_228 = arith.constant 0 : i32
      %dma_start3A_229 = tpu.memref_slice %arg7[%dma_start3A_227, %dma_start3A_228] : memref<10000x16xf32, #tpu.memory_space<hbm>> -> memref<10000x16xf32, #tpu.memory_space<hbm>>
      tpu.enqueue_indirect_dma source(%dma_start3A_229 : memref<10000x16xf32, #tpu.memory_space<hbm>>) target(%dma_start3A_223 : memref<128x16xf32, #tpu.memory_space<vmem>>) offsets(%dma_start3A_226 : memref<128xi32, #tpu.memory_space<vmem>>) semaphore(%arg19 : memref<!tpu.dma_semaphore, #tpu.memory_space<semaphore_mem>>)
      %dma_start3A_230 = arith.constant 1152 : i32
      %dma_start3A_231 = arith.constant 0 : i32
      %dma_start3A_232 = tpu.memref_slice %arg14[%dma_start3A_230, %dma_start3A_231] : memref<1536x16xf32, #tpu.memory_space<vmem>> -> memref<128x16xf32, #tpu.memory_space<vmem>>
      %dma_start3A_233 = arith.constant 1152 : i32
      %dma_start3A_234 = tpu.memref_slice %arg12[%dma_start3A_233] : memref<1536xi32, #tpu.memory_space<vmem>> -> memref<128xi32, #tpu.memory_space<vmem>>
      %dma_start3A_235 = arith.constant 0 : i32
      %dma_start3A_236 = arith.constant 0 : i32
      %dma_start3A_237 = tpu.memref_slice %arg6[%dma_start3A_235, %dma_start3A_236] : memref<10000x16xf32, #tpu.memory_space<hbm>> -> memref<10000x16xf32, #tpu.memory_space<hbm>>
      tpu.enqueue_indirect_dma source(%dma_start3A_237 : memref<10000x16xf32, #tpu.memory_space<hbm>>) target(%dma_start3A_232 : memref<128x16xf32, #tpu.memory_space<vmem>>) offsets(%dma_start3A_234 : memref<128xi32, #tpu.memory_space<vmem>>) semaphore(%arg19 : memref<!tpu.dma_semaphore, #tpu.memory_space<semaphore_mem>>)
      %dma_start3A_238 = arith.constant 9 : i32
      %dma_start3A_239 = arith.constant 1152 : i32
      %dma_start3A_240 = arith.constant 0 : i32
      %dma_start3A_241 = tpu.memref_slice %arg15[%dma_start3A_239, %dma_start3A_240] : memref<1536x16xf32, #tpu.memory_space<vmem>> -> memref<128x16xf32, #tpu.memory_space<vmem>>
      %dma_start3A_242 = arith.constant 0 : i32
      %dma_start3A_243 = tpu.memref_slice %arg13[%dma_start3A_238, %dma_start3A_242] : memref<12x128xi32, #tpu.memory_space<vmem>> -> memref<1x128xi32, #tpu.memory_space<vmem>>
      %dma_start3A_244 = tpu.memref_squeeze %dma_start3A_243 : memref<1x128xi32, #tpu.memory_space<vmem>> -> memref<128xi32, #tpu.memory_space<vmem>>
      %dma_start3A_245 = arith.constant 0 : i32
      %dma_start3A_246 = arith.constant 0 : i32
      %dma_start3A_247 = tpu.memref_slice %arg7[%dma_start3A_245, %dma_start3A_246] : memref<10000x16xf32, #tpu.memory_space<hbm>> -> memref<10000x16xf32, #tpu.memory_space<hbm>>
      tpu.enqueue_indirect_dma source(%dma_start3A_247 : memref<10000x16xf32, #tpu.memory_space<hbm>>) target(%dma_start3A_241 : memref<128x16xf32, #tpu.memory_space<vmem>>) offsets(%dma_start3A_244 : memref<128xi32, #tpu.memory_space<vmem>>) semaphore(%arg19 : memref<!tpu.dma_semaphore, #tpu.memory_space<semaphore_mem>>)
      %dma_start3A_248 = arith.constant 1280 : i32
      %dma_start3A_249 = arith.constant 0 : i32
      %dma_start3A_250 = tpu.memref_slice %arg14[%dma_start3A_248, %dma_start3A_249] : memref<1536x16xf32, #tpu.memory_space<vmem>> -> memref<128x16xf32, #tpu.memory_space<vmem>>
      %dma_start3A_251 = arith.constant 1280 : i32
      %dma_start3A_252 = tpu.memref_slice %arg12[%dma_start3A_251] : memref<1536xi32, #tpu.memory_space<vmem>> -> memref<128xi32, #tpu.memory_space<vmem>>
      %dma_start3A_253 = arith.constant 0 : i32
      %dma_start3A_254 = arith.constant 0 : i32
      %dma_start3A_255 = tpu.memref_slice %arg6[%dma_start3A_253, %dma_start3A_254] : memref<10000x16xf32, #tpu.memory_space<hbm>> -> memref<10000x16xf32, #tpu.memory_space<hbm>>
      tpu.enqueue_indirect_dma source(%dma_start3A_255 : memref<10000x16xf32, #tpu.memory_space<hbm>>) target(%dma_start3A_250 : memref<128x16xf32, #tpu.memory_space<vmem>>) offsets(%dma_start3A_252 : memref<128xi32, #tpu.memory_space<vmem>>) semaphore(%arg19 : memref<!tpu.dma_semaphore, #tpu.memory_space<semaphore_mem>>)
      %dma_start3A_256 = arith.constant 10 : i32
      %dma_start3A_257 = arith.constant 1280 : i32
      %dma_start3A_258 = arith.constant 0 : i32
      %dma_start3A_259 = tpu.memref_slice %arg15[%dma_start3A_257, %dma_start3A_258] : memref<1536x16xf32, #tpu.memory_space<vmem>> -> memref<128x16xf32, #tpu.memory_space<vmem>>
      %dma_start3A_260 = arith.constant 0 : i32
      %dma_start3A_261 = tpu.memref_slice %arg13[%dma_start3A_256, %dma_start3A_260] : memref<12x128xi32, #tpu.memory_space<vmem>> -> memref<1x128xi32, #tpu.memory_space<vmem>>
      %dma_start3A_262 = tpu.memref_squeeze %dma_start3A_261 : memref<1x128xi32, #tpu.memory_space<vmem>> -> memref<128xi32, #tpu.memory_space<vmem>>
      %dma_start3A_263 = arith.constant 0 : i32
      %dma_start3A_264 = arith.constant 0 : i32
      %dma_start3A_265 = tpu.memref_slice %arg7[%dma_start3A_263, %dma_start3A_264] : memref<10000x16xf32, #tpu.memory_space<hbm>> -> memref<10000x16xf32, #tpu.memory_space<hbm>>
      tpu.enqueue_indirect_dma source(%dma_start3A_265 : memref<10000x16xf32, #tpu.memory_space<hbm>>) target(%dma_start3A_259 : memref<128x16xf32, #tpu.memory_space<vmem>>) offsets(%dma_start3A_262 : memref<128xi32, #tpu.memory_space<vmem>>) semaphore(%arg19 : memref<!tpu.dma_semaphore, #tpu.memory_space<semaphore_mem>>)
      %dma_start3A_266 = arith.constant 1408 : i32
      %dma_start3A_267 = arith.constant 0 : i32
      %dma_start3A_268 = tpu.memref_slice %arg14[%dma_start3A_266, %dma_start3A_267] : memref<1536x16xf32, #tpu.memory_space<vmem>> -> memref<128x16xf32, #tpu.memory_space<vmem>>
      %dma_start3A_269 = arith.constant 1408 : i32
      %dma_start3A_270 = tpu.memref_slice %arg12[%dma_start3A_269] : memref<1536xi32, #tpu.memory_space<vmem>> -> memref<128xi32, #tpu.memory_space<vmem>>
      %dma_start3A_271 = arith.constant 0 : i32
      %dma_start3A_272 = arith.constant 0 : i32
      %dma_start3A_273 = tpu.memref_slice %arg6[%dma_start3A_271, %dma_start3A_272] : memref<10000x16xf32, #tpu.memory_space<hbm>> -> memref<10000x16xf32, #tpu.memory_space<hbm>>
      tpu.enqueue_indirect_dma source(%dma_start3A_273 : memref<10000x16xf32, #tpu.memory_space<hbm>>) target(%dma_start3A_268 : memref<128x16xf32, #tpu.memory_space<vmem>>) offsets(%dma_start3A_270 : memref<128xi32, #tpu.memory_space<vmem>>) semaphore(%arg19 : memref<!tpu.dma_semaphore, #tpu.memory_space<semaphore_mem>>)
      %dma_start3A_274 = arith.constant 11 : i32
      %dma_start3A_275 = arith.constant 1408 : i32
      %dma_start3A_276 = arith.constant 0 : i32
      %dma_start3A_277 = tpu.memref_slice %arg15[%dma_start3A_275, %dma_start3A_276] : memref<1536x16xf32, #tpu.memory_space<vmem>> -> memref<128x16xf32, #tpu.memory_space<vmem>>
      %dma_start3A_278 = arith.constant 0 : i32
      %dma_start3A_279 = tpu.memref_slice %arg13[%dma_start3A_274, %dma_start3A_278] : memref<12x128xi32, #tpu.memory_space<vmem>> -> memref<1x128xi32, #tpu.memory_space<vmem>>
      %dma_start3A_280 = tpu.memref_squeeze %dma_start3A_279 : memref<1x128xi32, #tpu.memory_space<vmem>> -> memref<128xi32, #tpu.memory_space<vmem>>
      %dma_start3A_281 = arith.constant 0 : i32
      %dma_start3A_282 = arith.constant 0 : i32
      %dma_start3A_283 = tpu.memref_slice %arg7[%dma_start3A_281, %dma_start3A_282] : memref<10000x16xf32, #tpu.memory_space<hbm>> -> memref<10000x16xf32, #tpu.memory_space<hbm>>
      tpu.enqueue_indirect_dma source(%dma_start3A_283 : memref<10000x16xf32, #tpu.memory_space<hbm>>) target(%dma_start3A_277 : memref<128x16xf32, #tpu.memory_space<vmem>>) offsets(%dma_start3A_280 : memref<128xi32, #tpu.memory_space<vmem>>) semaphore(%arg19 : memref<!tpu.dma_semaphore, #tpu.memory_space<semaphore_mem>>)
      %dma_wait3A = arith.constant 0 : i32
      %dma_wait3A_284 = arith.constant 0 : i32
      %dma_wait3A_285 = tpu.memref_slice %arg14[%dma_wait3A, %dma_wait3A_284] : memref<1536x16xf32, #tpu.memory_space<vmem>> -> memref<128x16xf32, #tpu.memory_space<vmem>>
      %dma_wait3A_286 = arith.constant 0 : i32
      %dma_wait3A_287 = tpu.memref_slice %arg12[%dma_wait3A_286] : memref<1536xi32, #tpu.memory_space<vmem>> -> memref<128xi32, #tpu.memory_space<vmem>>
      %dma_wait3A_288 = arith.constant 0 : i32
      %dma_wait3A_289 = arith.constant 0 : i32
      %dma_wait3A_290 = tpu.memref_slice %arg6[%dma_wait3A_288, %dma_wait3A_289] : memref<10000x16xf32, #tpu.memory_space<hbm>> -> memref<10000x16xf32, #tpu.memory_space<hbm>>
      tpu.wait_indirect_dma semaphore(%arg19 : memref<!tpu.dma_semaphore, #tpu.memory_space<semaphore_mem>>) src(%dma_wait3A_290 : memref<10000x16xf32, #tpu.memory_space<hbm>>) dst(%dma_wait3A_285 : memref<128x16xf32, #tpu.memory_space<vmem>>)
      %dma_wait3A_291 = arith.constant 0 : i32
      %dma_wait3A_292 = arith.constant 0 : i32
      %dma_wait3A_293 = arith.constant 0 : i32
      %dma_wait3A_294 = tpu.memref_slice %arg15[%dma_wait3A_292, %dma_wait3A_293] : memref<1536x16xf32, #tpu.memory_space<vmem>> -> memref<128x16xf32, #tpu.memory_space<vmem>>
      %dma_wait3A_295 = arith.constant 0 : i32
      %dma_wait3A_296 = tpu.memref_slice %arg13[%dma_wait3A_291, %dma_wait3A_295] : memref<12x128xi32, #tpu.memory_space<vmem>> -> memref<1x128xi32, #tpu.memory_space<vmem>>
      %dma_wait3A_297 = tpu.memref_squeeze %dma_wait3A_296 : memref<1x128xi32, #tpu.memory_space<vmem>> -> memref<128xi32, #tpu.memory_space<vmem>>
      %dma_wait3A_298 = arith.constant 0 : i32
      %dma_wait3A_299 = arith.constant 0 : i32
      %dma_wait3A_300 = tpu.memref_slice %arg7[%dma_wait3A_298, %dma_wait3A_299] : memref<10000x16xf32, #tpu.memory_space<hbm>> -> memref<10000x16xf32, #tpu.memory_space<hbm>>
      tpu.wait_indirect_dma semaphore(%arg19 : memref<!tpu.dma_semaphore, #tpu.memory_space<semaphore_mem>>) src(%dma_wait3A_300 : memref<10000x16xf32, #tpu.memory_space<hbm>>) dst(%dma_wait3A_294 : memref<128x16xf32, #tpu.memory_space<vmem>>)
      %dma_wait3A_301 = arith.constant 128 : i32
      %dma_wait3A_302 = arith.constant 0 : i32
      %dma_wait3A_303 = tpu.memref_slice %arg14[%dma_wait3A_301, %dma_wait3A_302] : memref<1536x16xf32, #tpu.memory_space<vmem>> -> memref<128x16xf32, #tpu.memory_space<vmem>>
      %dma_wait3A_304 = arith.constant 128 : i32
      %dma_wait3A_305 = tpu.memref_slice %arg12[%dma_wait3A_304] : memref<1536xi32, #tpu.memory_space<vmem>> -> memref<128xi32, #tpu.memory_space<vmem>>
      %dma_wait3A_306 = arith.constant 0 : i32
      %dma_wait3A_307 = arith.constant 0 : i32
      %dma_wait3A_308 = tpu.memref_slice %arg6[%dma_wait3A_306, %dma_wait3A_307] : memref<10000x16xf32, #tpu.memory_space<hbm>> -> memref<10000x16xf32, #tpu.memory_space<hbm>>
      tpu.wait_indirect_dma semaphore(%arg19 : memref<!tpu.dma_semaphore, #tpu.memory_space<semaphore_mem>>) src(%dma_wait3A_308 : memref<10000x16xf32, #tpu.memory_space<hbm>>) dst(%dma_wait3A_303 : memref<128x16xf32, #tpu.memory_space<vmem>>)
      %dma_wait3A_309 = arith.constant 1 : i32
      %dma_wait3A_310 = arith.constant 128 : i32
      %dma_wait3A_311 = arith.constant 0 : i32
      %dma_wait3A_312 = tpu.memref_slice %arg15[%dma_wait3A_310, %dma_wait3A_311] : memref<1536x16xf32, #tpu.memory_space<vmem>> -> memref<128x16xf32, #tpu.memory_space<vmem>>
      %dma_wait3A_313 = arith.constant 0 : i32
      %dma_wait3A_314 = tpu.memref_slice %arg13[%dma_wait3A_309, %dma_wait3A_313] : memref<12x128xi32, #tpu.memory_space<vmem>> -> memref<1x128xi32, #tpu.memory_space<vmem>>
      %dma_wait3A_315 = tpu.memref_squeeze %dma_wait3A_314 : memref<1x128xi32, #tpu.memory_space<vmem>> -> memref<128xi32, #tpu.memory_space<vmem>>
      %dma_wait3A_316 = arith.constant 0 : i32
      %dma_wait3A_317 = arith.constant 0 : i32
      %dma_wait3A_318 = tpu.memref_slice %arg7[%dma_wait3A_316, %dma_wait3A_317] : memref<10000x16xf32, #tpu.memory_space<hbm>> -> memref<10000x16xf32, #tpu.memory_space<hbm>>
      tpu.wait_indirect_dma semaphore(%arg19 : memref<!tpu.dma_semaphore, #tpu.memory_space<semaphore_mem>>) src(%dma_wait3A_318 : memref<10000x16xf32, #tpu.memory_space<hbm>>) dst(%dma_wait3A_312 : memref<128x16xf32, #tpu.memory_space<vmem>>)
      %dma_wait3A_319 = arith.constant 256 : i32
      %dma_wait3A_320 = arith.constant 0 : i32
      %dma_wait3A_321 = tpu.memref_slice %arg14[%dma_wait3A_319, %dma_wait3A_320] : memref<1536x16xf32, #tpu.memory_space<vmem>> -> memref<128x16xf32, #tpu.memory_space<vmem>>
      %dma_wait3A_322 = arith.constant 256 : i32
      %dma_wait3A_323 = tpu.memref_slice %arg12[%dma_wait3A_322] : memref<1536xi32, #tpu.memory_space<vmem>> -> memref<128xi32, #tpu.memory_space<vmem>>
      %dma_wait3A_324 = arith.constant 0 : i32
      %dma_wait3A_325 = arith.constant 0 : i32
      %dma_wait3A_326 = tpu.memref_slice %arg6[%dma_wait3A_324, %dma_wait3A_325] : memref<10000x16xf32, #tpu.memory_space<hbm>> -> memref<10000x16xf32, #tpu.memory_space<hbm>>
      tpu.wait_indirect_dma semaphore(%arg19 : memref<!tpu.dma_semaphore, #tpu.memory_space<semaphore_mem>>) src(%dma_wait3A_326 : memref<10000x16xf32, #tpu.memory_space<hbm>>) dst(%dma_wait3A_321 : memref<128x16xf32, #tpu.memory_space<vmem>>)
      %dma_wait3A_327 = arith.constant 2 : i32
      %dma_wait3A_328 = arith.constant 256 : i32
      %dma_wait3A_329 = arith.constant 0 : i32
      %dma_wait3A_330 = tpu.memref_slice %arg15[%dma_wait3A_328, %dma_wait3A_329] : memref<1536x16xf32, #tpu.memory_space<vmem>> -> memref<128x16xf32, #tpu.memory_space<vmem>>
      %dma_wait3A_331 = arith.constant 0 : i32
      %dma_wait3A_332 = tpu.memref_slice %arg13[%dma_wait3A_327, %dma_wait3A_331] : memref<12x128xi32, #tpu.memory_space<vmem>> -> memref<1x128xi32, #tpu.memory_space<vmem>>
      %dma_wait3A_333 = tpu.memref_squeeze %dma_wait3A_332 : memref<1x128xi32, #tpu.memory_space<vmem>> -> memref<128xi32, #tpu.memory_space<vmem>>
      %dma_wait3A_334 = arith.constant 0 : i32
      %dma_wait3A_335 = arith.constant 0 : i32
      %dma_wait3A_336 = tpu.memref_slice %arg7[%dma_wait3A_334, %dma_wait3A_335] : memref<10000x16xf32, #tpu.memory_space<hbm>> -> memref<10000x16xf32, #tpu.memory_space<hbm>>
      tpu.wait_indirect_dma semaphore(%arg19 : memref<!tpu.dma_semaphore, #tpu.memory_space<semaphore_mem>>) src(%dma_wait3A_336 : memref<10000x16xf32, #tpu.memory_space<hbm>>) dst(%dma_wait3A_330 : memref<128x16xf32, #tpu.memory_space<vmem>>)
      %dma_wait3A_337 = arith.constant 384 : i32
      %dma_wait3A_338 = arith.constant 0 : i32
      %dma_wait3A_339 = tpu.memref_slice %arg14[%dma_wait3A_337, %dma_wait3A_338] : memref<1536x16xf32, #tpu.memory_space<vmem>> -> memref<128x16xf32, #tpu.memory_space<vmem>>
      %dma_wait3A_340 = arith.constant 384 : i32
      %dma_wait3A_341 = tpu.memref_slice %arg12[%dma_wait3A_340] : memref<1536xi32, #tpu.memory_space<vmem>> -> memref<128xi32, #tpu.memory_space<vmem>>
      %dma_wait3A_342 = arith.constant 0 : i32
      %dma_wait3A_343 = arith.constant 0 : i32
      %dma_wait3A_344 = tpu.memref_slice %arg6[%dma_wait3A_342, %dma_wait3A_343] : memref<10000x16xf32, #tpu.memory_space<hbm>> -> memref<10000x16xf32, #tpu.memory_space<hbm>>
      tpu.wait_indirect_dma semaphore(%arg19 : memref<!tpu.dma_semaphore, #tpu.memory_space<semaphore_mem>>) src(%dma_wait3A_344 : memref<10000x16xf32, #tpu.memory_space<hbm>>) dst(%dma_wait3A_339 : memref<128x16xf32, #tpu.memory_space<vmem>>)
      %dma_wait3A_345 = arith.constant 3 : i32
      %dma_wait3A_346 = arith.constant 384 : i32
      %dma_wait3A_347 = arith.constant 0 : i32
      %dma_wait3A_348 = tpu.memref_slice %arg15[%dma_wait3A_346, %dma_wait3A_347] : memref<1536x16xf32, #tpu.memory_space<vmem>> -> memref<128x16xf32, #tpu.memory_space<vmem>>
      %dma_wait3A_349 = arith.constant 0 : i32
      %dma_wait3A_350 = tpu.memref_slice %arg13[%dma_wait3A_345, %dma_wait3A_349] : memref<12x128xi32, #tpu.memory_space<vmem>> -> memref<1x128xi32, #tpu.memory_space<vmem>>
      %dma_wait3A_351 = tpu.memref_squeeze %dma_wait3A_350 : memref<1x128xi32, #tpu.memory_space<vmem>> -> memref<128xi32, #tpu.memory_space<vmem>>
      %dma_wait3A_352 = arith.constant 0 : i32
      %dma_wait3A_353 = arith.constant 0 : i32
      %dma_wait3A_354 = tpu.memref_slice %arg7[%dma_wait3A_352, %dma_wait3A_353] : memref<10000x16xf32, #tpu.memory_space<hbm>> -> memref<10000x16xf32, #tpu.memory_space<hbm>>
      tpu.wait_indirect_dma semaphore(%arg19 : memref<!tpu.dma_semaphore, #tpu.memory_space<semaphore_mem>>) src(%dma_wait3A_354 : memref<10000x16xf32, #tpu.memory_space<hbm>>) dst(%dma_wait3A_348 : memref<128x16xf32, #tpu.memory_space<vmem>>)
      %dma_wait3A_355 = arith.constant 512 : i32
      %dma_wait3A_356 = arith.constant 0 : i32
      %dma_wait3A_357 = tpu.memref_slice %arg14[%dma_wait3A_355, %dma_wait3A_356] : memref<1536x16xf32, #tpu.memory_space<vmem>> -> memref<128x16xf32, #tpu.memory_space<vmem>>
      %dma_wait3A_358 = arith.constant 512 : i32
      %dma_wait3A_359 = tpu.memref_slice %arg12[%dma_wait3A_358] : memref<1536xi32, #tpu.memory_space<vmem>> -> memref<128xi32, #tpu.memory_space<vmem>>
      %dma_wait3A_360 = arith.constant 0 : i32
      %dma_wait3A_361 = arith.constant 0 : i32
      %dma_wait3A_362 = tpu.memref_slice %arg6[%dma_wait3A_360, %dma_wait3A_361] : memref<10000x16xf32, #tpu.memory_space<hbm>> -> memref<10000x16xf32, #tpu.memory_space<hbm>>
      tpu.wait_indirect_dma semaphore(%arg19 : memref<!tpu.dma_semaphore, #tpu.memory_space<semaphore_mem>>) src(%dma_wait3A_362 : memref<10000x16xf32, #tpu.memory_space<hbm>>) dst(%dma_wait3A_357 : memref<128x16xf32, #tpu.memory_space<vmem>>)
      %dma_wait3A_363 = arith.constant 4 : i32
      %dma_wait3A_364 = arith.constant 512 : i32
      %dma_wait3A_365 = arith.constant 0 : i32
      %dma_wait3A_366 = tpu.memref_slice %arg15[%dma_wait3A_364, %dma_wait3A_365] : memref<1536x16xf32, #tpu.memory_space<vmem>> -> memref<128x16xf32, #tpu.memory_space<vmem>>
      %dma_wait3A_367 = arith.constant 0 : i32
      %dma_wait3A_368 = tpu.memref_slice %arg13[%dma_wait3A_363, %dma_wait3A_367] : memref<12x128xi32, #tpu.memory_space<vmem>> -> memref<1x128xi32, #tpu.memory_space<vmem>>
      %dma_wait3A_369 = tpu.memref_squeeze %dma_wait3A_368 : memref<1x128xi32, #tpu.memory_space<vmem>> -> memref<128xi32, #tpu.memory_space<vmem>>
      %dma_wait3A_370 = arith.constant 0 : i32
      %dma_wait3A_371 = arith.constant 0 : i32
      %dma_wait3A_372 = tpu.memref_slice %arg7[%dma_wait3A_370, %dma_wait3A_371] : memref<10000x16xf32, #tpu.memory_space<hbm>> -> memref<10000x16xf32, #tpu.memory_space<hbm>>
      tpu.wait_indirect_dma semaphore(%arg19 : memref<!tpu.dma_semaphore, #tpu.memory_space<semaphore_mem>>) src(%dma_wait3A_372 : memref<10000x16xf32, #tpu.memory_space<hbm>>) dst(%dma_wait3A_366 : memref<128x16xf32, #tpu.memory_space<vmem>>)
      %dma_wait3A_373 = arith.constant 640 : i32
      %dma_wait3A_374 = arith.constant 0 : i32
      %dma_wait3A_375 = tpu.memref_slice %arg14[%dma_wait3A_373, %dma_wait3A_374] : memref<1536x16xf32, #tpu.memory_space<vmem>> -> memref<128x16xf32, #tpu.memory_space<vmem>>
      %dma_wait3A_376 = arith.constant 640 : i32
      %dma_wait3A_377 = tpu.memref_slice %arg12[%dma_wait3A_376] : memref<1536xi32, #tpu.memory_space<vmem>> -> memref<128xi32, #tpu.memory_space<vmem>>
      %dma_wait3A_378 = arith.constant 0 : i32
      %dma_wait3A_379 = arith.constant 0 : i32
      %dma_wait3A_380 = tpu.memref_slice %arg6[%dma_wait3A_378, %dma_wait3A_379] : memref<10000x16xf32, #tpu.memory_space<hbm>> -> memref<10000x16xf32, #tpu.memory_space<hbm>>
      tpu.wait_indirect_dma semaphore(%arg19 : memref<!tpu.dma_semaphore, #tpu.memory_space<semaphore_mem>>) src(%dma_wait3A_380 : memref<10000x16xf32, #tpu.memory_space<hbm>>) dst(%dma_wait3A_375 : memref<128x16xf32, #tpu.memory_space<vmem>>)
      %dma_wait3A_381 = arith.constant 5 : i32
      %dma_wait3A_382 = arith.constant 640 : i32
      %dma_wait3A_383 = arith.constant 0 : i32
      %dma_wait3A_384 = tpu.memref_slice %arg15[%dma_wait3A_382, %dma_wait3A_383] : memref<1536x16xf32, #tpu.memory_space<vmem>> -> memref<128x16xf32, #tpu.memory_space<vmem>>
      %dma_wait3A_385 = arith.constant 0 : i32
      %dma_wait3A_386 = tpu.memref_slice %arg13[%dma_wait3A_381, %dma_wait3A_385] : memref<12x128xi32, #tpu.memory_space<vmem>> -> memref<1x128xi32, #tpu.memory_space<vmem>>
      %dma_wait3A_387 = tpu.memref_squeeze %dma_wait3A_386 : memref<1x128xi32, #tpu.memory_space<vmem>> -> memref<128xi32, #tpu.memory_space<vmem>>
      %dma_wait3A_388 = arith.constant 0 : i32
      %dma_wait3A_389 = arith.constant 0 : i32
      %dma_wait3A_390 = tpu.memref_slice %arg7[%dma_wait3A_388, %dma_wait3A_389] : memref<10000x16xf32, #tpu.memory_space<hbm>> -> memref<10000x16xf32, #tpu.memory_space<hbm>>
      tpu.wait_indirect_dma semaphore(%arg19 : memref<!tpu.dma_semaphore, #tpu.memory_space<semaphore_mem>>) src(%dma_wait3A_390 : memref<10000x16xf32, #tpu.memory_space<hbm>>) dst(%dma_wait3A_384 : memref<128x16xf32, #tpu.memory_space<vmem>>)
      %dma_wait3A_391 = arith.constant 768 : i32
      %dma_wait3A_392 = arith.constant 0 : i32
      %dma_wait3A_393 = tpu.memref_slice %arg14[%dma_wait3A_391, %dma_wait3A_392] : memref<1536x16xf32, #tpu.memory_space<vmem>> -> memref<128x16xf32, #tpu.memory_space<vmem>>
      %dma_wait3A_394 = arith.constant 768 : i32
      %dma_wait3A_395 = tpu.memref_slice %arg12[%dma_wait3A_394] : memref<1536xi32, #tpu.memory_space<vmem>> -> memref<128xi32, #tpu.memory_space<vmem>>
      %dma_wait3A_396 = arith.constant 0 : i32
      %dma_wait3A_397 = arith.constant 0 : i32
      %dma_wait3A_398 = tpu.memref_slice %arg6[%dma_wait3A_396, %dma_wait3A_397] : memref<10000x16xf32, #tpu.memory_space<hbm>> -> memref<10000x16xf32, #tpu.memory_space<hbm>>
      tpu.wait_indirect_dma semaphore(%arg19 : memref<!tpu.dma_semaphore, #tpu.memory_space<semaphore_mem>>) src(%dma_wait3A_398 : memref<10000x16xf32, #tpu.memory_space<hbm>>) dst(%dma_wait3A_393 : memref<128x16xf32, #tpu.memory_space<vmem>>)
      %dma_wait3A_399 = arith.constant 6 : i32
      %dma_wait3A_400 = arith.constant 768 : i32
      %dma_wait3A_401 = arith.constant 0 : i32
      %dma_wait3A_402 = tpu.memref_slice %arg15[%dma_wait3A_400, %dma_wait3A_401] : memref<1536x16xf32, #tpu.memory_space<vmem>> -> memref<128x16xf32, #tpu.memory_space<vmem>>
      %dma_wait3A_403 = arith.constant 0 : i32
      %dma_wait3A_404 = tpu.memref_slice %arg13[%dma_wait3A_399, %dma_wait3A_403] : memref<12x128xi32, #tpu.memory_space<vmem>> -> memref<1x128xi32, #tpu.memory_space<vmem>>
      %dma_wait3A_405 = tpu.memref_squeeze %dma_wait3A_404 : memref<1x128xi32, #tpu.memory_space<vmem>> -> memref<128xi32, #tpu.memory_space<vmem>>
      %dma_wait3A_406 = arith.constant 0 : i32
      %dma_wait3A_407 = arith.constant 0 : i32
      %dma_wait3A_408 = tpu.memref_slice %arg7[%dma_wait3A_406, %dma_wait3A_407] : memref<10000x16xf32, #tpu.memory_space<hbm>> -> memref<10000x16xf32, #tpu.memory_space<hbm>>
      tpu.wait_indirect_dma semaphore(%arg19 : memref<!tpu.dma_semaphore, #tpu.memory_space<semaphore_mem>>) src(%dma_wait3A_408 : memref<10000x16xf32, #tpu.memory_space<hbm>>) dst(%dma_wait3A_402 : memref<128x16xf32, #tpu.memory_space<vmem>>)
      %dma_wait3A_409 = arith.constant 896 : i32
      %dma_wait3A_410 = arith.constant 0 : i32
      %dma_wait3A_411 = tpu.memref_slice %arg14[%dma_wait3A_409, %dma_wait3A_410] : memref<1536x16xf32, #tpu.memory_space<vmem>> -> memref<128x16xf32, #tpu.memory_space<vmem>>
      %dma_wait3A_412 = arith.constant 896 : i32
      %dma_wait3A_413 = tpu.memref_slice %arg12[%dma_wait3A_412] : memref<1536xi32, #tpu.memory_space<vmem>> -> memref<128xi32, #tpu.memory_space<vmem>>
      %dma_wait3A_414 = arith.constant 0 : i32
      %dma_wait3A_415 = arith.constant 0 : i32
      %dma_wait3A_416 = tpu.memref_slice %arg6[%dma_wait3A_414, %dma_wait3A_415] : memref<10000x16xf32, #tpu.memory_space<hbm>> -> memref<10000x16xf32, #tpu.memory_space<hbm>>
      tpu.wait_indirect_dma semaphore(%arg19 : memref<!tpu.dma_semaphore, #tpu.memory_space<semaphore_mem>>) src(%dma_wait3A_416 : memref<10000x16xf32, #tpu.memory_space<hbm>>) dst(%dma_wait3A_411 : memref<128x16xf32, #tpu.memory_space<vmem>>)
      %dma_wait3A_417 = arith.constant 7 : i32
      %dma_wait3A_418 = arith.constant 896 : i32
      %dma_wait3A_419 = arith.constant 0 : i32
      %dma_wait3A_420 = tpu.memref_slice %arg15[%dma_wait3A_418, %dma_wait3A_419] : memref<1536x16xf32, #tpu.memory_space<vmem>> -> memref<128x16xf32, #tpu.memory_space<vmem>>
      %dma_wait3A_421 = arith.constant 0 : i32
      %dma_wait3A_422 = tpu.memref_slice %arg13[%dma_wait3A_417, %dma_wait3A_421] : memref<12x128xi32, #tpu.memory_space<vmem>> -> memref<1x128xi32, #tpu.memory_space<vmem>>
      %dma_wait3A_423 = tpu.memref_squeeze %dma_wait3A_422 : memref<1x128xi32, #tpu.memory_space<vmem>> -> memref<128xi32, #tpu.memory_space<vmem>>
      %dma_wait3A_424 = arith.constant 0 : i32
      %dma_wait3A_425 = arith.constant 0 : i32
      %dma_wait3A_426 = tpu.memref_slice %arg7[%dma_wait3A_424, %dma_wait3A_425] : memref<10000x16xf32, #tpu.memory_space<hbm>> -> memref<10000x16xf32, #tpu.memory_space<hbm>>
      tpu.wait_indirect_dma semaphore(%arg19 : memref<!tpu.dma_semaphore, #tpu.memory_space<semaphore_mem>>) src(%dma_wait3A_426 : memref<10000x16xf32, #tpu.memory_space<hbm>>) dst(%dma_wait3A_420 : memref<128x16xf32, #tpu.memory_space<vmem>>)
      %dma_wait3A_427 = arith.constant 1024 : i32
      %dma_wait3A_428 = arith.constant 0 : i32
      %dma_wait3A_429 = tpu.memref_slice %arg14[%dma_wait3A_427, %dma_wait3A_428] : memref<1536x16xf32, #tpu.memory_space<vmem>> -> memref<128x16xf32, #tpu.memory_space<vmem>>
      %dma_wait3A_430 = arith.constant 1024 : i32
      %dma_wait3A_431 = tpu.memref_slice %arg12[%dma_wait3A_430] : memref<1536xi32, #tpu.memory_space<vmem>> -> memref<128xi32, #tpu.memory_space<vmem>>
      %dma_wait3A_432 = arith.constant 0 : i32
      %dma_wait3A_433 = arith.constant 0 : i32
      %dma_wait3A_434 = tpu.memref_slice %arg6[%dma_wait3A_432, %dma_wait3A_433] : memref<10000x16xf32, #tpu.memory_space<hbm>> -> memref<10000x16xf32, #tpu.memory_space<hbm>>
      tpu.wait_indirect_dma semaphore(%arg19 : memref<!tpu.dma_semaphore, #tpu.memory_space<semaphore_mem>>) src(%dma_wait3A_434 : memref<10000x16xf32, #tpu.memory_space<hbm>>) dst(%dma_wait3A_429 : memref<128x16xf32, #tpu.memory_space<vmem>>)
      %dma_wait3A_435 = arith.constant 8 : i32
      %dma_wait3A_436 = arith.constant 1024 : i32
      %dma_wait3A_437 = arith.constant 0 : i32
      %dma_wait3A_438 = tpu.memref_slice %arg15[%dma_wait3A_436, %dma_wait3A_437] : memref<1536x16xf32, #tpu.memory_space<vmem>> -> memref<128x16xf32, #tpu.memory_space<vmem>>
      %dma_wait3A_439 = arith.constant 0 : i32
      %dma_wait3A_440 = tpu.memref_slice %arg13[%dma_wait3A_435, %dma_wait3A_439] : memref<12x128xi32, #tpu.memory_space<vmem>> -> memref<1x128xi32, #tpu.memory_space<vmem>>
      %dma_wait3A_441 = tpu.memref_squeeze %dma_wait3A_440 : memref<1x128xi32, #tpu.memory_space<vmem>> -> memref<128xi32, #tpu.memory_space<vmem>>
      %dma_wait3A_442 = arith.constant 0 : i32
      %dma_wait3A_443 = arith.constant 0 : i32
      %dma_wait3A_444 = tpu.memref_slice %arg7[%dma_wait3A_442, %dma_wait3A_443] : memref<10000x16xf32, #tpu.memory_space<hbm>> -> memref<10000x16xf32, #tpu.memory_space<hbm>>
      tpu.wait_indirect_dma semaphore(%arg19 : memref<!tpu.dma_semaphore, #tpu.memory_space<semaphore_mem>>) src(%dma_wait3A_444 : memref<10000x16xf32, #tpu.memory_space<hbm>>) dst(%dma_wait3A_438 : memref<128x16xf32, #tpu.memory_space<vmem>>)
      %dma_wait3A_445 = arith.constant 1152 : i32
      %dma_wait3A_446 = arith.constant 0 : i32
      %dma_wait3A_447 = tpu.memref_slice %arg14[%dma_wait3A_445, %dma_wait3A_446] : memref<1536x16xf32, #tpu.memory_space<vmem>> -> memref<128x16xf32, #tpu.memory_space<vmem>>
      %dma_wait3A_448 = arith.constant 1152 : i32
      %dma_wait3A_449 = tpu.memref_slice %arg12[%dma_wait3A_448] : memref<1536xi32, #tpu.memory_space<vmem>> -> memref<128xi32, #tpu.memory_space<vmem>>
      %dma_wait3A_450 = arith.constant 0 : i32
      %dma_wait3A_451 = arith.constant 0 : i32
      %dma_wait3A_452 = tpu.memref_slice %arg6[%dma_wait3A_450, %dma_wait3A_451] : memref<10000x16xf32, #tpu.memory_space<hbm>> -> memref<10000x16xf32, #tpu.memory_space<hbm>>
      tpu.wait_indirect_dma semaphore(%arg19 : memref<!tpu.dma_semaphore, #tpu.memory_space<semaphore_mem>>) src(%dma_wait3A_452 : memref<10000x16xf32, #tpu.memory_space<hbm>>) dst(%dma_wait3A_447 : memref<128x16xf32, #tpu.memory_space<vmem>>)
      %dma_wait3A_453 = arith.constant 9 : i32
      %dma_wait3A_454 = arith.constant 1152 : i32
      %dma_wait3A_455 = arith.constant 0 : i32
      %dma_wait3A_456 = tpu.memref_slice %arg15[%dma_wait3A_454, %dma_wait3A_455] : memref<1536x16xf32, #tpu.memory_space<vmem>> -> memref<128x16xf32, #tpu.memory_space<vmem>>
      %dma_wait3A_457 = arith.constant 0 : i32
      %dma_wait3A_458 = tpu.memref_slice %arg13[%dma_wait3A_453, %dma_wait3A_457] : memref<12x128xi32, #tpu.memory_space<vmem>> -> memref<1x128xi32, #tpu.memory_space<vmem>>
      %dma_wait3A_459 = tpu.memref_squeeze %dma_wait3A_458 : memref<1x128xi32, #tpu.memory_space<vmem>> -> memref<128xi32, #tpu.memory_space<vmem>>
      %dma_wait3A_460 = arith.constant 0 : i32
      %dma_wait3A_461 = arith.constant 0 : i32
      %dma_wait3A_462 = tpu.memref_slice %arg7[%dma_wait3A_460, %dma_wait3A_461] : memref<10000x16xf32, #tpu.memory_space<hbm>> -> memref<10000x16xf32, #tpu.memory_space<hbm>>
      tpu.wait_indirect_dma semaphore(%arg19 : memref<!tpu.dma_semaphore, #tpu.memory_space<semaphore_mem>>) src(%dma_wait3A_462 : memref<10000x16xf32, #tpu.memory_space<hbm>>) dst(%dma_wait3A_456 : memref<128x16xf32, #tpu.memory_space<vmem>>)
      %dma_wait3A_463 = arith.constant 1280 : i32
      %dma_wait3A_464 = arith.constant 0 : i32
      %dma_wait3A_465 = tpu.memref_slice %arg14[%dma_wait3A_463, %dma_wait3A_464] : memref<1536x16xf32, #tpu.memory_space<vmem>> -> memref<128x16xf32, #tpu.memory_space<vmem>>
      %dma_wait3A_466 = arith.constant 1280 : i32
      %dma_wait3A_467 = tpu.memref_slice %arg12[%dma_wait3A_466] : memref<1536xi32, #tpu.memory_space<vmem>> -> memref<128xi32, #tpu.memory_space<vmem>>
      %dma_wait3A_468 = arith.constant 0 : i32
      %dma_wait3A_469 = arith.constant 0 : i32
      %dma_wait3A_470 = tpu.memref_slice %arg6[%dma_wait3A_468, %dma_wait3A_469] : memref<10000x16xf32, #tpu.memory_space<hbm>> -> memref<10000x16xf32, #tpu.memory_space<hbm>>
      tpu.wait_indirect_dma semaphore(%arg19 : memref<!tpu.dma_semaphore, #tpu.memory_space<semaphore_mem>>) src(%dma_wait3A_470 : memref<10000x16xf32, #tpu.memory_space<hbm>>) dst(%dma_wait3A_465 : memref<128x16xf32, #tpu.memory_space<vmem>>)
      %dma_wait3A_471 = arith.constant 10 : i32
      %dma_wait3A_472 = arith.constant 1280 : i32
      %dma_wait3A_473 = arith.constant 0 : i32
      %dma_wait3A_474 = tpu.memref_slice %arg15[%dma_wait3A_472, %dma_wait3A_473] : memref<1536x16xf32, #tpu.memory_space<vmem>> -> memref<128x16xf32, #tpu.memory_space<vmem>>
      %dma_wait3A_475 = arith.constant 0 : i32
      %dma_wait3A_476 = tpu.memref_slice %arg13[%dma_wait3A_471, %dma_wait3A_475] : memref<12x128xi32, #tpu.memory_space<vmem>> -> memref<1x128xi32, #tpu.memory_space<vmem>>
      %dma_wait3A_477 = tpu.memref_squeeze %dma_wait3A_476 : memref<1x128xi32, #tpu.memory_space<vmem>> -> memref<128xi32, #tpu.memory_space<vmem>>
      %dma_wait3A_478 = arith.constant 0 : i32
      %dma_wait3A_479 = arith.constant 0 : i32
      %dma_wait3A_480 = tpu.memref_slice %arg7[%dma_wait3A_478, %dma_wait3A_479] : memref<10000x16xf32, #tpu.memory_space<hbm>> -> memref<10000x16xf32, #tpu.memory_space<hbm>>
      tpu.wait_indirect_dma semaphore(%arg19 : memref<!tpu.dma_semaphore, #tpu.memory_space<semaphore_mem>>) src(%dma_wait3A_480 : memref<10000x16xf32, #tpu.memory_space<hbm>>) dst(%dma_wait3A_474 : memref<128x16xf32, #tpu.memory_space<vmem>>)
      %dma_wait3A_481 = arith.constant 1408 : i32
      %dma_wait3A_482 = arith.constant 0 : i32
      %dma_wait3A_483 = tpu.memref_slice %arg14[%dma_wait3A_481, %dma_wait3A_482] : memref<1536x16xf32, #tpu.memory_space<vmem>> -> memref<128x16xf32, #tpu.memory_space<vmem>>
      %dma_wait3A_484 = arith.constant 1408 : i32
      %dma_wait3A_485 = tpu.memref_slice %arg12[%dma_wait3A_484] : memref<1536xi32, #tpu.memory_space<vmem>> -> memref<128xi32, #tpu.memory_space<vmem>>
      %dma_wait3A_486 = arith.constant 0 : i32
      %dma_wait3A_487 = arith.constant 0 : i32
      %dma_wait3A_488 = tpu.memref_slice %arg6[%dma_wait3A_486, %dma_wait3A_487] : memref<10000x16xf32, #tpu.memory_space<hbm>> -> memref<10000x16xf32, #tpu.memory_space<hbm>>
      tpu.wait_indirect_dma semaphore(%arg19 : memref<!tpu.dma_semaphore, #tpu.memory_space<semaphore_mem>>) src(%dma_wait3A_488 : memref<10000x16xf32, #tpu.memory_space<hbm>>) dst(%dma_wait3A_483 : memref<128x16xf32, #tpu.memory_space<vmem>>)
      %dma_wait3A_489 = arith.constant 11 : i32
      %dma_wait3A_490 = arith.constant 1408 : i32
      %dma_wait3A_491 = arith.constant 0 : i32
      %dma_wait3A_492 = tpu.memref_slice %arg15[%dma_wait3A_490, %dma_wait3A_491] : memref<1536x16xf32, #tpu.memory_space<vmem>> -> memref<128x16xf32, #tpu.memory_space<vmem>>
      %dma_wait3A_493 = arith.constant 0 : i32
      %dma_wait3A_494 = tpu.memref_slice %arg13[%dma_wait3A_489, %dma_wait3A_493] : memref<12x128xi32, #tpu.memory_space<vmem>> -> memref<1x128xi32, #tpu.memory_space<vmem>>
      %dma_wait3A_495 = tpu.memref_squeeze %dma_wait3A_494 : memref<1x128xi32, #tpu.memory_space<vmem>> -> memref<128xi32, #tpu.memory_space<vmem>>
      %dma_wait3A_496 = arith.constant 0 : i32
      %dma_wait3A_497 = arith.constant 0 : i32
      %dma_wait3A_498 = tpu.memref_slice %arg7[%dma_wait3A_496, %dma_wait3A_497] : memref<10000x16xf32, #tpu.memory_space<hbm>> -> memref<10000x16xf32, #tpu.memory_space<hbm>>
      tpu.wait_indirect_dma semaphore(%arg19 : memref<!tpu.dma_semaphore, #tpu.memory_space<semaphore_mem>>) src(%dma_wait3A_498 : memref<10000x16xf32, #tpu.memory_space<hbm>>) dst(%dma_wait3A_492 : memref<128x16xf32, #tpu.memory_space<vmem>>)
      %scan3A_499 = arith.constant 0 : i32
      %scan3A_500 = arith.constant 0 : i32
      %scan3A_501 = arith.constant 1536 : i32
      %scan3A_502 = arith.addi %scan3A_500, %scan3A_501 : i32
      %scan3A_503 = arith.constant 1 : i32
      scf.for %scan3A_517 = %scan3A_500 to %scan3A_502 step %scan3A_503  : i32 {
        %add3A_518 = arith.addi %add3A_32, %scan3A_517 : i32
        %lt3A_519 = arith.constant 320000 : i32
        %lt3A_520 = arith.cmpi slt, %add3A_518, %lt3A_519 : i32
        %get3A_521 = arith.index_cast %scan3A_517 : i32 to index
        %get3A_522 = arith.constant 0 : index
        %get3A_523 = tpu.vector_load %arg16[%get3A_521, %get3A_522] {strides = array<i32>} : memref<1536x16xf32, #tpu.memory_space<vmem>>, vector<1x16xf32>,
        %get3A_524 = vector.shape_cast %get3A_523 : vector<1x16xf32> to vector<16xf32>
        %select_n3A = arith.select %lt3A_520, %get3A_524, %get3A_10 : vector<16xf32>
        %get3A_525 = arith.index_cast %scan3A_517 : i32 to index
        %get3A_526 = arith.constant 0 : index
        %get3A_527 = tpu.vector_load %arg14[%get3A_525, %get3A_526] {strides = array<i32>} : memref<1536x16xf32, #tpu.memory_space<vmem>>, vector<1x16xf32>,
        %get3A_528 = vector.shape_cast %get3A_527 : vector<1x16xf32> to vector<16xf32>
        %get3A_529 = arith.index_cast %scan3A_517 : i32 to index
        %get3A_530 = arith.constant 0 : index
        %get3A_531 = tpu.vector_load %arg15[%get3A_529, %get3A_530] {strides = array<i32>} : memref<1536x16xf32, #tpu.memory_space<vmem>>, vector<1x16xf32>,
        %get3A_532 = vector.shape_cast %get3A_531 : vector<1x16xf32> to vector<16xf32>
        %add3A_533 = arith.addf %get3A_528, %get3A_532 : vector<16xf32>
        %add3A_534 = arith.addf %add3A_533, %select_n3A : vector<16xf32>
        %ge3A = arith.constant 0.000000e+00 : f32
        %ge3A_535 = vector.broadcast %ge3A : f32 to vector<16xf32>
        %ge3A_536 = arith.cmpf oge, %add3A_534, %ge3A_535 : vector<16xf32>
        %mul3A_537 = arith.constant 2.000000e-01 : f32
        %mul3A_538 = vector.broadcast %mul3A_537 : f32 to vector<16xf32>
        %mul3A_539 = arith.mulf %mul3A_538, %add3A_534 : vector<16xf32>
        %select_n3A_540 = arith.select %ge3A_536, %add3A_534, %mul3A_539 : vector<16xi1>, vector<16xf32>
        %exp3A = math.exp %select_n3A_540 : vector<16xf32>
        %lt3A_541 = arith.constant 330000 : i32
        %lt3A_542 = arith.cmpi slt, %add3A_518, %lt3A_541 : i32
        %jit3A = arith.constant 0.000000e+00 : f32
        %broadcast_in_dim3A = vector.broadcast %jit3A : f32 to vector<16xf32>
        %select_n3A_543 = arith.select %lt3A_542, %exp3A, %broadcast_in_dim3A : vector<16xf32>
        %swap3A = arith.index_cast %scan3A_517 : i32 to index
        %swap3A_544 = arith.constant 0 : index
        %swap3A_545 = tpu.vector_load %arg17[%swap3A, %swap3A_544] {strides = array<i32>} : memref<1536x16xf32, #tpu.memory_space<vmem>>, vector<1x16xf32>,
        %swap3A_546 = vector.shape_cast %swap3A_545 : vector<1x16xf32> to vector<16xf32>
        %swap3A_547 = vector.shape_cast %select_n3A_543 : vector<16xf32> to vector<1x16xf32>
        tpu.vector_store %arg17[%swap3A, %swap3A_544], %swap3A_547 {strides = array<i32>} : memref<1536x16xf32, #tpu.memory_space<vmem>>, vector<1x16xf32>,
      }
      %scan3A_504 = arith.constant 1536 : i32
      "tpu.region"() ({
        %run_scoped3A_517 = tpu.sem_alloc : memref<!tpu.dma_semaphore, #tpu.memory_space<semaphore_mem>>
        %dma_start3A_518 = arith.constant 0 : i32
        %dma_start3A_519 = tpu.memref_slice %arg9[%add3A_32, %dma_start3A_518] : memref<344064x16xf32, #tpu.memory_space<hbm>> -> memref<1536x16xf32, #tpu.memory_space<hbm>>
        %dma_start3A_520 = arith.constant 0 : i32
        %dma_start3A_521 = tpu.memref_slice %arg9[%add3A_32, %dma_start3A_520] : memref<344064x16xf32, #tpu.memory_space<hbm>> -> memref<1536x16xf32, #tpu.memory_space<hbm>>
        tpu.enqueue_dma source(%arg17 : memref<1536x16xf32, #tpu.memory_space<vmem>>) target(%dma_start3A_521 : memref<1536x16xf32, #tpu.memory_space<hbm>>) target_semaphore(%run_scoped3A_517 : memref<!tpu.dma_semaphore, #tpu.memory_space<semaphore_mem>>)
        %dma_wait3A_522 = arith.constant 0 : i32
        %dma_wait3A_523 = tpu.memref_slice %arg9[%add3A_32, %dma_wait3A_522] : memref<344064x16xf32, #tpu.memory_space<hbm>> -> memref<1536x16xf32, #tpu.memory_space<hbm>>
        %dma_wait3A_524 = arith.constant 0 : i32
        %dma_wait3A_525 = tpu.memref_slice %arg9[%add3A_32, %dma_wait3A_524] : memref<344064x16xf32, #tpu.memory_space<hbm>> -> memref<1536x16xf32, #tpu.memory_space<hbm>>
        tpu.wait_dma2 semaphore(%run_scoped3A_517 : memref<!tpu.dma_semaphore, #tpu.memory_space<semaphore_mem>>) src(%arg17 : memref<1536x16xf32, #tpu.memory_space<vmem>>) dst(%dma_wait3A_525 : memref<1536x16xf32, #tpu.memory_space<hbm>>)
        tpu.yield
      }) : () -> ()
      %run_scoped3A_505 = arith.constant 0 : i32
      "tpu.region"() ({
        %run_scoped3A_517 = tpu.sem_alloc : memref<!tpu.dma_semaphore, #tpu.memory_space<semaphore_mem>>
        %dma_start3A_518 = arith.constant 0 : i32
        %dma_start3A_519 = arith.constant 0 : i32
        %dma_start3A_520 = tpu.memref_slice %arg17[%dma_start3A_518, %dma_start3A_519] : memref<1536x16xf32, #tpu.memory_space<vmem>> -> memref<128x16xf32, #tpu.memory_space<vmem>>
        %dma_start3A_521 = arith.constant 0 : i32
        %dma_start3A_522 = tpu.memref_slice %arg13[%run_scoped3A_505, %dma_start3A_521] : memref<12x128xi32, #tpu.memory_space<vmem>> -> memref<1x128xi32, #tpu.memory_space<vmem>>
        %dma_start3A_523 = tpu.memref_squeeze %dma_start3A_522 : memref<1x128xi32, #tpu.memory_space<vmem>> -> memref<128xi32, #tpu.memory_space<vmem>>
        %dma_start3A_524 = arith.constant 0 : i32
        %dma_start3A_525 = arith.constant 0 : i32
        %dma_start3A_526 = tpu.memref_slice %arg11[%dma_start3A_524, %dma_start3A_525] : memref<10000x16xf32, #tpu.memory_space<vmem_shared>> -> memref<10000x16xf32, #tpu.memory_space<vmem_shared>>
        tpu.enqueue_indirect_dma source(%dma_start3A_520 : memref<128x16xf32, #tpu.memory_space<vmem>>) target(%dma_start3A_526 : memref<10000x16xf32, #tpu.memory_space<vmem_shared>>) offsets(%dma_start3A_523 : memref<128xi32, #tpu.memory_space<vmem>>) semaphore(%run_scoped3A_517 : memref<!tpu.dma_semaphore, #tpu.memory_space<semaphore_mem>>) {add = true}
        %dma_wait3A_527 = arith.constant 0 : i32
        %dma_wait3A_528 = arith.constant 0 : i32
        %dma_wait3A_529 = tpu.memref_slice %arg17[%dma_wait3A_527, %dma_wait3A_528] : memref<1536x16xf32, #tpu.memory_space<vmem>> -> memref<128x16xf32, #tpu.memory_space<vmem>>
        %dma_wait3A_530 = arith.constant 0 : i32
        %dma_wait3A_531 = tpu.memref_slice %arg13[%run_scoped3A_505, %dma_wait3A_530] : memref<12x128xi32, #tpu.memory_space<vmem>> -> memref<1x128xi32, #tpu.memory_space<vmem>>
        %dma_wait3A_532 = tpu.memref_squeeze %dma_wait3A_531 : memref<1x128xi32, #tpu.memory_space<vmem>> -> memref<128xi32, #tpu.memory_space<vmem>>
        %dma_wait3A_533 = arith.constant 0 : i32
        %dma_wait3A_534 = arith.constant 0 : i32
        %dma_wait3A_535 = tpu.memref_slice %arg11[%dma_wait3A_533, %dma_wait3A_534] : memref<10000x16xf32, #tpu.memory_space<vmem_shared>> -> memref<10000x16xf32, #tpu.memory_space<vmem_shared>>
        tpu.wait_indirect_dma semaphore(%run_scoped3A_517 : memref<!tpu.dma_semaphore, #tpu.memory_space<semaphore_mem>>) src(%dma_wait3A_529 : memref<128x16xf32, #tpu.memory_space<vmem>>) dst(%dma_wait3A_535 : memref<10000x16xf32, #tpu.memory_space<vmem_shared>>)
        tpu.yield
      }) : () -> ()
      %run_scoped3A_506 = arith.constant 1 : i32
      "tpu.region"() ({
        %run_scoped3A_517 = tpu.sem_alloc : memref<!tpu.dma_semaphore, #tpu.memory_space<semaphore_mem>>
        %dma_start3A_518 = arith.constant 128 : i32
        %dma_start3A_519 = arith.constant 0 : i32
        %dma_start3A_520 = tpu.memref_slice %arg17[%dma_start3A_518, %dma_start3A_519] : memref<1536x16xf32, #tpu.memory_space<vmem>> -> memref<128x16xf32, #tpu.memory_space<vmem>>
        %dma_start3A_521 = arith.constant 0 : i32
        %dma_start3A_522 = tpu.memref_slice %arg13[%run_scoped3A_506, %dma_start3A_521] : memref<12x128xi32, #tpu.memory_space<vmem>> -> memref<1x128xi32, #tpu.memory_space<vmem>>
        %dma_start3A_523 = tpu.memref_squeeze %dma_start3A_522 : memref<1x128xi32, #tpu.memory_space<vmem>> -> memref<128xi32, #tpu.memory_space<vmem>>
        %dma_start3A_524 = arith.constant 0 : i32
        %dma_start3A_525 = arith.constant 0 : i32
        %dma_start3A_526 = tpu.memref_slice %arg11[%dma_start3A_524, %dma_start3A_525] : memref<10000x16xf32, #tpu.memory_space<vmem_shared>> -> memref<10000x16xf32, #tpu.memory_space<vmem_shared>>
        tpu.enqueue_indirect_dma source(%dma_start3A_520 : memref<128x16xf32, #tpu.memory_space<vmem>>) target(%dma_start3A_526 : memref<10000x16xf32, #tpu.memory_space<vmem_shared>>) offsets(%dma_start3A_523 : memref<128xi32, #tpu.memory_space<vmem>>) semaphore(%run_scoped3A_517 : memref<!tpu.dma_semaphore, #tpu.memory_space<semaphore_mem>>) {add = true}
        %dma_wait3A_527 = arith.constant 128 : i32
        %dma_wait3A_528 = arith.constant 0 : i32
        %dma_wait3A_529 = tpu.memref_slice %arg17[%dma_wait3A_527, %dma_wait3A_528] : memref<1536x16xf32, #tpu.memory_space<vmem>> -> memref<128x16xf32, #tpu.memory_space<vmem>>
        %dma_wait3A_530 = arith.constant 0 : i32
        %dma_wait3A_531 = tpu.memref_slice %arg13[%run_scoped3A_506, %dma_wait3A_530] : memref<12x128xi32, #tpu.memory_space<vmem>> -> memref<1x128xi32, #tpu.memory_space<vmem>>
        %dma_wait3A_532 = tpu.memref_squeeze %dma_wait3A_531 : memref<1x128xi32, #tpu.memory_space<vmem>> -> memref<128xi32, #tpu.memory_space<vmem>>
        %dma_wait3A_533 = arith.constant 0 : i32
        %dma_wait3A_534 = arith.constant 0 : i32
        %dma_wait3A_535 = tpu.memref_slice %arg11[%dma_wait3A_533, %dma_wait3A_534] : memref<10000x16xf32, #tpu.memory_space<vmem_shared>> -> memref<10000x16xf32, #tpu.memory_space<vmem_shared>>
        tpu.wait_indirect_dma semaphore(%run_scoped3A_517 : memref<!tpu.dma_semaphore, #tpu.memory_space<semaphore_mem>>) src(%dma_wait3A_529 : memref<128x16xf32, #tpu.memory_space<vmem>>) dst(%dma_wait3A_535 : memref<10000x16xf32, #tpu.memory_space<vmem_shared>>)
        tpu.yield
      }) : () -> ()
      %run_scoped3A_507 = arith.constant 2 : i32
      "tpu.region"() ({
        %run_scoped3A_517 = tpu.sem_alloc : memref<!tpu.dma_semaphore, #tpu.memory_space<semaphore_mem>>
        %dma_start3A_518 = arith.constant 256 : i32
        %dma_start3A_519 = arith.constant 0 : i32
        %dma_start3A_520 = tpu.memref_slice %arg17[%dma_start3A_518, %dma_start3A_519] : memref<1536x16xf32, #tpu.memory_space<vmem>> -> memref<128x16xf32, #tpu.memory_space<vmem>>
        %dma_start3A_521 = arith.constant 0 : i32
        %dma_start3A_522 = tpu.memref_slice %arg13[%run_scoped3A_507, %dma_start3A_521] : memref<12x128xi32, #tpu.memory_space<vmem>> -> memref<1x128xi32, #tpu.memory_space<vmem>>
        %dma_start3A_523 = tpu.memref_squeeze %dma_start3A_522 : memref<1x128xi32, #tpu.memory_space<vmem>> -> memref<128xi32, #tpu.memory_space<vmem>>
        %dma_start3A_524 = arith.constant 0 : i32
        %dma_start3A_525 = arith.constant 0 : i32
        %dma_start3A_526 = tpu.memref_slice %arg11[%dma_start3A_524, %dma_start3A_525] : memref<10000x16xf32, #tpu.memory_space<vmem_shared>> -> memref<10000x16xf32, #tpu.memory_space<vmem_shared>>
        tpu.enqueue_indirect_dma source(%dma_start3A_520 : memref<128x16xf32, #tpu.memory_space<vmem>>) target(%dma_start3A_526 : memref<10000x16xf32, #tpu.memory_space<vmem_shared>>) offsets(%dma_start3A_523 : memref<128xi32, #tpu.memory_space<vmem>>) semaphore(%run_scoped3A_517 : memref<!tpu.dma_semaphore, #tpu.memory_space<semaphore_mem>>) {add = true}
        %dma_wait3A_527 = arith.constant 256 : i32
        %dma_wait3A_528 = arith.constant 0 : i32
        %dma_wait3A_529 = tpu.memref_slice %arg17[%dma_wait3A_527, %dma_wait3A_528] : memref<1536x16xf32, #tpu.memory_space<vmem>> -> memref<128x16xf32, #tpu.memory_space<vmem>>
        %dma_wait3A_530 = arith.constant 0 : i32
        %dma_wait3A_531 = tpu.memref_slice %arg13[%run_scoped3A_507, %dma_wait3A_530] : memref<12x128xi32, #tpu.memory_space<vmem>> -> memref<1x128xi32, #tpu.memory_space<vmem>>
        %dma_wait3A_532 = tpu.memref_squeeze %dma_wait3A_531 : memref<1x128xi32, #tpu.memory_space<vmem>> -> memref<128xi32, #tpu.memory_space<vmem>>
        %dma_wait3A_533 = arith.constant 0 : i32
        %dma_wait3A_534 = arith.constant 0 : i32
        %dma_wait3A_535 = tpu.memref_slice %arg11[%dma_wait3A_533, %dma_wait3A_534] : memref<10000x16xf32, #tpu.memory_space<vmem_shared>> -> memref<10000x16xf32, #tpu.memory_space<vmem_shared>>
        tpu.wait_indirect_dma semaphore(%run_scoped3A_517 : memref<!tpu.dma_semaphore, #tpu.memory_space<semaphore_mem>>) src(%dma_wait3A_529 : memref<128x16xf32, #tpu.memory_space<vmem>>) dst(%dma_wait3A_535 : memref<10000x16xf32, #tpu.memory_space<vmem_shared>>)
        tpu.yield
      }) : () -> ()
      %run_scoped3A_508 = arith.constant 3 : i32
      "tpu.region"() ({
        %run_scoped3A_517 = tpu.sem_alloc : memref<!tpu.dma_semaphore, #tpu.memory_space<semaphore_mem>>
        %dma_start3A_518 = arith.constant 384 : i32
        %dma_start3A_519 = arith.constant 0 : i32
        %dma_start3A_520 = tpu.memref_slice %arg17[%dma_start3A_518, %dma_start3A_519] : memref<1536x16xf32, #tpu.memory_space<vmem>> -> memref<128x16xf32, #tpu.memory_space<vmem>>
        %dma_start3A_521 = arith.constant 0 : i32
        %dma_start3A_522 = tpu.memref_slice %arg13[%run_scoped3A_508, %dma_start3A_521] : memref<12x128xi32, #tpu.memory_space<vmem>> -> memref<1x128xi32, #tpu.memory_space<vmem>>
        %dma_start3A_523 = tpu.memref_squeeze %dma_start3A_522 : memref<1x128xi32, #tpu.memory_space<vmem>> -> memref<128xi32, #tpu.memory_space<vmem>>
        %dma_start3A_524 = arith.constant 0 : i32
        %dma_start3A_525 = arith.constant 0 : i32
        %dma_start3A_526 = tpu.memref_slice %arg11[%dma_start3A_524, %dma_start3A_525] : memref<10000x16xf32, #tpu.memory_space<vmem_shared>> -> memref<10000x16xf32, #tpu.memory_space<vmem_shared>>
        tpu.enqueue_indirect_dma source(%dma_start3A_520 : memref<128x16xf32, #tpu.memory_space<vmem>>) target(%dma_start3A_526 : memref<10000x16xf32, #tpu.memory_space<vmem_shared>>) offsets(%dma_start3A_523 : memref<128xi32, #tpu.memory_space<vmem>>) semaphore(%run_scoped3A_517 : memref<!tpu.dma_semaphore, #tpu.memory_space<semaphore_mem>>) {add = true}
        %dma_wait3A_527 = arith.constant 384 : i32
        %dma_wait3A_528 = arith.constant 0 : i32
        %dma_wait3A_529 = tpu.memref_slice %arg17[%dma_wait3A_527, %dma_wait3A_528] : memref<1536x16xf32, #tpu.memory_space<vmem>> -> memref<128x16xf32, #tpu.memory_space<vmem>>
        %dma_wait3A_530 = arith.constant 0 : i32
        %dma_wait3A_531 = tpu.memref_slice %arg13[%run_scoped3A_508, %dma_wait3A_530] : memref<12x128xi32, #tpu.memory_space<vmem>> -> memref<1x128xi32, #tpu.memory_space<vmem>>
        %dma_wait3A_532 = tpu.memref_squeeze %dma_wait3A_531 : memref<1x128xi32, #tpu.memory_space<vmem>> -> memref<128xi32, #tpu.memory_space<vmem>>
        %dma_wait3A_533 = arith.constant 0 : i32
        %dma_wait3A_534 = arith.constant 0 : i32
        %dma_wait3A_535 = tpu.memref_slice %arg11[%dma_wait3A_533, %dma_wait3A_534] : memref<10000x16xf32, #tpu.memory_space<vmem_shared>> -> memref<10000x16xf32, #tpu.memory_space<vmem_shared>>
        tpu.wait_indirect_dma semaphore(%run_scoped3A_517 : memref<!tpu.dma_semaphore, #tpu.memory_space<semaphore_mem>>) src(%dma_wait3A_529 : memref<128x16xf32, #tpu.memory_space<vmem>>) dst(%dma_wait3A_535 : memref<10000x16xf32, #tpu.memory_space<vmem_shared>>)
        tpu.yield
      }) : () -> ()
      %run_scoped3A_509 = arith.constant 4 : i32
      "tpu.region"() ({
        %run_scoped3A_517 = tpu.sem_alloc : memref<!tpu.dma_semaphore, #tpu.memory_space<semaphore_mem>>
        %dma_start3A_518 = arith.constant 512 : i32
        %dma_start3A_519 = arith.constant 0 : i32
        %dma_start3A_520 = tpu.memref_slice %arg17[%dma_start3A_518, %dma_start3A_519] : memref<1536x16xf32, #tpu.memory_space<vmem>> -> memref<128x16xf32, #tpu.memory_space<vmem>>
        %dma_start3A_521 = arith.constant 0 : i32
        %dma_start3A_522 = tpu.memref_slice %arg13[%run_scoped3A_509, %dma_start3A_521] : memref<12x128xi32, #tpu.memory_space<vmem>> -> memref<1x128xi32, #tpu.memory_space<vmem>>
        %dma_start3A_523 = tpu.memref_squeeze %dma_start3A_522 : memref<1x128xi32, #tpu.memory_space<vmem>> -> memref<128xi32, #tpu.memory_space<vmem>>
        %dma_start3A_524 = arith.constant 0 : i32
        %dma_start3A_525 = arith.constant 0 : i32
        %dma_start3A_526 = tpu.memref_slice %arg11[%dma_start3A_524, %dma_start3A_525] : memref<10000x16xf32, #tpu.memory_space<vmem_shared>> -> memref<10000x16xf32, #tpu.memory_space<vmem_shared>>
        tpu.enqueue_indirect_dma source(%dma_start3A_520 : memref<128x16xf32, #tpu.memory_space<vmem>>) target(%dma_start3A_526 : memref<10000x16xf32, #tpu.memory_space<vmem_shared>>) offsets(%dma_start3A_523 : memref<128xi32, #tpu.memory_space<vmem>>) semaphore(%run_scoped3A_517 : memref<!tpu.dma_semaphore, #tpu.memory_space<semaphore_mem>>) {add = true}
        %dma_wait3A_527 = arith.constant 512 : i32
        %dma_wait3A_528 = arith.constant 0 : i32
        %dma_wait3A_529 = tpu.memref_slice %arg17[%dma_wait3A_527, %dma_wait3A_528] : memref<1536x16xf32, #tpu.memory_space<vmem>> -> memref<128x16xf32, #tpu.memory_space<vmem>>
        %dma_wait3A_530 = arith.constant 0 : i32
        %dma_wait3A_531 = tpu.memref_slice %arg13[%run_scoped3A_509, %dma_wait3A_530] : memref<12x128xi32, #tpu.memory_space<vmem>> -> memref<1x128xi32, #tpu.memory_space<vmem>>
        %dma_wait3A_532 = tpu.memref_squeeze %dma_wait3A_531 : memref<1x128xi32, #tpu.memory_space<vmem>> -> memref<128xi32, #tpu.memory_space<vmem>>
        %dma_wait3A_533 = arith.constant 0 : i32
        %dma_wait3A_534 = arith.constant 0 : i32
        %dma_wait3A_535 = tpu.memref_slice %arg11[%dma_wait3A_533, %dma_wait3A_534] : memref<10000x16xf32, #tpu.memory_space<vmem_shared>> -> memref<10000x16xf32, #tpu.memory_space<vmem_shared>>
        tpu.wait_indirect_dma semaphore(%run_scoped3A_517 : memref<!tpu.dma_semaphore, #tpu.memory_space<semaphore_mem>>) src(%dma_wait3A_529 : memref<128x16xf32, #tpu.memory_space<vmem>>) dst(%dma_wait3A_535 : memref<10000x16xf32, #tpu.memory_space<vmem_shared>>)
        tpu.yield
      }) : () -> ()
      %run_scoped3A_510 = arith.constant 5 : i32
      "tpu.region"() ({
        %run_scoped3A_517 = tpu.sem_alloc : memref<!tpu.dma_semaphore, #tpu.memory_space<semaphore_mem>>
        %dma_start3A_518 = arith.constant 640 : i32
        %dma_start3A_519 = arith.constant 0 : i32
        %dma_start3A_520 = tpu.memref_slice %arg17[%dma_start3A_518, %dma_start3A_519] : memref<1536x16xf32, #tpu.memory_space<vmem>> -> memref<128x16xf32, #tpu.memory_space<vmem>>
        %dma_start3A_521 = arith.constant 0 : i32
        %dma_start3A_522 = tpu.memref_slice %arg13[%run_scoped3A_510, %dma_start3A_521] : memref<12x128xi32, #tpu.memory_space<vmem>> -> memref<1x128xi32, #tpu.memory_space<vmem>>
        %dma_start3A_523 = tpu.memref_squeeze %dma_start3A_522 : memref<1x128xi32, #tpu.memory_space<vmem>> -> memref<128xi32, #tpu.memory_space<vmem>>
        %dma_start3A_524 = arith.constant 0 : i32
        %dma_start3A_525 = arith.constant 0 : i32
        %dma_start3A_526 = tpu.memref_slice %arg11[%dma_start3A_524, %dma_start3A_525] : memref<10000x16xf32, #tpu.memory_space<vmem_shared>> -> memref<10000x16xf32, #tpu.memory_space<vmem_shared>>
        tpu.enqueue_indirect_dma source(%dma_start3A_520 : memref<128x16xf32, #tpu.memory_space<vmem>>) target(%dma_start3A_526 : memref<10000x16xf32, #tpu.memory_space<vmem_shared>>) offsets(%dma_start3A_523 : memref<128xi32, #tpu.memory_space<vmem>>) semaphore(%run_scoped3A_517 : memref<!tpu.dma_semaphore, #tpu.memory_space<semaphore_mem>>) {add = true}
        %dma_wait3A_527 = arith.constant 640 : i32
        %dma_wait3A_528 = arith.constant 0 : i32
        %dma_wait3A_529 = tpu.memref_slice %arg17[%dma_wait3A_527, %dma_wait3A_528] : memref<1536x16xf32, #tpu.memory_space<vmem>> -> memref<128x16xf32, #tpu.memory_space<vmem>>
        %dma_wait3A_530 = arith.constant 0 : i32
        %dma_wait3A_531 = tpu.memref_slice %arg13[%run_scoped3A_510, %dma_wait3A_530] : memref<12x128xi32, #tpu.memory_space<vmem>> -> memref<1x128xi32, #tpu.memory_space<vmem>>
        %dma_wait3A_532 = tpu.memref_squeeze %dma_wait3A_531 : memref<1x128xi32, #tpu.memory_space<vmem>> -> memref<128xi32, #tpu.memory_space<vmem>>
        %dma_wait3A_533 = arith.constant 0 : i32
        %dma_wait3A_534 = arith.constant 0 : i32
        %dma_wait3A_535 = tpu.memref_slice %arg11[%dma_wait3A_533, %dma_wait3A_534] : memref<10000x16xf32, #tpu.memory_space<vmem_shared>> -> memref<10000x16xf32, #tpu.memory_space<vmem_shared>>
        tpu.wait_indirect_dma semaphore(%run_scoped3A_517 : memref<!tpu.dma_semaphore, #tpu.memory_space<semaphore_mem>>) src(%dma_wait3A_529 : memref<128x16xf32, #tpu.memory_space<vmem>>) dst(%dma_wait3A_535 : memref<10000x16xf32, #tpu.memory_space<vmem_shared>>)
        tpu.yield
      }) : () -> ()
      %run_scoped3A_511 = arith.constant 6 : i32
      "tpu.region"() ({
        %run_scoped3A_517 = tpu.sem_alloc : memref<!tpu.dma_semaphore, #tpu.memory_space<semaphore_mem>>
        %dma_start3A_518 = arith.constant 768 : i32
        %dma_start3A_519 = arith.constant 0 : i32
        %dma_start3A_520 = tpu.memref_slice %arg17[%dma_start3A_518, %dma_start3A_519] : memref<1536x16xf32, #tpu.memory_space<vmem>> -> memref<128x16xf32, #tpu.memory_space<vmem>>
        %dma_start3A_521 = arith.constant 0 : i32
        %dma_start3A_522 = tpu.memref_slice %arg13[%run_scoped3A_511, %dma_start3A_521] : memref<12x128xi32, #tpu.memory_space<vmem>> -> memref<1x128xi32, #tpu.memory_space<vmem>>
        %dma_start3A_523 = tpu.memref_squeeze %dma_start3A_522 : memref<1x128xi32, #tpu.memory_space<vmem>> -> memref<128xi32, #tpu.memory_space<vmem>>
        %dma_start3A_524 = arith.constant 0 : i32
        %dma_start3A_525 = arith.constant 0 : i32
        %dma_start3A_526 = tpu.memref_slice %arg11[%dma_start3A_524, %dma_start3A_525] : memref<10000x16xf32, #tpu.memory_space<vmem_shared>> -> memref<10000x16xf32, #tpu.memory_space<vmem_shared>>
        tpu.enqueue_indirect_dma source(%dma_start3A_520 : memref<128x16xf32, #tpu.memory_space<vmem>>) target(%dma_start3A_526 : memref<10000x16xf32, #tpu.memory_space<vmem_shared>>) offsets(%dma_start3A_523 : memref<128xi32, #tpu.memory_space<vmem>>) semaphore(%run_scoped3A_517 : memref<!tpu.dma_semaphore, #tpu.memory_space<semaphore_mem>>) {add = true}
        %dma_wait3A_527 = arith.constant 768 : i32
        %dma_wait3A_528 = arith.constant 0 : i32
        %dma_wait3A_529 = tpu.memref_slice %arg17[%dma_wait3A_527, %dma_wait3A_528] : memref<1536x16xf32, #tpu.memory_space<vmem>> -> memref<128x16xf32, #tpu.memory_space<vmem>>
        %dma_wait3A_530 = arith.constant 0 : i32
        %dma_wait3A_531 = tpu.memref_slice %arg13[%run_scoped3A_511, %dma_wait3A_530] : memref<12x128xi32, #tpu.memory_space<vmem>> -> memref<1x128xi32, #tpu.memory_space<vmem>>
        %dma_wait3A_532 = tpu.memref_squeeze %dma_wait3A_531 : memref<1x128xi32, #tpu.memory_space<vmem>> -> memref<128xi32, #tpu.memory_space<vmem>>
        %dma_wait3A_533 = arith.constant 0 : i32
        %dma_wait3A_534 = arith.constant 0 : i32
        %dma_wait3A_535 = tpu.memref_slice %arg11[%dma_wait3A_533, %dma_wait3A_534] : memref<10000x16xf32, #tpu.memory_space<vmem_shared>> -> memref<10000x16xf32, #tpu.memory_space<vmem_shared>>
        tpu.wait_indirect_dma semaphore(%run_scoped3A_517 : memref<!tpu.dma_semaphore, #tpu.memory_space<semaphore_mem>>) src(%dma_wait3A_529 : memref<128x16xf32, #tpu.memory_space<vmem>>) dst(%dma_wait3A_535 : memref<10000x16xf32, #tpu.memory_space<vmem_shared>>)
        tpu.yield
      }) : () -> ()
      %run_scoped3A_512 = arith.constant 7 : i32
      "tpu.region"() ({
        %run_scoped3A_517 = tpu.sem_alloc : memref<!tpu.dma_semaphore, #tpu.memory_space<semaphore_mem>>
        %dma_start3A_518 = arith.constant 896 : i32
        %dma_start3A_519 = arith.constant 0 : i32
        %dma_start3A_520 = tpu.memref_slice %arg17[%dma_start3A_518, %dma_start3A_519] : memref<1536x16xf32, #tpu.memory_space<vmem>> -> memref<128x16xf32, #tpu.memory_space<vmem>>
        %dma_start3A_521 = arith.constant 0 : i32
        %dma_start3A_522 = tpu.memref_slice %arg13[%run_scoped3A_512, %dma_start3A_521] : memref<12x128xi32, #tpu.memory_space<vmem>> -> memref<1x128xi32, #tpu.memory_space<vmem>>
        %dma_start3A_523 = tpu.memref_squeeze %dma_start3A_522 : memref<1x128xi32, #tpu.memory_space<vmem>> -> memref<128xi32, #tpu.memory_space<vmem>>
        %dma_start3A_524 = arith.constant 0 : i32
        %dma_start3A_525 = arith.constant 0 : i32
        %dma_start3A_526 = tpu.memref_slice %arg11[%dma_start3A_524, %dma_start3A_525] : memref<10000x16xf32, #tpu.memory_space<vmem_shared>> -> memref<10000x16xf32, #tpu.memory_space<vmem_shared>>
        tpu.enqueue_indirect_dma source(%dma_start3A_520 : memref<128x16xf32, #tpu.memory_space<vmem>>) target(%dma_start3A_526 : memref<10000x16xf32, #tpu.memory_space<vmem_shared>>) offsets(%dma_start3A_523 : memref<128xi32, #tpu.memory_space<vmem>>) semaphore(%run_scoped3A_517 : memref<!tpu.dma_semaphore, #tpu.memory_space<semaphore_mem>>) {add = true}
        %dma_wait3A_527 = arith.constant 896 : i32
        %dma_wait3A_528 = arith.constant 0 : i32
        %dma_wait3A_529 = tpu.memref_slice %arg17[%dma_wait3A_527, %dma_wait3A_528] : memref<1536x16xf32, #tpu.memory_space<vmem>> -> memref<128x16xf32, #tpu.memory_space<vmem>>
        %dma_wait3A_530 = arith.constant 0 : i32
        %dma_wait3A_531 = tpu.memref_slice %arg13[%run_scoped3A_512, %dma_wait3A_530] : memref<12x128xi32, #tpu.memory_space<vmem>> -> memref<1x128xi32, #tpu.memory_space<vmem>>
        %dma_wait3A_532 = tpu.memref_squeeze %dma_wait3A_531 : memref<1x128xi32, #tpu.memory_space<vmem>> -> memref<128xi32, #tpu.memory_space<vmem>>
        %dma_wait3A_533 = arith.constant 0 : i32
        %dma_wait3A_534 = arith.constant 0 : i32
        %dma_wait3A_535 = tpu.memref_slice %arg11[%dma_wait3A_533, %dma_wait3A_534] : memref<10000x16xf32, #tpu.memory_space<vmem_shared>> -> memref<10000x16xf32, #tpu.memory_space<vmem_shared>>
        tpu.wait_indirect_dma semaphore(%run_scoped3A_517 : memref<!tpu.dma_semaphore, #tpu.memory_space<semaphore_mem>>) src(%dma_wait3A_529 : memref<128x16xf32, #tpu.memory_space<vmem>>) dst(%dma_wait3A_535 : memref<10000x16xf32, #tpu.memory_space<vmem_shared>>)
        tpu.yield
      }) : () -> ()
      %run_scoped3A_513 = arith.constant 8 : i32
      "tpu.region"() ({
        %run_scoped3A_517 = tpu.sem_alloc : memref<!tpu.dma_semaphore, #tpu.memory_space<semaphore_mem>>
        %dma_start3A_518 = arith.constant 1024 : i32
        %dma_start3A_519 = arith.constant 0 : i32
        %dma_start3A_520 = tpu.memref_slice %arg17[%dma_start3A_518, %dma_start3A_519] : memref<1536x16xf32, #tpu.memory_space<vmem>> -> memref<128x16xf32, #tpu.memory_space<vmem>>
        %dma_start3A_521 = arith.constant 0 : i32
        %dma_start3A_522 = tpu.memref_slice %arg13[%run_scoped3A_513, %dma_start3A_521] : memref<12x128xi32, #tpu.memory_space<vmem>> -> memref<1x128xi32, #tpu.memory_space<vmem>>
        %dma_start3A_523 = tpu.memref_squeeze %dma_start3A_522 : memref<1x128xi32, #tpu.memory_space<vmem>> -> memref<128xi32, #tpu.memory_space<vmem>>
        %dma_start3A_524 = arith.constant 0 : i32
        %dma_start3A_525 = arith.constant 0 : i32
        %dma_start3A_526 = tpu.memref_slice %arg11[%dma_start3A_524, %dma_start3A_525] : memref<10000x16xf32, #tpu.memory_space<vmem_shared>> -> memref<10000x16xf32, #tpu.memory_space<vmem_shared>>
        tpu.enqueue_indirect_dma source(%dma_start3A_520 : memref<128x16xf32, #tpu.memory_space<vmem>>) target(%dma_start3A_526 : memref<10000x16xf32, #tpu.memory_space<vmem_shared>>) offsets(%dma_start3A_523 : memref<128xi32, #tpu.memory_space<vmem>>) semaphore(%run_scoped3A_517 : memref<!tpu.dma_semaphore, #tpu.memory_space<semaphore_mem>>) {add = true}
        %dma_wait3A_527 = arith.constant 1024 : i32
        %dma_wait3A_528 = arith.constant 0 : i32
        %dma_wait3A_529 = tpu.memref_slice %arg17[%dma_wait3A_527, %dma_wait3A_528] : memref<1536x16xf32, #tpu.memory_space<vmem>> -> memref<128x16xf32, #tpu.memory_space<vmem>>
        %dma_wait3A_530 = arith.constant 0 : i32
        %dma_wait3A_531 = tpu.memref_slice %arg13[%run_scoped3A_513, %dma_wait3A_530] : memref<12x128xi32, #tpu.memory_space<vmem>> -> memref<1x128xi32, #tpu.memory_space<vmem>>
        %dma_wait3A_532 = tpu.memref_squeeze %dma_wait3A_531 : memref<1x128xi32, #tpu.memory_space<vmem>> -> memref<128xi32, #tpu.memory_space<vmem>>
        %dma_wait3A_533 = arith.constant 0 : i32
        %dma_wait3A_534 = arith.constant 0 : i32
        %dma_wait3A_535 = tpu.memref_slice %arg11[%dma_wait3A_533, %dma_wait3A_534] : memref<10000x16xf32, #tpu.memory_space<vmem_shared>> -> memref<10000x16xf32, #tpu.memory_space<vmem_shared>>
        tpu.wait_indirect_dma semaphore(%run_scoped3A_517 : memref<!tpu.dma_semaphore, #tpu.memory_space<semaphore_mem>>) src(%dma_wait3A_529 : memref<128x16xf32, #tpu.memory_space<vmem>>) dst(%dma_wait3A_535 : memref<10000x16xf32, #tpu.memory_space<vmem_shared>>)
        tpu.yield
      }) : () -> ()
      %run_scoped3A_514 = arith.constant 9 : i32
      "tpu.region"() ({
        %run_scoped3A_517 = tpu.sem_alloc : memref<!tpu.dma_semaphore, #tpu.memory_space<semaphore_mem>>
        %dma_start3A_518 = arith.constant 1152 : i32
        %dma_start3A_519 = arith.constant 0 : i32
        %dma_start3A_520 = tpu.memref_slice %arg17[%dma_start3A_518, %dma_start3A_519] : memref<1536x16xf32, #tpu.memory_space<vmem>> -> memref<128x16xf32, #tpu.memory_space<vmem>>
        %dma_start3A_521 = arith.constant 0 : i32
        %dma_start3A_522 = tpu.memref_slice %arg13[%run_scoped3A_514, %dma_start3A_521] : memref<12x128xi32, #tpu.memory_space<vmem>> -> memref<1x128xi32, #tpu.memory_space<vmem>>
        %dma_start3A_523 = tpu.memref_squeeze %dma_start3A_522 : memref<1x128xi32, #tpu.memory_space<vmem>> -> memref<128xi32, #tpu.memory_space<vmem>>
        %dma_start3A_524 = arith.constant 0 : i32
        %dma_start3A_525 = arith.constant 0 : i32
        %dma_start3A_526 = tpu.memref_slice %arg11[%dma_start3A_524, %dma_start3A_525] : memref<10000x16xf32, #tpu.memory_space<vmem_shared>> -> memref<10000x16xf32, #tpu.memory_space<vmem_shared>>
        tpu.enqueue_indirect_dma source(%dma_start3A_520 : memref<128x16xf32, #tpu.memory_space<vmem>>) target(%dma_start3A_526 : memref<10000x16xf32, #tpu.memory_space<vmem_shared>>) offsets(%dma_start3A_523 : memref<128xi32, #tpu.memory_space<vmem>>) semaphore(%run_scoped3A_517 : memref<!tpu.dma_semaphore, #tpu.memory_space<semaphore_mem>>) {add = true}
        %dma_wait3A_527 = arith.constant 1152 : i32
        %dma_wait3A_528 = arith.constant 0 : i32
        %dma_wait3A_529 = tpu.memref_slice %arg17[%dma_wait3A_527, %dma_wait3A_528] : memref<1536x16xf32, #tpu.memory_space<vmem>> -> memref<128x16xf32, #tpu.memory_space<vmem>>
        %dma_wait3A_530 = arith.constant 0 : i32
        %dma_wait3A_531 = tpu.memref_slice %arg13[%run_scoped3A_514, %dma_wait3A_530] : memref<12x128xi32, #tpu.memory_space<vmem>> -> memref<1x128xi32, #tpu.memory_space<vmem>>
        %dma_wait3A_532 = tpu.memref_squeeze %dma_wait3A_531 : memref<1x128xi32, #tpu.memory_space<vmem>> -> memref<128xi32, #tpu.memory_space<vmem>>
        %dma_wait3A_533 = arith.constant 0 : i32
        %dma_wait3A_534 = arith.constant 0 : i32
        %dma_wait3A_535 = tpu.memref_slice %arg11[%dma_wait3A_533, %dma_wait3A_534] : memref<10000x16xf32, #tpu.memory_space<vmem_shared>> -> memref<10000x16xf32, #tpu.memory_space<vmem_shared>>
        tpu.wait_indirect_dma semaphore(%run_scoped3A_517 : memref<!tpu.dma_semaphore, #tpu.memory_space<semaphore_mem>>) src(%dma_wait3A_529 : memref<128x16xf32, #tpu.memory_space<vmem>>) dst(%dma_wait3A_535 : memref<10000x16xf32, #tpu.memory_space<vmem_shared>>)
        tpu.yield
      }) : () -> ()
      %run_scoped3A_515 = arith.constant 10 : i32
      "tpu.region"() ({
        %run_scoped3A_517 = tpu.sem_alloc : memref<!tpu.dma_semaphore, #tpu.memory_space<semaphore_mem>>
        %dma_start3A_518 = arith.constant 1280 : i32
        %dma_start3A_519 = arith.constant 0 : i32
        %dma_start3A_520 = tpu.memref_slice %arg17[%dma_start3A_518, %dma_start3A_519] : memref<1536x16xf32, #tpu.memory_space<vmem>> -> memref<128x16xf32, #tpu.memory_space<vmem>>
        %dma_start3A_521 = arith.constant 0 : i32
        %dma_start3A_522 = tpu.memref_slice %arg13[%run_scoped3A_515, %dma_start3A_521] : memref<12x128xi32, #tpu.memory_space<vmem>> -> memref<1x128xi32, #tpu.memory_space<vmem>>
        %dma_start3A_523 = tpu.memref_squeeze %dma_start3A_522 : memref<1x128xi32, #tpu.memory_space<vmem>> -> memref<128xi32, #tpu.memory_space<vmem>>
        %dma_start3A_524 = arith.constant 0 : i32
        %dma_start3A_525 = arith.constant 0 : i32
        %dma_start3A_526 = tpu.memref_slice %arg11[%dma_start3A_524, %dma_start3A_525] : memref<10000x16xf32, #tpu.memory_space<vmem_shared>> -> memref<10000x16xf32, #tpu.memory_space<vmem_shared>>
        tpu.enqueue_indirect_dma source(%dma_start3A_520 : memref<128x16xf32, #tpu.memory_space<vmem>>) target(%dma_start3A_526 : memref<10000x16xf32, #tpu.memory_space<vmem_shared>>) offsets(%dma_start3A_523 : memref<128xi32, #tpu.memory_space<vmem>>) semaphore(%run_scoped3A_517 : memref<!tpu.dma_semaphore, #tpu.memory_space<semaphore_mem>>) {add = true}
        %dma_wait3A_527 = arith.constant 1280 : i32
        %dma_wait3A_528 = arith.constant 0 : i32
        %dma_wait3A_529 = tpu.memref_slice %arg17[%dma_wait3A_527, %dma_wait3A_528] : memref<1536x16xf32, #tpu.memory_space<vmem>> -> memref<128x16xf32, #tpu.memory_space<vmem>>
        %dma_wait3A_530 = arith.constant 0 : i32
        %dma_wait3A_531 = tpu.memref_slice %arg13[%run_scoped3A_515, %dma_wait3A_530] : memref<12x128xi32, #tpu.memory_space<vmem>> -> memref<1x128xi32, #tpu.memory_space<vmem>>
        %dma_wait3A_532 = tpu.memref_squeeze %dma_wait3A_531 : memref<1x128xi32, #tpu.memory_space<vmem>> -> memref<128xi32, #tpu.memory_space<vmem>>
        %dma_wait3A_533 = arith.constant 0 : i32
        %dma_wait3A_534 = arith.constant 0 : i32
        %dma_wait3A_535 = tpu.memref_slice %arg11[%dma_wait3A_533, %dma_wait3A_534] : memref<10000x16xf32, #tpu.memory_space<vmem_shared>> -> memref<10000x16xf32, #tpu.memory_space<vmem_shared>>
        tpu.wait_indirect_dma semaphore(%run_scoped3A_517 : memref<!tpu.dma_semaphore, #tpu.memory_space<semaphore_mem>>) src(%dma_wait3A_529 : memref<128x16xf32, #tpu.memory_space<vmem>>) dst(%dma_wait3A_535 : memref<10000x16xf32, #tpu.memory_space<vmem_shared>>)
        tpu.yield
      }) : () -> ()
      %run_scoped3A_516 = arith.constant 11 : i32
      "tpu.region"() ({
        %run_scoped3A_517 = tpu.sem_alloc : memref<!tpu.dma_semaphore, #tpu.memory_space<semaphore_mem>>
        %dma_start3A_518 = arith.constant 1408 : i32
        %dma_start3A_519 = arith.constant 0 : i32
        %dma_start3A_520 = tpu.memref_slice %arg17[%dma_start3A_518, %dma_start3A_519] : memref<1536x16xf32, #tpu.memory_space<vmem>> -> memref<128x16xf32, #tpu.memory_space<vmem>>
        %dma_start3A_521 = arith.constant 0 : i32
        %dma_start3A_522 = tpu.memref_slice %arg13[%run_scoped3A_516, %dma_start3A_521] : memref<12x128xi32, #tpu.memory_space<vmem>> -> memref<1x128xi32, #tpu.memory_space<vmem>>
        %dma_start3A_523 = tpu.memref_squeeze %dma_start3A_522 : memref<1x128xi32, #tpu.memory_space<vmem>> -> memref<128xi32, #tpu.memory_space<vmem>>
        %dma_start3A_524 = arith.constant 0 : i32
        %dma_start3A_525 = arith.constant 0 : i32
        %dma_start3A_526 = tpu.memref_slice %arg11[%dma_start3A_524, %dma_start3A_525] : memref<10000x16xf32, #tpu.memory_space<vmem_shared>> -> memref<10000x16xf32, #tpu.memory_space<vmem_shared>>
        tpu.enqueue_indirect_dma source(%dma_start3A_520 : memref<128x16xf32, #tpu.memory_space<vmem>>) target(%dma_start3A_526 : memref<10000x16xf32, #tpu.memory_space<vmem_shared>>) offsets(%dma_start3A_523 : memref<128xi32, #tpu.memory_space<vmem>>) semaphore(%run_scoped3A_517 : memref<!tpu.dma_semaphore, #tpu.memory_space<semaphore_mem>>) {add = true}
        %dma_wait3A_527 = arith.constant 1408 : i32
        %dma_wait3A_528 = arith.constant 0 : i32
        %dma_wait3A_529 = tpu.memref_slice %arg17[%dma_wait3A_527, %dma_wait3A_528] : memref<1536x16xf32, #tpu.memory_space<vmem>> -> memref<128x16xf32, #tpu.memory_space<vmem>>
        %dma_wait3A_530 = arith.constant 0 : i32
        %dma_wait3A_531 = tpu.memref_slice %arg13[%run_scoped3A_516, %dma_wait3A_530] : memref<12x128xi32, #tpu.memory_space<vmem>> -> memref<1x128xi32, #tpu.memory_space<vmem>>
        %dma_wait3A_532 = tpu.memref_squeeze %dma_wait3A_531 : memref<1x128xi32, #tpu.memory_space<vmem>> -> memref<128xi32, #tpu.memory_space<vmem>>
        %dma_wait3A_533 = arith.constant 0 : i32
        %dma_wait3A_534 = arith.constant 0 : i32
        %dma_wait3A_535 = tpu.memref_slice %arg11[%dma_wait3A_533, %dma_wait3A_534] : memref<10000x16xf32, #tpu.memory_space<vmem_shared>> -> memref<10000x16xf32, #tpu.memory_space<vmem_shared>>
        tpu.wait_indirect_dma semaphore(%run_scoped3A_517 : memref<!tpu.dma_semaphore, #tpu.memory_space<semaphore_mem>>) src(%dma_wait3A_529 : memref<128x16xf32, #tpu.memory_space<vmem>>) dst(%dma_wait3A_535 : memref<10000x16xf32, #tpu.memory_space<vmem_shared>>)
        tpu.yield
      }) : () -> ()
    }
    %scan3A_15 = arith.constant 7 : i32
    %barrier3A_16 = arith.constant 0 : index
    tpu.barrier barrier_id(%barrier3A_16)
    %lt3A_17 = arith.constant 15 : i32
    %lt3A_18 = arith.cmpi slt, %arg1, %lt3A_17 : i32
    %convert_element_type3A_19 = arith.extui %lt3A_18 : i1 to i32
    %cond3A_20 = arith.constant 0 : i32
    %cond3A_21 = arith.cmpi ne, %convert_element_type3A_19, %cond3A_20 : i32
    scf.if %cond3A_21 {
      %mul3A_27 = arith.constant 640 : i32
      %mul3A_28 = arith.muli %arg1, %mul3A_27 : i32
      %multiple_of3A = tpu.assume_multiple %mul3A_28, 8 : i32
      "tpu.region"() ({
        %run_scoped3A = tpu.sem_alloc : memref<!tpu.dma_semaphore, #tpu.memory_space<semaphore_mem>>
        %dma_start3A = arith.constant 0 : i32
        %dma_start3A_29 = arith.constant 0 : i32
        %dma_start3A_30 = tpu.memref_slice %arg10[%arg0, %dma_start3A, %dma_start3A_29] : memref<2x10000x16xf32, #tpu.memory_space<hbm>> -> memref<1x10000x16xf32, #tpu.memory_space<hbm>>
        %dma_start3A_31 = tpu.memref_squeeze %dma_start3A_30 : memref<1x10000x16xf32, #tpu.memory_space<hbm>> -> memref<10000x16xf32, #tpu.memory_space<hbm>>
        %dma_start3A_32 = arith.constant 0 : i32
        %dma_start3A_33 = tpu.memref_slice %dma_start3A_31[%multiple_of3A, %dma_start3A_32] : memref<10000x16xf32, #tpu.memory_space<hbm>> -> memref<640x16xf32, #tpu.memory_space<hbm>>
        %dma_start3A_34 = arith.constant 0 : i32
        %dma_start3A_35 = tpu.memref_slice %arg11[%multiple_of3A, %dma_start3A_34] : memref<10000x16xf32, #tpu.memory_space<vmem_shared>> -> memref<640x16xf32, #tpu.memory_space<vmem_shared>>
        tpu.enqueue_dma source(%dma_start3A_35 : memref<640x16xf32, #tpu.memory_space<vmem_shared>>) target(%dma_start3A_33 : memref<640x16xf32, #tpu.memory_space<hbm>>) target_semaphore(%run_scoped3A : memref<!tpu.dma_semaphore, #tpu.memory_space<semaphore_mem>>)
        %dma_wait3A = arith.constant 0 : i32
        %dma_wait3A_36 = arith.constant 0 : i32
        %dma_wait3A_37 = tpu.memref_slice %arg10[%arg0, %dma_wait3A, %dma_wait3A_36] : memref<2x10000x16xf32, #tpu.memory_space<hbm>> -> memref<1x10000x16xf32, #tpu.memory_space<hbm>>
        %dma_wait3A_38 = tpu.memref_squeeze %dma_wait3A_37 : memref<1x10000x16xf32, #tpu.memory_space<hbm>> -> memref<10000x16xf32, #tpu.memory_space<hbm>>
        %dma_wait3A_39 = arith.constant 0 : i32
        %dma_wait3A_40 = tpu.memref_slice %dma_wait3A_38[%multiple_of3A, %dma_wait3A_39] : memref<10000x16xf32, #tpu.memory_space<hbm>> -> memref<640x16xf32, #tpu.memory_space<hbm>>
        %dma_wait3A_41 = arith.constant 0 : i32
        %dma_wait3A_42 = tpu.memref_slice %arg11[%multiple_of3A, %dma_wait3A_41] : memref<10000x16xf32, #tpu.memory_space<vmem_shared>> -> memref<640x16xf32, #tpu.memory_space<vmem_shared>>
        tpu.wait_dma2 semaphore(%run_scoped3A : memref<!tpu.dma_semaphore, #tpu.memory_space<semaphore_mem>>) src(%dma_wait3A_42 : memref<640x16xf32, #tpu.memory_space<vmem_shared>>) dst(%dma_wait3A_40 : memref<640x16xf32, #tpu.memory_space<hbm>>)
        tpu.yield
      }) : () -> ()
    } else {
    }
    %eq3A_22 = arith.constant 15 : i32
    %eq3A_23 = arith.cmpi eq, %arg1, %eq3A_22 : i32
    %convert_element_type3A_24 = arith.extui %eq3A_23 : i1 to i32
    %cond3A_25 = arith.constant 0 : i32
    %cond3A_26 = arith.cmpi ne, %convert_element_type3A_24, %cond3A_25 : i32
    scf.if %cond3A_26 {
      "tpu.region"() ({
        %run_scoped3A = tpu.sem_alloc : memref<!tpu.dma_semaphore, #tpu.memory_space<semaphore_mem>>
        %dma_start3A = arith.constant 0 : i32
        %dma_start3A_27 = arith.constant 0 : i32
        %dma_start3A_28 = tpu.memref_slice %arg10[%arg0, %dma_start3A, %dma_start3A_27] : memref<2x10000x16xf32, #tpu.memory_space<hbm>> -> memref<1x10000x16xf32, #tpu.memory_space<hbm>>
        %dma_start3A_29 = tpu.memref_squeeze %dma_start3A_28 : memref<1x10000x16xf32, #tpu.memory_space<hbm>> -> memref<10000x16xf32, #tpu.memory_space<hbm>>
        %dma_start3A_30 = arith.constant 9600 : i32
        %dma_start3A_31 = arith.constant 0 : i32
        %dma_start3A_32 = tpu.memref_slice %dma_start3A_29[%dma_start3A_30, %dma_start3A_31] : memref<10000x16xf32, #tpu.memory_space<hbm>> -> memref<400x16xf32, #tpu.memory_space<hbm>>
        %dma_start3A_33 = arith.constant 9600 : i32
        %dma_start3A_34 = arith.constant 0 : i32
        %dma_start3A_35 = tpu.memref_slice %arg11[%dma_start3A_33, %dma_start3A_34] : memref<10000x16xf32, #tpu.memory_space<vmem_shared>> -> memref<400x16xf32, #tpu.memory_space<vmem_shared>>
        tpu.enqueue_dma source(%dma_start3A_35 : memref<400x16xf32, #tpu.memory_space<vmem_shared>>) target(%dma_start3A_32 : memref<400x16xf32, #tpu.memory_space<hbm>>) target_semaphore(%run_scoped3A : memref<!tpu.dma_semaphore, #tpu.memory_space<semaphore_mem>>)
        %dma_wait3A = arith.constant 0 : i32
        %dma_wait3A_36 = arith.constant 0 : i32
        %dma_wait3A_37 = tpu.memref_slice %arg10[%arg0, %dma_wait3A, %dma_wait3A_36] : memref<2x10000x16xf32, #tpu.memory_space<hbm>> -> memref<1x10000x16xf32, #tpu.memory_space<hbm>>
        %dma_wait3A_38 = tpu.memref_squeeze %dma_wait3A_37 : memref<1x10000x16xf32, #tpu.memory_space<hbm>> -> memref<10000x16xf32, #tpu.memory_space<hbm>>
        %dma_wait3A_39 = arith.constant 9600 : i32
        %dma_wait3A_40 = arith.constant 0 : i32
        %dma_wait3A_41 = tpu.memref_slice %dma_wait3A_38[%dma_wait3A_39, %dma_wait3A_40] : memref<10000x16xf32, #tpu.memory_space<hbm>> -> memref<400x16xf32, #tpu.memory_space<hbm>>
        %dma_wait3A_42 = arith.constant 9600 : i32
        %dma_wait3A_43 = arith.constant 0 : i32
        %dma_wait3A_44 = tpu.memref_slice %arg11[%dma_wait3A_42, %dma_wait3A_43] : memref<10000x16xf32, #tpu.memory_space<vmem_shared>> -> memref<400x16xf32, #tpu.memory_space<vmem_shared>>
        tpu.wait_dma2 semaphore(%run_scoped3A : memref<!tpu.dma_semaphore, #tpu.memory_space<semaphore_mem>>) src(%dma_wait3A_44 : memref<400x16xf32, #tpu.memory_space<vmem_shared>>) dst(%dma_wait3A_41 : memref<400x16xf32, #tpu.memory_space<hbm>>)
        tpu.yield
      }) : () -> ()
    } else {
    }
    return
  }
}

module attributes {stable_mosaic.version = 14 : i64} {
  func.func @_proj_body(%arg0: i32, %arg1: memref<1000x128xf32, #tpu.memory_space<vmem>>, %arg2: memref<128x128xf32, #tpu.memory_space<vmem>>, %arg3: memref<128x16xf32, #tpu.memory_space<vmem>>, %arg4: memref<128x16xf32, #tpu.memory_space<vmem>>, %arg5: memref<1000x128xf32, #tpu.memory_space<vmem>>, %arg6: memref<1000x16xf32, #tpu.memory_space<vmem>>, %arg7: memref<1000x16xf32, #tpu.memory_space<vmem>>) attributes {dimension_semantics = [#tpu.dimension_semantics<arbitrary>], iteration_bounds = array<i64: 10>, scalar_prefetch = 0 : i64, scratch_operands = 0 : i64, tpu.core_type = #tpu.core_type<tc>, window_params = [{transform_indices = @transform_0, window_bounds = array<i64: 1000, 128>}, {pipeline_mode = #tpu.pipeline_mode<synchronous>, transform_indices = @transform_1, window_bounds = array<i64: 128, 128>}, {pipeline_mode = #tpu.pipeline_mode<synchronous>, transform_indices = @transform_2, window_bounds = array<i64: 128, 16>}, {pipeline_mode = #tpu.pipeline_mode<synchronous>, transform_indices = @transform_3, window_bounds = array<i64: 128, 16>}, {transform_indices = @transform_4, window_bounds = array<i64: 1000, 128>}, {transform_indices = @transform_5, window_bounds = array<i64: 1000, 16>}, {transform_indices = @transform_6, window_bounds = array<i64: 1000, 16>}]} {
    %get3A = arith.constant 0 : index
    %get3A_0 = arith.constant 0 : index
    %get3A_1 = vector.load %arg1[%get3A, %get3A_0] : memref<1000x128xf32, #tpu.memory_space<vmem>>, vector<1000x128xf32>
    %get3A_2 = arith.constant 0 : index
    %get3A_3 = arith.constant 0 : index
    %get3A_4 = vector.load %arg2[%get3A_2, %get3A_3] : memref<128x128xf32, #tpu.memory_space<vmem>>, vector<128x128xf32>
    %dot_general3A = arith.constant dense<0.000000e+00> : vector<1000x128xf32>
    %dot_general3A_5 = tpu.matmul %get3A_1, %get3A_4, %dot_general3A {dimension_numbers = #tpu.dot_dimension_numbers<[1], [0], [0], [1], [0, 0, 1, 1], [], []>, transpose_lhs_hint = false} : vector<1000x128xf32>, vector<128x128xf32>, vector<1000x128xf32> -> vector<1000x128xf32>
    %swap3A = arith.constant 0 : index
    %swap3A_6 = arith.constant 0 : index
    %swap3A_7 = vector.load %arg5[%swap3A, %swap3A_6] : memref<1000x128xf32, #tpu.memory_space<vmem>>, vector<1000x128xf32>
    tpu.vector_store %arg5[%swap3A, %swap3A_6], %dot_general3A_5 {strides = array<i32>} : memref<1000x128xf32, #tpu.memory_space<vmem>>, vector<1000x128xf32>,
    %get3A_8 = arith.constant 0 : index
    %get3A_9 = arith.constant 0 : index
    %get3A_10 = vector.load %arg3[%get3A_8, %get3A_9] : memref<128x16xf32, #tpu.memory_space<vmem>>, vector<128x16xf32>
    %dot_general3A_11 = arith.constant dense<0.000000e+00> : vector<1000x16xf32>
    %dot_general3A_12 = tpu.matmul %dot_general3A_5, %get3A_10, %dot_general3A_11 {dimension_numbers = #tpu.dot_dimension_numbers<[1], [0], [0], [1], [0, 0, 1, 1], [], []>, transpose_lhs_hint = false} : vector<1000x128xf32>, vector<128x16xf32>, vector<1000x16xf32> -> vector<1000x16xf32>
    %swap3A_13 = arith.constant 0 : index
    %swap3A_14 = arith.constant 0 : index
    %swap3A_15 = vector.load %arg6[%swap3A_13, %swap3A_14] : memref<1000x16xf32, #tpu.memory_space<vmem>>, vector<1000x16xf32>
    tpu.vector_store %arg6[%swap3A_13, %swap3A_14], %dot_general3A_12 {strides = array<i32>} : memref<1000x16xf32, #tpu.memory_space<vmem>>, vector<1000x16xf32>,
    %get3A_16 = arith.constant 0 : index
    %get3A_17 = arith.constant 0 : index
    %get3A_18 = vector.load %arg4[%get3A_16, %get3A_17] : memref<128x16xf32, #tpu.memory_space<vmem>>, vector<128x16xf32>
    %dot_general3A_19 = arith.constant dense<0.000000e+00> : vector<1000x16xf32>
    %dot_general3A_20 = tpu.matmul %dot_general3A_5, %get3A_18, %dot_general3A_19 {dimension_numbers = #tpu.dot_dimension_numbers<[1], [0], [0], [1], [0, 0, 1, 1], [], []>, transpose_lhs_hint = false} : vector<1000x128xf32>, vector<128x16xf32>, vector<1000x16xf32> -> vector<1000x16xf32>
    %swap3A_21 = arith.constant 0 : index
    %swap3A_22 = arith.constant 0 : index
    %swap3A_23 = vector.load %arg7[%swap3A_21, %swap3A_22] : memref<1000x16xf32, #tpu.memory_space<vmem>>, vector<1000x16xf32>
    tpu.vector_store %arg7[%swap3A_21, %swap3A_22], %dot_general3A_20 {strides = array<i32>} : memref<1000x16xf32, #tpu.memory_space<vmem>>, vector<1000x16xf32>,
    return
  }
  func.func @transform_0(%arg0: i32) -> (i32, i32) {
    %c0_i32 = arith.constant 0 : i32
    %c0_i32_0 = arith.constant 0 : i32
    return %arg0, %c0_i32 : i32, i32
  }
  func.func @transform_1(%arg0: i32) -> (i32, i32) {
    %c0_i32 = arith.constant 0 : i32
    %c0_i32_0 = arith.constant 0 : i32
    %c0_i32_1 = arith.constant 0 : i32
    return %c0_i32, %c0_i32_0 : i32, i32
  }
  func.func @transform_2(%arg0: i32) -> (i32, i32) {
    %c0_i32 = arith.constant 0 : i32
    %c0_i32_0 = arith.constant 0 : i32
    %c0_i32_1 = arith.constant 0 : i32
    return %c0_i32, %c0_i32_0 : i32, i32
  }
  func.func @transform_3(%arg0: i32) -> (i32, i32) {
    %c0_i32 = arith.constant 0 : i32
    %c0_i32_0 = arith.constant 0 : i32
    %c0_i32_1 = arith.constant 0 : i32
    return %c0_i32, %c0_i32_0 : i32, i32
  }
  func.func @transform_4(%arg0: i32) -> (i32, i32) {
    %c0_i32 = arith.constant 0 : i32
    %c0_i32_0 = arith.constant 0 : i32
    return %arg0, %c0_i32 : i32, i32
  }
  func.func @transform_5(%arg0: i32) -> (i32, i32) {
    %c0_i32 = arith.constant 0 : i32
    %c0_i32_0 = arith.constant 0 : i32
    return %arg0, %c0_i32 : i32, i32
  }
  func.func @transform_6(%arg0: i32) -> (i32, i32) {
    %c0_i32 = arith.constant 0 : i32
    %c0_i32_0 = arith.constant 0 : i32
    return %arg0, %c0_i32 : i32, i32
  }
}

module attributes {stable_mosaic.version = 14 : i64} {
  func.func @_ae_body(%arg0: i32, %arg1: memref<5024x4xf32, #tpu.memory_space<vmem>>, %arg2: memref<4x16xf32, #tpu.memory_space<vmem>>, %arg3: memref<5024x16xf32, #tpu.memory_space<vmem>>, %arg4: memref<8x16xf32, #tpu.memory_space<vmem>>, %arg5: memref<5024x16xf32, #tpu.memory_space<vmem>>) attributes {dimension_semantics = [#tpu.dimension_semantics<arbitrary>], iteration_bounds = array<i64: 64>, scalar_prefetch = 0 : i64, scratch_operands = 1 : i64, tpu.core_type = #tpu.core_type<tc>, window_params = [{transform_indices = @transform_0, window_bounds = array<i64: 5024, 4>}, {pipeline_mode = #tpu.pipeline_mode<synchronous>, transform_indices = @transform_1, window_bounds = array<i64: 4, 16>}, {transform_indices = @transform_2, window_bounds = array<i64: 5024, 16>}, {pipeline_mode = #tpu.pipeline_mode<synchronous>, transform_indices = @transform_3, window_bounds = array<i64: 8, 16>}]} {
    %get3A = arith.constant 0 : index
    %get3A_0 = arith.constant 0 : index
    %get3A_1 = vector.load %arg1[%get3A, %get3A_0] : memref<5024x4xf32, #tpu.memory_space<vmem>>, vector<5024x4xf32>
    %get3A_2 = arith.constant 0 : index
    %get3A_3 = arith.constant 0 : index
    %get3A_4 = vector.load %arg2[%get3A_2, %get3A_3] : memref<4x16xf32, #tpu.memory_space<vmem>>, vector<4x16xf32>
    %dot_general3A = arith.constant dense<0.000000e+00> : vector<5024x16xf32>
    %dot_general3A_5 = tpu.matmul %get3A_1, %get3A_4, %dot_general3A {dimension_numbers = #tpu.dot_dimension_numbers<[1], [0], [0], [1], [0, 0, 1, 1], [], []>, transpose_lhs_hint = false} : vector<5024x4xf32>, vector<4x16xf32>, vector<5024x16xf32> -> vector<5024x16xf32>
    %swap3A = arith.constant 0 : index
    %swap3A_6 = arith.constant 0 : index
    %swap3A_7 = vector.load %arg3[%swap3A, %swap3A_6] : memref<5024x16xf32, #tpu.memory_space<vmem>>, vector<5024x16xf32>
    tpu.vector_store %arg3[%swap3A, %swap3A_6], %dot_general3A_5 {strides = array<i32>} : memref<5024x16xf32, #tpu.memory_space<vmem>>, vector<5024x16xf32>,
    %eq3A = arith.constant 0 : i32
    %eq3A_8 = arith.cmpi eq, %arg0, %eq3A : i32
    %convert_element_type3A = arith.extui %eq3A_8 : i1 to i32
    %cond3A = arith.constant 0 : i32
    %cond3A_9 = arith.cmpi ne, %convert_element_type3A, %cond3A : i32
    scf.if %cond3A_9 {
      %broadcast_in_dim3A = arith.constant 0.000000e+00 : f32
      %broadcast_in_dim3A_21 = vector.broadcast %broadcast_in_dim3A : f32 to vector<5024x16xf32>
      %swap3A_22 = arith.constant 0 : index
      %swap3A_23 = arith.constant 0 : index
      %swap3A_24 = vector.load %arg5[%swap3A_22, %swap3A_23] : memref<5024x16xf32, #tpu.memory_space<vmem>>, vector<5024x16xf32>
      tpu.vector_store %arg5[%swap3A_22, %swap3A_23], %broadcast_in_dim3A_21 {strides = array<i32>} : memref<5024x16xf32, #tpu.memory_space<vmem>>, vector<5024x16xf32>,
    } else {
    }
    %get3A_10 = arith.constant 0 : index
    %get3A_11 = arith.constant 0 : index
    %get3A_12 = vector.load %arg5[%get3A_10, %get3A_11] : memref<5024x16xf32, #tpu.memory_space<vmem>>, vector<5024x16xf32>
    %add3A = arith.addf %get3A_12, %dot_general3A_5 : vector<5024x16xf32>
    %swap3A_13 = arith.constant 0 : index
    %swap3A_14 = arith.constant 0 : index
    %swap3A_15 = vector.load %arg5[%swap3A_13, %swap3A_14] : memref<5024x16xf32, #tpu.memory_space<vmem>>, vector<5024x16xf32>
    tpu.vector_store %arg5[%swap3A_13, %swap3A_14], %add3A {strides = array<i32>} : memref<5024x16xf32, #tpu.memory_space<vmem>>, vector<5024x16xf32>,
    %eq3A_16 = arith.constant 63 : i32
    %eq3A_17 = arith.cmpi eq, %arg0, %eq3A_16 : i32
    %convert_element_type3A_18 = arith.extui %eq3A_17 : i1 to i32
    %cond3A_19 = arith.constant 0 : i32
    %cond3A_20 = arith.cmpi ne, %convert_element_type3A_18, %cond3A_19 : i32
    scf.if %cond3A_20 {
      %get3A_21 = arith.constant 0 : index
      %get3A_22 = arith.constant 0 : index
      %get3A_23 = vector.load %arg5[%get3A_21, %get3A_22] : memref<5024x16xf32, #tpu.memory_space<vmem>>, vector<5024x16xf32>
      %reduce_sum3A = arith.constant dense<0.000000e+00> : vector<16xf32>
      %reduce_sum3A_24 = vector.multi_reduction <add>, %get3A_23, %reduce_sum3A [0] : vector<5024x16xf32> to vector<16xf32>
      %broadcast_in_dim3A = vector.shape_cast %reduce_sum3A_24 : vector<16xf32> to vector<1x16xf32>
      %mul3A = arith.constant 3.125000e-06 : f32
      %mul3A_25 = vector.broadcast %mul3A : f32 to vector<1x16xf32>
      %mul3A_26 = arith.mulf %broadcast_in_dim3A, %mul3A_25 : vector<1x16xf32>
      %broadcast_in_dim3A_27 = vector.shape_cast %mul3A_26 : vector<1x16xf32> to vector<1x16xf32>
      %broadcast_in_dim3A_28 = vector.broadcast %broadcast_in_dim3A_27 : vector<1x16xf32> to vector<8x16xf32>
      %swap3A_29 = arith.constant 0 : index
      %swap3A_30 = arith.constant 0 : index
      %swap3A_31 = vector.load %arg4[%swap3A_29, %swap3A_30] : memref<8x16xf32, #tpu.memory_space<vmem>>, vector<8x16xf32>
      tpu.vector_store %arg4[%swap3A_29, %swap3A_30], %broadcast_in_dim3A_28 {strides = array<i32>} : memref<8x16xf32, #tpu.memory_space<vmem>>, vector<8x16xf32>,
    } else {
    }
    return
  }
  func.func @transform_0(%arg0: i32) -> (i32, i32) {
    %c0_i32 = arith.constant 0 : i32
    %c0_i32_0 = arith.constant 0 : i32
    return %arg0, %c0_i32 : i32, i32
  }
  func.func @transform_1(%arg0: i32) -> (i32, i32) {
    %c0_i32 = arith.constant 0 : i32
    %c0_i32_0 = arith.constant 0 : i32
    %c0_i32_1 = arith.constant 0 : i32
    return %c0_i32, %c0_i32_0 : i32, i32
  }
  func.func @transform_2(%arg0: i32) -> (i32, i32) {
    %c0_i32 = arith.constant 0 : i32
    %c0_i32_0 = arith.constant 0 : i32
    return %arg0, %c0_i32 : i32, i32
  }
  func.func @transform_3(%arg0: i32) -> (i32, i32) {
    %c0_i32 = arith.constant 0 : i32
    %c0_i32_0 = arith.constant 0 : i32
    %c0_i32_1 = arith.constant 0 : i32
    return %c0_i32, %c0_i32_0 : i32, i32
  }
}

module attributes {stable_mosaic.version = 14 : i64} {
  func.func @_den_body(%arg0: i32, %arg1: memref<2x1000x16xf32, #tpu.memory_space<vmem>>, %arg2: memref<1000x16xf32, #tpu.memory_space<vmem>>) attributes {dimension_semantics = [#tpu.dimension_semantics<arbitrary>], iteration_bounds = array<i64: 10>, scalar_prefetch = 0 : i64, scratch_operands = 0 : i64, tpu.core_type = #tpu.core_type<tc>, window_params = [{transform_indices = @transform_0, window_bounds = array<i64: 2, 1000, 16>}, {transform_indices = @transform_1, window_bounds = array<i64: 1000, 16>}]} {
    %get3A = arith.constant 0 : index
    %get3A_0 = arith.constant 0 : index
    %get3A_1 = arith.constant 0 : index
    %get3A_2 = vector.load %arg1[%get3A, %get3A_0, %get3A_1] : memref<2x1000x16xf32, #tpu.memory_space<vmem>>, vector<1x1000x16xf32>
    %get3A_3 = vector.shape_cast %get3A_2 : vector<1x1000x16xf32> to vector<1000x16xf32>
    %get3A_4 = arith.constant 1 : index
    %get3A_5 = arith.constant 0 : index
    %get3A_6 = arith.constant 0 : index
    %get3A_7 = vector.load %arg1[%get3A_4, %get3A_5, %get3A_6] : memref<2x1000x16xf32, #tpu.memory_space<vmem>>, vector<1x1000x16xf32>
    %get3A_8 = vector.shape_cast %get3A_7 : vector<1x1000x16xf32> to vector<1000x16xf32>
    %add3A = arith.addf %get3A_3, %get3A_8 : vector<1000x16xf32>
    %swap3A = arith.constant 0 : index
    %swap3A_9 = arith.constant 0 : index
    %swap3A_10 = vector.load %arg2[%swap3A, %swap3A_9] : memref<1000x16xf32, #tpu.memory_space<vmem>>, vector<1000x16xf32>
    tpu.vector_store %arg2[%swap3A, %swap3A_9], %add3A {strides = array<i32>} : memref<1000x16xf32, #tpu.memory_space<vmem>>, vector<1000x16xf32>,
    return
  }
  func.func @transform_0(%arg0: i32) -> (i32, i32, i32) {
    %c0_i32 = arith.constant 0 : i32
    %c0_i32_0 = arith.constant 0 : i32
    %c0_i32_1 = arith.constant 0 : i32
    return %c0_i32, %arg0, %c0_i32_0 : i32, i32, i32
  }
  func.func @transform_1(%arg0: i32) -> (i32, i32) {
    %c0_i32 = arith.constant 0 : i32
    %c0_i32_0 = arith.constant 0 : i32
    return %arg0, %c0_i32 : i32, i32
  }
}

module attributes {stable_mosaic.version = 14 : i64} {
  func.func @_out_body(%arg0: i32, %arg1: memref<2x1000x128xf32, #tpu.memory_space<vmem>>, %arg2: memref<1x128xf32, #tpu.memory_space<vmem>>, %arg3: memref<1000x128xf32, #tpu.memory_space<vmem>>) attributes {dimension_semantics = [#tpu.dimension_semantics<arbitrary>], iteration_bounds = array<i64: 10>, scalar_prefetch = 0 : i64, scratch_operands = 0 : i64, tpu.core_type = #tpu.core_type<tc>, window_params = [{transform_indices = @transform_0, window_bounds = array<i64: 2, 1000, 128>}, {pipeline_mode = #tpu.pipeline_mode<synchronous>, transform_indices = @transform_1, window_bounds = array<i64: 1, 128>}, {transform_indices = @transform_2, window_bounds = array<i64: 1000, 128>}]} {
    %get3A = arith.constant 0 : index
    %get3A_0 = arith.constant 0 : index
    %get3A_1 = arith.constant 0 : index
    %get3A_2 = vector.load %arg1[%get3A, %get3A_0, %get3A_1] : memref<2x1000x128xf32, #tpu.memory_space<vmem>>, vector<1x1000x128xf32>
    %get3A_3 = vector.shape_cast %get3A_2 : vector<1x1000x128xf32> to vector<1000x128xf32>
    %get3A_4 = arith.constant 1 : index
    %get3A_5 = arith.constant 0 : index
    %get3A_6 = arith.constant 0 : index
    %get3A_7 = vector.load %arg1[%get3A_4, %get3A_5, %get3A_6] : memref<2x1000x128xf32, #tpu.memory_space<vmem>>, vector<1x1000x128xf32>
    %get3A_8 = vector.shape_cast %get3A_7 : vector<1x1000x128xf32> to vector<1000x128xf32>
    %add3A = arith.addf %get3A_3, %get3A_8 : vector<1000x128xf32>
    %get3A_9 = arith.constant 0 : index
    %get3A_10 = arith.constant 0 : index
    %get3A_11 = vector.load %arg2[%get3A_9, %get3A_10] : memref<1x128xf32, #tpu.memory_space<vmem>>, vector<1x128xf32>
    %add3A_12 = vector.broadcast %get3A_11 : vector<1x128xf32> to vector<1000x128xf32>
    %add3A_13 = arith.addf %add3A, %add3A_12 : vector<1000x128xf32>
    %swap3A = arith.constant 0 : index
    %swap3A_14 = arith.constant 0 : index
    %swap3A_15 = vector.load %arg3[%swap3A, %swap3A_14] : memref<1000x128xf32, #tpu.memory_space<vmem>>, vector<1000x128xf32>
    tpu.vector_store %arg3[%swap3A, %swap3A_14], %add3A_13 {strides = array<i32>} : memref<1000x128xf32, #tpu.memory_space<vmem>>, vector<1000x128xf32>,
    return
  }
  func.func @transform_0(%arg0: i32) -> (i32, i32, i32) {
    %c0_i32 = arith.constant 0 : i32
    %c0_i32_0 = arith.constant 0 : i32
    %c0_i32_1 = arith.constant 0 : i32
    return %c0_i32, %arg0, %c0_i32_0 : i32, i32, i32
  }
  func.func @transform_1(%arg0: i32) -> (i32, i32) {
    %c0_i32 = arith.constant 0 : i32
    %c0_i32_0 = arith.constant 0 : i32
    %c0_i32_1 = arith.constant 0 : i32
    return %c0_i32, %c0_i32_0 : i32, i32
  }
  func.func @transform_2(%arg0: i32) -> (i32, i32) {
    %c0_i32 = arith.constant 0 : i32
    %c0_i32_0 = arith.constant 0 : i32
    return %arg0, %c0_i32 : i32, i32
  }
}

</mosaic_0001>

<sc_bundles>
// kernel: kernel.11.cloned.1.call-start
scs
__scs_entry_jumppad:
0x0: {  	(pc) =	sbr.rel $0x88, $3  }
0x1: {  	(tag) =	ssettag $0x0;
	lr =	simm.s32 $0x1  }
0x2: {  	[smem:$0x3F98] =	sst lr;
	_ =	strace $0xD0000000  }
0x3: {  	_ = 	snop  }
0x4: {  	_ = 	snop  }
0x5: {  	_ = 	snop  }
0x6: {  	_ = 	snop  }
0x7: {  	_ = 	snop  }
__scs_overlays_trampoline_lowered:
0x8: {  	[smem:$0x3FA7] =	sst s0  }
0x9: {  	[smem:$0x3FA8] =	sst s1  }
0xa: {  	[smem:$0x3FA9] =	sst s2  }
0xb: {  	[smem:$0x3FAA] =	sst s3  }
0xc: {  	[smem:$0x3FAB] =	sst s4  }
0xd: {  	[smem:$0x3FAC] =	sst s5  }
0xe: {  	[smem:$0x3FAD] =	sst s6  }
0xf: {  	[smem:$0x3FAE] =	sst s7  }
0x10: {  	[smem:$0x3FAF] =	sst s8  }
0x11: {  	[smem:$0x3FB0] =	sst s9;
	s0 =	simm.s32 @!p0 $0x0  }
0x12: {  	s1 =	sld [smem:$0x3F96];
	s0 =	simm.s32 @p0 $0x1  }
0x13: {  	[smem:$0x3FB1] =	sst s0;
	s0 =	simm.s32 @!p1 $0x0  }
0x14: {  	s2 =	sld [smem:$0x3F95];
	s0 =	simm.s32 @p1 $0x1  }
0x15: {  	[smem:$0x3FB2] =	sst s0;
	s0 =	simm.s32 @!p2 $0x0  }
0x16: {  	s3 =	sld [smem:$0x3FDB];
	s0 =	simm.s32 @p2 $0x1  }
0x17: {  	s4 =	simm.s32 $0x1BF5;
	[smem:$0x3FB4] =	sst s0  }
0x18: {  	s0 =	sld [smem:$0x3F97];
	_ =	swait.ge [sflag:s4], $0x0  }
0x19: {  	s7 =	sld [smem:$0x3F98]  }
0x1a: {  	s8 =	sadd.s32 $0xFFFFE003, lr  }
0x1b: {  	s9 =	sadd.s32 $0xFFFFFEF7, lr;
	s5 =	simm.s32 $0xFFFFFFFF;
	p2 =	slt.u32 s8, $0xFFFFF086  }
0x1c: {  	p1 =	slt.u32 s9, $0xF7A;
	s5 =	simm.s32 @!p2 $0x0  }
0x1d: {  	s5 =	simm.s32 @p1 $0x1;
	p0 =	seq.s32 s7, s2  }
0x1e: {  	s7 =	smul.u32 @!p0 $0xF7A, s2;
	p2 =	seq.s32 @!p0 s5, $0x0  }
0x1f: {  	s9 =	smul.u32 $0xF7A, s1;
	s8 =	simm.s32 @!p0 $0x1BF5;
	p2 =	por !p2, p0  }
0x20: {  	[sflag:s8] =	ssyncset.s32 @!p0 $0xFFFFF086;
	s6 =	sadd.s32 @!p0 s3, s7;
	s7 =	simm.s32 @!p0 $0x108  }
0x21: {  	s3 =	sadd.s32 s3, s9;
	s6 =	sadd.s32 @!p0 $0x88, s6;
	s7 =	simm.s32 @p2 $0x1082  }
0x22: {  	[simem:s7], [sflag:s8] =	dma.local @!p0 [hbm:s6], $0xF7A  }
0x23: {  	s9 =	sor.u32 $0xD0000000, s2;
	s6 =	simm.s32 $0x108;
	_ =	swait.ge @!p0 [sflag:s8], $0x0  }
0x24: {  	s3 =	sadd.s32 $0x88, s3;
	s6 =	simm.s32 @!p1 $0x1082;
	[sflag:s4] =	ssyncset.s32 $0xFFFFF086  }
0x25: {  	[simem:s6], [sflag:s4] =	dma.local [hbm:s3], $0xF7A  }
0x26: {  	[smem:$0x3F98] =	sst s1;
	(tag) =	ssettag s2;
	_ =	strace s9  }
0x27: {  	s1 =	sld [smem:$0x3FA8]  }
0x28: {  	s2 =	sld [smem:$0x3FA9]  }
0x29: {  	s4 =	sld [smem:$0x3FAB]  }
0x2a: {  	p0 =	seq.s32 s5, $0x0;
	s5 =	sld [smem:$0x3FAC]  }
0x2b: {  	s6 =	sld [smem:$0x3FAD]  }
0x2c: {  	s7 =	sld [smem:$0x3FAE]  }
0x2d: {  	s3 =	simm.s32 $0x108;
	s8 =	sld [smem:$0x3FAF]  }
0x2e: {  	s3 =	simm.s32 @!p0 $0x1082;
	s9 =	sld [smem:$0x3FB0]  }
0x2f: {  	lr =	sadd.s32 s0, s3;
	s0 =	sld [smem:$0x3FA7]  }
0x30: {  	s3 =	sld [smem:$0x3FAA]  }
0x31: {  	[smem:$0x3FB3] =	sst s10  }
0x32: {  	s10 =	sld [smem:$0x3FB1];
	_ =	sdelay $0x3  }
0x33: {  	p0 =	seq.s32 s10, $0x1;
	s10 =	sld [smem:$0x3FB3];
	_ =	sdelay $0x3  }
0x34: {  	[smem:$0x3FB3] =	sst s10  }
0x35: {  	s10 =	sld [smem:$0x3FB2];
	_ =	sdelay $0x3  }
0x36: {  	p1 =	seq.s32 s10, $0x1;
	s10 =	sld [smem:$0x3FB3];
	_ =	sdelay $0x3  }
0x37: {  	[smem:$0x3FB3] =	sst s10  }
0x38: {  	s10 =	sld [smem:$0x3FB4]  }
0x39: {  	_ = 	snop;
	(pc) =	sbr.ind lr, $3  }
0x3a: {  	_ = 	snop  }
0x3b: {  	_ = 	snop  }
0x3c: {  	p2 =	seq.s32 s10, $0x1;
	s10 =	sld [smem:$0x3FB3]  }
0x3d: {  	_ =	shalt  }
0x3e: {  	_ =	shalt  }
0x3f: {  	_ =	shalt  }
0x40: {  	_ =	shalt  }
0x41: {  	_ =	shalt  }
0x42: {  	_ =	shalt  }
0x43: {  	_ =	shalt  }
0x44: {  	_ =	shalt  }
0x45: {  	_ =	shalt  }
0x46: {  	_ =	shalt  }
0x47: {  	_ =	shalt  }
0x48: {  	_ =	shalt  }
0x49: {  	_ =	shalt  }
0x4a: {  	_ =	shalt  }
0x4b: {  	_ =	shalt  }
0x4c: {  	_ =	shalt  }
0x4d: {  	_ =	shalt  }
0x4e: {  	_ =	shalt  }
0x4f: {  	_ =	shalt  }
0x50: {  	_ =	shalt  }
0x51: {  	_ =	shalt  }
0x52: {  	_ =	shalt  }
0x53: {  	_ =	shalt  }
0x54: {  	_ =	shalt  }
0x55: {  	_ =	shalt  }
0x56: {  	_ =	shalt  }
0x57: {  	_ =	shalt  }
0x58: {  	_ =	shalt  }
0x59: {  	_ =	shalt  }
0x5a: {  	_ =	shalt  }
0x5b: {  	_ =	shalt  }
0x5c: {  	_ =	shalt  }
0x5d: {  	_ =	shalt  }
0x5e: {  	_ =	shalt  }
0x5f: {  	_ =	shalt  }
0x60: {  	_ =	shalt  }
0x61: {  	_ =	shalt  }
0x62: {  	_ =	shalt  }
0x63: {  	_ =	shalt  }
0x64: {  	_ =	shalt  }
0x65: {  	_ =	shalt  }
0x66: {  	_ =	shalt  }
0x67: {  	_ =	shalt  }
0x68: {  	_ =	shalt  }
0x69: {  	_ =	shalt  }
0x6a: {  	_ =	shalt  }
0x6b: {  	_ =	shalt  }
0x6c: {  	_ =	shalt  }
0x6d: {  	_ =	shalt  }
0x6e: {  	_ =	shalt  }
0x6f: {  	_ =	shalt  }
0x70: {  	_ =	shalt  }
0x71: {  	_ =	shalt  }
0x72: {  	_ =	shalt  }
0x73: {  	_ =	shalt  }
0x74: {  	_ =	shalt  }
0x75: {  	_ =	shalt  }
0x76: {  	_ =	shalt  }
0x77: {  	_ =	shalt  }
0x78: {  	_ =	shalt  }
0x79: {  	_ =	shalt  }
0x7a: {  	_ =	shalt  }
0x7b: {  	_ =	shalt  }
0x7c: {  	_ =	shalt  }
0x7d: {  	_ =	shalt  }
0x7e: {  	_ =	shalt  }
0x7f: {  	_ =	shalt  }
0x80: {  	_ =	shalt  }
0x81: {  	_ =	shalt  }
0x82: {  	_ =	shalt  }
0x83: {  	_ =	shalt  }
0x84: {  	_ =	shalt  }
0x85: {  	_ =	shalt  }
0x86: {  	_ =	shalt  }
0x87: {  	_ =	shalt  }
.Lfunc_end0:
.L_simem_size_0:
called_computation.1_lowered:
.L_overlay_start_0:
0x88: {  	s2 =	sld [smem:$0x3FD9]  }
0x89: {  	s3 =	sld [smem:$0x3FFE];
	_ =	sdelay $0x1  }
0x8a: {  	s1 =	srdreg.scid  }
0x8b: {  	s0 =	sand.u32 $0x1, s1  }
0x8c: {  	s14 =	sshll.u32 s0, $0xA;
	s2 =	sadd.s32 s3, s2  }
0x8d: {  	s2 =	sadd.s32 s2, s14  }
0x8e: {  	[smem:$0x3FBF] =	sst s2  }
0x8f: {  	_ = 	snop  }
0x90: {  	s2 =	sld [smem:$0x3FD0];
	_ =	sdelay $0x2  }
0x91: {  	s15 =	simm.s32 $0xA;
	s4 =	simm.s32 $0x10  }
0x92: {  	[smem:s4], [sflag:s15] =	dma.local [hbm:s2], $0x1  }
0x93: {  	_ =	swait.eq [sflag:s15], $0x1  }
0x94: {  	[sflag:s15] =	ssyncset.done $0x0  }
0x95: {  	s16 =	sld [smem:$0x10];
	[sflag:s15] =	ssyncadd.s32 $0xFFFFFFFF  }
0x96: {  	s17 =	sld [smem:$0x12];
	(tm) =	ssettm $0x1  }
0x97: {  	s18 =	sld [smem:$0x3FFB];
	_ =	sdelay $0x3  }
0x98: {  	_ =	strace s18  }
0x99: {  	s4 =	sld [smem:$0x3FFC];
	_ =	sdelay $0x3  }
0x9a: {  	_ =	strace s4  }
0x9b: {  	s4 =	sld [smem:$0x3FFD];
	_ =	sdelay $0x3  }
0x9c: {  	_ =	strace s4  }
0x9d: {  	_ =	strace $0x8FFFFFFF  }
0x9e: {  	s19 =	sld [smem:$0x3FDB];
	_ =	sdelay $0x1  }
0x9f: {  	s5 =	simm.s32 $_scs_section_size  }
0xa0: {  	s6 =	simm.s32 $_size__tile_overlayer_lowered;
	s7 =	simm.s32 $_tile_overlayer_lowered  }
0xa1: {  	s22 =	simm.s32 $0x1BFF;
	s21 =	sshll.u32 s7, $0x1;
	s4 =	sadd.s32 s5, s19  }
0xa2: {  	s8 =	simm.s32 $0x0;
	s20 =	sshll.u32 s6, $0x1;
	s6 =	sadd.s32 s21, s4  }
0xa3: {  	[timem:s8], [sflag:s22] =	dma.local [hbm:s6], s20  }
0xa4: {  	_ =	swait.ge [sflag:s22], s20  }
0xa5: {  	s5 =	ssub.s32 $0x0, s20;
	[sflag:s22] =	ssyncset.done $0x0  }
0xa6: {  	[sflag:s22] =	ssyncadd.s32 s5;
	_ =	sdelay $0x1  }
0xa7: {  	s23 =	simm.s32 $0x1B8B  }
0xa8: {  	_ =	swait.ge [sflag:s23], $0x1  }
0xa9: {  	[sflag:s23] =	ssyncset.done $0x0  }
0xaa: {  	s25 =	simm.s32 $0x1B8E;
	s24 =	sld [smem:$0x3FFE];
	[sflag:s23] =	ssyncadd.s32 $0xFFFFFFFF  }
0xab: {  	s26 =	simm.s32 $execute0_lowered;
	[smem:$0x3FD2] =	sst s25  }
0xac: {  	s6 =	sshll.u32 s26, $0x1;
	_ =	strace $0x80000049;
	[dreg:$0x1] =	wrdreg $0xFFFFFFFF  }
0xad: {  	s28 =	simm.s32 $_size_execute0_lowered;
	s4 =	sadd.s32 s4, s6;
	[dreg:$0x0] =	wrdreg $0x0  }
0xae: {  	s6 =	sshll.u32 s28, $0x1;
	[dreg:$0x2] =	wrdreg s4  }
0xaf: {  	[dreg:$0x3] =	wrdreg s6  }
0xb0: {  	[dreg:$0x4] =	wrdreg $0xC0  }
0xb1: {  	_ =	task [dreg:s8], $0x5FFFF  }
0xb2: {  	[dreg:$0x1] =	wrdreg $0xFFFFFFFF  }
0xb3: {  	[dreg:$0x0] =	wrdreg $0x60  }
0xb4: {  	[dreg:$0x2] =	wrdreg s24  }
0xb5: {  	[dreg:$0x3] =	wrdreg s16  }
0xb6: {  	[dreg:$0x4] =	wrdreg s17  }
0xb7: {  	[dreg:$0x5] =	wrdreg $0x0  }
0xb8: {  	[dreg:$0x6] =	wrdreg $0x9  }
0xb9: {  	_ =	task.clear_ibuf [dreg:s8], $0x7FFFF;
	_ =	strace $0x90000049  }
0xba: {  	s29 =	simm.s32 $0x9;
	_ =	strace $0x8000004B  }
0xbb: {  	_ =	swait.ge [sflag:s29], $0x1  }
0xbc: {  	[sflag:s29] =	ssyncadd.s32 $0xFFFFFFFF  }
0xbd: {  	_ =	strace $0x9000004B  }
0xbe: {  	_ =	sfence  }
0xbf: {  	s30 =	sld [smem:$0x0];
	_ =	sdelay $0x2  }
0xc0: {  	s31 =	sshll.u32 s1, $0xD;
	s1 =	sshrl.u32 s1, $0x2  }
0xc1: {  	s3 =	sand.u32 $0x4000, s31;
	s1 =	sadd.s32 s1, s30  }
0xc2: {  	s0 =	sor.u32 s3, s0;
	s1 =	sshll.u32 s1, $0x11  }
0xc3: {  	s0 =	sor.u32 s1, s0  }
0xc4: {  	s0 =	sadd.s32 $0x8F2B, s0  }
0xc5: {  	[sflag:s0] =	ssyncadd.remote.s32 $0x1  }
0xc6: {  	_ =	sfence.sel $0xFFFF  }
0xc7: {  	[dreg:$0x0] =	wrdreg $0xFFFFFFFF;
	(pc) =	sbr.abs _section_cstart, $3  }
0xc8: {  	[dreg:$0x1] =	wrdreg $0xFFFFFFFF  }
0xc9: {  	_ =	task.clear_ibuf [dreg:s8], $0x2FFFF;
	_ =	strace $0x9FFFFFFF  }
0xca: {  	(tm) =	ssettm $0x7FFFFFFF  }
0xcb: {  	_ =	shalt  }
tec
execute0_lowered:
.L_overlay_start_1:
0x0: {  	(tag) =	ssettag $0x1  }
0x1: {  	s0 =	rddreg [dreg:$0x0]  }
0x2: {  	s1 =	rddreg [dreg:$0x1]  }
0x3: {  	s6 =	rddreg [dreg:$0x2]  }
0x4: {  	s2 =	rddreg [dreg:$0x3];
	s3 =	simm.s32 $0x0;
	s8 =	srdreg.scid  }
0x5: {  	s16 =	stileid.u32;
	s28 =	simm.s32 $0x80;
	s30 =	simm.s32 $0x15180  }
0x6: {  	s31 =	simm.s32 $0x19180;
	s29 =	simm.s32 $0x19A80;
	s17 =	simm.s32 $0x0  }
0x7: {  	[smem:$0x7FF] =	sst s3;
	s4 =	sadd.s32 $0x17600, s0;
	s5 =	sadd.s32 $0xCE00, s0  }
0x8: {  	s7 =	sadd.s32 $0xCE000, s0;
	s10 =	sand.u32 $0x1, s8;
	s8 =	sadd.s32 $0x21E00, s0  }
0x9: {  	s9 =	sadd.s32 $0x26E00, s0;
	s13 =	smul.u32 $0x14000, s16;
	p0 =	seq.s32 s16, $0xF  }
0xa: {  	s11 =	smul.u32 $0x27100, s10;
	s12 =	sshll.u32 s10, $0x4;
	s19 =	ssub.s32 $0x2, s10  }
0xb: {  	_ =	strace $0x8000004A;
	s12 =	sor.u32 s16, s12;
	s14 =	sshrl.u32 s19, $0x1  }
0xc: {  	s15 =	sshrl.u32 s13, $0x3;
	s13 =	sadd.s32 s13, s2;
	s0 =	sadd.s32 s11, s0  }
0xd: {  	s10 =	smul.u32 $0x2A00, s12;
	s11 =	ssub.s32 s19, s14;
	[dreg:$0x6] =	wrdreg s13  }
0xe: {  	[dreg:$0x5] =	wrdreg s15;
	s20 =	sadd.s32 s6, s15;
	s22 =	smul.u32 $0x5400, s12  }
0xf: {  	s13 =	sadd.s32 $0x12C000, s2;
	s6 =	sadd.s32 $0x25800, s6;
	s18 =	smul.u32 $0x15000, s12  }
0x10: {  	s12 =	simm.s32 $0x1;
	s14 =	simm.s32 $0x3;
	[dreg:$0x7] =	wrdreg s20  }
0x11: {  	s15 =	simm.s32 $0x4;
	[dreg:$0x8] =	wrdreg s6;
	s0 =	sadd.s32 $0x7AE00, s0  }
0x12: {  	s26 =	smax.u32 s11, $0x1;
	s20 =	sshrl.u32 @p0 s13, $0x3;
	[dreg:$0xc] =	wrdreg s0  }
0x13: {  	s6 =	simm.s32 $0x1AA80;
	s13 =	simm.s32 $0x2;
	[dreg:$0xd] =	wrdreg s26  }
0x14: {  	s21 =	sshrl.u32 s10, $0x3;
	s25 =	sadd.s32 s7, s22;
	[dreg:$0xe] =	wrdreg s20  }
0x15: {  	s19 =	sor.u32 $0x100, s10;
	s23 =	sadd.s32 s4, s21;
	[dreg:$0xb] =	wrdreg s25  }
0x16: {  	s0 =	simm.s32 $0x19200;
	s24 =	sadd.s32 s5, s21;
	[dreg:$0x9] =	wrdreg s23  }
0x17: {  	s25 =	simm.s32 $0x13900;
	[dreg:$0xa] =	wrdreg s24;
	s24 =	simm.s32 $0x5  }
.LBB2_1:
0x18: {  	[dreg:$0xf] =	wrdreg s17  }
0x19: {  	s11 =	simm.s32 @p0 $0x1FC5;
	s16 =	rddreg [dreg:$0x8]  }
0x1a: {  	[spmem:s20], [sflag:s11] =	dma.local @p0 [hbm:s16], $0x1900  }
0x1b: {  	s11 =	simm.s32 @p0 $0x5  }
0x1c: {  	s16 =	stileid.u32;
	_ =	swait.ge @p0 [sflag:s11], $0x1900  }
0x1d: {  	s16 =	sshll.u32 @!p0 s16, $0x6;
	[sflag:s11] =	ssyncset.done @p0 $0x0  }
0x1e: {  	s16 =	sor.u32 @!p0 $0x1C05, s16;
	[sflag:s11] =	ssyncadd.s32 @p0 $0xFFFFE700;
	s11 =	rddreg [dreg:$0x6]  }
0x1f: {  	[dreg:$0x10] =	wrdreg s16  }
0x20: {  	s17 =	sshrl.u32 @!p0 s11, $0x3;
	s11 =	rddreg [dreg:$0x7]  }
0x21: {  	[dreg:$0x11] =	wrdreg s17  }
0x22: {  	[spmem:s17], [sflag:s16] =	dma.local @!p0 [hbm:s11], $0x2800  }
0x23: {  	s11 =	simm.s32 @!p0 $0x5  }
0x24: {  	_ =	swait.ge @!p0 [sflag:s11], $0x2800  }
0x25: {  	[sflag:s11] =	ssyncset.done @!p0 $0x0  }
0x26: {  	[sflag:s11] =	ssyncadd.s32 @!p0 $0xFFFFD800  }
0x27: {  	[bflag:$0x0] =	sbarrier.arrive $0xFFFF  }
0x28: {  	s20 =	simm.s32 $0x13880;
	s17 =	rddreg [dreg:$0x9]  }
0x29: {  	[tilespmem:s20], [sflag:$0x5] =	stream.linear.gather [hbm4b:s17+s3], $0x80, $0x38;
	[tilespmem:$0x1EA80] =	vst v63  }
0x2a: {  	_ =	swait.ge [sflag:s24], $0x80  }
0x2b: {  	[sflag:s24] =	ssyncset.done $0x0  }
0x2c: {  	s21 =	rddreg [dreg:$0xa];
	[sflag:s24] =	ssyncadd.s32 $0xFFFFFF80  }
0x2d: {  	[tilespmem:s25], [sflag:$0x5] =	stream.linear.gather [hbm4b:s21+s3], $0x80, $0x38;
	[tilespmem:$0x1EA80] =	vst v63  }
0x2e: {  	_ =	swait.ge [sflag:s24], $0x80  }
0x2f: {  	[sflag:s24] =	ssyncset.done $0x0  }
0x30: {  	s23 =	simm.s32 $0x13980;
	s22 =	rddreg [dreg:$0xb];
	[sflag:s24] =	ssyncadd.s32 $0xFFFFFF80  }
0x31: {  	[tilespmem:s23], [sflag:$0x5] =	stream.linear.gather [hbm4b:s22+s3], $0x800, $0x38;
	[tilespmem:$0x1EA80] =	vst v63  }
0x32: {  	_ =	swait.ge [sflag:s24], $0x800  }
0x33: {  	[sflag:s24] =	ssyncset.done $0x0  }
0x34: {  	s26 =	simm.s32 $0x14180;
	[sflag:s24] =	ssyncadd.s32 $0xFFFFF800  }
0x35: {  	[tilespmem:s26], [sflag:$0x1] =	stream.indirect.gather [hbm4b:s8+s28], $0x10, s25, s28, $0xb8;
	[tilespmem:$0x1EA80] =	vst v63  }
0x36: {  	s21 =	simm.s32 $0x0  }
0x37: {  	[tilespmem:s30], [sflag:$0x2] =	stream.indirect.gather [hbm4b:s1+s28], $0x80, s20, s28, $0xb8;
	[tilespmem:$0x1EA80] =	vst v63  }
.LBB2_2:
0x38: {  	s20 =	sshll.u32 s21, $0x8  }
0x39: {  	s11 =	sadd.s32 s20, s10  }
0x3a: {  	s11 =	sadd.s32 $0x80, s11  }
0x3b: {  	s16 =	sshrl.u32 s11, $0x3  }
0x3c: {  	s22 =	simm.s32 $0x0;
	s17 =	sadd.s32 s4, s16  }
0x3d: {  	[tilespmem:s31], [sflag:$0x5] =	stream.linear.gather [hbm4b:s17+s22], $0x80, $0x38;
	[tilespmem:$0x1EA80] =	vst v63  }
0x3e: {  	_ =	swait.ge [sflag:s24], $0x80  }
0x3f: {  	[sflag:s24] =	ssyncset.done $0x0  }
0x40: {  	s16 =	sadd.s32 s5, s16;
	[sflag:s24] =	ssyncadd.s32 $0xFFFFFF80  }
0x41: {  	[tilespmem:s0], [sflag:$0x5] =	stream.linear.gather [hbm4b:s16+s22], $0x80, $0x38;
	[tilespmem:$0x1EA80] =	vst v63  }
0x42: {  	s23 =	sshll.u32 s11, $0x1;
	_ =	swait.ge [sflag:s24], $0x80  }
0x43: {  	s16 =	sand.u32 $0x1FFFFF00, s23;
	[sflag:s24] =	ssyncset.done $0x0  }
0x44: {  	s26 =	simm.s32 $0x19280;
	s16 =	sadd.s32 s7, s16;
	[sflag:s24] =	ssyncadd.s32 $0xFFFFFF80  }
0x45: {  	[tilespmem:s26], [sflag:$0x5] =	stream.linear.gather [hbm4b:s16+s22], $0x800, $0x38;
	[tilespmem:$0x1EA80] =	vst v63  }
0x46: {  	_ =	swait.ge [sflag:s24], $0x800  }
0x47: {  	[sflag:s24] =	ssyncset.done $0x0  }
0x48: {  	[sflag:s24] =	ssyncadd.s32 $0xFFFFF800  }
0x49: {  	[tilespmem:s29], [sflag:$0x3] =	stream.indirect.gather [hbm4b:s8+s28], $0x10, s0, s28, $0xb8;
	[tilespmem:$0x1EA80] =	vst v63  }
0x4a: {  	_ = 	snop  }
0x4b: {  	[tilespmem:s6], [sflag:$0x4] =	stream.indirect.gather [hbm4b:s1+s28], $0x80, s31, s28, $0xb8;
	[tilespmem:$0x1EA80] =	vst v63  }
0x4c: {  	_ =	swait.ge [sflag:s12], $0x800  }
0x4d: {  	[sflag:s12] =	ssyncset.done $0x0  }
0x4e: {  	s22 =	simm.s32 $0x0;
	[sflag:s12] =	ssyncadd.s32 $0xFFFFF800  }
0x4f: {  	v0 =	vld [tilespmem:s22+$0x14180];
	_ =	sdelay $0x4  }
0x50: {  	v0 =	vadd.f32 $1.000000020e-16, v0  }
0x51: {  	s17 =	simm.s32 $0x10  }
0x52: {  	(erf) = vrcp.f32 v0;
	v0 =	vld [tilespmem:s17+$0x14180];
	_ =	sdelay $0x3  }
0x53: {  	s23 =	simm.s32 $0x20  }
0x54: {  	v1 =	vld [tilespmem:s23+$0x14180];
	v2 =	vadd.f32 $1.000000020e-16, v0  }
0x55: {  	v0 =	vld [tilespmem:s22+$0x13980]  }
0x56: {  	(erf) = vrcp.f32 v2;
	_ =	sdelay $0x2  }
0x57: {  	s16 =	simm.s32 $0xC0;
	v2 =	vpop (erf)  }
.LBB2_3:
0x58: {  	s26 =	sshra.s32 s16, $0x2;
	p1 =	sne.s32 s16, $0x1FC0;
	s16 =	sadd.s32 $0x40, s16;
	v3 =	vadd.f32 $1.000000020e-16, v1;
	v2 =	vmul.f32 v2, v0;
	v0 =	vld [tilespmem:s17+$0x13980]  }
.Ltmp0:
0x59: {  	v1 =	vld [tilespmem:s26+$0x14180];
	(pc) =	sbr.rel @p1 .LBB2_3-.Ltmp0, $3  }
0x5a: {  	(erf) = vrcp.f32 v3;
	[tilespmem:s22+$0x14980] =	vst v2;
	s22 =	smov.u32 s17;
	s17 =	smov.u32 s23;
	s23 =	smov.u32 s26  }
0x5b: {  	_ =	sdelay $0x1  }
0x5c: {  	v2 =	vpop (erf)  }
0x5d: {  	v1 =	vadd.f32 $1.000000020e-16, v1;
	_ =	sdelay $0x1  }
0x5e: {  	(erf) = vrcp.f32 v1;
	_ =	sdelay $0x1  }
0x5f: {  	v0 =	vmul.f32 v2, v0;
	_ =	sdelay $0x1  }
0x60: {  	v1 =	vld [tilespmem:s17+$0x13980];
	[tilespmem:s22+$0x14980] =	vst v0  }
0x61: {  	v0 =	vld [tilespmem:s23+$0x13980];
	_ =	sdelay $0x2  }
0x62: {  	v2 =	vpop (erf)  }
0x63: {  	v1 =	vmul.f32 v2, v1;
	v2 =	vpop (erf)  }
0x64: {  	v0 =	vmul.f32 v2, v0  }
0x65: {  	[tilespmem:s17+$0x14980] =	vst v1  }
0x66: {  	[tilespmem:s23+$0x14980] =	vst v0  }
0x67: {  	_ =	swait.ge [sflag:s13], $0x4000  }
0x68: {  	[sflag:s13] =	ssyncset.done $0x0  }
0x69: {  	s23 =	simm.s32 $0x151C0;
	[sflag:s13] =	ssyncadd.s32 $0xFFFFC000  }
0x6a: {  	s16 =	simm.s32 $0x0;
	s22 =	simm.s32 $0x151C0;
	s17 =	simm.s32 $0x40;
	v0 =	vld [tilespmem:s23+$0xFFFFFFF0]  }
.LBB2_5:
0x6b: {  	p1 =	sne.s32 s17, $0x1FC0;
	v1 =	vld [tilespmem:s16+$0x14980]  }
0x6c: {  	v2 =	vld [tilespmem:s23+$0xFFFFFFD0]  }
0x6d: {  	v3 =	vld [tilespmem:s23+$0xFFFFFFC0]  }
0x6e: {  	v4 =	vld [tilespmem:s23+$0xFFFFFFE0]  }
0x6f: {  	v5 =	vld [tilespmem:s23+$0x30]  }
0x70: {  	v6 =	vbroadcast v1, $0x0;
	v7 =	vbroadcast v1, $0x1;
	v8 =	vld [tilespmem:s23+$0x10]  }
0x71: {  	v9 =	vbroadcast v1, $0x2;
	v10 =	vbroadcast v1, $0x3;
	v11 =	vld [tilespmem:s23+$0x0]  }
0x72: {  	v3 =	vmul.f32 v6, v3;
	v2 =	vmul.f32 v2, v7;
	v6 =	vld [tilespmem:s23+$0x20]  }
0x73: {  	v0 =	vmul.f32 v0, v10;
	v4 =	vmul.f32 v4, v9  }
0x74: {  	v7 =	vbroadcast v1, $0x5;
	[tilespmem:s23+$0xFFFFFFC0] =	vst v3;
	v3 =	vbroadcast v1, $0x4  }
0x75: {  	[tilespmem:s23+$0xFFFFFFD0] =	vst v2;
	v2 =	vbroadcast v1, $0x6;
	v1 =	vbroadcast v1, $0x7  }
0x76: {  	[tilespmem:s23+$0xFFFFFFE0] =	vst v4;
	v3 =	vmul.f32 v11, v3;
	v4 =	vmul.f32 v8, v7  }
.Ltmp1:
0x77: {  	[tilespmem:s23+$0xFFFFFFF0] =	vst v0;
	v0 =	vmul.f32 v6, v2;
	v1 =	vmul.f32 v5, v1;
	(pc) =	sbr.rel @p1 .LBB2_5-.Ltmp1, $4  }
0x78: {  	[tilespmem:s23+$0x0] =	vst v3  }
0x79: {  	[tilespmem:s23+$0x10] =	vst v4  }
0x7a: {  	s23 =	sadd.s32 $0x80, s23;
	[tilespmem:s22+$0x20] =	vst v0  }
0x7b: {  	s16 =	sshra.s32 s17, $0x2;
	s17 =	sadd.s32 $0x40, s17;
	v0 =	vld [tilespmem:s23+$0xFFFFFFF0];
	[tilespmem:s22+$0x30] =	vst v1;
	s22 =	smov.u32 s23  }
0x7c: {  	v1 =	vld [tilespmem:s16+$0x14980];
	_ =	sdelay $0x1  }
0x7d: {  	v2 =	vld [tilespmem:s23+$0xFFFFFFC0]  }
0x7e: {  	v3 =	vld [tilespmem:s23+$0xFFFFFFD0]  }
0x7f: {  	v4 =	vld [tilespmem:s23+$0xFFFFFFE0]  }
0x80: {  	v5 =	vbroadcast v1, $0x0  }
0x81: {  	v8 =	vld [tilespmem:s23+$0x10];
	v6 =	vbroadcast v1, $0x1  }
0x82: {  	v7 =	vld [tilespmem:s23+$0x0];
	v9 =	vbroadcast v1, $0x2;
	v2 =	vmul.f32 v5, v2  }
0x83: {  	v58 =	vld [tilespmem:s23+$0x20];
	v57 =	vbroadcast v1, $0x3;
	v3 =	vmul.f32 v3, v6  }
0x84: {  	v10 =	vld [tilespmem:s23+$0x30];
	v60 =	vbroadcast v1, $0x5;
	v4 =	vmul.f32 v4, v9;
	[tilespmem:s23+$0xFFFFFFC0] =	vst v2  }
0x85: {  	v59 =	vbroadcast v1, $0x4;
	v0 =	vmul.f32 v0, v57;
	[tilespmem:s23+$0xFFFFFFD0] =	vst v3  }
0x86: {  	v61 =	vbroadcast v1, $0x6;
	v62 =	vmul.f32 v8, v60;
	[tilespmem:s23+$0xFFFFFFE0] =	vst v4  }
0x87: {  	s26 =	sshll.u32 s21, $0xB;
	v1 =	vbroadcast v1, $0x7;
	v2 =	vmul.f32 v7, v59;
	[tilespmem:s23+$0xFFFFFFF0] =	vst v0  }
0x88: {  	s16 =	sadd.s32 s18, s26;
	v63 =	vmul.f32 v58, v61;
	[tilespmem:s23+$0x10] =	vst v62  }
0x89: {  	s16 =	sshrl.u32 s16, $0x3;
	v1 =	vmul.f32 v10, v1;
	[tilespmem:s23+$0x0] =	vst v2  }
0x8a: {  	s17 =	simm.s32 $0x14980;
	s16 =	sadd.s32 s9, s16;
	[tilespmem:s22+$0x20] =	vst v63  }
0x8b: {  	s26 =	sadd.s32 $0x0, s16;
	s23 =	simm.s32 $0x14990;
	[tilespmem:s22+$0x30] =	vst v1;
	s22 =	simm.s32 $0x1  }
.LBB2_7:
0x8c: {  	[hbm4b:s26+s3] =	stream.linear.scatter [tilespmem:s17], [sflag:$0x5], $0x8, $0x38;
	[tilespmem:$0x1EA80] =	vst v63  }
0x8d: {  	s26 =	smov.u32 s22;
	s17 =	smov.u32 s23;
	p1 =	sne.s32 s22, $0x7F  }
.Ltmp2:
0x8e: {  	s22 =	sadd.s32 $0x1, s22;
	(pc) =	sbr.rel @p1 .LBB2_7-.Ltmp2, $2  }
0x8f: {  	_ =	sdelay $0x2  }
0x90: {  	s23 =	sadd.s32 $0x10, s23;
	s26 =	sadd.s32 s26, s16  }
0x91: {  	[hbm4b:s26+s3] =	stream.linear.scatter [tilespmem:s17], [sflag:$0x5], $0x8, $0x38;
	[tilespmem:$0x1EA80] =	vst v63  }
0x92: {  	_ =	swait.ge [sflag:s24], $0x400  }
0x93: {  	[sflag:s24] =	ssyncset.done $0x0  }
0x94: {  	p1 =	seq.s32 s21, $0x29;
	[sflag:s24] =	ssyncadd.s32 $0xFFFFFC00  }
0x95: {  	[spmem:s2] =	stream.indirect.scatter.add.f32 [tilespmem:s30], [sflag:$0x5], $0x80, s25, s28, $0xb8;
	[tilespmem:$0x1EA80] =	vst v63  }
0x96: {  	s16 =	sadd.s32 @!p1 s20, s19;
	_ =	swait.ge [sflag:s24], $0x4000  }
0x97: {  	s22 =	simm.s32 @!p1 $0x0;
	s17 =	sshrl.u32 @!p1 s16, $0x3;
	[sflag:s24] =	ssyncset.done $0x0  }
0x98: {  	s23 =	simm.s32 @!p1 $0x13880;
	s20 =	sadd.s32 @!p1 s4, s17;
	[sflag:s24] =	ssyncadd.s32 $0xFFFFC000  }
0x99: {  	[tilespmem:s23], [sflag:$0x5] =	stream.linear.gather @!p1 [hbm4b:s20+s22], $0x80, $0x38;
	[tilespmem:$0x1EA80] =	vst v63  }
0x9a: {  	s20 =	simm.s32 @!p1 $0x5  }
0x9b: {  	_ =	swait.ge @!p1 [sflag:s20], $0x80  }
0x9c: {  	[sflag:s20] =	ssyncset.done @!p1 $0x0  }
0x9d: {  	s26 =	simm.s32 @!p1 $0x13900;
	s17 =	sadd.s32 @!p1 s5, s17;
	[sflag:s20] =	ssyncadd.s32 @!p1 $0xFFFFFF80  }
0x9e: {  	[tilespmem:s26], [sflag:$0x5] =	stream.linear.gather @!p1 [hbm4b:s17+s22], $0x80, $0x38;
	[tilespmem:$0x1EA80] =	vst v63  }
0x9f: {  	s16 =	sshll.u32 @!p1 s16, $0x1;
	_ =	swait.ge @!p1 [sflag:s20], $0x80  }
0xa0: {  	s16 =	sand.u32 @!p1 $0x1FFFFE00, s16;
	[sflag:s20] =	ssyncset.done @!p1 $0x0  }
0xa1: {  	s16 =	sadd.s32 @!p1 s7, s16;
	s17 =	simm.s32 @!p1 $0x13980;
	[sflag:s20] =	ssyncadd.s32 @!p1 $0xFFFFFF80  }
0xa2: {  	[tilespmem:s17], [sflag:$0x5] =	stream.linear.gather @!p1 [hbm4b:s16+s22], $0x800, $0x38;
	[tilespmem:$0x1EA80] =	vst v63  }
0xa3: {  	_ =	swait.ge @!p1 [sflag:s20], $0x800  }
0xa4: {  	[sflag:s20] =	ssyncset.done @!p1 $0x0  }
0xa5: {  	s16 =	simm.s32 @!p1 $0x80;
	s17 =	simm.s32 @!p1 $0x14180;
	[sflag:s20] =	ssyncadd.s32 @!p1 $0xFFFFF800  }
0xa6: {  	[tilespmem:s17], [sflag:$0x1] =	stream.indirect.gather @!p1 [hbm4b:s8+s16], $0x10, s26, s16, $0xb8;
	[tilespmem:$0x1EA80] =	vst v63  }
0xa7: {  	s17 =	simm.s32 @!p1 $0x15180  }
0xa8: {  	[tilespmem:s17], [sflag:$0x2] =	stream.indirect.gather @!p1 [hbm4b:s1+s16], $0x80, s23, s16, $0xb8;
	[tilespmem:$0x1EA80] =	vst v63  }
0xa9: {  	_ =	swait.ge [sflag:s14], $0x800  }
0xaa: {  	[sflag:s14] =	ssyncset.done $0x0  }
0xab: {  	s20 =	simm.s32 $0x0;
	[sflag:s14] =	ssyncadd.s32 $0xFFFFF800  }
0xac: {  	v0 =	vld [tilespmem:s20+$0x19A80];
	_ =	sdelay $0x4  }
0xad: {  	v0 =	vadd.f32 $1.000000020e-16, v0  }
0xae: {  	s17 =	simm.s32 $0x10  }
0xaf: {  	(erf) = vrcp.f32 v0;
	v0 =	vld [tilespmem:s17+$0x19A80];
	_ =	sdelay $0x3  }
0xb0: {  	s22 =	simm.s32 $0x20  }
0xb1: {  	v1 =	vld [tilespmem:s22+$0x19A80];
	v2 =	vadd.f32 $1.000000020e-16, v0  }
0xb2: {  	v0 =	vld [tilespmem:s20+$0x19280]  }
0xb3: {  	(erf) = vrcp.f32 v2;
	_ =	sdelay $0x2  }
0xb4: {  	s16 =	simm.s32 $0xC0;
	v2 =	vpop (erf)  }
.LBB2_9:
0xb5: {  	s23 =	sshra.s32 s16, $0x2;
	p1 =	sne.s32 s16, $0x1FC0;
	s16 =	sadd.s32 $0x40, s16;
	v3 =	vadd.f32 $1.000000020e-16, v1;
	v2 =	vmul.f32 v2, v0;
	v0 =	vld [tilespmem:s17+$0x19280]  }
.Ltmp3:
0xb6: {  	v1 =	vld [tilespmem:s23+$0x19A80];
	(pc) =	sbr.rel @p1 .LBB2_9-.Ltmp3, $3  }
0xb7: {  	(erf) = vrcp.f32 v3;
	[tilespmem:s20+$0x1A280] =	vst v2;
	s20 =	smov.u32 s17;
	s17 =	smov.u32 s22;
	s22 =	smov.u32 s23  }
0xb8: {  	_ =	sdelay $0x1  }
0xb9: {  	v2 =	vpop (erf)  }
0xba: {  	v1 =	vadd.f32 $1.000000020e-16, v1;
	_ =	sdelay $0x1  }
0xbb: {  	(erf) = vrcp.f32 v1;
	_ =	sdelay $0x1  }
0xbc: {  	v0 =	vmul.f32 v2, v0;
	_ =	sdelay $0x1  }
0xbd: {  	v1 =	vld [tilespmem:s17+$0x19280];
	[tilespmem:s20+$0x1A280] =	vst v0  }
0xbe: {  	v0 =	vld [tilespmem:s22+$0x19280];
	_ =	sdelay $0x2  }
0xbf: {  	v2 =	vpop (erf)  }
0xc0: {  	v1 =	vmul.f32 v2, v1;
	v2 =	vpop (erf)  }
0xc1: {  	v0 =	vmul.f32 v2, v0  }
0xc2: {  	[tilespmem:s17+$0x1A280] =	vst v1  }
0xc3: {  	[tilespmem:s22+$0x1A280] =	vst v0  }
0xc4: {  	_ =	swait.ge [sflag:s15], $0x4000  }
0xc5: {  	[sflag:s15] =	ssyncset.done $0x0  }
0xc6: {  	s20 =	simm.s32 $0x1AAC0;
	[sflag:s15] =	ssyncadd.s32 $0xFFFFC000  }
0xc7: {  	s16 =	simm.s32 $0x0;
	s17 =	simm.s32 $0x40;
	s22 =	simm.s32 $0x1AAC0;
	v0 =	vld [tilespmem:s20+$0xFFFFFFF0]  }
.LBB2_11:
0xc8: {  	p1 =	sne.s32 s17, $0x1FC0;
	v1 =	vld [tilespmem:s16+$0x1A280]  }
0xc9: {  	v2 =	vld [tilespmem:s20+$0xFFFFFFD0]  }
0xca: {  	v3 =	vld [tilespmem:s20+$0xFFFFFFC0]  }
0xcb: {  	v4 =	vld [tilespmem:s20+$0xFFFFFFE0]  }
0xcc: {  	v5 =	vld [tilespmem:s20+$0x30]  }
0xcd: {  	v6 =	vbroadcast v1, $0x0;
	v7 =	vbroadcast v1, $0x1;
	v8 =	vld [tilespmem:s20+$0x10]  }
0xce: {  	v9 =	vbroadcast v1, $0x2;
	v10 =	vbroadcast v1, $0x3;
	v11 =	vld [tilespmem:s20+$0x0]  }
0xcf: {  	v3 =	vmul.f32 v6, v3;
	v2 =	vmul.f32 v2, v7;
	v6 =	vld [tilespmem:s20+$0x20]  }
0xd0: {  	v0 =	vmul.f32 v0, v10;
	v4 =	vmul.f32 v4, v9  }
0xd1: {  	v7 =	vbroadcast v1, $0x5;
	[tilespmem:s20+$0xFFFFFFC0] =	vst v3;
	v3 =	vbroadcast v1, $0x4  }
0xd2: {  	[tilespmem:s20+$0xFFFFFFD0] =	vst v2;
	v2 =	vbroadcast v1, $0x6;
	v1 =	vbroadcast v1, $0x7  }
0xd3: {  	[tilespmem:s20+$0xFFFFFFE0] =	vst v4;
	v3 =	vmul.f32 v11, v3;
	v4 =	vmul.f32 v8, v7  }
.Ltmp4:
0xd4: {  	[tilespmem:s20+$0xFFFFFFF0] =	vst v0;
	v0 =	vmul.f32 v6, v2;
	v1 =	vmul.f32 v5, v1;
	(pc) =	sbr.rel @p1 .LBB2_11-.Ltmp4, $4  }
0xd5: {  	[tilespmem:s20+$0x0] =	vst v3  }
0xd6: {  	[tilespmem:s20+$0x10] =	vst v4  }
0xd7: {  	s20 =	sadd.s32 $0x80, s20;
	[tilespmem:s22+$0x20] =	vst v0  }
0xd8: {  	s16 =	sshra.s32 s17, $0x2;
	s17 =	sadd.s32 $0x40, s17;
	v0 =	vld [tilespmem:s20+$0xFFFFFFF0];
	[tilespmem:s22+$0x30] =	vst v1;
	s22 =	smov.u32 s20  }
0xd9: {  	v1 =	vld [tilespmem:s16+$0x1A280];
	_ =	sdelay $0x1  }
0xda: {  	v2 =	vld [tilespmem:s20+$0xFFFFFFC0]  }
0xdb: {  	v3 =	vld [tilespmem:s20+$0xFFFFFFD0]  }
0xdc: {  	v4 =	vld [tilespmem:s20+$0xFFFFFFE0]  }
0xdd: {  	v5 =	vbroadcast v1, $0x0  }
0xde: {  	v8 =	vld [tilespmem:s20+$0x10];
	v6 =	vbroadcast v1, $0x1  }
0xdf: {  	v7 =	vld [tilespmem:s20+$0x0];
	v9 =	vbroadcast v1, $0x2;
	v2 =	vmul.f32 v5, v2  }
0xe0: {  	v58 =	vld [tilespmem:s20+$0x20];
	v57 =	vbroadcast v1, $0x3;
	v3 =	vmul.f32 v3, v6  }
0xe1: {  	v10 =	vld [tilespmem:s20+$0x30];
	v60 =	vbroadcast v1, $0x5;
	v4 =	vmul.f32 v4, v9;
	[tilespmem:s20+$0xFFFFFFC0] =	vst v2  }
0xe2: {  	v59 =	vbroadcast v1, $0x4;
	v0 =	vmul.f32 v0, v57;
	[tilespmem:s20+$0xFFFFFFD0] =	vst v3  }
0xe3: {  	v61 =	vbroadcast v1, $0x6;
	v62 =	vmul.f32 v8, v60;
	[tilespmem:s20+$0xFFFFFFE0] =	vst v4  }
0xe4: {  	v1 =	vbroadcast v1, $0x7;
	v2 =	vmul.f32 v7, v59;
	[tilespmem:s20+$0xFFFFFFF0] =	vst v0  }
0xe5: {  	v63 =	vmul.f32 v58, v61;
	[tilespmem:s20+$0x10] =	vst v62  }
0xe6: {  	v1 =	vmul.f32 v10, v1;
	[tilespmem:s20+$0x0] =	vst v2  }
0xe7: {  	s11 =	sadd.s32 s9, s11;
	s16 =	simm.s32 $0x1A280;
	[tilespmem:s22+$0x20] =	vst v63  }
0xe8: {  	s17 =	simm.s32 $0x1;
	s20 =	simm.s32 $0x1A290;
	[tilespmem:s22+$0x30] =	vst v1;
	s22 =	sadd.s32 $0x0, s11  }
.LBB2_13:
0xe9: {  	[hbm4b:s22+s3] =	stream.linear.scatter [tilespmem:s16], [sflag:$0x5], $0x8, $0x38;
	[tilespmem:$0x1EA80] =	vst v63  }
0xea: {  	s22 =	smov.u32 s17;
	s16 =	smov.u32 s20;
	p1 =	sne.s32 s17, $0x7F  }
.Ltmp5:
0xeb: {  	s17 =	sadd.s32 $0x1, s17;
	(pc) =	sbr.rel @p1 .LBB2_13-.Ltmp5, $2  }
0xec: {  	_ =	sdelay $0x2  }
0xed: {  	s20 =	sadd.s32 $0x10, s20;
	s22 =	sadd.s32 s22, s11  }
0xee: {  	[hbm4b:s22+s3] =	stream.linear.scatter [tilespmem:s16], [sflag:$0x5], $0x8, $0x38;
	[tilespmem:$0x1EA80] =	vst v63  }
0xef: {  	s21 =	sadd.s32 $0x1, s21;
	_ =	swait.ge [sflag:s24], $0x400  }
0xf0: {  	p1 =	sne.s32 s21, $0x2A;
	[sflag:s24] =	ssyncset.done $0x0  }
.Ltmp6:
0xf1: {  	[sflag:s24] =	ssyncadd.s32 $0xFFFFFC00;
	(pc) =	sbr.rel @p1 .LBB2_2-.Ltmp6, $4  }
0xf2: {  	[spmem:s2] =	stream.indirect.scatter.add.f32 [tilespmem:s6], [sflag:$0x5], $0x80, s0, s28, $0xb8;
	[tilespmem:$0x1EA80] =	vst v63  }
0xf3: {  	_ =	swait.ge [sflag:s24], $0x4000  }
0xf4: {  	[sflag:s24] =	ssyncset.done $0x0  }
0xf5: {  	[sflag:s24] =	ssyncadd.s32 $0xFFFFC000  }
0xf6: {  	[bflag:$0x0] =	sbarrier.arrive $0xFFFF  }
0xf7: {  	s17 =	rddreg [dreg:$0xc]  }
0xf8: {  	s16 =	simm.s32 @p0 $0x1FC5;
	s20 =	rddreg [dreg:$0xe];
	s11 =	sadd.s32 @p0 $0x25800, s17  }
0xf9: {  	[hbm:s11], [sflag:s16] =	dma.local @p0 [spmem:s20], $0x1900  }
0xfa: {  	s11 =	simm.s32 @p0 $0x5  }
0xfb: {  	_ =	swait.ge @p0 [sflag:s11], $0x1900  }
0xfc: {  	[sflag:s11] =	ssyncset.done @p0 $0x0;
	s16 =	rddreg [dreg:$0x10]  }
0xfd: {  	[sflag:s11] =	ssyncadd.s32 @p0 $0xFFFFE700;
	s11 =	rddreg [dreg:$0x5]  }
0xfe: {  	s11 =	sadd.s32 @!p0 s11, s17;
	s17 =	rddreg [dreg:$0x11]  }
0xff: {  	[hbm:s11], [sflag:s16] =	dma.local @!p0 [spmem:s17], $0x2800  }
0x100: {  	s11 =	simm.s32 @!p0 $0x5  }
0x101: {  	_ =	swait.ge @!p0 [sflag:s11], $0x2800  }
0x102: {  	s23 =	rddreg [dreg:$0xf]  }
0x103: {  	s26 =	rddreg [dreg:$0xd];
	s17 =	sadd.s32 $0x1, s23  }
0x104: {  	p1 =	sne.s32 s17, s26  }
.Ltmp7:
0x105: {  	_ = 	snop;
	(pc) =	sbr.rel @p1 .LBB2_1-.Ltmp7, $3  }
0x106: {  	_ =	sdelay $0x1  }
0x107: {  	[sflag:s11] =	ssyncset.done @!p0 $0x0  }
0x108: {  	[sflag:s11] =	ssyncadd.s32 @!p0 $0xFFFFD800  }
0x109: {  	_ =	sfence.sel $0x180000  }
0x10a: {  	[bflag:$0x0] =	sbarrier.arrive $0xFFFF  }
0x10b: {  	_ =	strace $0x9000004A  }
0x10c: {  	s0 =	stileid.u32;
	[bflag:$0x2] =	sbarrier.arrive $0xFFFF  }
0x10d: {  	p0 =	sne.s32 s0, $0x0;
	s0 =	rddreg [dreg:$0x4]  }
0x10e: {  	s0 =	sadd.s32 @!p0 $0x100000, s0  }
0x10f: {  	[sflag:s0] =	ssyncadd.tile.s32 @!p0 $0x1;
	_ =	shalt  }
.Lfunc_end2:
_tile_overlayer_lowered:
.L_overlay_start_2:
0x110: {  	(tag) =	ssettag $0x2  }
0x111: {  	s0 =	rddreg [dreg:$0x0];
	s2 =	stileid.u32  }
0x112: {  	s1 =	rddreg [dreg:$0x1];
	p0 =	sne.s32 s2, $0x0  }
0x113: {  	s3 =	rddreg [dreg:$0x2];
	[bflag:$0x3] =	sbarrier.arrive $0xFFFF;
	s2 =	simm.s32 @!p0 $0x1C05  }
0x114: {  	[timem:s3], [sflag:s2] =	dma.local @!p0 [hbm:s0], s1  }
0x115: {  	s0 =	simm.s32 @!p0 $0x5  }
0x116: {  	_ =	swait.ge @!p0 [sflag:s0], s1  }
0x117: {  	s1 =	ssub.s32 @!p0 $0x0, s1;
	[sflag:s0] =	ssyncset.done @!p0 $0x0  }
0x118: {  	[sflag:s0] =	ssyncadd.s32 @!p0 s1  }
0x119: {  	[bflag:$0x3] =	sbarrier.arrive $0xFFFF  }
0x11a: {  	_ =	shalt  }

// kernel: kernel.8.cloned.1.call-start
scs
__scs_entry_jumppad:
0x0: {  	(pc) =	sbr.rel $0x88, $3  }
0x1: {  	(tag) =	ssettag $0x0;
	lr =	simm.s32 $0x1  }
0x2: {  	[smem:$0x3F98] =	sst lr;
	_ =	strace $0xD0000000  }
0x3: {  	_ = 	snop  }
0x4: {  	_ = 	snop  }
0x5: {  	_ = 	snop  }
0x6: {  	_ = 	snop  }
0x7: {  	_ = 	snop  }
__scs_overlays_trampoline_lowered:
0x8: {  	[smem:$0x3FA7] =	sst s0  }
0x9: {  	[smem:$0x3FA8] =	sst s1  }
0xa: {  	[smem:$0x3FA9] =	sst s2  }
0xb: {  	[smem:$0x3FAA] =	sst s3  }
0xc: {  	[smem:$0x3FAB] =	sst s4  }
0xd: {  	[smem:$0x3FAC] =	sst s5  }
0xe: {  	[smem:$0x3FAD] =	sst s6  }
0xf: {  	[smem:$0x3FAE] =	sst s7  }
0x10: {  	[smem:$0x3FAF] =	sst s8  }
0x11: {  	[smem:$0x3FB0] =	sst s9;
	s0 =	simm.s32 @!p0 $0x0  }
0x12: {  	s1 =	sld [smem:$0x3F96];
	s0 =	simm.s32 @p0 $0x1  }
0x13: {  	[smem:$0x3FB1] =	sst s0;
	s0 =	simm.s32 @!p1 $0x0  }
0x14: {  	s2 =	sld [smem:$0x3F95];
	s0 =	simm.s32 @p1 $0x1  }
0x15: {  	[smem:$0x3FB2] =	sst s0;
	s0 =	simm.s32 @!p2 $0x0  }
0x16: {  	s3 =	sld [smem:$0x3FDB];
	s0 =	simm.s32 @p2 $0x1  }
0x17: {  	s4 =	simm.s32 $0x1BF5;
	[smem:$0x3FB4] =	sst s0  }
0x18: {  	s0 =	sld [smem:$0x3F97];
	_ =	swait.ge [sflag:s4], $0x0  }
0x19: {  	s7 =	sld [smem:$0x3F98]  }
0x1a: {  	s8 =	sadd.s32 $0xFFFFE003, lr  }
0x1b: {  	s9 =	sadd.s32 $0xFFFFFEF7, lr;
	s5 =	simm.s32 $0xFFFFFFFF;
	p2 =	slt.u32 s8, $0xFFFFF086  }
0x1c: {  	p1 =	slt.u32 s9, $0xF7A;
	s5 =	simm.s32 @!p2 $0x0  }
0x1d: {  	s5 =	simm.s32 @p1 $0x1;
	p0 =	seq.s32 s7, s2  }
0x1e: {  	s7 =	smul.u32 @!p0 $0xF7A, s2;
	p2 =	seq.s32 @!p0 s5, $0x0  }
0x1f: {  	s9 =	smul.u32 $0xF7A, s1;
	s8 =	simm.s32 @!p0 $0x1BF5;
	p2 =	por !p2, p0  }
0x20: {  	[sflag:s8] =	ssyncset.s32 @!p0 $0xFFFFF086;
	s6 =	sadd.s32 @!p0 s3, s7;
	s7 =	simm.s32 @!p0 $0x108  }
0x21: {  	s3 =	sadd.s32 s3, s9;
	s6 =	sadd.s32 @!p0 $0x88, s6;
	s7 =	simm.s32 @p2 $0x1082  }
0x22: {  	[simem:s7], [sflag:s8] =	dma.local @!p0 [hbm:s6], $0xF7A  }
0x23: {  	s9 =	sor.u32 $0xD0000000, s2;
	s6 =	simm.s32 $0x108;
	_ =	swait.ge @!p0 [sflag:s8], $0x0  }
0x24: {  	s3 =	sadd.s32 $0x88, s3;
	s6 =	simm.s32 @!p1 $0x1082;
	[sflag:s4] =	ssyncset.s32 $0xFFFFF086  }
0x25: {  	[simem:s6], [sflag:s4] =	dma.local [hbm:s3], $0xF7A  }
0x26: {  	[smem:$0x3F98] =	sst s1;
	(tag) =	ssettag s2;
	_ =	strace s9  }
0x27: {  	s1 =	sld [smem:$0x3FA8]  }
0x28: {  	s2 =	sld [smem:$0x3FA9]  }
0x29: {  	s4 =	sld [smem:$0x3FAB]  }
0x2a: {  	p0 =	seq.s32 s5, $0x0;
	s5 =	sld [smem:$0x3FAC]  }
0x2b: {  	s6 =	sld [smem:$0x3FAD]  }
0x2c: {  	s7 =	sld [smem:$0x3FAE]  }
0x2d: {  	s3 =	simm.s32 $0x108;
	s8 =	sld [smem:$0x3FAF]  }
0x2e: {  	s3 =	simm.s32 @!p0 $0x1082;
	s9 =	sld [smem:$0x3FB0]  }
0x2f: {  	lr =	sadd.s32 s0, s3;
	s0 =	sld [smem:$0x3FA7]  }
0x30: {  	s3 =	sld [smem:$0x3FAA]  }
0x31: {  	[smem:$0x3FB3] =	sst s10  }
0x32: {  	s10 =	sld [smem:$0x3FB1];
	_ =	sdelay $0x3  }
0x33: {  	p0 =	seq.s32 s10, $0x1;
	s10 =	sld [smem:$0x3FB3];
	_ =	sdelay $0x3  }
0x34: {  	[smem:$0x3FB3] =	sst s10  }
0x35: {  	s10 =	sld [smem:$0x3FB2];
	_ =	sdelay $0x3  }
0x36: {  	p1 =	seq.s32 s10, $0x1;
	s10 =	sld [smem:$0x3FB3];
	_ =	sdelay $0x3  }
0x37: {  	[smem:$0x3FB3] =	sst s10  }
0x38: {  	s10 =	sld [smem:$0x3FB4]  }
0x39: {  	_ = 	snop;
	(pc) =	sbr.ind lr, $3  }
0x3a: {  	_ = 	snop  }
0x3b: {  	_ = 	snop  }
0x3c: {  	p2 =	seq.s32 s10, $0x1;
	s10 =	sld [smem:$0x3FB3]  }
0x3d: {  	_ =	shalt  }
0x3e: {  	_ =	shalt  }
0x3f: {  	_ =	shalt  }
0x40: {  	_ =	shalt  }
0x41: {  	_ =	shalt  }
0x42: {  	_ =	shalt  }
0x43: {  	_ =	shalt  }
0x44: {  	_ =	shalt  }
0x45: {  	_ =	shalt  }
0x46: {  	_ =	shalt  }
0x47: {  	_ =	shalt  }
0x48: {  	_ =	shalt  }
0x49: {  	_ =	shalt  }
0x4a: {  	_ =	shalt  }
0x4b: {  	_ =	shalt  }
0x4c: {  	_ =	shalt  }
0x4d: {  	_ =	shalt  }
0x4e: {  	_ =	shalt  }
0x4f: {  	_ =	shalt  }
0x50: {  	_ =	shalt  }
0x51: {  	_ =	shalt  }
0x52: {  	_ =	shalt  }
0x53: {  	_ =	shalt  }
0x54: {  	_ =	shalt  }
0x55: {  	_ =	shalt  }
0x56: {  	_ =	shalt  }
0x57: {  	_ =	shalt  }
0x58: {  	_ =	shalt  }
0x59: {  	_ =	shalt  }
0x5a: {  	_ =	shalt  }
0x5b: {  	_ =	shalt  }
0x5c: {  	_ =	shalt  }
0x5d: {  	_ =	shalt  }
0x5e: {  	_ =	shalt  }
0x5f: {  	_ =	shalt  }
0x60: {  	_ =	shalt  }
0x61: {  	_ =	shalt  }
0x62: {  	_ =	shalt  }
0x63: {  	_ =	shalt  }
0x64: {  	_ =	shalt  }
0x65: {  	_ =	shalt  }
0x66: {  	_ =	shalt  }
0x67: {  	_ =	shalt  }
0x68: {  	_ =	shalt  }
0x69: {  	_ =	shalt  }
0x6a: {  	_ =	shalt  }
0x6b: {  	_ =	shalt  }
0x6c: {  	_ =	shalt  }
0x6d: {  	_ =	shalt  }
0x6e: {  	_ =	shalt  }
0x6f: {  	_ =	shalt  }
0x70: {  	_ =	shalt  }
0x71: {  	_ =	shalt  }
0x72: {  	_ =	shalt  }
0x73: {  	_ =	shalt  }
0x74: {  	_ =	shalt  }
0x75: {  	_ =	shalt  }
0x76: {  	_ =	shalt  }
0x77: {  	_ =	shalt  }
0x78: {  	_ =	shalt  }
0x79: {  	_ =	shalt  }
0x7a: {  	_ =	shalt  }
0x7b: {  	_ =	shalt  }
0x7c: {  	_ =	shalt  }
0x7d: {  	_ =	shalt  }
0x7e: {  	_ =	shalt  }
0x7f: {  	_ =	shalt  }
0x80: {  	_ =	shalt  }
0x81: {  	_ =	shalt  }
0x82: {  	_ =	shalt  }
0x83: {  	_ =	shalt  }
0x84: {  	_ =	shalt  }
0x85: {  	_ =	shalt  }
0x86: {  	_ =	shalt  }
0x87: {  	_ =	shalt  }
.Lfunc_end0:
.L_simem_size_0:
called_computation_lowered:
.L_overlay_start_0:
0x88: {  	s2 =	sld [smem:$0x3FD9]  }
0x89: {  	s3 =	sld [smem:$0x3FFE];
	_ =	sdelay $0x1  }
0x8a: {  	s1 =	srdreg.scid  }
0x8b: {  	s0 =	sand.u32 $0x1, s1  }
0x8c: {  	s14 =	sshll.u32 s0, $0xA;
	s2 =	sadd.s32 s3, s2  }
0x8d: {  	s2 =	sadd.s32 s2, s14  }
0x8e: {  	[smem:$0x3FBF] =	sst s2  }
0x8f: {  	_ = 	snop  }
0x90: {  	s2 =	sld [smem:$0x3FD0];
	_ =	sdelay $0x2  }
0x91: {  	s15 =	simm.s32 $0xA;
	s4 =	simm.s32 $0x10  }
0x92: {  	[smem:s4], [sflag:s15] =	dma.local [hbm:s2], $0x1  }
0x93: {  	_ =	swait.eq [sflag:s15], $0x1  }
0x94: {  	[sflag:s15] =	ssyncset.done $0x0  }
0x95: {  	[sflag:s15] =	ssyncadd.s32 $0xFFFFFFFF  }
0x96: {  	s16 =	sld [smem:$0x12];
	(tm) =	ssettm $0x1  }
0x97: {  	s17 =	sld [smem:$0x3FFB];
	_ =	sdelay $0x3  }
0x98: {  	_ =	strace s17  }
0x99: {  	s3 =	sld [smem:$0x3FFC];
	_ =	sdelay $0x3  }
0x9a: {  	_ =	strace s3  }
0x9b: {  	s3 =	sld [smem:$0x3FFD];
	_ =	sdelay $0x3  }
0x9c: {  	_ =	strace s3  }
0x9d: {  	_ =	strace $0x8FFFFFFF  }
0x9e: {  	s18 =	sld [smem:$0x3FDB];
	_ =	sdelay $0x1  }
0x9f: {  	s19 =	simm.s32 $_scs_section_size  }
0xa0: {  	s5 =	simm.s32 $_size__tile_overlayer_lowered;
	s6 =	simm.s32 $_tile_overlayer_lowered  }
0xa1: {  	s22 =	simm.s32 $0x1BFF;
	s21 =	sshll.u32 s6, $0x1;
	s3 =	sadd.s32 s19, s18  }
0xa2: {  	s7 =	simm.s32 $0x0;
	s20 =	sshll.u32 s5, $0x1;
	s5 =	sadd.s32 s21, s3  }
0xa3: {  	[timem:s7], [sflag:s22] =	dma.local [hbm:s5], s20  }
0xa4: {  	_ =	swait.ge [sflag:s22], s20  }
0xa5: {  	s4 =	ssub.s32 $0x0, s20;
	[sflag:s22] =	ssyncset.done $0x0  }
0xa6: {  	[sflag:s22] =	ssyncadd.s32 s4;
	_ =	sdelay $0x1  }
0xa7: {  	s23 =	simm.s32 $0x1B8B  }
0xa8: {  	_ =	swait.ge [sflag:s23], $0x1  }
0xa9: {  	[sflag:s23] =	ssyncset.done $0x0  }
0xaa: {  	s25 =	simm.s32 $0x1B8E;
	s24 =	sld [smem:$0x3FFE];
	[sflag:s23] =	ssyncadd.s32 $0xFFFFFFFF  }
0xab: {  	s26 =	simm.s32 $execute0_lowered;
	[smem:$0x3FD2] =	sst s25  }
0xac: {  	s5 =	sshll.u32 s26, $0x1;
	_ =	strace $0x80000046;
	[dreg:$0x1] =	wrdreg $0xFFFFFFFF  }
0xad: {  	s28 =	simm.s32 $_size_execute0_lowered;
	s3 =	sadd.s32 s3, s5;
	[dreg:$0x0] =	wrdreg $0x0  }
0xae: {  	s5 =	sshll.u32 s28, $0x1;
	[dreg:$0x2] =	wrdreg s3  }
0xaf: {  	[dreg:$0x3] =	wrdreg s5  }
0xb0: {  	[dreg:$0x4] =	wrdreg $0xC0  }
0xb1: {  	_ =	task [dreg:s7], $0x5FFFF  }
0xb2: {  	[dreg:$0x1] =	wrdreg $0xFFFFFFFF  }
0xb3: {  	[dreg:$0x0] =	wrdreg $0x60  }
0xb4: {  	[dreg:$0x2] =	wrdreg s24  }
0xb5: {  	[dreg:$0x3] =	wrdreg s16  }
0xb6: {  	[dreg:$0x4] =	wrdreg $0x0  }
0xb7: {  	[dreg:$0x5] =	wrdreg $0x9  }
0xb8: {  	_ =	task.clear_ibuf [dreg:s7], $0x6FFFF;
	_ =	strace $0x90000046  }
0xb9: {  	s29 =	simm.s32 $0x9;
	_ =	strace $0x80000048  }
0xba: {  	_ =	swait.ge [sflag:s29], $0x1  }
0xbb: {  	[sflag:s29] =	ssyncadd.s32 $0xFFFFFFFF  }
0xbc: {  	_ =	strace $0x90000048  }
0xbd: {  	_ =	sfence  }
0xbe: {  	s30 =	sld [smem:$0x0];
	_ =	sdelay $0x2  }
0xbf: {  	s31 =	sshll.u32 s1, $0xD;
	s1 =	sshrl.u32 s1, $0x2  }
0xc0: {  	s3 =	sand.u32 $0x4000, s31;
	s1 =	sadd.s32 s1, s30  }
0xc1: {  	s0 =	sor.u32 s3, s0;
	s1 =	sshll.u32 s1, $0x11  }
0xc2: {  	s0 =	sor.u32 s1, s0  }
0xc3: {  	s0 =	sadd.s32 $0x8F2B, s0  }
0xc4: {  	[sflag:s0] =	ssyncadd.remote.s32 $0x1  }
0xc5: {  	_ =	sfence.sel $0xFFFF  }
0xc6: {  	[dreg:$0x0] =	wrdreg $0xFFFFFFFF;
	(pc) =	sbr.abs _section_cstart, $3  }
0xc7: {  	[dreg:$0x1] =	wrdreg $0xFFFFFFFF  }
0xc8: {  	_ =	task.clear_ibuf [dreg:s7], $0x2FFFF;
	_ =	strace $0x9FFFFFFF  }
0xc9: {  	(tm) =	ssettm $0x7FFFFFFF  }
tec
execute0_lowered:
.L_overlay_start_1:
0x0: {  	(tag) =	ssettag $0x1  }
0x1: {  	s0 =	rddreg [dreg:$0x0]  }
0x2: {  	s2 =	rddreg [dreg:$0x1]  }
0x3: {  	s1 =	rddreg [dreg:$0x2];
	s3 =	simm.s32 $0x0;
	s11 =	stileid.u32  }
0x4: {  	s4 =	srdreg.scid;
	s28 =	simm.s32 $0x2D10;
	s29 =	simm.s32 $0x2D90  }
0x5: {  	s30 =	simm.s32 $0x2E10;
	s31 =	simm.s32 $0x2E90;
	[smem:$0x7FF] =	sst s3  }
0x6: {  	s13 =	sadd.s32 $0x17600, s0;
	s14 =	sadd.s32 $0xCE00, s0;
	s15 =	sadd.s32 $0x2BE00, s0  }
0x7: {  	s16 =	sadd.s32 $0xC8E00, s0;
	_ =	strace $0x80000047;
	[dreg:$0x4] =	wrdreg s13  }
0x8: {  	s17 =	smul.u32 $0x2800, s11;
	s8 =	sadd.s32 $0x21E00, s0;
	[dreg:$0x5] =	wrdreg s14  }
0x9: {  	s9 =	sadd.s32 $0x26E00, s0;
	s4 =	sand.u32 $0x1, s4;
	[dreg:$0x6] =	wrdreg s15  }
0xa: {  	s12 =	sadd.s32 $0xCE000, s0;
	s20 =	sadd.s32 $0xCDB00, s0;
	[dreg:$0x7] =	wrdreg s16  }
0xb: {  	s21 =	sadd.s32 $0xCE10, s0;
	s22 =	sadd.s32 $0xCE20, s0;
	[dreg:$0x9] =	wrdreg s12  }
0xc: {  	s23 =	smul.u32 $0x2A00, s11;
	p0 =	seq.s32 s11, $0xF;
	[dreg:$0xc] =	wrdreg s20  }
0xd: {  	s5 =	ssub.s32 $0x2, s4;
	s19 =	smul.u32 $0x4E20, s4;
	[dreg:$0xd] =	wrdreg s21  }
0xe: {  	s6 =	sshll.u32 s4, $0x4;
	s4 =	smul.u32 $0x2A000, s4;
	[dreg:$0xe] =	wrdreg s22  }
0xf: {  	s13 =	simm.s32 $0x3110;
	s14 =	simm.s32 $0x3190;
	s21 =	simm.s32 $0x1  }
0x10: {  	s12 =	simm.s32 $0x0;
	s7 =	sshrl.u32 s17, $0x3;
	s10 =	sshrl.u32 s5, $0x1  }
0x11: {  	s6 =	sor.u32 s11, s6;
	s3 =	sadd.s32 s17, s1;
	[dreg:$0x8] =	wrdreg s7  }
0x12: {  	s7 =	sadd.s32 s7, s0;
	s5 =	ssub.s32 s5, s10;
	s0 =	sadd.s32 $0xCE30, s0  }
0x13: {  	s6 =	smul.u32 $0x2A00, s6;
	s24 =	sadd.s32 s2, s19;
	[dreg:$0xf] =	wrdreg s0  }
0x14: {  	s26 =	sadd.s32 s23, s4;
	s10 =	simm.s32 $0x3210;
	[dreg:$0x10] =	wrdreg s24  }
0x15: {  	s19 =	simm.s32 $0x3290;
	s18 =	sadd.s32 $0xC9000, s7;
	[dreg:$0x12] =	wrdreg s26  }
0x16: {  	s7 =	sadd.s32 $0x25800, s1;
	s25 =	smax.u32 s5, $0x1;
	[dreg:$0xa] =	wrdreg s6  }
0x17: {  	s0 =	sshll.u32 @!p0 s11, $0x6;
	s11 =	sshrl.u32 @!p0 s3, $0x3;
	[dreg:$0xb] =	wrdreg s18  }
0x18: {  	s3 =	simm.s32 $0x2F90;
	s24 =	simm.s32 $0x3010;
	[dreg:$0x11] =	wrdreg s25  }
0x19: {  	s6 =	sshrl.u32 @p0 s7, $0x3;
	s5 =	sor.u32 @!p0 $0x1C02, s0;
	[dreg:$0x15] =	wrdreg s11  }
0x1a: {  	s25 =	simm.s32 $0x2;
	s0 =	simm.s32 $0x2F10;
	[dreg:$0x13] =	wrdreg s6  }
0x1b: {  	s7 =	simm.s32 $0x3090;
	s18 =	simm.s32 $0x80;
	[dreg:$0x14] =	wrdreg s5  }
.LBB2_1:
0x1c: {  	[dreg:$0x16] =	wrdreg s12  }
0x1d: {  	s2 =	simm.s32 @p0 $0x1FC2;
	s4 =	rddreg [dreg:$0xc]  }
0x1e: {  	[spmem:s6], [sflag:s2] =	dma.local @p0 [hbm:s4], $0x320  }
0x1f: {  	s2 =	simm.s32 @p0 $0x2  }
0x20: {  	_ =	swait.ge @p0 [sflag:s2], $0x320  }
0x21: {  	[sflag:s2] =	ssyncset.done @p0 $0x0  }
0x22: {  	[sflag:s2] =	ssyncadd.s32 @p0 $0xFFFFFCE0;
	s2 =	rddreg [dreg:$0xb]  }
0x23: {  	[spmem:s11], [sflag:s5] =	dma.local @!p0 [hbm:s2], $0x500  }
0x24: {  	s2 =	simm.s32 @!p0 $0x2  }
0x25: {  	_ =	swait.ge @!p0 [sflag:s2], $0x500  }
0x26: {  	s22 =	simm.s32 $0x0;
	[sflag:s2] =	ssyncset.done @!p0 $0x0  }
0x27: {  	s26 =	simm.s32 $0x1B310;
	s23 =	rddreg [dreg:$0x7];
	[sflag:s2] =	ssyncadd.s32 @!p0 $0xFFFFFB00  }
0x28: {  	[tilespmem:s26], [sflag:$0x2] =	stream.linear.gather [hbm4b:s23+s22], $0x80, $0x38;
	[tilespmem:$0x1B390] =	vst v63  }
0x29: {  	_ =	swait.ge [sflag:s25], $0x80  }
0x2a: {  	[sflag:s25] =	ssyncset.done $0x0  }
0x2b: {  	[sflag:s25] =	ssyncadd.s32 $0xFFFFFF80  }
0x2c: {  	[bflag:$0x0] =	sbarrier.arrive $0xFFFF  }
0x2d: {  	v0 =	vld [tilespmem:$0x1B310]  }
0x2e: {  	s23 =	simm.s32 $0x0;
	s26 =	rddreg [dreg:$0x12]  }
.LBB2_2:
0x2f: {  	s2 =	smul.u32 $0x600, s23  }
0x30: {  	s4 =	rddreg [dreg:$0xa]  }
0x31: {  	s2 =	sadd.s32 s4, s2  }
0x32: {  	s16 =	rddreg [dreg:$0x4];
	s5 =	sshrl.u32 s2, $0x3  }
0x33: {  	s12 =	simm.s32 $0x2710;
	s4 =	simm.s32 $0x0;
	s6 =	sadd.s32 s16, s5  }
0x34: {  	[tilespmem:s12], [sflag:$0x2] =	stream.linear.gather [hbm4b:s6+s4], $0x600, $0x38;
	[tilespmem:$0x1B390] =	vst v63  }
0x35: {  	_ =	swait.ge [sflag:s25], $0x600  }
0x36: {  	[sflag:s25] =	ssyncset.done $0x0;
	s17 =	rddreg [dreg:$0x5]  }
0x37: {  	[sflag:s25] =	ssyncadd.s32 $0xFFFFFA00;
	s6 =	sadd.s32 s17, s5  }
0x38: {  	[tilespmem:s28], [sflag:$0x2] =	stream.linear.gather [hbm4b:s6+s4], $0x80, $0x38;
	[tilespmem:$0x1B390] =	vst v63  }
0x39: {  	_ =	swait.ge [sflag:s25], $0x80  }
0x3a: {  	[sflag:s25] =	ssyncset.done $0x0;
	s11 =	rddreg [dreg:$0xd]  }
0x3b: {  	[sflag:s25] =	ssyncadd.s32 $0xFFFFFF80;
	s11 =	sadd.s32 s5, s11  }
0x3c: {  	[tilespmem:s29], [sflag:$0x2] =	stream.linear.gather [hbm4b:s11+s4], $0x80, $0x38;
	[tilespmem:$0x1B390] =	vst v63  }
0x3d: {  	_ =	swait.ge [sflag:s25], $0x80  }
0x3e: {  	[sflag:s25] =	ssyncset.done $0x0;
	s20 =	rddreg [dreg:$0xe]  }
0x3f: {  	[sflag:s25] =	ssyncadd.s32 $0xFFFFFF80;
	s11 =	sadd.s32 s5, s20  }
0x40: {  	[tilespmem:s30], [sflag:$0x2] =	stream.linear.gather [hbm4b:s11+s4], $0x80, $0x38;
	[tilespmem:$0x1B390] =	vst v63  }
0x41: {  	_ =	swait.ge [sflag:s25], $0x80  }
0x42: {  	[sflag:s25] =	ssyncset.done $0x0;
	s22 =	rddreg [dreg:$0xf]  }
0x43: {  	[sflag:s25] =	ssyncadd.s32 $0xFFFFFF80;
	s5 =	sadd.s32 s5, s22  }
0x44: {  	[tilespmem:s31], [sflag:$0x2] =	stream.linear.gather [hbm4b:s5+s4], $0x80, $0x38;
	[tilespmem:$0x1B390] =	vst v63  }
0x45: {  	_ =	swait.ge [sflag:s25], $0x80  }
0x46: {  	[sflag:s25] =	ssyncset.done $0x0  }
0x47: {  	s15 =	sadd.s32 $0x40, s6;
	[sflag:s25] =	ssyncadd.s32 $0xFFFFFF80  }
0x48: {  	[tilespmem:s0], [sflag:$0x2] =	stream.linear.gather [hbm4b:s15+s4], $0x80, $0x38;
	[tilespmem:$0x1B390] =	vst v63  }
0x49: {  	_ =	swait.ge [sflag:s25], $0x80  }
0x4a: {  	[sflag:s25] =	ssyncset.done $0x0  }
0x4b: {  	s16 =	sadd.s32 $0x50, s6;
	[sflag:s25] =	ssyncadd.s32 $0xFFFFFF80  }
0x4c: {  	[tilespmem:s3], [sflag:$0x2] =	stream.linear.gather [hbm4b:s16+s4], $0x80, $0x38;
	[tilespmem:$0x1B390] =	vst v63  }
0x4d: {  	_ =	swait.ge [sflag:s25], $0x80  }
0x4e: {  	[sflag:s25] =	ssyncset.done $0x0  }
0x4f: {  	s17 =	sadd.s32 $0x60, s6;
	[sflag:s25] =	ssyncadd.s32 $0xFFFFFF80  }
0x50: {  	[tilespmem:s24], [sflag:$0x2] =	stream.linear.gather [hbm4b:s17+s4], $0x80, $0x38;
	[tilespmem:$0x1B390] =	vst v63  }
0x51: {  	_ =	swait.ge [sflag:s25], $0x80  }
0x52: {  	[sflag:s25] =	ssyncset.done $0x0  }
0x53: {  	s20 =	sadd.s32 $0x70, s6;
	[sflag:s25] =	ssyncadd.s32 $0xFFFFFF80  }
0x54: {  	[tilespmem:s7], [sflag:$0x2] =	stream.linear.gather [hbm4b:s20+s4], $0x80, $0x38;
	[tilespmem:$0x1B390] =	vst v63  }
0x55: {  	_ =	swait.ge [sflag:s25], $0x80  }
0x56: {  	[sflag:s25] =	ssyncset.done $0x0  }
0x57: {  	s22 =	sadd.s32 $0x80, s6;
	[sflag:s25] =	ssyncadd.s32 $0xFFFFFF80  }
0x58: {  	[tilespmem:s13], [sflag:$0x2] =	stream.linear.gather [hbm4b:s22+s4], $0x80, $0x38;
	[tilespmem:$0x1B390] =	vst v63  }
0x59: {  	_ =	swait.ge [sflag:s25], $0x80  }
0x5a: {  	[sflag:s25] =	ssyncset.done $0x0  }
0x5b: {  	s11 =	sadd.s32 $0x90, s6;
	[sflag:s25] =	ssyncadd.s32 $0xFFFFFF80  }
0x5c: {  	[tilespmem:s14], [sflag:$0x2] =	stream.linear.gather [hbm4b:s11+s4], $0x80, $0x38;
	[tilespmem:$0x1B390] =	vst v63  }
0x5d: {  	_ =	swait.ge [sflag:s25], $0x80  }
0x5e: {  	[sflag:s25] =	ssyncset.done $0x0  }
0x5f: {  	s15 =	sadd.s32 $0xA0, s6;
	[sflag:s25] =	ssyncadd.s32 $0xFFFFFF80  }
0x60: {  	[tilespmem:s10], [sflag:$0x2] =	stream.linear.gather [hbm4b:s15+s4], $0x80, $0x38;
	[tilespmem:$0x1B390] =	vst v63  }
0x61: {  	_ =	swait.ge [sflag:s25], $0x80  }
0x62: {  	[sflag:s25] =	ssyncset.done $0x0  }
0x63: {  	s16 =	sadd.s32 $0xB0, s6;
	[sflag:s25] =	ssyncadd.s32 $0xFFFFFF80  }
0x64: {  	[tilespmem:s19], [sflag:$0x2] =	stream.linear.gather [hbm4b:s16+s4], $0x80, $0x38;
	[tilespmem:$0x1B390] =	vst v63  }
0x65: {  	s17 =	smin.u32 s2, $0x4E200;
	_ =	swait.ge [sflag:s25], $0x80  }
0x66: {  	s5 =	sshll.u32 s17, $0x1;
	[sflag:s25] =	ssyncset.done $0x0;
	s20 =	rddreg [dreg:$0x6]  }
0x67: {  	s22 =	simm.s32 $0xF310;
	[sflag:s25] =	ssyncadd.s32 $0xFFFFFF80;
	s5 =	sadd.s32 s20, s5  }
0x68: {  	[tilespmem:s22], [sflag:$0x2] =	stream.linear.gather [hbm4b:s5+s4], $0x6000, $0x38;
	[tilespmem:$0x1B390] =	vst v63  }
0x69: {  	_ =	swait.ge [sflag:s25], $0x6000  }
0x6a: {  	[sflag:s25] =	ssyncset.done $0x0  }
0x6b: {  	s6 =	simm.s32 $0x3310;
	[sflag:s25] =	ssyncadd.s32 $0xFFFFA000  }
0x6c: {  	[tilespmem:s6], [sflag:$0x1] =	stream.indirect.gather [hbm4b:s8+s18], $0x10, s12, s18, $0xb8;
	[tilespmem:$0x1B390] =	vst v63  }
0x6d: {  	s11 =	simm.s32 $0x9310  }
0x6e: {  	[tilespmem:s11], [sflag:$0x1] =	stream.indirect.gather [hbm4b:s9+s18], $0x10, s28, s18, $0xb8;
	[tilespmem:$0x1B390] =	vst v63  }
0x6f: {  	s15 =	simm.s32 $0x3B10;
	s12 =	simm.s32 $0x2790  }
0x70: {  	[tilespmem:s15], [sflag:$0x1] =	stream.indirect.gather [hbm4b:s8+s18], $0x10, s12, s18, $0xb8;
	[tilespmem:$0x1B390] =	vst v63  }
0x71: {  	s16 =	simm.s32 $0x9B10  }
0x72: {  	[tilespmem:s16], [sflag:$0x1] =	stream.indirect.gather [hbm4b:s9+s18], $0x10, s29, s18, $0xb8;
	[tilespmem:$0x1B390] =	vst v63  }
0x73: {  	s17 =	simm.s32 $0x2810;
	s20 =	simm.s32 $0x4310  }
0x74: {  	[tilespmem:s20], [sflag:$0x1] =	stream.indirect.gather [hbm4b:s8+s18], $0x10, s17, s18, $0xb8;
	[tilespmem:$0x1B390] =	vst v63  }
0x75: {  	s22 =	simm.s32 $0xA310  }
0x76: {  	[tilespmem:s22], [sflag:$0x1] =	stream.indirect.gather [hbm4b:s9+s18], $0x10, s30, s18, $0xb8;
	[tilespmem:$0x1B390] =	vst v63  }
0x77: {  	s5 =	simm.s32 $0x2890;
	s6 =	simm.s32 $0x4B10  }
0x78: {  	[tilespmem:s6], [sflag:$0x1] =	stream.indirect.gather [hbm4b:s8+s18], $0x10, s5, s18, $0xb8;
	[tilespmem:$0x1B390] =	vst v63  }
0x79: {  	s11 =	simm.s32 $0xAB10  }
0x7a: {  	[tilespmem:s11], [sflag:$0x1] =	stream.indirect.gather [hbm4b:s9+s18], $0x10, s31, s18, $0xb8;
	[tilespmem:$0x1B390] =	vst v63  }
0x7b: {  	s12 =	simm.s32 $0x2910;
	s15 =	simm.s32 $0x5310  }
0x7c: {  	[tilespmem:s15], [sflag:$0x1] =	stream.indirect.gather [hbm4b:s8+s18], $0x10, s12, s18, $0xb8;
	[tilespmem:$0x1B390] =	vst v63  }
0x7d: {  	s16 =	simm.s32 $0xB310  }
0x7e: {  	[tilespmem:s16], [sflag:$0x1] =	stream.indirect.gather [hbm4b:s9+s18], $0x10, s0, s18, $0xb8;
	[tilespmem:$0x1B390] =	vst v63  }
0x7f: {  	s17 =	simm.s32 $0x2990;
	s20 =	simm.s32 $0x5B10  }
0x80: {  	[tilespmem:s20], [sflag:$0x1] =	stream.indirect.gather [hbm4b:s8+s18], $0x10, s17, s18, $0xb8;
	[tilespmem:$0x1B390] =	vst v63  }
0x81: {  	s22 =	simm.s32 $0xBB10  }
0x82: {  	[tilespmem:s22], [sflag:$0x1] =	stream.indirect.gather [hbm4b:s9+s18], $0x10, s3, s18, $0xb8;
	[tilespmem:$0x1B390] =	vst v63  }
0x83: {  	s5 =	simm.s32 $0x2A10;
	s6 =	simm.s32 $0x6310  }
0x84: {  	[tilespmem:s6], [sflag:$0x1] =	stream.indirect.gather [hbm4b:s8+s18], $0x10, s5, s18, $0xb8;
	[tilespmem:$0x1B390] =	vst v63  }
0x85: {  	s11 =	simm.s32 $0xC310  }
0x86: {  	[tilespmem:s11], [sflag:$0x1] =	stream.indirect.gather [hbm4b:s9+s18], $0x10, s24, s18, $0xb8;
	[tilespmem:$0x1B390] =	vst v63  }
0x87: {  	s12 =	simm.s32 $0x2A90;
	s15 =	simm.s32 $0x6B10  }
0x88: {  	[tilespmem:s15], [sflag:$0x1] =	stream.indirect.gather [hbm4b:s8+s18], $0x10, s12, s18, $0xb8;
	[tilespmem:$0x1B390] =	vst v63  }
0x89: {  	s16 =	simm.s32 $0xCB10  }
0x8a: {  	[tilespmem:s16], [sflag:$0x1] =	stream.indirect.gather [hbm4b:s9+s18], $0x10, s7, s18, $0xb8;
	[tilespmem:$0x1B390] =	vst v63  }
0x8b: {  	s17 =	simm.s32 $0x2B10;
	s20 =	simm.s32 $0x7310  }
0x8c: {  	[tilespmem:s20], [sflag:$0x1] =	stream.indirect.gather [hbm4b:s8+s18], $0x10, s17, s18, $0xb8;
	[tilespmem:$0x1B390] =	vst v63  }
0x8d: {  	s22 =	simm.s32 $0xD310  }
0x8e: {  	[tilespmem:s22], [sflag:$0x1] =	stream.indirect.gather [hbm4b:s9+s18], $0x10, s13, s18, $0xb8;
	[tilespmem:$0x1B390] =	vst v63  }
0x8f: {  	s5 =	simm.s32 $0x2B90;
	s6 =	simm.s32 $0x7B10  }
0x90: {  	[tilespmem:s6], [sflag:$0x1] =	stream.indirect.gather [hbm4b:s8+s18], $0x10, s5, s18, $0xb8;
	[tilespmem:$0x1B390] =	vst v63  }
0x91: {  	s11 =	simm.s32 $0xDB10  }
0x92: {  	[tilespmem:s11], [sflag:$0x1] =	stream.indirect.gather [hbm4b:s9+s18], $0x10, s14, s18, $0xb8;
	[tilespmem:$0x1B390] =	vst v63  }
0x93: {  	s12 =	simm.s32 $0x2C10;
	s15 =	simm.s32 $0x8310  }
0x94: {  	[tilespmem:s15], [sflag:$0x1] =	stream.indirect.gather [hbm4b:s8+s18], $0x10, s12, s18, $0xb8;
	[tilespmem:$0x1B390] =	vst v63  }
0x95: {  	s16 =	simm.s32 $0xE310  }
0x96: {  	[tilespmem:s16], [sflag:$0x1] =	stream.indirect.gather [hbm4b:s9+s18], $0x10, s10, s18, $0xb8;
	[tilespmem:$0x1B390] =	vst v63  }
0x97: {  	s17 =	simm.s32 $0x2C90;
	s20 =	simm.s32 $0x8B10  }
0x98: {  	[tilespmem:s20], [sflag:$0x1] =	stream.indirect.gather [hbm4b:s8+s18], $0x10, s17, s18, $0xb8;
	[tilespmem:$0x1B390] =	vst v63  }
0x99: {  	s22 =	simm.s32 $0xEB10  }
0x9a: {  	[tilespmem:s22], [sflag:$0x1] =	stream.indirect.gather [hbm4b:s9+s18], $0x10, s19, s18, $0xb8;
	[tilespmem:$0x1B390] =	vst v63  }
0x9b: {  	_ =	swait.ge [sflag:s21], $0x800  }
0x9c: {  	[sflag:s21] =	ssyncset.done $0x0  }
0x9d: {  	[sflag:s21] =	ssyncadd.s32 $0xFFFFF800  }
0x9e: {  	_ =	swait.ge [sflag:s21], $0x800  }
0x9f: {  	[sflag:s21] =	ssyncset.done $0x0  }
0xa0: {  	[sflag:s21] =	ssyncadd.s32 $0xFFFFF800  }
0xa1: {  	_ =	swait.ge [sflag:s21], $0x800  }
0xa2: {  	[sflag:s21] =	ssyncset.done $0x0  }
0xa3: {  	[sflag:s21] =	ssyncadd.s32 $0xFFFFF800  }
0xa4: {  	_ =	swait.ge [sflag:s21], $0x800  }
0xa5: {  	[sflag:s21] =	ssyncset.done $0x0  }
0xa6: {  	[sflag:s21] =	ssyncadd.s32 $0xFFFFF800  }
0xa7: {  	_ =	swait.ge [sflag:s21], $0x800  }
0xa8: {  	[sflag:s21] =	ssyncset.done $0x0  }
0xa9: {  	[sflag:s21] =	ssyncadd.s32 $0xFFFFF800  }
0xaa: {  	_ =	swait.ge [sflag:s21], $0x800  }
0xab: {  	[sflag:s21] =	ssyncset.done $0x0  }
0xac: {  	[sflag:s21] =	ssyncadd.s32 $0xFFFFF800  }
0xad: {  	_ =	swait.ge [sflag:s21], $0x800  }
0xae: {  	[sflag:s21] =	ssyncset.done $0x0  }
0xaf: {  	[sflag:s21] =	ssyncadd.s32 $0xFFFFF800  }
0xb0: {  	_ =	swait.ge [sflag:s21], $0x800  }
0xb1: {  	[sflag:s21] =	ssyncset.done $0x0  }
0xb2: {  	[sflag:s21] =	ssyncadd.s32 $0xFFFFF800  }
0xb3: {  	_ =	swait.ge [sflag:s21], $0x800  }
0xb4: {  	[sflag:s21] =	ssyncset.done $0x0  }
0xb5: {  	[sflag:s21] =	ssyncadd.s32 $0xFFFFF800  }
0xb6: {  	_ =	swait.ge [sflag:s21], $0x800  }
0xb7: {  	[sflag:s21] =	ssyncset.done $0x0  }
0xb8: {  	[sflag:s21] =	ssyncadd.s32 $0xFFFFF800  }
0xb9: {  	_ =	swait.ge [sflag:s21], $0x800  }
0xba: {  	[sflag:s21] =	ssyncset.done $0x0  }
0xbb: {  	[sflag:s21] =	ssyncadd.s32 $0xFFFFF800  }
0xbc: {  	_ =	swait.ge [sflag:s21], $0x800  }
0xbd: {  	[sflag:s21] =	ssyncset.done $0x0  }
0xbe: {  	[sflag:s21] =	ssyncadd.s32 $0xFFFFF800  }
0xbf: {  	_ =	swait.ge [sflag:s21], $0x800  }
0xc0: {  	[sflag:s21] =	ssyncset.done $0x0  }
0xc1: {  	[sflag:s21] =	ssyncadd.s32 $0xFFFFF800  }
0xc2: {  	_ =	swait.ge [sflag:s21], $0x800  }
0xc3: {  	[sflag:s21] =	ssyncset.done $0x0  }
0xc4: {  	[sflag:s21] =	ssyncadd.s32 $0xFFFFF800  }
0xc5: {  	_ =	swait.ge [sflag:s21], $0x800  }
0xc6: {  	[sflag:s21] =	ssyncset.done $0x0  }
0xc7: {  	[sflag:s21] =	ssyncadd.s32 $0xFFFFF800  }
0xc8: {  	_ =	swait.ge [sflag:s21], $0x800  }
0xc9: {  	[sflag:s21] =	ssyncset.done $0x0  }
0xca: {  	[sflag:s21] =	ssyncadd.s32 $0xFFFFF800  }
0xcb: {  	_ =	swait.ge [sflag:s21], $0x800  }
0xcc: {  	[sflag:s21] =	ssyncset.done $0x0  }
0xcd: {  	[sflag:s21] =	ssyncadd.s32 $0xFFFFF800  }
0xce: {  	_ =	swait.ge [sflag:s21], $0x800  }
0xcf: {  	[sflag:s21] =	ssyncset.done $0x0  }
0xd0: {  	[sflag:s21] =	ssyncadd.s32 $0xFFFFF800  }
0xd1: {  	_ =	swait.ge [sflag:s21], $0x800  }
0xd2: {  	[sflag:s21] =	ssyncset.done $0x0  }
0xd3: {  	[sflag:s21] =	ssyncadd.s32 $0xFFFFF800  }
0xd4: {  	_ =	swait.ge [sflag:s21], $0x800  }
0xd5: {  	[sflag:s21] =	ssyncset.done $0x0  }
0xd6: {  	[sflag:s21] =	ssyncadd.s32 $0xFFFFF800  }
0xd7: {  	_ =	swait.ge [sflag:s21], $0x800  }
0xd8: {  	[sflag:s21] =	ssyncset.done $0x0  }
0xd9: {  	[sflag:s21] =	ssyncadd.s32 $0xFFFFF800  }
0xda: {  	_ =	swait.ge [sflag:s21], $0x800  }
0xdb: {  	[sflag:s21] =	ssyncset.done $0x0  }
0xdc: {  	[sflag:s21] =	ssyncadd.s32 $0xFFFFF800  }
0xdd: {  	_ =	swait.ge [sflag:s21], $0x800  }
0xde: {  	[sflag:s21] =	ssyncset.done $0x0  }
0xdf: {  	[sflag:s21] =	ssyncadd.s32 $0xFFFFF800  }
0xe0: {  	_ =	swait.ge [sflag:s21], $0x800  }
0xe1: {  	[sflag:s21] =	ssyncset.done $0x0  }
0xe2: {  	s4 =	simm.s32 $0x0;
	[sflag:s21] =	ssyncadd.s32 $0xFFFFF800  }
0xe3: {  	v1 =	vld [tilespmem:s4+$0x3310]  }
0xe4: {  	v2 =	vld [tilespmem:s4+$0x9310]  }
0xe5: {  	s5 =	simm.s32 $0x10;
	v3 =	vld [tilespmem:s4+$0xF310]  }
0xe6: {  	v4 =	vld [tilespmem:s5+$0x3310]  }
0xe7: {  	v5 =	vld [tilespmem:s5+$0x9310]  }
0xe8: {  	v6 =	vld [tilespmem:s5+$0xF310];
	_ =	sdelay $0x1  }
0xe9: {  	p1 =	slt.u32 s26, $0x4E200;
	v1 =	vadd.f32 v2, v1  }
0xea: {  	s11 =	sadd.s32 $0x1, s26;
	v3 =	vpsel p1, v3, v0  }
0xeb: {  	p5 =	slt.u32 s11, $0x4E200;
	v4 =	vadd.f32 v5, v4;
	v1 =	vadd.f32 v1, v3  }
0xec: {  	s6 =	simm.s32 $0x20;
	v3 =	vpsel p5, v6, v0  }
0xed: {  	v2 =	vld [tilespmem:s6+$0x3310];
	v3 =	vadd.f32 v4, v3;
	v4 =	vmul.f32 $2.000000030e-01, v1  }
0xee: {  	v5 =	vld [tilespmem:s6+$0x9310];
	vm0 =	vge.f32 v1, $0.0e+00  }
0xef: {  	v6 =	vld [tilespmem:s6+$0xF310];
	v1 =	vsel vm0, v1, v4  }
0xf0: {  	v4 =	vmul.f32 $1.442695020e+00, v1  }
0xf1: {  	v7 =	vmul.f32 $2.000000030e-01, v3  }
0xf2: {  	s15 =	sadd.s32 $0x1, s11;
	vm15 =	vge.f32 v3, $0.0e+00;
	(erf) = vpow2.f32 v4  }
0xf3: {  	p6 =	slt.u32 s15, $0x4E200;
	v3 =	vsel vm15, v3, v7  }
0xf4: {  	s12 =	simm.s32 $0x30;
	v2 =	vadd.f32 v5, v2;
	v5 =	vpsel p6, v6, v0;
	v6 =	vmul.f32 $1.442695020e+00, v3  }
0xf5: {  	v1 =	vld [tilespmem:s12+$0x3310]  }
0xf6: {  	v2 =	vadd.f32 v2, v5;
	v3 =	vld [tilespmem:s12+$0x9310];
	(erf) = vpow2.f32 v6  }
0xf7: {  	v4 =	vld [tilespmem:s12+$0xF310]  }
0xf8: {  	s16 =	smov.u32 s15;
	s17 =	simm.s32 $0x100;
	s20 =	smov.u32 s26;
	v5 =	vmul.f32 $2.000000030e-01, v2  }
.LBB2_3:
0xf9: {  	s22 =	sshra.s32 s17, $0x2  }
0xfa: {  	vm0 =	vge.f32 v2, $0.0e+00;
	s15 =	sadd.s32 $0x1, s15;
	p2 =	slt.u32 s20, $0x50910;
	p1 =	sne.s32 s17, $0x17FC0  }
.Ltmp0:
0xfb: {  	s17 =	sadd.s32 $0x40, s17;
	p3 =	slt.u32 s15, $0x4E200;
	v6 =	vadd.f32 v3, v1;
	v1 =	vld [tilespmem:s22+$0x3310];
	v2 =	vsel vm0, v2, v5;
	v5 =	vpop (erf);
	(pc) =	sbr.rel @p1 .LBB2_3-.Ltmp0, $4  }
0xfc: {  	s20 =	smov.u32 s11;
	s11 =	smov.u32 s16;
	s16 =	smov.u32 s15;
	v3 =	vld [tilespmem:s22+$0x9310];
	v7 =	vpsel p3, v4, v0;
	v8 =	vmul.f32 $1.442695020e+00, v2;
	v5 =	vpsel !p2, $0x0, v5  }
0xfd: {  	v4 =	vld [tilespmem:s22+$0xF310];
	v2 =	vadd.f32 v6, v7;
	[tilespmem:s4+$0x15310] =	vst v5;
	s4 =	smov.u32 s5;
	s5 =	smov.u32 s6;
	s6 =	smov.u32 s12  }
0xfe: {  	s12 =	smov.u32 s22;
	(erf) = vpow2.f32 v8  }
0xff: {  	v5 =	vmul.f32 $2.000000030e-01, v2  }
0x100: {  	s15 =	sadd.s32 $0x1, s15  }
0x101: {  	p1 =	slt.u32 s15, $0x4E200;
	v1 =	vadd.f32 v3, v1  }
0x102: {  	v3 =	vpsel p1, v4, v0  }
0x103: {  	v1 =	vadd.f32 v1, v3;
	_ =	sdelay $0x1  }
0x104: {  	vm0 =	vge.f32 v2, $0.0e+00;
	v3 =	vmul.f32 $2.000000030e-01, v1  }
0x105: {  	v2 =	vsel vm0, v2, v5;
	vm15 =	vge.f32 v1, $0.0e+00  }
0x106: {  	v2 =	vmul.f32 $1.442695020e+00, v2;
	v1 =	vsel vm15, v1, v3  }
0x107: {  	v1 =	vmul.f32 $1.442695020e+00, v1  }
0x108: {  	(erf) = vpow2.f32 v2  }
0x109: {  	(erf) = vpow2.f32 v1;
	_ =	sdelay $0x5  }
0x10a: {  	p4 =	slt.u32 s20, $0x50910;
	v1 =	vpop (erf)  }
0x10b: {  	p2 =	slt.u32 s11, $0x50910;
	v2 =	vpop (erf);
	v1 =	vpsel !p4, $0x0, v1  }
0x10c: {  	p5 =	slt.u32 s16, $0x50910;
	[tilespmem:s4+$0x15310] =	vst v1;
	v1 =	vpsel !p2, $0x0, v2;
	v2 =	vpop (erf)  }
0x10d: {  	p6 =	slt.u32 s15, $0x50910;
	[tilespmem:s5+$0x15310] =	vst v1;
	v1 =	vpsel !p5, $0x0, v2;
	v2 =	vpop (erf)  }
0x10e: {  	s2 =	sshll.u32 s2, $0x1;
	s16 =	rddreg [dreg:$0x9];
	[tilespmem:s6+$0x15310] =	vst v1;
	v1 =	vpsel !p6, $0x0, v2  }
0x10f: {  	s17 =	simm.s32 $0x0;
	s20 =	simm.s32 $0x15310;
	s2 =	sadd.s32 s16, s2;
	[tilespmem:s12+$0x15310] =	vst v1  }
0x110: {  	[hbm4b:s2+s17] =	stream.linear.scatter [tilespmem:s20], [sflag:$0x2], $0x6000, $0x38;
	[tilespmem:$0x1B390] =	vst v63  }
0x111: {  	_ =	swait.ge [sflag:s25], $0x6000  }
0x112: {  	[sflag:s25] =	ssyncset.done $0x0  }
0x113: {  	[sflag:s25] =	ssyncadd.s32 $0xFFFFA000  }
0x114: {  	[spmem:s1] =	stream.indirect.scatter.add.f32 [tilespmem:s20], [sflag:$0x2], $0x10, s28, s18, $0xb8;
	[tilespmem:$0x1B390] =	vst v63  }
0x115: {  	_ =	swait.ge [sflag:s25], $0x800  }
0x116: {  	[sflag:s25] =	ssyncset.done $0x0  }
0x117: {  	s22 =	simm.s32 $0x15B10;
	[sflag:s25] =	ssyncadd.s32 $0xFFFFF800  }
0x118: {  	[spmem:s1] =	stream.indirect.scatter.add.f32 [tilespmem:s22], [sflag:$0x2], $0x10, s29, s18, $0xb8;
	[tilespmem:$0x1B390] =	vst v63  }
0x119: {  	_ =	swait.ge [sflag:s25], $0x800  }
0x11a: {  	[sflag:s25] =	ssyncset.done $0x0  }
0x11b: {  	s4 =	simm.s32 $0x16310;
	[sflag:s25] =	ssyncadd.s32 $0xFFFFF800  }
0x11c: {  	[spmem:s1] =	stream.indirect.scatter.add.f32 [tilespmem:s4], [sflag:$0x2], $0x10, s30, s18, $0xb8;
	[tilespmem:$0x1B390] =	vst v63  }
0x11d: {  	_ =	swait.ge [sflag:s25], $0x800  }
0x11e: {  	[sflag:s25] =	ssyncset.done $0x0  }
0x11f: {  	s5 =	simm.s32 $0x16B10;
	[sflag:s25] =	ssyncadd.s32 $0xFFFFF800  }
0x120: {  	[spmem:s1] =	stream.indirect.scatter.add.f32 [tilespmem:s5], [sflag:$0x2], $0x10, s31, s18, $0xb8;
	[tilespmem:$0x1B390] =	vst v63  }
0x121: {  	_ =	swait.ge [sflag:s25], $0x800  }
0x122: {  	[sflag:s25] =	ssyncset.done $0x0  }
0x123: {  	s6 =	simm.s32 $0x17310;
	[sflag:s25] =	ssyncadd.s32 $0xFFFFF800  }
0x124: {  	[spmem:s1] =	stream.indirect.scatter.add.f32 [tilespmem:s6], [sflag:$0x2], $0x10, s0, s18, $0xb8;
	[tilespmem:$0x1B390] =	vst v63  }
0x125: {  	_ =	swait.ge [sflag:s25], $0x800  }
0x126: {  	[sflag:s25] =	ssyncset.done $0x0  }
0x127: {  	s11 =	simm.s32 $0x17B10;
	[sflag:s25] =	ssyncadd.s32 $0xFFFFF800  }
0x128: {  	[spmem:s1] =	stream.indirect.scatter.add.f32 [tilespmem:s11], [sflag:$0x2], $0x10, s3, s18, $0xb8;
	[tilespmem:$0x1B390] =	vst v63  }
0x129: {  	_ =	swait.ge [sflag:s25], $0x800  }
0x12a: {  	[sflag:s25] =	ssyncset.done $0x0  }
0x12b: {  	s12 =	simm.s32 $0x18310;
	[sflag:s25] =	ssyncadd.s32 $0xFFFFF800  }
0x12c: {  	[spmem:s1] =	stream.indirect.scatter.add.f32 [tilespmem:s12], [sflag:$0x2], $0x10, s24, s18, $0xb8;
	[tilespmem:$0x1B390] =	vst v63  }
0x12d: {  	_ =	swait.ge [sflag:s25], $0x800  }
0x12e: {  	[sflag:s25] =	ssyncset.done $0x0  }
0x12f: {  	s15 =	simm.s32 $0x18B10;
	[sflag:s25] =	ssyncadd.s32 $0xFFFFF800  }
0x130: {  	[spmem:s1] =	stream.indirect.scatter.add.f32 [tilespmem:s15], [sflag:$0x2], $0x10, s7, s18, $0xb8;
	[tilespmem:$0x1B390] =	vst v63  }
0x131: {  	_ =	swait.ge [sflag:s25], $0x800  }
0x132: {  	[sflag:s25] =	ssyncset.done $0x0  }
0x133: {  	s16 =	simm.s32 $0x19310;
	[sflag:s25] =	ssyncadd.s32 $0xFFFFF800  }
0x134: {  	[spmem:s1] =	stream.indirect.scatter.add.f32 [tilespmem:s16], [sflag:$0x2], $0x10, s13, s18, $0xb8;
	[tilespmem:$0x1B390] =	vst v63  }
0x135: {  	_ =	swait.ge [sflag:s25], $0x800  }
0x136: {  	[sflag:s25] =	ssyncset.done $0x0  }
0x137: {  	s17 =	simm.s32 $0x19B10;
	[sflag:s25] =	ssyncadd.s32 $0xFFFFF800  }
0x138: {  	[spmem:s1] =	stream.indirect.scatter.add.f32 [tilespmem:s17], [sflag:$0x2], $0x10, s14, s18, $0xb8;
	[tilespmem:$0x1B390] =	vst v63  }
0x139: {  	_ =	swait.ge [sflag:s25], $0x800  }
0x13a: {  	[sflag:s25] =	ssyncset.done $0x0  }
0x13b: {  	s20 =	simm.s32 $0x1A310;
	[sflag:s25] =	ssyncadd.s32 $0xFFFFF800  }
0x13c: {  	[spmem:s1] =	stream.indirect.scatter.add.f32 [tilespmem:s20], [sflag:$0x2], $0x10, s10, s18, $0xb8;
	[tilespmem:$0x1B390] =	vst v63  }
0x13d: {  	s23 =	sadd.s32 $0x1, s23;
	_ =	swait.ge [sflag:s25], $0x800  }
0x13e: {  	p1 =	sne.s32 s23, $0x7;
	[sflag:s25] =	ssyncset.done $0x0  }
.Ltmp1:
0x13f: {  	s22 =	simm.s32 $0x1AB10;
	[sflag:s25] =	ssyncadd.s32 $0xFFFFF800;
	(pc) =	sbr.rel @p1 .LBB2_2-.Ltmp1, $4  }
0x140: {  	[spmem:s1] =	stream.indirect.scatter.add.f32 [tilespmem:s22], [sflag:$0x2], $0x10, s19, s18, $0xb8;
	[tilespmem:$0x1B390] =	vst v63  }
0x141: {  	_ =	swait.ge [sflag:s25], $0x800  }
0x142: {  	[sflag:s25] =	ssyncset.done $0x0  }
0x143: {  	s26 =	sadd.s32 $0x600, s26;
	[sflag:s25] =	ssyncadd.s32 $0xFFFFF800  }
0x144: {  	[bflag:$0x0] =	sbarrier.arrive $0xFFFF  }
0x145: {  	s5 =	rddreg [dreg:$0x10]  }
0x146: {  	s4 =	simm.s32 @p0 $0x1FC2;
	s6 =	rddreg [dreg:$0x13];
	s2 =	sadd.s32 @p0 $0x4B00, s5  }
0x147: {  	[hbm:s2], [sflag:s4] =	dma.local @p0 [spmem:s6], $0x320  }
0x148: {  	s2 =	simm.s32 @p0 $0x2  }
0x149: {  	_ =	swait.ge @p0 [sflag:s2], $0x320  }
0x14a: {  	[sflag:s2] =	ssyncset.done @p0 $0x0;
	s11 =	rddreg [dreg:$0x15]  }
0x14b: {  	[sflag:s2] =	ssyncadd.s32 @p0 $0xFFFFFCE0;
	s2 =	rddreg [dreg:$0x8]  }
0x14c: {  	s2 =	sadd.s32 @!p0 s2, s5;
	s5 =	rddreg [dreg:$0x14]  }
0x14d: {  	[hbm:s2], [sflag:s5] =	dma.local @!p0 [spmem:s11], $0x500  }
0x14e: {  	s2 =	simm.s32 @!p0 $0x2  }
0x14f: {  	_ =	swait.ge @!p0 [sflag:s2], $0x500  }
0x150: {  	s12 =	rddreg [dreg:$0x16]  }
0x151: {  	s26 =	rddreg [dreg:$0x11];
	s12 =	sadd.s32 $0x1, s12  }
0x152: {  	p1 =	sne.s32 s12, s26  }
.Ltmp2:
0x153: {  	_ = 	snop;
	(pc) =	sbr.rel @p1 .LBB2_1-.Ltmp2, $3  }
0x154: {  	_ =	sdelay $0x1  }
0x155: {  	[sflag:s2] =	ssyncset.done @!p0 $0x0  }
0x156: {  	[sflag:s2] =	ssyncadd.s32 @!p0 $0xFFFFFB00  }
0x157: {  	_ =	sfence.sel $0x180000  }
0x158: {  	[bflag:$0x0] =	sbarrier.arrive $0xFFFF  }
0x159: {  	_ =	strace $0x90000047  }
0x15a: {  	s0 =	stileid.u32;
	[bflag:$0x2] =	sbarrier.arrive $0xFFFF  }
0x15b: {  	p0 =	sne.s32 s0, $0x0;
	s0 =	rddreg [dreg:$0x3]  }
0x15c: {  	s0 =	sadd.s32 @!p0 $0x100000, s0  }
0x15d: {  	[sflag:s0] =	ssyncadd.tile.s32 @!p0 $0x1;
	_ =	shalt  }
.Lfunc_end2:
_tile_overlayer_lowered:
.L_overlay_start_2:
0x15e: {  	(tag) =	ssettag $0x2  }
0x15f: {  	s0 =	rddreg [dreg:$0x0];
	s2 =	stileid.u32  }
0x160: {  	s1 =	rddreg [dreg:$0x1];
	p0 =	sne.s32 s2, $0x0  }
0x161: {  	s3 =	rddreg [dreg:$0x2];
	[bflag:$0x3] =	sbarrier.arrive $0xFFFF;
	s2 =	simm.s32 @!p0 $0x1C02  }
0x162: {  	[timem:s3], [sflag:s2] =	dma.local @!p0 [hbm:s0], s1  }
0x163: {  	s0 =	simm.s32 @!p0 $0x2  }
0x164: {  	_ =	swait.ge @!p0 [sflag:s0], s1  }
0x165: {  	s1 =	ssub.s32 @!p0 $0x0, s1;
	[sflag:s0] =	ssyncset.done @!p0 $0x0  }
0x166: {  	[sflag:s0] =	ssyncadd.s32 @!p0 s1  }
0x167: {  	[bflag:$0x3] =	sbarrier.arrive $0xFFFF  }
0x168: {  	_ =	shalt  }

</sc_bundles>
